<compile_context>
chip_gen: v7x
topology: tpu7x:2x2x1
jax: 0.10.2.dev20260603
libtpu: 0.0.44.dev20260713+nightly
codegen_flags: <defaults>
</compile_context>

<pallas_src>
import jax
import jax.numpy as jnp
from jax import lax
from jax.experimental import pallas as pl
from jax.experimental.pallas import tpu as pltpu
from jax.experimental.pallas import tpu_sc as plsc

N = 10000
D = 128
E = 320000

NC = 2
NS = 16
NW = NC * NS

CH = 128
CPW = 80
NCHUNK = NW * CPW
E_PAD = NCHUNK * CH

NR = 10112
ZR = NR // NS
CR = NR // D
CRP = 80

def _make_sc_agg(with_cnt: bool):
    ss = 8 if with_cnt else 16
    nstage = CPW // ss
    mesh = plsc.VectorSubcoreMesh(
        core_axis_name="c", subcore_axis_name="s", num_cores=NC, num_subcores=NS
    )
    out_type = [jax.ShapeDtypeStruct((NC * NR, D), jnp.float32)]
    scratch = [
        pltpu.VMEM((ss, CH), jnp.int32),
        pltpu.VMEM((ss, CH), jnp.int32),
        pltpu.VMEM((CH, D), jnp.float32),
        pltpu.VMEM((CH, D), jnp.float32),
        pltpu.VMEM_SHARED((NR, D), jnp.float32),
        pltpu.SemaphoreType.DMA,
        pltpu.SemaphoreType.DMA,
        pltpu.SemaphoreType.DMA,
        pltpu.SemaphoreType.DMA,
    ]
    if with_cnt:
        out_type.append(jax.ShapeDtypeStruct((NC * CRP, D), jnp.float32))
        scratch += [
            pltpu.VMEM((CRP, D), jnp.float32),
            pltpu.VMEM((CRP,), jnp.int32),
            pltpu.VMEM_SHARED((CRP, D), jnp.float32),
        ]

    def body(x_hbm, src_hbm, dst_hbm, *rest):
        if with_cnt:
            (agg_out, cnt_out, src_v, dst_v, rows0_v, rows1_v, agg_s,
             sem0, sem1, sem2, sem3, cnt_v, idx_v, cnt_s) = rest
        else:
            (agg_out, src_v, dst_v, rows0_v, rows1_v, agg_s, sem0,
             sem1, sem2, sem3) = rest
        rows_v = rows0_v
        bufs = (rows0_v, rows1_v)
        sems = (sem0, sem1)
        ssems = (sem2, sem3)

        cid = lax.axis_index("c")
        sid = lax.axis_index("s")
        wid = cid * NS + sid

        zero16 = jnp.zeros((16,), jnp.float32)
        ones16 = jnp.ones((16,), jnp.float32)
        lanes16 = jnp.arange(16, dtype=jnp.int32)

        def zrow(i, _):
            def zcol(j, _):
                rows_v[i, pl.ds(j * 16, 16)] = zero16
                return _
            lax.fori_loop(0, D // 16, zcol, 0)
            return _
        lax.fori_loop(0, CH, zrow, 0)

        zbase = sid * ZR
        nfull = ZR // CH
        rem = ZR - nfull * CH
        def zs(k, _):
            pltpu.sync_copy(rows_v, agg_s.at[pl.ds(zbase + k * CH, CH)])
            return _
        lax.fori_loop(0, nfull, zs, 0)
        pltpu.sync_copy(rows_v.at[pl.ds(0, rem)],
                        agg_s.at[pl.ds(zbase + nfull * CH, rem)])

        if with_cnt:
            def zc(i, _):
                def zc2(j, _):
                    cnt_v[i, pl.ds(j * 16, 16)] = zero16
                    return _
                lax.fori_loop(0, D // 16, zc2, 0)
                return _
            lax.fori_loop(0, CRP, zc, 0)
            for g in range(CRP // 16):
                idx_v[pl.ds(g * 16, 16)] = lanes16 + g * 16
            pltpu.sync_copy(rows_v.at[pl.ds(0, CRP)], cnt_s)

        plsc.subcore_barrier()

        def stage(st, _):
            ibase = wid * CPW + st * ss
            pltpu.sync_copy(src_hbm.at[pl.ds(ibase, ss)], src_v)
            pltpu.sync_copy(dst_hbm.at[pl.ds(ibase, ss)], dst_v)

            pltpu.async_copy(x_hbm.at[src_v.at[0]], bufs[0], sems[0])
            for i in range(ss):
                if i + 1 < ss:
                    if i >= 1:
                        pltpu.make_async_copy(
                            bufs[(i + 1) % 2],
                            agg_s.at[dst_v.at[i - 1]],
                            ssems[(i + 1) % 2]).wait()
                    pltpu.async_copy(x_hbm.at[src_v.at[i + 1]],
                                     bufs[(i + 1) % 2], sems[(i + 1) % 2])
                pltpu.make_async_copy(x_hbm.at[src_v.at[i]], bufs[i % 2],
                                      sems[i % 2]).wait()
                pltpu.async_copy(bufs[i % 2], agg_s.at[dst_v.at[i]],
                                 ssems[i % 2], add=True)
                if with_cnt:
                    def grp(g, _):
                        d16 = dst_v[i, pl.ds(g * 16, 16)]
                        row = lax.shift_right_logical(d16, 7)
                        col = jnp.bitwise_and(d16, 127)
                        for l in range(16):
                            plsc.addupdate_scatter(
                                cnt_v, [row, col], ones16,
                                mask=lanes16 == l)
                        return _
                    lax.fori_loop(0, CH // 16, grp, 0)
            pltpu.make_async_copy(bufs[(ss - 2) % 2],
                                  agg_s.at[dst_v.at[ss - 2]],
                                  ssems[(ss - 2) % 2]).wait()
            pltpu.make_async_copy(bufs[(ss - 1) % 2],
                                  agg_s.at[dst_v.at[ss - 1]],
                                  ssems[(ss - 1) % 2]).wait()
            return _
        lax.fori_loop(0, nstage, stage, 0)

        if with_cnt:
            pltpu.sync_copy(cnt_v, cnt_s.at[idx_v], add=True)

        plsc.subcore_barrier()

        obase = cid * NR + zbase
        pltpu.sync_copy(agg_s.at[pl.ds(zbase, ZR)], agg_out.at[pl.ds(obase, ZR)])
        if with_cnt:
            pltpu.sync_copy(cnt_s, cnt_out.at[pl.ds(cid * CRP, CRP)])

    return pl.kernel(
        body, out_type=out_type, mesh=mesh, scratch_types=scratch,
        compiler_params=pltpu.CompilerParams(needs_layout_passes=False),
    )


_sc_agg_cnt = _make_sc_agg(True)
_sc_agg = _make_sc_agg(False)


BLK = 1000


def _dense_body(a0_ref, a1_ref, c0_ref, c1_ref, x_ref, wl_ref, b_ref, wr_ref,
                out_ref):
    a = a0_ref[0] + a1_ref[0]
    c = c0_ref[...] + c1_ref[...]
    cnt = jnp.maximum(c, 1.0)
    mean = a / cnt
    t = jnp.dot(mean, wl_ref[...], preferred_element_type=jnp.float32)
    t = t + b_ref[...]
    t = t + jnp.dot(x_ref[...], wr_ref[...], preferred_element_type=jnp.float32)
    n = jnp.sqrt(jnp.sum(t * t, axis=1, keepdims=True))
    out_ref[...] = t / jnp.maximum(n, 1e-12)


def _dense(agg3, cnt0, cnt1, x, wl_t, b, wr_t):
    grid = (N // BLK,)
    return pl.pallas_call(
        _dense_body,
        grid=grid,
        in_specs=[
            pl.BlockSpec((1, BLK, D), lambda i: (0, i, 0)),
            pl.BlockSpec((1, BLK, D), lambda i: (1, i, 0)),
            pl.BlockSpec((BLK, 1), lambda i: (i, 0)),
            pl.BlockSpec((BLK, 1), lambda i: (i, 0)),
            pl.BlockSpec((BLK, D), lambda i: (i, 0)),
            pl.BlockSpec((D, D), lambda i: (0, 0)),
            pl.BlockSpec((1, D), lambda i: (0, 0)),
            pl.BlockSpec((D, D), lambda i: (0, 0)),
        ],
        out_specs=pl.BlockSpec((BLK, D), lambda i: (i, 0)),
        out_shape=jax.ShapeDtypeStruct((N, D), jnp.float32),
    )(agg3, agg3, cnt0, cnt1, x, wl_t, b, wr_t)


@jax.jit
def kernel(x, edge_index, W_l1, b_l1, W_r1, W_l2, b_l2, W_r2):
    src = edge_index[0].astype(jnp.int32)
    dst = edge_index[1].astype(jnp.int32)
    pad = E_PAD - E
    lanes = jnp.arange(pad, dtype=jnp.int32) % 64
    srcp = jnp.concatenate([src, lanes]).reshape(NCHUNK, CH)
    dstp = jnp.concatenate([dst, N + lanes]).reshape(NCHUNK, CH)

    agg1, cntp = _sc_agg_cnt(x, srcp, dstp)
    cflat = cntp.reshape(NC, CRP * D)
    c0 = cflat[0, :N].reshape(N, 1)
    c1 = cflat[1, :N].reshape(N, 1)
    h = _dense(agg1.reshape(NC, NR, D), c0, c1, x,
               W_l1.T, b_l1.reshape(1, D), W_r1.T)

    (agg2,) = _sc_agg(h, srcp, dstp)
    out = _dense(agg2.reshape(NC, NR, D), c0, c1, h,
                 W_l2.T, b_l2.reshape(1, D), W_r2.T)
    return out

# --- scband reference (transcript-rebuilt; emitter-appended) ---
"""Pipeline reference for scband-sageconv-decoder-22316650070980 (READ-ONLY COPY).

The authoritative reference and input builder live on the scoring server;
editing this copy changes nothing except your own understanding.
"""

import jax, jax.numpy as jnp
import numpy as np

N_NODES = 10000
D_IN = 128
D_OUT = 128
N_EDGES = 320000


def _sage_conv(x, src, dst, W_l, b_l, W_r, num_nodes):
    # PyG SAGEConv: mean aggregation of neighbor messages, then
    # out = lin_l(aggr) + lin_r(x_root); normalize=True -> L2 normalize rows.
    msgs = x[src]  # gather source-node features per edge
    agg = jax.ops.segment_sum(msgs, dst, num_segments=num_nodes)
    cnt = jax.ops.segment_sum(jnp.ones((src.shape[0], 1), dtype=x.dtype), dst, num_segments=num_nodes)
    mean = agg / jnp.maximum(cnt, 1.0)
    out = mean @ W_l.T + b_l + x @ W_r.T
    norm = jnp.linalg.norm(out, ord=2, axis=-1, keepdims=True)
    out = out / jnp.maximum(norm, 1e-12)
    return out


def setup_inputs(seed: int = 0) -> dict:
    key = jax.random.key(seed)
    ks = jax.random.split(key, 8)
    x = jax.random.normal(ks[0], (N_NODES, D_IN), dtype=jnp.float32)
    edge_index = jax.random.randint(ks[1], (2, N_EDGES), 0, N_NODES, dtype=jnp.int64)
    s1 = 1.0 / np.sqrt(D_IN)
    W_l1 = jax.random.uniform(ks[2], (D_IN, D_IN), minval=-s1, maxval=s1, dtype=jnp.float32)
    b_l1 = jax.random.uniform(ks[3], (D_IN,), minval=-s1, maxval=s1, dtype=jnp.float32)
    W_r1 = jax.random.uniform(ks[4], (D_IN, D_IN), minval=-s1, maxval=s1, dtype=jnp.float32)
    W_l2 = jax.random.uniform(ks[5], (D_OUT, D_IN), minval=-s1, maxval=s1, dtype=jnp.float32)
    b_l2 = jax.random.uniform(ks[6], (D_OUT,), minval=-s1, maxval=s1, dtype=jnp.float32)
    W_r2 = jax.random.uniform(ks[7], (D_OUT, D_IN), minval=-s1, maxval=s1, dtype=jnp.float32)
    return {"x": x, "edge_index": edge_index, "W_l1": W_l1, "b_l1": b_l1, "W_r1": W_r1, "W_l2": W_l2, "b_l2": b_l2, "W_r2": W_r2}


def reference(x, edge_index, W_l1, b_l1, W_r1, W_l2, b_l2, W_r2):
    src = edge_index[0]
    dst = edge_index[1]
    h = _sage_conv(x, src, dst, W_l1, b_l1, W_r1, N_NODES)
    out = _sage_conv(h, src, dst, W_l2, b_l2, W_r2, N_NODES)
    return out

if __name__ == "__main__":
    import jax
    _d = setup_inputs()
    print(jax.jit(kernel)(*tuple(_d.values())))

</pallas_src>

<mosaic_0001>
#map = affine_map<(d0, d1) -> (0, 0)>
module attributes {stable_mosaic.version = 14 : i64} {
  func.func @body(%arg0: i32, %arg1: i32, %arg2: memref<10000x128xf32, #tpu.memory_space<hbm>>, %arg3: memref<2560x128xi32, #tpu.memory_space<hbm>>, %arg4: memref<2560x128xi32, #tpu.memory_space<hbm>>, %arg5: memref<20224x128xf32, #tpu.memory_space<hbm>>, %arg6: memref<160x128xf32, #tpu.memory_space<hbm>>, %arg7: memref<8x128xi32, #tpu.memory_space<vmem>>, %arg8: memref<8x128xi32, #tpu.memory_space<vmem>>, %arg9: memref<128x128xf32, #tpu.memory_space<vmem>>, %arg10: memref<128x128xf32, #tpu.memory_space<vmem>>, %arg11: memref<10112x128xf32, #tpu.memory_space<vmem_shared>>, %arg12: memref<!tpu.dma_semaphore, #tpu.memory_space<semaphore_mem>>, %arg13: memref<!tpu.dma_semaphore, #tpu.memory_space<semaphore_mem>>, %arg14: memref<!tpu.dma_semaphore, #tpu.memory_space<semaphore_mem>>, %arg15: memref<!tpu.dma_semaphore, #tpu.memory_space<semaphore_mem>>, %arg16: memref<80x128xf32, #tpu.memory_space<vmem>>, %arg17: memref<80xi32, #tpu.memory_space<vmem>>, %arg18: memref<80x128xf32, #tpu.memory_space<vmem_shared>>) attributes {dimension_semantics = [#tpu.dimension_semantics<core_parallel>, #tpu.dimension_semantics<subcore_parallel>], iteration_bounds = array<i64: 2, 16>, scalar_prefetch = 0 : i64, scratch_operands = 12 : i64, tpu.core_type = #tpu.core_type<sc_vector_subcore>, window_params = [{transform_indices = #map}, {transform_indices = #map}, {transform_indices = #map}, {transform_indices = #map}, {transform_indices = #map}]} {
    %mul3A = arith.constant 16 : i32
    %mul3A_0 = arith.muli %arg0, %mul3A : i32
    %add3A = arith.addi %mul3A_0, %arg1 : i32
    %broadcast_in_dim3A = arith.constant 0.000000e+00 : f32
    %broadcast_in_dim3A_1 = vector.broadcast %broadcast_in_dim3A : f32 to vector<16xf32>
    %broadcast_in_dim3A_2 = arith.constant 1.000000e+00 : f32
    %broadcast_in_dim3A_3 = vector.broadcast %broadcast_in_dim3A_2 : f32 to vector<16xf32>
    %iota3A = tpu.iota {dimensions = array<i32: 0>} : vector<16xi32>
    %scan3A = arith.constant 0 : i32
    %scan3A_4 = arith.constant 0 : i32
    %scan3A_5 = arith.constant 128 : i32
    %scan3A_6 = arith.addi %scan3A_4, %scan3A_5 : i32
    %scan3A_7 = arith.constant 1 : i32
    scf.for %scan3A_61 = %scan3A_4 to %scan3A_6 step %scan3A_7  : i32 {
      %scan3A_62 = arith.constant 0 : i32
      %scan3A_63 = arith.constant 0 : i32
      %scan3A_64 = arith.constant 8 : i32
      %scan3A_65 = arith.addi %scan3A_63, %scan3A_64 : i32
      %scan3A_66 = arith.constant 1 : i32
      scf.for %scan3A_68 = %scan3A_63 to %scan3A_65 step %scan3A_66  : i32 {
        %mul3A_69 = arith.constant 16 : i32
        %mul3A_70 = arith.muli %scan3A_68, %mul3A_69 : i32
        %swap3A_71 = arith.index_cast %scan3A_61 : i32 to index
        %swap3A_72 = arith.index_cast %mul3A_70 : i32 to index
        %swap3A_73 = tpu.vector_load %arg9[%swap3A_71, %swap3A_72] {strides = array<i32>} : memref<128x128xf32, #tpu.memory_space<vmem>>, vector<16xf32>,
        tpu.vector_store %arg9[%swap3A_71, %swap3A_72], %broadcast_in_dim3A_1 {strides = array<i32>} : memref<128x128xf32, #tpu.memory_space<vmem>>, vector<16xf32>,
      }
      %scan3A_67 = arith.constant 8 : i32
    }
    %scan3A_8 = arith.constant 128 : i32
    %mul3A_9 = arith.constant 632 : i32
    %mul3A_10 = arith.muli %arg1, %mul3A_9 : i32
    %scan3A_11 = arith.constant 0 : i32
    %scan3A_12 = arith.constant 0 : i32
    %scan3A_13 = arith.constant 4 : i32
    %scan3A_14 = arith.addi %scan3A_12, %scan3A_13 : i32
    %scan3A_15 = arith.constant 1 : i32
    scf.for %scan3A_61 = %scan3A_12 to %scan3A_14 step %scan3A_15  : i32 {
      %mul3A_62 = arith.constant 128 : i32
      %mul3A_63 = arith.muli %scan3A_61, %mul3A_62 : i32
      %add3A_64 = arith.addi %mul3A_10, %mul3A_63 : i32
      "tpu.region"() ({
        %run_scoped3A = tpu.sem_alloc : memref<!tpu.dma_semaphore, #tpu.memory_space<semaphore_mem>>
        %dma_start3A = arith.constant 0 : i32
        %dma_start3A_65 = tpu.memref_slice %arg11[%add3A_64, %dma_start3A] : memref<10112x128xf32, #tpu.memory_space<vmem_shared>> -> memref<128x128xf32, #tpu.memory_space<vmem_shared>>
        %dma_start3A_66 = arith.constant 0 : i32
        %dma_start3A_67 = tpu.memref_slice %arg11[%add3A_64, %dma_start3A_66] : memref<10112x128xf32, #tpu.memory_space<vmem_shared>> -> memref<128x128xf32, #tpu.memory_space<vmem_shared>>
        tpu.enqueue_dma source(%arg9 : memref<128x128xf32, #tpu.memory_space<vmem>>) target(%dma_start3A_67 : memref<128x128xf32, #tpu.memory_space<vmem_shared>>) target_semaphore(%run_scoped3A : memref<!tpu.dma_semaphore, #tpu.memory_space<semaphore_mem>>)
        %dma_wait3A = arith.constant 0 : i32
        %dma_wait3A_68 = tpu.memref_slice %arg11[%add3A_64, %dma_wait3A] : memref<10112x128xf32, #tpu.memory_space<vmem_shared>> -> memref<128x128xf32, #tpu.memory_space<vmem_shared>>
        %dma_wait3A_69 = arith.constant 0 : i32
        %dma_wait3A_70 = tpu.memref_slice %arg11[%add3A_64, %dma_wait3A_69] : memref<10112x128xf32, #tpu.memory_space<vmem_shared>> -> memref<128x128xf32, #tpu.memory_space<vmem_shared>>
        tpu.wait_dma2 semaphore(%run_scoped3A : memref<!tpu.dma_semaphore, #tpu.memory_space<semaphore_mem>>) src(%arg9 : memref<128x128xf32, #tpu.memory_space<vmem>>) dst(%dma_wait3A_70 : memref<128x128xf32, #tpu.memory_space<vmem_shared>>)
        tpu.yield
      }) : () -> ()
    }
    %scan3A_16 = arith.constant 4 : i32
    %add3A_17 = arith.constant 512 : i32
    %add3A_18 = arith.addi %mul3A_10, %add3A_17 : i32
    "tpu.region"() ({
      %run_scoped3A = tpu.sem_alloc : memref<!tpu.dma_semaphore, #tpu.memory_space<semaphore_mem>>
      %dma_start3A = arith.constant 0 : i32
      %dma_start3A_61 = arith.constant 0 : i32
      %dma_start3A_62 = tpu.memref_slice %arg9[%dma_start3A, %dma_start3A_61] : memref<128x128xf32, #tpu.memory_space<vmem>> -> memref<120x128xf32, #tpu.memory_space<vmem>>
      %dma_start3A_63 = arith.constant 0 : i32
      %dma_start3A_64 = tpu.memref_slice %arg11[%add3A_18, %dma_start3A_63] : memref<10112x128xf32, #tpu.memory_space<vmem_shared>> -> memref<120x128xf32, #tpu.memory_space<vmem_shared>>
      %dma_start3A_65 = arith.constant 0 : i32
      %dma_start3A_66 = tpu.memref_slice %arg11[%add3A_18, %dma_start3A_65] : memref<10112x128xf32, #tpu.memory_space<vmem_shared>> -> memref<120x128xf32, #tpu.memory_space<vmem_shared>>
      %dma_start3A_67 = arith.constant 0 : i32
      %dma_start3A_68 = arith.constant 0 : i32
      %dma_start3A_69 = tpu.memref_slice %arg9[%dma_start3A_67, %dma_start3A_68] : memref<128x128xf32, #tpu.memory_space<vmem>> -> memref<120x128xf32, #tpu.memory_space<vmem>>
      tpu.enqueue_dma source(%dma_start3A_69 : memref<120x128xf32, #tpu.memory_space<vmem>>) target(%dma_start3A_66 : memref<120x128xf32, #tpu.memory_space<vmem_shared>>) target_semaphore(%run_scoped3A : memref<!tpu.dma_semaphore, #tpu.memory_space<semaphore_mem>>)
      %dma_wait3A = arith.constant 0 : i32
      %dma_wait3A_70 = arith.constant 0 : i32
      %dma_wait3A_71 = tpu.memref_slice %arg9[%dma_wait3A, %dma_wait3A_70] : memref<128x128xf32, #tpu.memory_space<vmem>> -> memref<120x128xf32, #tpu.memory_space<vmem>>
      %dma_wait3A_72 = arith.constant 0 : i32
      %dma_wait3A_73 = tpu.memref_slice %arg11[%add3A_18, %dma_wait3A_72] : memref<10112x128xf32, #tpu.memory_space<vmem_shared>> -> memref<120x128xf32, #tpu.memory_space<vmem_shared>>
      %dma_wait3A_74 = arith.constant 0 : i32
      %dma_wait3A_75 = tpu.memref_slice %arg11[%add3A_18, %dma_wait3A_74] : memref<10112x128xf32, #tpu.memory_space<vmem_shared>> -> memref<120x128xf32, #tpu.memory_space<vmem_shared>>
      %dma_wait3A_76 = arith.constant 0 : i32
      %dma_wait3A_77 = arith.constant 0 : i32
      %dma_wait3A_78 = tpu.memref_slice %arg9[%dma_wait3A_76, %dma_wait3A_77] : memref<128x128xf32, #tpu.memory_space<vmem>> -> memref<120x128xf32, #tpu.memory_space<vmem>>
      tpu.wait_dma2 semaphore(%run_scoped3A : memref<!tpu.dma_semaphore, #tpu.memory_space<semaphore_mem>>) src(%dma_wait3A_78 : memref<120x128xf32, #tpu.memory_space<vmem>>) dst(%dma_wait3A_75 : memref<120x128xf32, #tpu.memory_space<vmem_shared>>)
      tpu.yield
    }) : () -> ()
    %scan3A_19 = arith.constant 0 : i32
    %scan3A_20 = arith.constant 0 : i32
    %scan3A_21 = arith.constant 80 : i32
    %scan3A_22 = arith.addi %scan3A_20, %scan3A_21 : i32
    %scan3A_23 = arith.constant 1 : i32
    scf.for %scan3A_61 = %scan3A_20 to %scan3A_22 step %scan3A_23  : i32 {
      %scan3A_62 = arith.constant 0 : i32
      %scan3A_63 = arith.constant 0 : i32
      %scan3A_64 = arith.constant 8 : i32
      %scan3A_65 = arith.addi %scan3A_63, %scan3A_64 : i32
      %scan3A_66 = arith.constant 1 : i32
      scf.for %scan3A_68 = %scan3A_63 to %scan3A_65 step %scan3A_66  : i32 {
        %mul3A_69 = arith.constant 16 : i32
        %mul3A_70 = arith.muli %scan3A_68, %mul3A_69 : i32
        %swap3A_71 = arith.index_cast %scan3A_61 : i32 to index
        %swap3A_72 = arith.index_cast %mul3A_70 : i32 to index
        %swap3A_73 = tpu.vector_load %arg16[%swap3A_71, %swap3A_72] {strides = array<i32>} : memref<80x128xf32, #tpu.memory_space<vmem>>, vector<16xf32>,
        tpu.vector_store %arg16[%swap3A_71, %swap3A_72], %broadcast_in_dim3A_1 {strides = array<i32>} : memref<80x128xf32, #tpu.memory_space<vmem>>, vector<16xf32>,
      }
      %scan3A_67 = arith.constant 8 : i32
    }
    %scan3A_24 = arith.constant 80 : i32
    %add3A_25 = arith.constant 0 : i32
    %add3A_26 = vector.broadcast %add3A_25 : i32 to vector<16xi32>
    %add3A_27 = arith.addi %iota3A, %add3A_26 : vector<16xi32>
    %swap3A = arith.constant 0 : index
    %swap3A_28 = tpu.vector_load %arg17[%swap3A] {strides = array<i32>} : memref<80xi32, #tpu.memory_space<vmem>>, vector<16xi32>,
    tpu.vector_store %arg17[%swap3A], %add3A_27 {strides = array<i32>} : memref<80xi32, #tpu.memory_space<vmem>>, vector<16xi32>,
    %add3A_29 = arith.constant 16 : i32
    %add3A_30 = vector.broadcast %add3A_29 : i32 to vector<16xi32>
    %add3A_31 = arith.addi %iota3A, %add3A_30 : vector<16xi32>
    %swap3A_32 = arith.constant 16 : index
    %swap3A_33 = tpu.vector_load %arg17[%swap3A_32] {strides = array<i32>} : memref<80xi32, #tpu.memory_space<vmem>>, vector<16xi32>,
    tpu.vector_store %arg17[%swap3A_32], %add3A_31 {strides = array<i32>} : memref<80xi32, #tpu.memory_space<vmem>>, vector<16xi32>,
    %add3A_34 = arith.constant 32 : i32
    %add3A_35 = vector.broadcast %add3A_34 : i32 to vector<16xi32>
    %add3A_36 = arith.addi %iota3A, %add3A_35 : vector<16xi32>
    %swap3A_37 = arith.constant 32 : index
    %swap3A_38 = tpu.vector_load %arg17[%swap3A_37] {strides = array<i32>} : memref<80xi32, #tpu.memory_space<vmem>>, vector<16xi32>,
    tpu.vector_store %arg17[%swap3A_37], %add3A_36 {strides = array<i32>} : memref<80xi32, #tpu.memory_space<vmem>>, vector<16xi32>,
    %add3A_39 = arith.constant 48 : i32
    %add3A_40 = vector.broadcast %add3A_39 : i32 to vector<16xi32>
    %add3A_41 = arith.addi %iota3A, %add3A_40 : vector<16xi32>
    %swap3A_42 = arith.constant 48 : index
    %swap3A_43 = tpu.vector_load %arg17[%swap3A_42] {strides = array<i32>} : memref<80xi32, #tpu.memory_space<vmem>>, vector<16xi32>,
    tpu.vector_store %arg17[%swap3A_42], %add3A_41 {strides = array<i32>} : memref<80xi32, #tpu.memory_space<vmem>>, vector<16xi32>,
    %add3A_44 = arith.constant 64 : i32
    %add3A_45 = vector.broadcast %add3A_44 : i32 to vector<16xi32>
    %add3A_46 = arith.addi %iota3A, %add3A_45 : vector<16xi32>
    %swap3A_47 = arith.constant 64 : index
    %swap3A_48 = tpu.vector_load %arg17[%swap3A_47] {strides = array<i32>} : memref<80xi32, #tpu.memory_space<vmem>>, vector<16xi32>,
    tpu.vector_store %arg17[%swap3A_47], %add3A_46 {strides = array<i32>} : memref<80xi32, #tpu.memory_space<vmem>>, vector<16xi32>,
    "tpu.region"() ({
      %run_scoped3A = tpu.sem_alloc : memref<!tpu.dma_semaphore, #tpu.memory_space<semaphore_mem>>
      %dma_start3A = arith.constant 0 : i32
      %dma_start3A_61 = arith.constant 0 : i32
      %dma_start3A_62 = tpu.memref_slice %arg9[%dma_start3A, %dma_start3A_61] : memref<128x128xf32, #tpu.memory_space<vmem>> -> memref<80x128xf32, #tpu.memory_space<vmem>>
      %dma_start3A_63 = arith.constant 0 : i32
      %dma_start3A_64 = arith.constant 0 : i32
      %dma_start3A_65 = tpu.memref_slice %arg9[%dma_start3A_63, %dma_start3A_64] : memref<128x128xf32, #tpu.memory_space<vmem>> -> memref<80x128xf32, #tpu.memory_space<vmem>>
      tpu.enqueue_dma source(%dma_start3A_65 : memref<80x128xf32, #tpu.memory_space<vmem>>) target(%arg18 : memref<80x128xf32, #tpu.memory_space<vmem_shared>>) target_semaphore(%run_scoped3A : memref<!tpu.dma_semaphore, #tpu.memory_space<semaphore_mem>>)
      %dma_wait3A = arith.constant 0 : i32
      %dma_wait3A_66 = arith.constant 0 : i32
      %dma_wait3A_67 = tpu.memref_slice %arg9[%dma_wait3A, %dma_wait3A_66] : memref<128x128xf32, #tpu.memory_space<vmem>> -> memref<80x128xf32, #tpu.memory_space<vmem>>
      %dma_wait3A_68 = arith.constant 0 : i32
      %dma_wait3A_69 = arith.constant 0 : i32
      %dma_wait3A_70 = tpu.memref_slice %arg9[%dma_wait3A_68, %dma_wait3A_69] : memref<128x128xf32, #tpu.memory_space<vmem>> -> memref<80x128xf32, #tpu.memory_space<vmem>>
      tpu.wait_dma2 semaphore(%run_scoped3A : memref<!tpu.dma_semaphore, #tpu.memory_space<semaphore_mem>>) src(%dma_wait3A_70 : memref<80x128xf32, #tpu.memory_space<vmem>>) dst(%arg18 : memref<80x128xf32, #tpu.memory_space<vmem_shared>>)
      tpu.yield
    }) : () -> ()
    %barrier3A = arith.constant 0 : index
    tpu.barrier barrier_id(%barrier3A)
    %scan3A_49 = arith.constant 0 : i32
    %scan3A_50 = arith.constant 0 : i32
    %scan3A_51 = arith.constant 10 : i32
    %scan3A_52 = arith.addi %scan3A_50, %scan3A_51 : i32
    %scan3A_53 = arith.constant 1 : i32
    scf.for %scan3A_61 = %scan3A_50 to %scan3A_52 step %scan3A_53  : i32 {
      %mul3A_62 = arith.constant 80 : i32
      %mul3A_63 = arith.muli %add3A, %mul3A_62 : i32
      %mul3A_64 = arith.constant 8 : i32
      %mul3A_65 = arith.muli %scan3A_61, %mul3A_64 : i32
      %add3A_66 = arith.addi %mul3A_63, %mul3A_65 : i32
      "tpu.region"() ({
        %run_scoped3A = tpu.sem_alloc : memref<!tpu.dma_semaphore, #tpu.memory_space<semaphore_mem>>
        %dma_start3A_337 = arith.constant 0 : i32
        %dma_start3A_338 = tpu.memref_slice %arg3[%add3A_66, %dma_start3A_337] : memref<2560x128xi32, #tpu.memory_space<hbm>> -> memref<8x128xi32, #tpu.memory_space<hbm>>
        %dma_start3A_339 = arith.constant 0 : i32
        %dma_start3A_340 = tpu.memref_slice %arg3[%add3A_66, %dma_start3A_339] : memref<2560x128xi32, #tpu.memory_space<hbm>> -> memref<8x128xi32, #tpu.memory_space<hbm>>
        tpu.enqueue_dma source(%dma_start3A_340 : memref<8x128xi32, #tpu.memory_space<hbm>>) target(%arg7 : memref<8x128xi32, #tpu.memory_space<vmem>>) target_semaphore(%run_scoped3A : memref<!tpu.dma_semaphore, #tpu.memory_space<semaphore_mem>>)
        %dma_wait3A_341 = arith.constant 0 : i32
        %dma_wait3A_342 = tpu.memref_slice %arg3[%add3A_66, %dma_wait3A_341] : memref<2560x128xi32, #tpu.memory_space<hbm>> -> memref<8x128xi32, #tpu.memory_space<hbm>>
        %dma_wait3A_343 = arith.constant 0 : i32
        %dma_wait3A_344 = tpu.memref_slice %arg3[%add3A_66, %dma_wait3A_343] : memref<2560x128xi32, #tpu.memory_space<hbm>> -> memref<8x128xi32, #tpu.memory_space<hbm>>
        tpu.wait_dma2 semaphore(%run_scoped3A : memref<!tpu.dma_semaphore, #tpu.memory_space<semaphore_mem>>) src(%dma_wait3A_344 : memref<8x128xi32, #tpu.memory_space<hbm>>) dst(%arg7 : memref<8x128xi32, #tpu.memory_space<vmem>>)
        tpu.yield
      }) : () -> ()
      "tpu.region"() ({
        %run_scoped3A = tpu.sem_alloc : memref<!tpu.dma_semaphore, #tpu.memory_space<semaphore_mem>>
        %dma_start3A_337 = arith.constant 0 : i32
        %dma_start3A_338 = tpu.memref_slice %arg4[%add3A_66, %dma_start3A_337] : memref<2560x128xi32, #tpu.memory_space<hbm>> -> memref<8x128xi32, #tpu.memory_space<hbm>>
        %dma_start3A_339 = arith.constant 0 : i32
        %dma_start3A_340 = tpu.memref_slice %arg4[%add3A_66, %dma_start3A_339] : memref<2560x128xi32, #tpu.memory_space<hbm>> -> memref<8x128xi32, #tpu.memory_space<hbm>>
        tpu.enqueue_dma source(%dma_start3A_340 : memref<8x128xi32, #tpu.memory_space<hbm>>) target(%arg8 : memref<8x128xi32, #tpu.memory_space<vmem>>) target_semaphore(%run_scoped3A : memref<!tpu.dma_semaphore, #tpu.memory_space<semaphore_mem>>)
        %dma_wait3A_341 = arith.constant 0 : i32
        %dma_wait3A_342 = tpu.memref_slice %arg4[%add3A_66, %dma_wait3A_341] : memref<2560x128xi32, #tpu.memory_space<hbm>> -> memref<8x128xi32, #tpu.memory_space<hbm>>
        %dma_wait3A_343 = arith.constant 0 : i32
        %dma_wait3A_344 = tpu.memref_slice %arg4[%add3A_66, %dma_wait3A_343] : memref<2560x128xi32, #tpu.memory_space<hbm>> -> memref<8x128xi32, #tpu.memory_space<hbm>>
        tpu.wait_dma2 semaphore(%run_scoped3A : memref<!tpu.dma_semaphore, #tpu.memory_space<semaphore_mem>>) src(%dma_wait3A_344 : memref<8x128xi32, #tpu.memory_space<hbm>>) dst(%arg8 : memref<8x128xi32, #tpu.memory_space<vmem>>)
        tpu.yield
      }) : () -> ()
      %dma_start3A = arith.constant 0 : i32
      %dma_start3A_67 = arith.constant 0 : i32
      %dma_start3A_68 = tpu.memref_slice %arg7[%dma_start3A, %dma_start3A_67] : memref<8x128xi32, #tpu.memory_space<vmem>> -> memref<1x128xi32, #tpu.memory_space<vmem>>
      %dma_start3A_69 = tpu.memref_squeeze %dma_start3A_68 : memref<1x128xi32, #tpu.memory_space<vmem>> -> memref<128xi32, #tpu.memory_space<vmem>>
      %dma_start3A_70 = arith.constant 0 : i32
      %dma_start3A_71 = arith.constant 0 : i32
      %dma_start3A_72 = tpu.memref_slice %arg2[%dma_start3A_70, %dma_start3A_71] : memref<10000x128xf32, #tpu.memory_space<hbm>> -> memref<10000x128xf32, #tpu.memory_space<hbm>>
      tpu.enqueue_indirect_dma source(%dma_start3A_72 : memref<10000x128xf32, #tpu.memory_space<hbm>>) target(%arg9 : memref<128x128xf32, #tpu.memory_space<vmem>>) offsets(%dma_start3A_69 : memref<128xi32, #tpu.memory_space<vmem>>) semaphore(%arg12 : memref<!tpu.dma_semaphore, #tpu.memory_space<semaphore_mem>>)
      %dma_start3A_73 = arith.constant 1 : i32
      %dma_start3A_74 = arith.constant 0 : i32
      %dma_start3A_75 = tpu.memref_slice %arg7[%dma_start3A_73, %dma_start3A_74] : memref<8x128xi32, #tpu.memory_space<vmem>> -> memref<1x128xi32, #tpu.memory_space<vmem>>
      %dma_start3A_76 = tpu.memref_squeeze %dma_start3A_75 : memref<1x128xi32, #tpu.memory_space<vmem>> -> memref<128xi32, #tpu.memory_space<vmem>>
      %dma_start3A_77 = arith.constant 0 : i32
      %dma_start3A_78 = arith.constant 0 : i32
      %dma_start3A_79 = tpu.memref_slice %arg2[%dma_start3A_77, %dma_start3A_78] : memref<10000x128xf32, #tpu.memory_space<hbm>> -> memref<10000x128xf32, #tpu.memory_space<hbm>>
      tpu.enqueue_indirect_dma source(%dma_start3A_79 : memref<10000x128xf32, #tpu.memory_space<hbm>>) target(%arg10 : memref<128x128xf32, #tpu.memory_space<vmem>>) offsets(%dma_start3A_76 : memref<128xi32, #tpu.memory_space<vmem>>) semaphore(%arg13 : memref<!tpu.dma_semaphore, #tpu.memory_space<semaphore_mem>>)
      %dma_wait3A = arith.constant 0 : i32
      %dma_wait3A_80 = arith.constant 0 : i32
      %dma_wait3A_81 = tpu.memref_slice %arg7[%dma_wait3A, %dma_wait3A_80] : memref<8x128xi32, #tpu.memory_space<vmem>> -> memref<1x128xi32, #tpu.memory_space<vmem>>
      %dma_wait3A_82 = tpu.memref_squeeze %dma_wait3A_81 : memref<1x128xi32, #tpu.memory_space<vmem>> -> memref<128xi32, #tpu.memory_space<vmem>>
      %dma_wait3A_83 = arith.constant 0 : i32
      %dma_wait3A_84 = arith.constant 0 : i32
      %dma_wait3A_85 = tpu.memref_slice %arg2[%dma_wait3A_83, %dma_wait3A_84] : memref<10000x128xf32, #tpu.memory_space<hbm>> -> memref<10000x128xf32, #tpu.memory_space<hbm>>
      tpu.wait_indirect_dma semaphore(%arg12 : memref<!tpu.dma_semaphore, #tpu.memory_space<semaphore_mem>>) src(%dma_wait3A_85 : memref<10000x128xf32, #tpu.memory_space<hbm>>) dst(%arg9 : memref<128x128xf32, #tpu.memory_space<vmem>>)
      %dma_start3A_86 = arith.constant 0 : i32
      %dma_start3A_87 = arith.constant 0 : i32
      %dma_start3A_88 = tpu.memref_slice %arg8[%dma_start3A_86, %dma_start3A_87] : memref<8x128xi32, #tpu.memory_space<vmem>> -> memref<1x128xi32, #tpu.memory_space<vmem>>
      %dma_start3A_89 = tpu.memref_squeeze %dma_start3A_88 : memref<1x128xi32, #tpu.memory_space<vmem>> -> memref<128xi32, #tpu.memory_space<vmem>>
      %dma_start3A_90 = arith.constant 0 : i32
      %dma_start3A_91 = arith.constant 0 : i32
      %dma_start3A_92 = tpu.memref_slice %arg11[%dma_start3A_90, %dma_start3A_91] : memref<10112x128xf32, #tpu.memory_space<vmem_shared>> -> memref<10112x128xf32, #tpu.memory_space<vmem_shared>>
      tpu.enqueue_indirect_dma source(%arg9 : memref<128x128xf32, #tpu.memory_space<vmem>>) target(%dma_start3A_92 : memref<10112x128xf32, #tpu.memory_space<vmem_shared>>) offsets(%dma_start3A_89 : memref<128xi32, #tpu.memory_space<vmem>>) semaphore(%arg14 : memref<!tpu.dma_semaphore, #tpu.memory_space<semaphore_mem>>) {add = true}
      %scan3A_93 = arith.constant 0 : i32
      %scan3A_94 = arith.constant 0 : i32
      %scan3A_95 = arith.constant 8 : i32
      %scan3A_96 = arith.addi %scan3A_94, %scan3A_95 : i32
      %scan3A_97 = arith.constant 1 : i32
      scf.for %scan3A_337 = %scan3A_94 to %scan3A_96 step %scan3A_97  : i32 {
        %mul3A_338 = arith.constant 16 : i32
        %mul3A_339 = arith.muli %scan3A_337, %mul3A_338 : i32
        %get3A = arith.constant 0 : i32
        %get3A_340 = arith.index_cast %get3A : i32 to index
        %get3A_341 = arith.index_cast %mul3A_339 : i32 to index
        %get3A_342 = tpu.vector_load %arg8[%get3A_340, %get3A_341] {strides = array<i32>} : memref<8x128xi32, #tpu.memory_space<vmem>>, vector<16xi32>,
        %shift_right_logical3A = arith.constant 7 : i32
        %shift_right_logical3A_343 = vector.broadcast %shift_right_logical3A : i32 to vector<16xi32>
        %shift_right_logical3A_344 = arith.shrui %get3A_342, %shift_right_logical3A_343 : vector<16xi32>
        %and3A = arith.constant 127 : i32
        %and3A_345 = vector.broadcast %and3A : i32 to vector<16xi32>
        %and3A_346 = arith.andi %get3A_342, %and3A_345 : vector<16xi32>
        %eq3A = arith.constant 0 : i32
        %eq3A_347 = vector.broadcast %eq3A : i32 to vector<16xi32>
        %eq3A_348 = arith.cmpi eq, %iota3A, %eq3A_347 : vector<16xi32>
        tpu.vector_store_idx %arg16[%shift_right_logical3A_344, %and3A_346], %broadcast_in_dim3A_3 masked %eq3A_348 {add = true} : memref<80x128xf32, #tpu.memory_space<vmem>>[vector<16xi32>, vector<16xi32>], vector<16xf32>, vector<16xi1>
        %eq3A_349 = arith.constant 1 : i32
        %eq3A_350 = vector.broadcast %eq3A_349 : i32 to vector<16xi32>
        %eq3A_351 = arith.cmpi eq, %iota3A, %eq3A_350 : vector<16xi32>
        tpu.vector_store_idx %arg16[%shift_right_logical3A_344, %and3A_346], %broadcast_in_dim3A_3 masked %eq3A_351 {add = true} : memref<80x128xf32, #tpu.memory_space<vmem>>[vector<16xi32>, vector<16xi32>], vector<16xf32>, vector<16xi1>
        %eq3A_352 = arith.constant 2 : i32
        %eq3A_353 = vector.broadcast %eq3A_352 : i32 to vector<16xi32>
        %eq3A_354 = arith.cmpi eq, %iota3A, %eq3A_353 : vector<16xi32>
        tpu.vector_store_idx %arg16[%shift_right_logical3A_344, %and3A_346], %broadcast_in_dim3A_3 masked %eq3A_354 {add = true} : memref<80x128xf32, #tpu.memory_space<vmem>>[vector<16xi32>, vector<16xi32>], vector<16xf32>, vector<16xi1>
        %eq3A_355 = arith.constant 3 : i32
        %eq3A_356 = vector.broadcast %eq3A_355 : i32 to vector<16xi32>
        %eq3A_357 = arith.cmpi eq, %iota3A, %eq3A_356 : vector<16xi32>
        tpu.vector_store_idx %arg16[%shift_right_logical3A_344, %and3A_346], %broadcast_in_dim3A_3 masked %eq3A_357 {add = true} : memref<80x128xf32, #tpu.memory_space<vmem>>[vector<16xi32>, vector<16xi32>], vector<16xf32>, vector<16xi1>
        %eq3A_358 = arith.constant 4 : i32
        %eq3A_359 = vector.broadcast %eq3A_358 : i32 to vector<16xi32>
        %eq3A_360 = arith.cmpi eq, %iota3A, %eq3A_359 : vector<16xi32>
        tpu.vector_store_idx %arg16[%shift_right_logical3A_344, %and3A_346], %broadcast_in_dim3A_3 masked %eq3A_360 {add = true} : memref<80x128xf32, #tpu.memory_space<vmem>>[vector<16xi32>, vector<16xi32>], vector<16xf32>, vector<16xi1>
        %eq3A_361 = arith.constant 5 : i32
        %eq3A_362 = vector.broadcast %eq3A_361 : i32 to vector<16xi32>
        %eq3A_363 = arith.cmpi eq, %iota3A, %eq3A_362 : vector<16xi32>
        tpu.vector_store_idx %arg16[%shift_right_logical3A_344, %and3A_346], %broadcast_in_dim3A_3 masked %eq3A_363 {add = true} : memref<80x128xf32, #tpu.memory_space<vmem>>[vector<16xi32>, vector<16xi32>], vector<16xf32>, vector<16xi1>
        %eq3A_364 = arith.constant 6 : i32
        %eq3A_365 = vector.broadcast %eq3A_364 : i32 to vector<16xi32>
        %eq3A_366 = arith.cmpi eq, %iota3A, %eq3A_365 : vector<16xi32>
        tpu.vector_store_idx %arg16[%shift_right_logical3A_344, %and3A_346], %broadcast_in_dim3A_3 masked %eq3A_366 {add = true} : memref<80x128xf32, #tpu.memory_space<vmem>>[vector<16xi32>, vector<16xi32>], vector<16xf32>, vector<16xi1>
        %eq3A_367 = arith.constant 7 : i32
        %eq3A_368 = vector.broadcast %eq3A_367 : i32 to vector<16xi32>
        %eq3A_369 = arith.cmpi eq, %iota3A, %eq3A_368 : vector<16xi32>
        tpu.vector_store_idx %arg16[%shift_right_logical3A_344, %and3A_346], %broadcast_in_dim3A_3 masked %eq3A_369 {add = true} : memref<80x128xf32, #tpu.memory_space<vmem>>[vector<16xi32>, vector<16xi32>], vector<16xf32>, vector<16xi1>
        %eq3A_370 = arith.constant 8 : i32
        %eq3A_371 = vector.broadcast %eq3A_370 : i32 to vector<16xi32>
        %eq3A_372 = arith.cmpi eq, %iota3A, %eq3A_371 : vector<16xi32>
        tpu.vector_store_idx %arg16[%shift_right_logical3A_344, %and3A_346], %broadcast_in_dim3A_3 masked %eq3A_372 {add = true} : memref<80x128xf32, #tpu.memory_space<vmem>>[vector<16xi32>, vector<16xi32>], vector<16xf32>, vector<16xi1>
        %eq3A_373 = arith.constant 9 : i32
        %eq3A_374 = vector.broadcast %eq3A_373 : i32 to vector<16xi32>
        %eq3A_375 = arith.cmpi eq, %iota3A, %eq3A_374 : vector<16xi32>
        tpu.vector_store_idx %arg16[%shift_right_logical3A_344, %and3A_346], %broadcast_in_dim3A_3 masked %eq3A_375 {add = true} : memref<80x128xf32, #tpu.memory_space<vmem>>[vector<16xi32>, vector<16xi32>], vector<16xf32>, vector<16xi1>
        %eq3A_376 = arith.constant 10 : i32
        %eq3A_377 = vector.broadcast %eq3A_376 : i32 to vector<16xi32>
        %eq3A_378 = arith.cmpi eq, %iota3A, %eq3A_377 : vector<16xi32>
        tpu.vector_store_idx %arg16[%shift_right_logical3A_344, %and3A_346], %broadcast_in_dim3A_3 masked %eq3A_378 {add = true} : memref<80x128xf32, #tpu.memory_space<vmem>>[vector<16xi32>, vector<16xi32>], vector<16xf32>, vector<16xi1>
        %eq3A_379 = arith.constant 11 : i32
        %eq3A_380 = vector.broadcast %eq3A_379 : i32 to vector<16xi32>
        %eq3A_381 = arith.cmpi eq, %iota3A, %eq3A_380 : vector<16xi32>
        tpu.vector_store_idx %arg16[%shift_right_logical3A_344, %and3A_346], %broadcast_in_dim3A_3 masked %eq3A_381 {add = true} : memref<80x128xf32, #tpu.memory_space<vmem>>[vector<16xi32>, vector<16xi32>], vector<16xf32>, vector<16xi1>
        %eq3A_382 = arith.constant 12 : i32
        %eq3A_383 = vector.broadcast %eq3A_382 : i32 to vector<16xi32>
        %eq3A_384 = arith.cmpi eq, %iota3A, %eq3A_383 : vector<16xi32>
        tpu.vector_store_idx %arg16[%shift_right_logical3A_344, %and3A_346], %broadcast_in_dim3A_3 masked %eq3A_384 {add = true} : memref<80x128xf32, #tpu.memory_space<vmem>>[vector<16xi32>, vector<16xi32>], vector<16xf32>, vector<16xi1>
        %eq3A_385 = arith.constant 13 : i32
        %eq3A_386 = vector.broadcast %eq3A_385 : i32 to vector<16xi32>
        %eq3A_387 = arith.cmpi eq, %iota3A, %eq3A_386 : vector<16xi32>
        tpu.vector_store_idx %arg16[%shift_right_logical3A_344, %and3A_346], %broadcast_in_dim3A_3 masked %eq3A_387 {add = true} : memref<80x128xf32, #tpu.memory_space<vmem>>[vector<16xi32>, vector<16xi32>], vector<16xf32>, vector<16xi1>
        %eq3A_388 = arith.constant 14 : i32
        %eq3A_389 = vector.broadcast %eq3A_388 : i32 to vector<16xi32>
        %eq3A_390 = arith.cmpi eq, %iota3A, %eq3A_389 : vector<16xi32>
        tpu.vector_store_idx %arg16[%shift_right_logical3A_344, %and3A_346], %broadcast_in_dim3A_3 masked %eq3A_390 {add = true} : memref<80x128xf32, #tpu.memory_space<vmem>>[vector<16xi32>, vector<16xi32>], vector<16xf32>, vector<16xi1>
        %eq3A_391 = arith.constant 15 : i32
        %eq3A_392 = vector.broadcast %eq3A_391 : i32 to vector<16xi32>
        %eq3A_393 = arith.cmpi eq, %iota3A, %eq3A_392 : vector<16xi32>
        tpu.vector_store_idx %arg16[%shift_right_logical3A_344, %and3A_346], %broadcast_in_dim3A_3 masked %eq3A_393 {add = true} : memref<80x128xf32, #tpu.memory_space<vmem>>[vector<16xi32>, vector<16xi32>], vector<16xf32>, vector<16xi1>
      }
      %scan3A_98 = arith.constant 8 : i32
      %dma_wait3A_99 = arith.constant 0 : i32
      %dma_wait3A_100 = arith.constant 0 : i32
      %dma_wait3A_101 = tpu.memref_slice %arg8[%dma_wait3A_99, %dma_wait3A_100] : memref<8x128xi32, #tpu.memory_space<vmem>> -> memref<1x128xi32, #tpu.memory_space<vmem>>
      %dma_wait3A_102 = tpu.memref_squeeze %dma_wait3A_101 : memref<1x128xi32, #tpu.memory_space<vmem>> -> memref<128xi32, #tpu.memory_space<vmem>>
      %dma_wait3A_103 = arith.constant 0 : i32
      %dma_wait3A_104 = arith.constant 0 : i32
      %dma_wait3A_105 = tpu.memref_slice %arg11[%dma_wait3A_103, %dma_wait3A_104] : memref<10112x128xf32, #tpu.memory_space<vmem_shared>> -> memref<10112x128xf32, #tpu.memory_space<vmem_shared>>
      tpu.wait_indirect_dma semaphore(%arg14 : memref<!tpu.dma_semaphore, #tpu.memory_space<semaphore_mem>>) src(%arg9 : memref<128x128xf32, #tpu.memory_space<vmem>>) dst(%dma_wait3A_105 : memref<10112x128xf32, #tpu.memory_space<vmem_shared>>)
      %dma_start3A_106 = arith.constant 2 : i32
      %dma_start3A_107 = arith.constant 0 : i32
      %dma_start3A_108 = tpu.memref_slice %arg7[%dma_start3A_106, %dma_start3A_107] : memref<8x128xi32, #tpu.memory_space<vmem>> -> memref<1x128xi32, #tpu.memory_space<vmem>>
      %dma_start3A_109 = tpu.memref_squeeze %dma_start3A_108 : memref<1x128xi32, #tpu.memory_space<vmem>> -> memref<128xi32, #tpu.memory_space<vmem>>
      %dma_start3A_110 = arith.constant 0 : i32
      %dma_start3A_111 = arith.constant 0 : i32
      %dma_start3A_112 = tpu.memref_slice %arg2[%dma_start3A_110, %dma_start3A_111] : memref<10000x128xf32, #tpu.memory_space<hbm>> -> memref<10000x128xf32, #tpu.memory_space<hbm>>
      tpu.enqueue_indirect_dma source(%dma_start3A_112 : memref<10000x128xf32, #tpu.memory_space<hbm>>) target(%arg9 : memref<128x128xf32, #tpu.memory_space<vmem>>) offsets(%dma_start3A_109 : memref<128xi32, #tpu.memory_space<vmem>>) semaphore(%arg12 : memref<!tpu.dma_semaphore, #tpu.memory_space<semaphore_mem>>)
      %dma_wait3A_113 = arith.constant 1 : i32
      %dma_wait3A_114 = arith.constant 0 : i32
      %dma_wait3A_115 = tpu.memref_slice %arg7[%dma_wait3A_113, %dma_wait3A_114] : memref<8x128xi32, #tpu.memory_space<vmem>> -> memref<1x128xi32, #tpu.memory_space<vmem>>
      %dma_wait3A_116 = tpu.memref_squeeze %dma_wait3A_115 : memref<1x128xi32, #tpu.memory_space<vmem>> -> memref<128xi32, #tpu.memory_space<vmem>>
      %dma_wait3A_117 = arith.constant 0 : i32
      %dma_wait3A_118 = arith.constant 0 : i32
      %dma_wait3A_119 = tpu.memref_slice %arg2[%dma_wait3A_117, %dma_wait3A_118] : memref<10000x128xf32, #tpu.memory_space<hbm>> -> memref<10000x128xf32, #tpu.memory_space<hbm>>
      tpu.wait_indirect_dma semaphore(%arg13 : memref<!tpu.dma_semaphore, #tpu.memory_space<semaphore_mem>>) src(%dma_wait3A_119 : memref<10000x128xf32, #tpu.memory_space<hbm>>) dst(%arg10 : memref<128x128xf32, #tpu.memory_space<vmem>>)
      %dma_start3A_120 = arith.constant 1 : i32
      %dma_start3A_121 = arith.constant 0 : i32
      %dma_start3A_122 = tpu.memref_slice %arg8[%dma_start3A_120, %dma_start3A_121] : memref<8x128xi32, #tpu.memory_space<vmem>> -> memref<1x128xi32, #tpu.memory_space<vmem>>
      %dma_start3A_123 = tpu.memref_squeeze %dma_start3A_122 : memref<1x128xi32, #tpu.memory_space<vmem>> -> memref<128xi32, #tpu.memory_space<vmem>>
      %dma_start3A_124 = arith.constant 0 : i32
      %dma_start3A_125 = arith.constant 0 : i32
      %dma_start3A_126 = tpu.memref_slice %arg11[%dma_start3A_124, %dma_start3A_125] : memref<10112x128xf32, #tpu.memory_space<vmem_shared>> -> memref<10112x128xf32, #tpu.memory_space<vmem_shared>>
      tpu.enqueue_indirect_dma source(%arg10 : memref<128x128xf32, #tpu.memory_space<vmem>>) target(%dma_start3A_126 : memref<10112x128xf32, #tpu.memory_space<vmem_shared>>) offsets(%dma_start3A_123 : memref<128xi32, #tpu.memory_space<vmem>>) semaphore(%arg15 : memref<!tpu.dma_semaphore, #tpu.memory_space<semaphore_mem>>) {add = true}
      %scan3A_127 = arith.constant 0 : i32
      %scan3A_128 = arith.constant 0 : i32
      %scan3A_129 = arith.constant 8 : i32
      %scan3A_130 = arith.addi %scan3A_128, %scan3A_129 : i32
      %scan3A_131 = arith.constant 1 : i32
      scf.for %scan3A_337 = %scan3A_128 to %scan3A_130 step %scan3A_131  : i32 {
        %mul3A_338 = arith.constant 16 : i32
        %mul3A_339 = arith.muli %scan3A_337, %mul3A_338 : i32
        %get3A = arith.constant 1 : i32
        %get3A_340 = arith.index_cast %get3A : i32 to index
        %get3A_341 = arith.index_cast %mul3A_339 : i32 to index
        %get3A_342 = tpu.vector_load %arg8[%get3A_340, %get3A_341] {strides = array<i32>} : memref<8x128xi32, #tpu.memory_space<vmem>>, vector<16xi32>,
        %shift_right_logical3A = arith.constant 7 : i32
        %shift_right_logical3A_343 = vector.broadcast %shift_right_logical3A : i32 to vector<16xi32>
        %shift_right_logical3A_344 = arith.shrui %get3A_342, %shift_right_logical3A_343 : vector<16xi32>
        %and3A = arith.constant 127 : i32
        %and3A_345 = vector.broadcast %and3A : i32 to vector<16xi32>
        %and3A_346 = arith.andi %get3A_342, %and3A_345 : vector<16xi32>
        %eq3A = arith.constant 0 : i32
        %eq3A_347 = vector.broadcast %eq3A : i32 to vector<16xi32>
        %eq3A_348 = arith.cmpi eq, %iota3A, %eq3A_347 : vector<16xi32>
        tpu.vector_store_idx %arg16[%shift_right_logical3A_344, %and3A_346], %broadcast_in_dim3A_3 masked %eq3A_348 {add = true} : memref<80x128xf32, #tpu.memory_space<vmem>>[vector<16xi32>, vector<16xi32>], vector<16xf32>, vector<16xi1>
        %eq3A_349 = arith.constant 1 : i32
        %eq3A_350 = vector.broadcast %eq3A_349 : i32 to vector<16xi32>
        %eq3A_351 = arith.cmpi eq, %iota3A, %eq3A_350 : vector<16xi32>
        tpu.vector_store_idx %arg16[%shift_right_logical3A_344, %and3A_346], %broadcast_in_dim3A_3 masked %eq3A_351 {add = true} : memref<80x128xf32, #tpu.memory_space<vmem>>[vector<16xi32>, vector<16xi32>], vector<16xf32>, vector<16xi1>
        %eq3A_352 = arith.constant 2 : i32
        %eq3A_353 = vector.broadcast %eq3A_352 : i32 to vector<16xi32>
        %eq3A_354 = arith.cmpi eq, %iota3A, %eq3A_353 : vector<16xi32>
        tpu.vector_store_idx %arg16[%shift_right_logical3A_344, %and3A_346], %broadcast_in_dim3A_3 masked %eq3A_354 {add = true} : memref<80x128xf32, #tpu.memory_space<vmem>>[vector<16xi32>, vector<16xi32>], vector<16xf32>, vector<16xi1>
        %eq3A_355 = arith.constant 3 : i32
        %eq3A_356 = vector.broadcast %eq3A_355 : i32 to vector<16xi32>
        %eq3A_357 = arith.cmpi eq, %iota3A, %eq3A_356 : vector<16xi32>
        tpu.vector_store_idx %arg16[%shift_right_logical3A_344, %and3A_346], %broadcast_in_dim3A_3 masked %eq3A_357 {add = true} : memref<80x128xf32, #tpu.memory_space<vmem>>[vector<16xi32>, vector<16xi32>], vector<16xf32>, vector<16xi1>
        %eq3A_358 = arith.constant 4 : i32
        %eq3A_359 = vector.broadcast %eq3A_358 : i32 to vector<16xi32>
        %eq3A_360 = arith.cmpi eq, %iota3A, %eq3A_359 : vector<16xi32>
        tpu.vector_store_idx %arg16[%shift_right_logical3A_344, %and3A_346], %broadcast_in_dim3A_3 masked %eq3A_360 {add = true} : memref<80x128xf32, #tpu.memory_space<vmem>>[vector<16xi32>, vector<16xi32>], vector<16xf32>, vector<16xi1>
        %eq3A_361 = arith.constant 5 : i32
        %eq3A_362 = vector.broadcast %eq3A_361 : i32 to vector<16xi32>
        %eq3A_363 = arith.cmpi eq, %iota3A, %eq3A_362 : vector<16xi32>
        tpu.vector_store_idx %arg16[%shift_right_logical3A_344, %and3A_346], %broadcast_in_dim3A_3 masked %eq3A_363 {add = true} : memref<80x128xf32, #tpu.memory_space<vmem>>[vector<16xi32>, vector<16xi32>], vector<16xf32>, vector<16xi1>
        %eq3A_364 = arith.constant 6 : i32
        %eq3A_365 = vector.broadcast %eq3A_364 : i32 to vector<16xi32>
        %eq3A_366 = arith.cmpi eq, %iota3A, %eq3A_365 : vector<16xi32>
        tpu.vector_store_idx %arg16[%shift_right_logical3A_344, %and3A_346], %broadcast_in_dim3A_3 masked %eq3A_366 {add = true} : memref<80x128xf32, #tpu.memory_space<vmem>>[vector<16xi32>, vector<16xi32>], vector<16xf32>, vector<16xi1>
        %eq3A_367 = arith.constant 7 : i32
        %eq3A_368 = vector.broadcast %eq3A_367 : i32 to vector<16xi32>
        %eq3A_369 = arith.cmpi eq, %iota3A, %eq3A_368 : vector<16xi32>
        tpu.vector_store_idx %arg16[%shift_right_logical3A_344, %and3A_346], %broadcast_in_dim3A_3 masked %eq3A_369 {add = true} : memref<80x128xf32, #tpu.memory_space<vmem>>[vector<16xi32>, vector<16xi32>], vector<16xf32>, vector<16xi1>
        %eq3A_370 = arith.constant 8 : i32
        %eq3A_371 = vector.broadcast %eq3A_370 : i32 to vector<16xi32>
        %eq3A_372 = arith.cmpi eq, %iota3A, %eq3A_371 : vector<16xi32>
        tpu.vector_store_idx %arg16[%shift_right_logical3A_344, %and3A_346], %broadcast_in_dim3A_3 masked %eq3A_372 {add = true} : memref<80x128xf32, #tpu.memory_space<vmem>>[vector<16xi32>, vector<16xi32>], vector<16xf32>, vector<16xi1>
        %eq3A_373 = arith.constant 9 : i32
        %eq3A_374 = vector.broadcast %eq3A_373 : i32 to vector<16xi32>
        %eq3A_375 = arith.cmpi eq, %iota3A, %eq3A_374 : vector<16xi32>
        tpu.vector_store_idx %arg16[%shift_right_logical3A_344, %and3A_346], %broadcast_in_dim3A_3 masked %eq3A_375 {add = true} : memref<80x128xf32, #tpu.memory_space<vmem>>[vector<16xi32>, vector<16xi32>], vector<16xf32>, vector<16xi1>
        %eq3A_376 = arith.constant 10 : i32
        %eq3A_377 = vector.broadcast %eq3A_376 : i32 to vector<16xi32>
        %eq3A_378 = arith.cmpi eq, %iota3A, %eq3A_377 : vector<16xi32>
        tpu.vector_store_idx %arg16[%shift_right_logical3A_344, %and3A_346], %broadcast_in_dim3A_3 masked %eq3A_378 {add = true} : memref<80x128xf32, #tpu.memory_space<vmem>>[vector<16xi32>, vector<16xi32>], vector<16xf32>, vector<16xi1>
        %eq3A_379 = arith.constant 11 : i32
        %eq3A_380 = vector.broadcast %eq3A_379 : i32 to vector<16xi32>
        %eq3A_381 = arith.cmpi eq, %iota3A, %eq3A_380 : vector<16xi32>
        tpu.vector_store_idx %arg16[%shift_right_logical3A_344, %and3A_346], %broadcast_in_dim3A_3 masked %eq3A_381 {add = true} : memref<80x128xf32, #tpu.memory_space<vmem>>[vector<16xi32>, vector<16xi32>], vector<16xf32>, vector<16xi1>
        %eq3A_382 = arith.constant 12 : i32
        %eq3A_383 = vector.broadcast %eq3A_382 : i32 to vector<16xi32>
        %eq3A_384 = arith.cmpi eq, %iota3A, %eq3A_383 : vector<16xi32>
        tpu.vector_store_idx %arg16[%shift_right_logical3A_344, %and3A_346], %broadcast_in_dim3A_3 masked %eq3A_384 {add = true} : memref<80x128xf32, #tpu.memory_space<vmem>>[vector<16xi32>, vector<16xi32>], vector<16xf32>, vector<16xi1>
        %eq3A_385 = arith.constant 13 : i32
        %eq3A_386 = vector.broadcast %eq3A_385 : i32 to vector<16xi32>
        %eq3A_387 = arith.cmpi eq, %iota3A, %eq3A_386 : vector<16xi32>
        tpu.vector_store_idx %arg16[%shift_right_logical3A_344, %and3A_346], %broadcast_in_dim3A_3 masked %eq3A_387 {add = true} : memref<80x128xf32, #tpu.memory_space<vmem>>[vector<16xi32>, vector<16xi32>], vector<16xf32>, vector<16xi1>
        %eq3A_388 = arith.constant 14 : i32
        %eq3A_389 = vector.broadcast %eq3A_388 : i32 to vector<16xi32>
        %eq3A_390 = arith.cmpi eq, %iota3A, %eq3A_389 : vector<16xi32>
        tpu.vector_store_idx %arg16[%shift_right_logical3A_344, %and3A_346], %broadcast_in_dim3A_3 masked %eq3A_390 {add = true} : memref<80x128xf32, #tpu.memory_space<vmem>>[vector<16xi32>, vector<16xi32>], vector<16xf32>, vector<16xi1>
        %eq3A_391 = arith.constant 15 : i32
        %eq3A_392 = vector.broadcast %eq3A_391 : i32 to vector<16xi32>
        %eq3A_393 = arith.cmpi eq, %iota3A, %eq3A_392 : vector<16xi32>
        tpu.vector_store_idx %arg16[%shift_right_logical3A_344, %and3A_346], %broadcast_in_dim3A_3 masked %eq3A_393 {add = true} : memref<80x128xf32, #tpu.memory_space<vmem>>[vector<16xi32>, vector<16xi32>], vector<16xf32>, vector<16xi1>
      }
      %scan3A_132 = arith.constant 8 : i32
      %dma_wait3A_133 = arith.constant 1 : i32
      %dma_wait3A_134 = arith.constant 0 : i32
      %dma_wait3A_135 = tpu.memref_slice %arg8[%dma_wait3A_133, %dma_wait3A_134] : memref<8x128xi32, #tpu.memory_space<vmem>> -> memref<1x128xi32, #tpu.memory_space<vmem>>
      %dma_wait3A_136 = tpu.memref_squeeze %dma_wait3A_135 : memref<1x128xi32, #tpu.memory_space<vmem>> -> memref<128xi32, #tpu.memory_space<vmem>>
      %dma_wait3A_137 = arith.constant 0 : i32
      %dma_wait3A_138 = arith.constant 0 : i32
      %dma_wait3A_139 = tpu.memref_slice %arg11[%dma_wait3A_137, %dma_wait3A_138] : memref<10112x128xf32, #tpu.memory_space<vmem_shared>> -> memref<10112x128xf32, #tpu.memory_space<vmem_shared>>
      tpu.wait_indirect_dma semaphore(%arg15 : memref<!tpu.dma_semaphore, #tpu.memory_space<semaphore_mem>>) src(%arg10 : memref<128x128xf32, #tpu.memory_space<vmem>>) dst(%dma_wait3A_139 : memref<10112x128xf32, #tpu.memory_space<vmem_shared>>)
      %dma_start3A_140 = arith.constant 3 : i32
      %dma_start3A_141 = arith.constant 0 : i32
      %dma_start3A_142 = tpu.memref_slice %arg7[%dma_start3A_140, %dma_start3A_141] : memref<8x128xi32, #tpu.memory_space<vmem>> -> memref<1x128xi32, #tpu.memory_space<vmem>>
      %dma_start3A_143 = tpu.memref_squeeze %dma_start3A_142 : memref<1x128xi32, #tpu.memory_space<vmem>> -> memref<128xi32, #tpu.memory_space<vmem>>
      %dma_start3A_144 = arith.constant 0 : i32
      %dma_start3A_145 = arith.constant 0 : i32
      %dma_start3A_146 = tpu.memref_slice %arg2[%dma_start3A_144, %dma_start3A_145] : memref<10000x128xf32, #tpu.memory_space<hbm>> -> memref<10000x128xf32, #tpu.memory_space<hbm>>
      tpu.enqueue_indirect_dma source(%dma_start3A_146 : memref<10000x128xf32, #tpu.memory_space<hbm>>) target(%arg10 : memref<128x128xf32, #tpu.memory_space<vmem>>) offsets(%dma_start3A_143 : memref<128xi32, #tpu.memory_space<vmem>>) semaphore(%arg13 : memref<!tpu.dma_semaphore, #tpu.memory_space<semaphore_mem>>)
      %dma_wait3A_147 = arith.constant 2 : i32
      %dma_wait3A_148 = arith.constant 0 : i32
      %dma_wait3A_149 = tpu.memref_slice %arg7[%dma_wait3A_147, %dma_wait3A_148] : memref<8x128xi32, #tpu.memory_space<vmem>> -> memref<1x128xi32, #tpu.memory_space<vmem>>
      %dma_wait3A_150 = tpu.memref_squeeze %dma_wait3A_149 : memref<1x128xi32, #tpu.memory_space<vmem>> -> memref<128xi32, #tpu.memory_space<vmem>>
      %dma_wait3A_151 = arith.constant 0 : i32
      %dma_wait3A_152 = arith.constant 0 : i32
      %dma_wait3A_153 = tpu.memref_slice %arg2[%dma_wait3A_151, %dma_wait3A_152] : memref<10000x128xf32, #tpu.memory_space<hbm>> -> memref<10000x128xf32, #tpu.memory_space<hbm>>
      tpu.wait_indirect_dma semaphore(%arg12 : memref<!tpu.dma_semaphore, #tpu.memory_space<semaphore_mem>>) src(%dma_wait3A_153 : memref<10000x128xf32, #tpu.memory_space<hbm>>) dst(%arg9 : memref<128x128xf32, #tpu.memory_space<vmem>>)
      %dma_start3A_154 = arith.constant 2 : i32
      %dma_start3A_155 = arith.constant 0 : i32
      %dma_start3A_156 = tpu.memref_slice %arg8[%dma_start3A_154, %dma_start3A_155] : memref<8x128xi32, #tpu.memory_space<vmem>> -> memref<1x128xi32, #tpu.memory_space<vmem>>
      %dma_start3A_157 = tpu.memref_squeeze %dma_start3A_156 : memref<1x128xi32, #tpu.memory_space<vmem>> -> memref<128xi32, #tpu.memory_space<vmem>>
      %dma_start3A_158 = arith.constant 0 : i32
      %dma_start3A_159 = arith.constant 0 : i32
      %dma_start3A_160 = tpu.memref_slice %arg11[%dma_start3A_158, %dma_start3A_159] : memref<10112x128xf32, #tpu.memory_space<vmem_shared>> -> memref<10112x128xf32, #tpu.memory_space<vmem_shared>>
      tpu.enqueue_indirect_dma source(%arg9 : memref<128x128xf32, #tpu.memory_space<vmem>>) target(%dma_start3A_160 : memref<10112x128xf32, #tpu.memory_space<vmem_shared>>) offsets(%dma_start3A_157 : memref<128xi32, #tpu.memory_space<vmem>>) semaphore(%arg14 : memref<!tpu.dma_semaphore, #tpu.memory_space<semaphore_mem>>) {add = true}
      %scan3A_161 = arith.constant 0 : i32
      %scan3A_162 = arith.constant 0 : i32
      %scan3A_163 = arith.constant 8 : i32
      %scan3A_164 = arith.addi %scan3A_162, %scan3A_163 : i32
      %scan3A_165 = arith.constant 1 : i32
      scf.for %scan3A_337 = %scan3A_162 to %scan3A_164 step %scan3A_165  : i32 {
        %mul3A_338 = arith.constant 16 : i32
        %mul3A_339 = arith.muli %scan3A_337, %mul3A_338 : i32
        %get3A = arith.constant 2 : i32
        %get3A_340 = arith.index_cast %get3A : i32 to index
        %get3A_341 = arith.index_cast %mul3A_339 : i32 to index
        %get3A_342 = tpu.vector_load %arg8[%get3A_340, %get3A_341] {strides = array<i32>} : memref<8x128xi32, #tpu.memory_space<vmem>>, vector<16xi32>,
        %shift_right_logical3A = arith.constant 7 : i32
        %shift_right_logical3A_343 = vector.broadcast %shift_right_logical3A : i32 to vector<16xi32>
        %shift_right_logical3A_344 = arith.shrui %get3A_342, %shift_right_logical3A_343 : vector<16xi32>
        %and3A = arith.constant 127 : i32
        %and3A_345 = vector.broadcast %and3A : i32 to vector<16xi32>
        %and3A_346 = arith.andi %get3A_342, %and3A_345 : vector<16xi32>
        %eq3A = arith.constant 0 : i32
        %eq3A_347 = vector.broadcast %eq3A : i32 to vector<16xi32>
        %eq3A_348 = arith.cmpi eq, %iota3A, %eq3A_347 : vector<16xi32>
        tpu.vector_store_idx %arg16[%shift_right_logical3A_344, %and3A_346], %broadcast_in_dim3A_3 masked %eq3A_348 {add = true} : memref<80x128xf32, #tpu.memory_space<vmem>>[vector<16xi32>, vector<16xi32>], vector<16xf32>, vector<16xi1>
        %eq3A_349 = arith.constant 1 : i32
        %eq3A_350 = vector.broadcast %eq3A_349 : i32 to vector<16xi32>
        %eq3A_351 = arith.cmpi eq, %iota3A, %eq3A_350 : vector<16xi32>
        tpu.vector_store_idx %arg16[%shift_right_logical3A_344, %and3A_346], %broadcast_in_dim3A_3 masked %eq3A_351 {add = true} : memref<80x128xf32, #tpu.memory_space<vmem>>[vector<16xi32>, vector<16xi32>], vector<16xf32>, vector<16xi1>
        %eq3A_352 = arith.constant 2 : i32
        %eq3A_353 = vector.broadcast %eq3A_352 : i32 to vector<16xi32>
        %eq3A_354 = arith.cmpi eq, %iota3A, %eq3A_353 : vector<16xi32>
        tpu.vector_store_idx %arg16[%shift_right_logical3A_344, %and3A_346], %broadcast_in_dim3A_3 masked %eq3A_354 {add = true} : memref<80x128xf32, #tpu.memory_space<vmem>>[vector<16xi32>, vector<16xi32>], vector<16xf32>, vector<16xi1>
        %eq3A_355 = arith.constant 3 : i32
        %eq3A_356 = vector.broadcast %eq3A_355 : i32 to vector<16xi32>
        %eq3A_357 = arith.cmpi eq, %iota3A, %eq3A_356 : vector<16xi32>
        tpu.vector_store_idx %arg16[%shift_right_logical3A_344, %and3A_346], %broadcast_in_dim3A_3 masked %eq3A_357 {add = true} : memref<80x128xf32, #tpu.memory_space<vmem>>[vector<16xi32>, vector<16xi32>], vector<16xf32>, vector<16xi1>
        %eq3A_358 = arith.constant 4 : i32
        %eq3A_359 = vector.broadcast %eq3A_358 : i32 to vector<16xi32>
        %eq3A_360 = arith.cmpi eq, %iota3A, %eq3A_359 : vector<16xi32>
        tpu.vector_store_idx %arg16[%shift_right_logical3A_344, %and3A_346], %broadcast_in_dim3A_3 masked %eq3A_360 {add = true} : memref<80x128xf32, #tpu.memory_space<vmem>>[vector<16xi32>, vector<16xi32>], vector<16xf32>, vector<16xi1>
        %eq3A_361 = arith.constant 5 : i32
        %eq3A_362 = vector.broadcast %eq3A_361 : i32 to vector<16xi32>
        %eq3A_363 = arith.cmpi eq, %iota3A, %eq3A_362 : vector<16xi32>
        tpu.vector_store_idx %arg16[%shift_right_logical3A_344, %and3A_346], %broadcast_in_dim3A_3 masked %eq3A_363 {add = true} : memref<80x128xf32, #tpu.memory_space<vmem>>[vector<16xi32>, vector<16xi32>], vector<16xf32>, vector<16xi1>
        %eq3A_364 = arith.constant 6 : i32
        %eq3A_365 = vector.broadcast %eq3A_364 : i32 to vector<16xi32>
        %eq3A_366 = arith.cmpi eq, %iota3A, %eq3A_365 : vector<16xi32>
        tpu.vector_store_idx %arg16[%shift_right_logical3A_344, %and3A_346], %broadcast_in_dim3A_3 masked %eq3A_366 {add = true} : memref<80x128xf32, #tpu.memory_space<vmem>>[vector<16xi32>, vector<16xi32>], vector<16xf32>, vector<16xi1>
        %eq3A_367 = arith.constant 7 : i32
        %eq3A_368 = vector.broadcast %eq3A_367 : i32 to vector<16xi32>
        %eq3A_369 = arith.cmpi eq, %iota3A, %eq3A_368 : vector<16xi32>
        tpu.vector_store_idx %arg16[%shift_right_logical3A_344, %and3A_346], %broadcast_in_dim3A_3 masked %eq3A_369 {add = true} : memref<80x128xf32, #tpu.memory_space<vmem>>[vector<16xi32>, vector<16xi32>], vector<16xf32>, vector<16xi1>
        %eq3A_370 = arith.constant 8 : i32
        %eq3A_371 = vector.broadcast %eq3A_370 : i32 to vector<16xi32>
        %eq3A_372 = arith.cmpi eq, %iota3A, %eq3A_371 : vector<16xi32>
        tpu.vector_store_idx %arg16[%shift_right_logical3A_344, %and3A_346], %broadcast_in_dim3A_3 masked %eq3A_372 {add = true} : memref<80x128xf32, #tpu.memory_space<vmem>>[vector<16xi32>, vector<16xi32>], vector<16xf32>, vector<16xi1>
        %eq3A_373 = arith.constant 9 : i32
        %eq3A_374 = vector.broadcast %eq3A_373 : i32 to vector<16xi32>
        %eq3A_375 = arith.cmpi eq, %iota3A, %eq3A_374 : vector<16xi32>
        tpu.vector_store_idx %arg16[%shift_right_logical3A_344, %and3A_346], %broadcast_in_dim3A_3 masked %eq3A_375 {add = true} : memref<80x128xf32, #tpu.memory_space<vmem>>[vector<16xi32>, vector<16xi32>], vector<16xf32>, vector<16xi1>
        %eq3A_376 = arith.constant 10 : i32
        %eq3A_377 = vector.broadcast %eq3A_376 : i32 to vector<16xi32>
        %eq3A_378 = arith.cmpi eq, %iota3A, %eq3A_377 : vector<16xi32>
        tpu.vector_store_idx %arg16[%shift_right_logical3A_344, %and3A_346], %broadcast_in_dim3A_3 masked %eq3A_378 {add = true} : memref<80x128xf32, #tpu.memory_space<vmem>>[vector<16xi32>, vector<16xi32>], vector<16xf32>, vector<16xi1>
        %eq3A_379 = arith.constant 11 : i32
        %eq3A_380 = vector.broadcast %eq3A_379 : i32 to vector<16xi32>
        %eq3A_381 = arith.cmpi eq, %iota3A, %eq3A_380 : vector<16xi32>
        tpu.vector_store_idx %arg16[%shift_right_logical3A_344, %and3A_346], %broadcast_in_dim3A_3 masked %eq3A_381 {add = true} : memref<80x128xf32, #tpu.memory_space<vmem>>[vector<16xi32>, vector<16xi32>], vector<16xf32>, vector<16xi1>
        %eq3A_382 = arith.constant 12 : i32
        %eq3A_383 = vector.broadcast %eq3A_382 : i32 to vector<16xi32>
        %eq3A_384 = arith.cmpi eq, %iota3A, %eq3A_383 : vector<16xi32>
        tpu.vector_store_idx %arg16[%shift_right_logical3A_344, %and3A_346], %broadcast_in_dim3A_3 masked %eq3A_384 {add = true} : memref<80x128xf32, #tpu.memory_space<vmem>>[vector<16xi32>, vector<16xi32>], vector<16xf32>, vector<16xi1>
        %eq3A_385 = arith.constant 13 : i32
        %eq3A_386 = vector.broadcast %eq3A_385 : i32 to vector<16xi32>
        %eq3A_387 = arith.cmpi eq, %iota3A, %eq3A_386 : vector<16xi32>
        tpu.vector_store_idx %arg16[%shift_right_logical3A_344, %and3A_346], %broadcast_in_dim3A_3 masked %eq3A_387 {add = true} : memref<80x128xf32, #tpu.memory_space<vmem>>[vector<16xi32>, vector<16xi32>], vector<16xf32>, vector<16xi1>
        %eq3A_388 = arith.constant 14 : i32
        %eq3A_389 = vector.broadcast %eq3A_388 : i32 to vector<16xi32>
        %eq3A_390 = arith.cmpi eq, %iota3A, %eq3A_389 : vector<16xi32>
        tpu.vector_store_idx %arg16[%shift_right_logical3A_344, %and3A_346], %broadcast_in_dim3A_3 masked %eq3A_390 {add = true} : memref<80x128xf32, #tpu.memory_space<vmem>>[vector<16xi32>, vector<16xi32>], vector<16xf32>, vector<16xi1>
        %eq3A_391 = arith.constant 15 : i32
        %eq3A_392 = vector.broadcast %eq3A_391 : i32 to vector<16xi32>
        %eq3A_393 = arith.cmpi eq, %iota3A, %eq3A_392 : vector<16xi32>
        tpu.vector_store_idx %arg16[%shift_right_logical3A_344, %and3A_346], %broadcast_in_dim3A_3 masked %eq3A_393 {add = true} : memref<80x128xf32, #tpu.memory_space<vmem>>[vector<16xi32>, vector<16xi32>], vector<16xf32>, vector<16xi1>
      }
      %scan3A_166 = arith.constant 8 : i32
      %dma_wait3A_167 = arith.constant 2 : i32
      %dma_wait3A_168 = arith.constant 0 : i32
      %dma_wait3A_169 = tpu.memref_slice %arg8[%dma_wait3A_167, %dma_wait3A_168] : memref<8x128xi32, #tpu.memory_space<vmem>> -> memref<1x128xi32, #tpu.memory_space<vmem>>
      %dma_wait3A_170 = tpu.memref_squeeze %dma_wait3A_169 : memref<1x128xi32, #tpu.memory_space<vmem>> -> memref<128xi32, #tpu.memory_space<vmem>>
      %dma_wait3A_171 = arith.constant 0 : i32
      %dma_wait3A_172 = arith.constant 0 : i32
      %dma_wait3A_173 = tpu.memref_slice %arg11[%dma_wait3A_171, %dma_wait3A_172] : memref<10112x128xf32, #tpu.memory_space<vmem_shared>> -> memref<10112x128xf32, #tpu.memory_space<vmem_shared>>
      tpu.wait_indirect_dma semaphore(%arg14 : memref<!tpu.dma_semaphore, #tpu.memory_space<semaphore_mem>>) src(%arg9 : memref<128x128xf32, #tpu.memory_space<vmem>>) dst(%dma_wait3A_173 : memref<10112x128xf32, #tpu.memory_space<vmem_shared>>)
      %dma_start3A_174 = arith.constant 4 : i32
      %dma_start3A_175 = arith.constant 0 : i32
      %dma_start3A_176 = tpu.memref_slice %arg7[%dma_start3A_174, %dma_start3A_175] : memref<8x128xi32, #tpu.memory_space<vmem>> -> memref<1x128xi32, #tpu.memory_space<vmem>>
      %dma_start3A_177 = tpu.memref_squeeze %dma_start3A_176 : memref<1x128xi32, #tpu.memory_space<vmem>> -> memref<128xi32, #tpu.memory_space<vmem>>
      %dma_start3A_178 = arith.constant 0 : i32
      %dma_start3A_179 = arith.constant 0 : i32
      %dma_start3A_180 = tpu.memref_slice %arg2[%dma_start3A_178, %dma_start3A_179] : memref<10000x128xf32, #tpu.memory_space<hbm>> -> memref<10000x128xf32, #tpu.memory_space<hbm>>
      tpu.enqueue_indirect_dma source(%dma_start3A_180 : memref<10000x128xf32, #tpu.memory_space<hbm>>) target(%arg9 : memref<128x128xf32, #tpu.memory_space<vmem>>) offsets(%dma_start3A_177 : memref<128xi32, #tpu.memory_space<vmem>>) semaphore(%arg12 : memref<!tpu.dma_semaphore, #tpu.memory_space<semaphore_mem>>)
      %dma_wait3A_181 = arith.constant 3 : i32
      %dma_wait3A_182 = arith.constant 0 : i32
      %dma_wait3A_183 = tpu.memref_slice %arg7[%dma_wait3A_181, %dma_wait3A_182] : memref<8x128xi32, #tpu.memory_space<vmem>> -> memref<1x128xi32, #tpu.memory_space<vmem>>
      %dma_wait3A_184 = tpu.memref_squeeze %dma_wait3A_183 : memref<1x128xi32, #tpu.memory_space<vmem>> -> memref<128xi32, #tpu.memory_space<vmem>>
      %dma_wait3A_185 = arith.constant 0 : i32
      %dma_wait3A_186 = arith.constant 0 : i32
      %dma_wait3A_187 = tpu.memref_slice %arg2[%dma_wait3A_185, %dma_wait3A_186] : memref<10000x128xf32, #tpu.memory_space<hbm>> -> memref<10000x128xf32, #tpu.memory_space<hbm>>
      tpu.wait_indirect_dma semaphore(%arg13 : memref<!tpu.dma_semaphore, #tpu.memory_space<semaphore_mem>>) src(%dma_wait3A_187 : memref<10000x128xf32, #tpu.memory_space<hbm>>) dst(%arg10 : memref<128x128xf32, #tpu.memory_space<vmem>>)
      %dma_start3A_188 = arith.constant 3 : i32
      %dma_start3A_189 = arith.constant 0 : i32
      %dma_start3A_190 = tpu.memref_slice %arg8[%dma_start3A_188, %dma_start3A_189] : memref<8x128xi32, #tpu.memory_space<vmem>> -> memref<1x128xi32, #tpu.memory_space<vmem>>
      %dma_start3A_191 = tpu.memref_squeeze %dma_start3A_190 : memref<1x128xi32, #tpu.memory_space<vmem>> -> memref<128xi32, #tpu.memory_space<vmem>>
      %dma_start3A_192 = arith.constant 0 : i32
      %dma_start3A_193 = arith.constant 0 : i32
      %dma_start3A_194 = tpu.memref_slice %arg11[%dma_start3A_192, %dma_start3A_193] : memref<10112x128xf32, #tpu.memory_space<vmem_shared>> -> memref<10112x128xf32, #tpu.memory_space<vmem_shared>>
      tpu.enqueue_indirect_dma source(%arg10 : memref<128x128xf32, #tpu.memory_space<vmem>>) target(%dma_start3A_194 : memref<10112x128xf32, #tpu.memory_space<vmem_shared>>) offsets(%dma_start3A_191 : memref<128xi32, #tpu.memory_space<vmem>>) semaphore(%arg15 : memref<!tpu.dma_semaphore, #tpu.memory_space<semaphore_mem>>) {add = true}
      %scan3A_195 = arith.constant 0 : i32
      %scan3A_196 = arith.constant 0 : i32
      %scan3A_197 = arith.constant 8 : i32
      %scan3A_198 = arith.addi %scan3A_196, %scan3A_197 : i32
      %scan3A_199 = arith.constant 1 : i32
      scf.for %scan3A_337 = %scan3A_196 to %scan3A_198 step %scan3A_199  : i32 {
        %mul3A_338 = arith.constant 16 : i32
        %mul3A_339 = arith.muli %scan3A_337, %mul3A_338 : i32
        %get3A = arith.constant 3 : i32
        %get3A_340 = arith.index_cast %get3A : i32 to index
        %get3A_341 = arith.index_cast %mul3A_339 : i32 to index
        %get3A_342 = tpu.vector_load %arg8[%get3A_340, %get3A_341] {strides = array<i32>} : memref<8x128xi32, #tpu.memory_space<vmem>>, vector<16xi32>,
        %shift_right_logical3A = arith.constant 7 : i32
        %shift_right_logical3A_343 = vector.broadcast %shift_right_logical3A : i32 to vector<16xi32>
        %shift_right_logical3A_344 = arith.shrui %get3A_342, %shift_right_logical3A_343 : vector<16xi32>
        %and3A = arith.constant 127 : i32
        %and3A_345 = vector.broadcast %and3A : i32 to vector<16xi32>
        %and3A_346 = arith.andi %get3A_342, %and3A_345 : vector<16xi32>
        %eq3A = arith.constant 0 : i32
        %eq3A_347 = vector.broadcast %eq3A : i32 to vector<16xi32>
        %eq3A_348 = arith.cmpi eq, %iota3A, %eq3A_347 : vector<16xi32>
        tpu.vector_store_idx %arg16[%shift_right_logical3A_344, %and3A_346], %broadcast_in_dim3A_3 masked %eq3A_348 {add = true} : memref<80x128xf32, #tpu.memory_space<vmem>>[vector<16xi32>, vector<16xi32>], vector<16xf32>, vector<16xi1>
        %eq3A_349 = arith.constant 1 : i32
        %eq3A_350 = vector.broadcast %eq3A_349 : i32 to vector<16xi32>
        %eq3A_351 = arith.cmpi eq, %iota3A, %eq3A_350 : vector<16xi32>
        tpu.vector_store_idx %arg16[%shift_right_logical3A_344, %and3A_346], %broadcast_in_dim3A_3 masked %eq3A_351 {add = true} : memref<80x128xf32, #tpu.memory_space<vmem>>[vector<16xi32>, vector<16xi32>], vector<16xf32>, vector<16xi1>
        %eq3A_352 = arith.constant 2 : i32
        %eq3A_353 = vector.broadcast %eq3A_352 : i32 to vector<16xi32>
        %eq3A_354 = arith.cmpi eq, %iota3A, %eq3A_353 : vector<16xi32>
        tpu.vector_store_idx %arg16[%shift_right_logical3A_344, %and3A_346], %broadcast_in_dim3A_3 masked %eq3A_354 {add = true} : memref<80x128xf32, #tpu.memory_space<vmem>>[vector<16xi32>, vector<16xi32>], vector<16xf32>, vector<16xi1>
        %eq3A_355 = arith.constant 3 : i32
        %eq3A_356 = vector.broadcast %eq3A_355 : i32 to vector<16xi32>
        %eq3A_357 = arith.cmpi eq, %iota3A, %eq3A_356 : vector<16xi32>
        tpu.vector_store_idx %arg16[%shift_right_logical3A_344, %and3A_346], %broadcast_in_dim3A_3 masked %eq3A_357 {add = true} : memref<80x128xf32, #tpu.memory_space<vmem>>[vector<16xi32>, vector<16xi32>], vector<16xf32>, vector<16xi1>
        %eq3A_358 = arith.constant 4 : i32
        %eq3A_359 = vector.broadcast %eq3A_358 : i32 to vector<16xi32>
        %eq3A_360 = arith.cmpi eq, %iota3A, %eq3A_359 : vector<16xi32>
        tpu.vector_store_idx %arg16[%shift_right_logical3A_344, %and3A_346], %broadcast_in_dim3A_3 masked %eq3A_360 {add = true} : memref<80x128xf32, #tpu.memory_space<vmem>>[vector<16xi32>, vector<16xi32>], vector<16xf32>, vector<16xi1>
        %eq3A_361 = arith.constant 5 : i32
        %eq3A_362 = vector.broadcast %eq3A_361 : i32 to vector<16xi32>
        %eq3A_363 = arith.cmpi eq, %iota3A, %eq3A_362 : vector<16xi32>
        tpu.vector_store_idx %arg16[%shift_right_logical3A_344, %and3A_346], %broadcast_in_dim3A_3 masked %eq3A_363 {add = true} : memref<80x128xf32, #tpu.memory_space<vmem>>[vector<16xi32>, vector<16xi32>], vector<16xf32>, vector<16xi1>
        %eq3A_364 = arith.constant 6 : i32
        %eq3A_365 = vector.broadcast %eq3A_364 : i32 to vector<16xi32>
        %eq3A_366 = arith.cmpi eq, %iota3A, %eq3A_365 : vector<16xi32>
        tpu.vector_store_idx %arg16[%shift_right_logical3A_344, %and3A_346], %broadcast_in_dim3A_3 masked %eq3A_366 {add = true} : memref<80x128xf32, #tpu.memory_space<vmem>>[vector<16xi32>, vector<16xi32>], vector<16xf32>, vector<16xi1>
        %eq3A_367 = arith.constant 7 : i32
        %eq3A_368 = vector.broadcast %eq3A_367 : i32 to vector<16xi32>
        %eq3A_369 = arith.cmpi eq, %iota3A, %eq3A_368 : vector<16xi32>
        tpu.vector_store_idx %arg16[%shift_right_logical3A_344, %and3A_346], %broadcast_in_dim3A_3 masked %eq3A_369 {add = true} : memref<80x128xf32, #tpu.memory_space<vmem>>[vector<16xi32>, vector<16xi32>], vector<16xf32>, vector<16xi1>
        %eq3A_370 = arith.constant 8 : i32
        %eq3A_371 = vector.broadcast %eq3A_370 : i32 to vector<16xi32>
        %eq3A_372 = arith.cmpi eq, %iota3A, %eq3A_371 : vector<16xi32>
        tpu.vector_store_idx %arg16[%shift_right_logical3A_344, %and3A_346], %broadcast_in_dim3A_3 masked %eq3A_372 {add = true} : memref<80x128xf32, #tpu.memory_space<vmem>>[vector<16xi32>, vector<16xi32>], vector<16xf32>, vector<16xi1>
        %eq3A_373 = arith.constant 9 : i32
        %eq3A_374 = vector.broadcast %eq3A_373 : i32 to vector<16xi32>
        %eq3A_375 = arith.cmpi eq, %iota3A, %eq3A_374 : vector<16xi32>
        tpu.vector_store_idx %arg16[%shift_right_logical3A_344, %and3A_346], %broadcast_in_dim3A_3 masked %eq3A_375 {add = true} : memref<80x128xf32, #tpu.memory_space<vmem>>[vector<16xi32>, vector<16xi32>], vector<16xf32>, vector<16xi1>
        %eq3A_376 = arith.constant 10 : i32
        %eq3A_377 = vector.broadcast %eq3A_376 : i32 to vector<16xi32>
        %eq3A_378 = arith.cmpi eq, %iota3A, %eq3A_377 : vector<16xi32>
        tpu.vector_store_idx %arg16[%shift_right_logical3A_344, %and3A_346], %broadcast_in_dim3A_3 masked %eq3A_378 {add = true} : memref<80x128xf32, #tpu.memory_space<vmem>>[vector<16xi32>, vector<16xi32>], vector<16xf32>, vector<16xi1>
        %eq3A_379 = arith.constant 11 : i32
        %eq3A_380 = vector.broadcast %eq3A_379 : i32 to vector<16xi32>
        %eq3A_381 = arith.cmpi eq, %iota3A, %eq3A_380 : vector<16xi32>
        tpu.vector_store_idx %arg16[%shift_right_logical3A_344, %and3A_346], %broadcast_in_dim3A_3 masked %eq3A_381 {add = true} : memref<80x128xf32, #tpu.memory_space<vmem>>[vector<16xi32>, vector<16xi32>], vector<16xf32>, vector<16xi1>
        %eq3A_382 = arith.constant 12 : i32
        %eq3A_383 = vector.broadcast %eq3A_382 : i32 to vector<16xi32>
        %eq3A_384 = arith.cmpi eq, %iota3A, %eq3A_383 : vector<16xi32>
        tpu.vector_store_idx %arg16[%shift_right_logical3A_344, %and3A_346], %broadcast_in_dim3A_3 masked %eq3A_384 {add = true} : memref<80x128xf32, #tpu.memory_space<vmem>>[vector<16xi32>, vector<16xi32>], vector<16xf32>, vector<16xi1>
        %eq3A_385 = arith.constant 13 : i32
        %eq3A_386 = vector.broadcast %eq3A_385 : i32 to vector<16xi32>
        %eq3A_387 = arith.cmpi eq, %iota3A, %eq3A_386 : vector<16xi32>
        tpu.vector_store_idx %arg16[%shift_right_logical3A_344, %and3A_346], %broadcast_in_dim3A_3 masked %eq3A_387 {add = true} : memref<80x128xf32, #tpu.memory_space<vmem>>[vector<16xi32>, vector<16xi32>], vector<16xf32>, vector<16xi1>
        %eq3A_388 = arith.constant 14 : i32
        %eq3A_389 = vector.broadcast %eq3A_388 : i32 to vector<16xi32>
        %eq3A_390 = arith.cmpi eq, %iota3A, %eq3A_389 : vector<16xi32>
        tpu.vector_store_idx %arg16[%shift_right_logical3A_344, %and3A_346], %broadcast_in_dim3A_3 masked %eq3A_390 {add = true} : memref<80x128xf32, #tpu.memory_space<vmem>>[vector<16xi32>, vector<16xi32>], vector<16xf32>, vector<16xi1>
        %eq3A_391 = arith.constant 15 : i32
        %eq3A_392 = vector.broadcast %eq3A_391 : i32 to vector<16xi32>
        %eq3A_393 = arith.cmpi eq, %iota3A, %eq3A_392 : vector<16xi32>
        tpu.vector_store_idx %arg16[%shift_right_logical3A_344, %and3A_346], %broadcast_in_dim3A_3 masked %eq3A_393 {add = true} : memref<80x128xf32, #tpu.memory_space<vmem>>[vector<16xi32>, vector<16xi32>], vector<16xf32>, vector<16xi1>
      }
      %scan3A_200 = arith.constant 8 : i32
      %dma_wait3A_201 = arith.constant 3 : i32
      %dma_wait3A_202 = arith.constant 0 : i32
      %dma_wait3A_203 = tpu.memref_slice %arg8[%dma_wait3A_201, %dma_wait3A_202] : memref<8x128xi32, #tpu.memory_space<vmem>> -> memref<1x128xi32, #tpu.memory_space<vmem>>
      %dma_wait3A_204 = tpu.memref_squeeze %dma_wait3A_203 : memref<1x128xi32, #tpu.memory_space<vmem>> -> memref<128xi32, #tpu.memory_space<vmem>>
      %dma_wait3A_205 = arith.constant 0 : i32
      %dma_wait3A_206 = arith.constant 0 : i32
      %dma_wait3A_207 = tpu.memref_slice %arg11[%dma_wait3A_205, %dma_wait3A_206] : memref<10112x128xf32, #tpu.memory_space<vmem_shared>> -> memref<10112x128xf32, #tpu.memory_space<vmem_shared>>
      tpu.wait_indirect_dma semaphore(%arg15 : memref<!tpu.dma_semaphore, #tpu.memory_space<semaphore_mem>>) src(%arg10 : memref<128x128xf32, #tpu.memory_space<vmem>>) dst(%dma_wait3A_207 : memref<10112x128xf32, #tpu.memory_space<vmem_shared>>)
      %dma_start3A_208 = arith.constant 5 : i32
      %dma_start3A_209 = arith.constant 0 : i32
      %dma_start3A_210 = tpu.memref_slice %arg7[%dma_start3A_208, %dma_start3A_209] : memref<8x128xi32, #tpu.memory_space<vmem>> -> memref<1x128xi32, #tpu.memory_space<vmem>>
      %dma_start3A_211 = tpu.memref_squeeze %dma_start3A_210 : memref<1x128xi32, #tpu.memory_space<vmem>> -> memref<128xi32, #tpu.memory_space<vmem>>
      %dma_start3A_212 = arith.constant 0 : i32
      %dma_start3A_213 = arith.constant 0 : i32
      %dma_start3A_214 = tpu.memref_slice %arg2[%dma_start3A_212, %dma_start3A_213] : memref<10000x128xf32, #tpu.memory_space<hbm>> -> memref<10000x128xf32, #tpu.memory_space<hbm>>
      tpu.enqueue_indirect_dma source(%dma_start3A_214 : memref<10000x128xf32, #tpu.memory_space<hbm>>) target(%arg10 : memref<128x128xf32, #tpu.memory_space<vmem>>) offsets(%dma_start3A_211 : memref<128xi32, #tpu.memory_space<vmem>>) semaphore(%arg13 : memref<!tpu.dma_semaphore, #tpu.memory_space<semaphore_mem>>)
      %dma_wait3A_215 = arith.constant 4 : i32
      %dma_wait3A_216 = arith.constant 0 : i32
      %dma_wait3A_217 = tpu.memref_slice %arg7[%dma_wait3A_215, %dma_wait3A_216] : memref<8x128xi32, #tpu.memory_space<vmem>> -> memref<1x128xi32, #tpu.memory_space<vmem>>
      %dma_wait3A_218 = tpu.memref_squeeze %dma_wait3A_217 : memref<1x128xi32, #tpu.memory_space<vmem>> -> memref<128xi32, #tpu.memory_space<vmem>>
      %dma_wait3A_219 = arith.constant 0 : i32
      %dma_wait3A_220 = arith.constant 0 : i32
      %dma_wait3A_221 = tpu.memref_slice %arg2[%dma_wait3A_219, %dma_wait3A_220] : memref<10000x128xf32, #tpu.memory_space<hbm>> -> memref<10000x128xf32, #tpu.memory_space<hbm>>
      tpu.wait_indirect_dma semaphore(%arg12 : memref<!tpu.dma_semaphore, #tpu.memory_space<semaphore_mem>>) src(%dma_wait3A_221 : memref<10000x128xf32, #tpu.memory_space<hbm>>) dst(%arg9 : memref<128x128xf32, #tpu.memory_space<vmem>>)
      %dma_start3A_222 = arith.constant 4 : i32
      %dma_start3A_223 = arith.constant 0 : i32
      %dma_start3A_224 = tpu.memref_slice %arg8[%dma_start3A_222, %dma_start3A_223] : memref<8x128xi32, #tpu.memory_space<vmem>> -> memref<1x128xi32, #tpu.memory_space<vmem>>
      %dma_start3A_225 = tpu.memref_squeeze %dma_start3A_224 : memref<1x128xi32, #tpu.memory_space<vmem>> -> memref<128xi32, #tpu.memory_space<vmem>>
      %dma_start3A_226 = arith.constant 0 : i32
      %dma_start3A_227 = arith.constant 0 : i32
      %dma_start3A_228 = tpu.memref_slice %arg11[%dma_start3A_226, %dma_start3A_227] : memref<10112x128xf32, #tpu.memory_space<vmem_shared>> -> memref<10112x128xf32, #tpu.memory_space<vmem_shared>>
      tpu.enqueue_indirect_dma source(%arg9 : memref<128x128xf32, #tpu.memory_space<vmem>>) target(%dma_start3A_228 : memref<10112x128xf32, #tpu.memory_space<vmem_shared>>) offsets(%dma_start3A_225 : memref<128xi32, #tpu.memory_space<vmem>>) semaphore(%arg14 : memref<!tpu.dma_semaphore, #tpu.memory_space<semaphore_mem>>) {add = true}
      %scan3A_229 = arith.constant 0 : i32
      %scan3A_230 = arith.constant 0 : i32
      %scan3A_231 = arith.constant 8 : i32
      %scan3A_232 = arith.addi %scan3A_230, %scan3A_231 : i32
      %scan3A_233 = arith.constant 1 : i32
      scf.for %scan3A_337 = %scan3A_230 to %scan3A_232 step %scan3A_233  : i32 {
        %mul3A_338 = arith.constant 16 : i32
        %mul3A_339 = arith.muli %scan3A_337, %mul3A_338 : i32
        %get3A = arith.constant 4 : i32
        %get3A_340 = arith.index_cast %get3A : i32 to index
        %get3A_341 = arith.index_cast %mul3A_339 : i32 to index
        %get3A_342 = tpu.vector_load %arg8[%get3A_340, %get3A_341] {strides = array<i32>} : memref<8x128xi32, #tpu.memory_space<vmem>>, vector<16xi32>,
        %shift_right_logical3A = arith.constant 7 : i32
        %shift_right_logical3A_343 = vector.broadcast %shift_right_logical3A : i32 to vector<16xi32>
        %shift_right_logical3A_344 = arith.shrui %get3A_342, %shift_right_logical3A_343 : vector<16xi32>
        %and3A = arith.constant 127 : i32
        %and3A_345 = vector.broadcast %and3A : i32 to vector<16xi32>
        %and3A_346 = arith.andi %get3A_342, %and3A_345 : vector<16xi32>
        %eq3A = arith.constant 0 : i32
        %eq3A_347 = vector.broadcast %eq3A : i32 to vector<16xi32>
        %eq3A_348 = arith.cmpi eq, %iota3A, %eq3A_347 : vector<16xi32>
        tpu.vector_store_idx %arg16[%shift_right_logical3A_344, %and3A_346], %broadcast_in_dim3A_3 masked %eq3A_348 {add = true} : memref<80x128xf32, #tpu.memory_space<vmem>>[vector<16xi32>, vector<16xi32>], vector<16xf32>, vector<16xi1>
        %eq3A_349 = arith.constant 1 : i32
        %eq3A_350 = vector.broadcast %eq3A_349 : i32 to vector<16xi32>
        %eq3A_351 = arith.cmpi eq, %iota3A, %eq3A_350 : vector<16xi32>
        tpu.vector_store_idx %arg16[%shift_right_logical3A_344, %and3A_346], %broadcast_in_dim3A_3 masked %eq3A_351 {add = true} : memref<80x128xf32, #tpu.memory_space<vmem>>[vector<16xi32>, vector<16xi32>], vector<16xf32>, vector<16xi1>
        %eq3A_352 = arith.constant 2 : i32
        %eq3A_353 = vector.broadcast %eq3A_352 : i32 to vector<16xi32>
        %eq3A_354 = arith.cmpi eq, %iota3A, %eq3A_353 : vector<16xi32>
        tpu.vector_store_idx %arg16[%shift_right_logical3A_344, %and3A_346], %broadcast_in_dim3A_3 masked %eq3A_354 {add = true} : memref<80x128xf32, #tpu.memory_space<vmem>>[vector<16xi32>, vector<16xi32>], vector<16xf32>, vector<16xi1>
        %eq3A_355 = arith.constant 3 : i32
        %eq3A_356 = vector.broadcast %eq3A_355 : i32 to vector<16xi32>
        %eq3A_357 = arith.cmpi eq, %iota3A, %eq3A_356 : vector<16xi32>
        tpu.vector_store_idx %arg16[%shift_right_logical3A_344, %and3A_346], %broadcast_in_dim3A_3 masked %eq3A_357 {add = true} : memref<80x128xf32, #tpu.memory_space<vmem>>[vector<16xi32>, vector<16xi32>], vector<16xf32>, vector<16xi1>
        %eq3A_358 = arith.constant 4 : i32
        %eq3A_359 = vector.broadcast %eq3A_358 : i32 to vector<16xi32>
        %eq3A_360 = arith.cmpi eq, %iota3A, %eq3A_359 : vector<16xi32>
        tpu.vector_store_idx %arg16[%shift_right_logical3A_344, %and3A_346], %broadcast_in_dim3A_3 masked %eq3A_360 {add = true} : memref<80x128xf32, #tpu.memory_space<vmem>>[vector<16xi32>, vector<16xi32>], vector<16xf32>, vector<16xi1>
        %eq3A_361 = arith.constant 5 : i32
        %eq3A_362 = vector.broadcast %eq3A_361 : i32 to vector<16xi32>
        %eq3A_363 = arith.cmpi eq, %iota3A, %eq3A_362 : vector<16xi32>
        tpu.vector_store_idx %arg16[%shift_right_logical3A_344, %and3A_346], %broadcast_in_dim3A_3 masked %eq3A_363 {add = true} : memref<80x128xf32, #tpu.memory_space<vmem>>[vector<16xi32>, vector<16xi32>], vector<16xf32>, vector<16xi1>
        %eq3A_364 = arith.constant 6 : i32
        %eq3A_365 = vector.broadcast %eq3A_364 : i32 to vector<16xi32>
        %eq3A_366 = arith.cmpi eq, %iota3A, %eq3A_365 : vector<16xi32>
        tpu.vector_store_idx %arg16[%shift_right_logical3A_344, %and3A_346], %broadcast_in_dim3A_3 masked %eq3A_366 {add = true} : memref<80x128xf32, #tpu.memory_space<vmem>>[vector<16xi32>, vector<16xi32>], vector<16xf32>, vector<16xi1>
        %eq3A_367 = arith.constant 7 : i32
        %eq3A_368 = vector.broadcast %eq3A_367 : i32 to vector<16xi32>
        %eq3A_369 = arith.cmpi eq, %iota3A, %eq3A_368 : vector<16xi32>
        tpu.vector_store_idx %arg16[%shift_right_logical3A_344, %and3A_346], %broadcast_in_dim3A_3 masked %eq3A_369 {add = true} : memref<80x128xf32, #tpu.memory_space<vmem>>[vector<16xi32>, vector<16xi32>], vector<16xf32>, vector<16xi1>
        %eq3A_370 = arith.constant 8 : i32
        %eq3A_371 = vector.broadcast %eq3A_370 : i32 to vector<16xi32>
        %eq3A_372 = arith.cmpi eq, %iota3A, %eq3A_371 : vector<16xi32>
        tpu.vector_store_idx %arg16[%shift_right_logical3A_344, %and3A_346], %broadcast_in_dim3A_3 masked %eq3A_372 {add = true} : memref<80x128xf32, #tpu.memory_space<vmem>>[vector<16xi32>, vector<16xi32>], vector<16xf32>, vector<16xi1>
        %eq3A_373 = arith.constant 9 : i32
        %eq3A_374 = vector.broadcast %eq3A_373 : i32 to vector<16xi32>
        %eq3A_375 = arith.cmpi eq, %iota3A, %eq3A_374 : vector<16xi32>
        tpu.vector_store_idx %arg16[%shift_right_logical3A_344, %and3A_346], %broadcast_in_dim3A_3 masked %eq3A_375 {add = true} : memref<80x128xf32, #tpu.memory_space<vmem>>[vector<16xi32>, vector<16xi32>], vector<16xf32>, vector<16xi1>
        %eq3A_376 = arith.constant 10 : i32
        %eq3A_377 = vector.broadcast %eq3A_376 : i32 to vector<16xi32>
        %eq3A_378 = arith.cmpi eq, %iota3A, %eq3A_377 : vector<16xi32>
        tpu.vector_store_idx %arg16[%shift_right_logical3A_344, %and3A_346], %broadcast_in_dim3A_3 masked %eq3A_378 {add = true} : memref<80x128xf32, #tpu.memory_space<vmem>>[vector<16xi32>, vector<16xi32>], vector<16xf32>, vector<16xi1>
        %eq3A_379 = arith.constant 11 : i32
        %eq3A_380 = vector.broadcast %eq3A_379 : i32 to vector<16xi32>
        %eq3A_381 = arith.cmpi eq, %iota3A, %eq3A_380 : vector<16xi32>
        tpu.vector_store_idx %arg16[%shift_right_logical3A_344, %and3A_346], %broadcast_in_dim3A_3 masked %eq3A_381 {add = true} : memref<80x128xf32, #tpu.memory_space<vmem>>[vector<16xi32>, vector<16xi32>], vector<16xf32>, vector<16xi1>
        %eq3A_382 = arith.constant 12 : i32
        %eq3A_383 = vector.broadcast %eq3A_382 : i32 to vector<16xi32>
        %eq3A_384 = arith.cmpi eq, %iota3A, %eq3A_383 : vector<16xi32>
        tpu.vector_store_idx %arg16[%shift_right_logical3A_344, %and3A_346], %broadcast_in_dim3A_3 masked %eq3A_384 {add = true} : memref<80x128xf32, #tpu.memory_space<vmem>>[vector<16xi32>, vector<16xi32>], vector<16xf32>, vector<16xi1>
        %eq3A_385 = arith.constant 13 : i32
        %eq3A_386 = vector.broadcast %eq3A_385 : i32 to vector<16xi32>
        %eq3A_387 = arith.cmpi eq, %iota3A, %eq3A_386 : vector<16xi32>
        tpu.vector_store_idx %arg16[%shift_right_logical3A_344, %and3A_346], %broadcast_in_dim3A_3 masked %eq3A_387 {add = true} : memref<80x128xf32, #tpu.memory_space<vmem>>[vector<16xi32>, vector<16xi32>], vector<16xf32>, vector<16xi1>
        %eq3A_388 = arith.constant 14 : i32
        %eq3A_389 = vector.broadcast %eq3A_388 : i32 to vector<16xi32>
        %eq3A_390 = arith.cmpi eq, %iota3A, %eq3A_389 : vector<16xi32>
        tpu.vector_store_idx %arg16[%shift_right_logical3A_344, %and3A_346], %broadcast_in_dim3A_3 masked %eq3A_390 {add = true} : memref<80x128xf32, #tpu.memory_space<vmem>>[vector<16xi32>, vector<16xi32>], vector<16xf32>, vector<16xi1>
        %eq3A_391 = arith.constant 15 : i32
        %eq3A_392 = vector.broadcast %eq3A_391 : i32 to vector<16xi32>
        %eq3A_393 = arith.cmpi eq, %iota3A, %eq3A_392 : vector<16xi32>
        tpu.vector_store_idx %arg16[%shift_right_logical3A_344, %and3A_346], %broadcast_in_dim3A_3 masked %eq3A_393 {add = true} : memref<80x128xf32, #tpu.memory_space<vmem>>[vector<16xi32>, vector<16xi32>], vector<16xf32>, vector<16xi1>
      }
      %scan3A_234 = arith.constant 8 : i32
      %dma_wait3A_235 = arith.constant 4 : i32
      %dma_wait3A_236 = arith.constant 0 : i32
      %dma_wait3A_237 = tpu.memref_slice %arg8[%dma_wait3A_235, %dma_wait3A_236] : memref<8x128xi32, #tpu.memory_space<vmem>> -> memref<1x128xi32, #tpu.memory_space<vmem>>
      %dma_wait3A_238 = tpu.memref_squeeze %dma_wait3A_237 : memref<1x128xi32, #tpu.memory_space<vmem>> -> memref<128xi32, #tpu.memory_space<vmem>>
      %dma_wait3A_239 = arith.constant 0 : i32
      %dma_wait3A_240 = arith.constant 0 : i32
      %dma_wait3A_241 = tpu.memref_slice %arg11[%dma_wait3A_239, %dma_wait3A_240] : memref<10112x128xf32, #tpu.memory_space<vmem_shared>> -> memref<10112x128xf32, #tpu.memory_space<vmem_shared>>
      tpu.wait_indirect_dma semaphore(%arg14 : memref<!tpu.dma_semaphore, #tpu.memory_space<semaphore_mem>>) src(%arg9 : memref<128x128xf32, #tpu.memory_space<vmem>>) dst(%dma_wait3A_241 : memref<10112x128xf32, #tpu.memory_space<vmem_shared>>)
      %dma_start3A_242 = arith.constant 6 : i32
      %dma_start3A_243 = arith.constant 0 : i32
      %dma_start3A_244 = tpu.memref_slice %arg7[%dma_start3A_242, %dma_start3A_243] : memref<8x128xi32, #tpu.memory_space<vmem>> -> memref<1x128xi32, #tpu.memory_space<vmem>>
      %dma_start3A_245 = tpu.memref_squeeze %dma_start3A_244 : memref<1x128xi32, #tpu.memory_space<vmem>> -> memref<128xi32, #tpu.memory_space<vmem>>
      %dma_start3A_246 = arith.constant 0 : i32
      %dma_start3A_247 = arith.constant 0 : i32
      %dma_start3A_248 = tpu.memref_slice %arg2[%dma_start3A_246, %dma_start3A_247] : memref<10000x128xf32, #tpu.memory_space<hbm>> -> memref<10000x128xf32, #tpu.memory_space<hbm>>
      tpu.enqueue_indirect_dma source(%dma_start3A_248 : memref<10000x128xf32, #tpu.memory_space<hbm>>) target(%arg9 : memref<128x128xf32, #tpu.memory_space<vmem>>) offsets(%dma_start3A_245 : memref<128xi32, #tpu.memory_space<vmem>>) semaphore(%arg12 : memref<!tpu.dma_semaphore, #tpu.memory_space<semaphore_mem>>)
      %dma_wait3A_249 = arith.constant 5 : i32
      %dma_wait3A_250 = arith.constant 0 : i32
      %dma_wait3A_251 = tpu.memref_slice %arg7[%dma_wait3A_249, %dma_wait3A_250] : memref<8x128xi32, #tpu.memory_space<vmem>> -> memref<1x128xi32, #tpu.memory_space<vmem>>
      %dma_wait3A_252 = tpu.memref_squeeze %dma_wait3A_251 : memref<1x128xi32, #tpu.memory_space<vmem>> -> memref<128xi32, #tpu.memory_space<vmem>>
      %dma_wait3A_253 = arith.constant 0 : i32
      %dma_wait3A_254 = arith.constant 0 : i32
      %dma_wait3A_255 = tpu.memref_slice %arg2[%dma_wait3A_253, %dma_wait3A_254] : memref<10000x128xf32, #tpu.memory_space<hbm>> -> memref<10000x128xf32, #tpu.memory_space<hbm>>
      tpu.wait_indirect_dma semaphore(%arg13 : memref<!tpu.dma_semaphore, #tpu.memory_space<semaphore_mem>>) src(%dma_wait3A_255 : memref<10000x128xf32, #tpu.memory_space<hbm>>) dst(%arg10 : memref<128x128xf32, #tpu.memory_space<vmem>>)
      %dma_start3A_256 = arith.constant 5 : i32
      %dma_start3A_257 = arith.constant 0 : i32
      %dma_start3A_258 = tpu.memref_slice %arg8[%dma_start3A_256, %dma_start3A_257] : memref<8x128xi32, #tpu.memory_space<vmem>> -> memref<1x128xi32, #tpu.memory_space<vmem>>
      %dma_start3A_259 = tpu.memref_squeeze %dma_start3A_258 : memref<1x128xi32, #tpu.memory_space<vmem>> -> memref<128xi32, #tpu.memory_space<vmem>>
      %dma_start3A_260 = arith.constant 0 : i32
      %dma_start3A_261 = arith.constant 0 : i32
      %dma_start3A_262 = tpu.memref_slice %arg11[%dma_start3A_260, %dma_start3A_261] : memref<10112x128xf32, #tpu.memory_space<vmem_shared>> -> memref<10112x128xf32, #tpu.memory_space<vmem_shared>>
      tpu.enqueue_indirect_dma source(%arg10 : memref<128x128xf32, #tpu.memory_space<vmem>>) target(%dma_start3A_262 : memref<10112x128xf32, #tpu.memory_space<vmem_shared>>) offsets(%dma_start3A_259 : memref<128xi32, #tpu.memory_space<vmem>>) semaphore(%arg15 : memref<!tpu.dma_semaphore, #tpu.memory_space<semaphore_mem>>) {add = true}
      %scan3A_263 = arith.constant 0 : i32
      %scan3A_264 = arith.constant 0 : i32
      %scan3A_265 = arith.constant 8 : i32
      %scan3A_266 = arith.addi %scan3A_264, %scan3A_265 : i32
      %scan3A_267 = arith.constant 1 : i32
      scf.for %scan3A_337 = %scan3A_264 to %scan3A_266 step %scan3A_267  : i32 {
        %mul3A_338 = arith.constant 16 : i32
        %mul3A_339 = arith.muli %scan3A_337, %mul3A_338 : i32
        %get3A = arith.constant 5 : i32
        %get3A_340 = arith.index_cast %get3A : i32 to index
        %get3A_341 = arith.index_cast %mul3A_339 : i32 to index
        %get3A_342 = tpu.vector_load %arg8[%get3A_340, %get3A_341] {strides = array<i32>} : memref<8x128xi32, #tpu.memory_space<vmem>>, vector<16xi32>,
        %shift_right_logical3A = arith.constant 7 : i32
        %shift_right_logical3A_343 = vector.broadcast %shift_right_logical3A : i32 to vector<16xi32>
        %shift_right_logical3A_344 = arith.shrui %get3A_342, %shift_right_logical3A_343 : vector<16xi32>
        %and3A = arith.constant 127 : i32
        %and3A_345 = vector.broadcast %and3A : i32 to vector<16xi32>
        %and3A_346 = arith.andi %get3A_342, %and3A_345 : vector<16xi32>
        %eq3A = arith.constant 0 : i32
        %eq3A_347 = vector.broadcast %eq3A : i32 to vector<16xi32>
        %eq3A_348 = arith.cmpi eq, %iota3A, %eq3A_347 : vector<16xi32>
        tpu.vector_store_idx %arg16[%shift_right_logical3A_344, %and3A_346], %broadcast_in_dim3A_3 masked %eq3A_348 {add = true} : memref<80x128xf32, #tpu.memory_space<vmem>>[vector<16xi32>, vector<16xi32>], vector<16xf32>, vector<16xi1>
        %eq3A_349 = arith.constant 1 : i32
        %eq3A_350 = vector.broadcast %eq3A_349 : i32 to vector<16xi32>
        %eq3A_351 = arith.cmpi eq, %iota3A, %eq3A_350 : vector<16xi32>
        tpu.vector_store_idx %arg16[%shift_right_logical3A_344, %and3A_346], %broadcast_in_dim3A_3 masked %eq3A_351 {add = true} : memref<80x128xf32, #tpu.memory_space<vmem>>[vector<16xi32>, vector<16xi32>], vector<16xf32>, vector<16xi1>
        %eq3A_352 = arith.constant 2 : i32
        %eq3A_353 = vector.broadcast %eq3A_352 : i32 to vector<16xi32>
        %eq3A_354 = arith.cmpi eq, %iota3A, %eq3A_353 : vector<16xi32>
        tpu.vector_store_idx %arg16[%shift_right_logical3A_344, %and3A_346], %broadcast_in_dim3A_3 masked %eq3A_354 {add = true} : memref<80x128xf32, #tpu.memory_space<vmem>>[vector<16xi32>, vector<16xi32>], vector<16xf32>, vector<16xi1>
        %eq3A_355 = arith.constant 3 : i32
        %eq3A_356 = vector.broadcast %eq3A_355 : i32 to vector<16xi32>
        %eq3A_357 = arith.cmpi eq, %iota3A, %eq3A_356 : vector<16xi32>
        tpu.vector_store_idx %arg16[%shift_right_logical3A_344, %and3A_346], %broadcast_in_dim3A_3 masked %eq3A_357 {add = true} : memref<80x128xf32, #tpu.memory_space<vmem>>[vector<16xi32>, vector<16xi32>], vector<16xf32>, vector<16xi1>
        %eq3A_358 = arith.constant 4 : i32
        %eq3A_359 = vector.broadcast %eq3A_358 : i32 to vector<16xi32>
        %eq3A_360 = arith.cmpi eq, %iota3A, %eq3A_359 : vector<16xi32>
        tpu.vector_store_idx %arg16[%shift_right_logical3A_344, %and3A_346], %broadcast_in_dim3A_3 masked %eq3A_360 {add = true} : memref<80x128xf32, #tpu.memory_space<vmem>>[vector<16xi32>, vector<16xi32>], vector<16xf32>, vector<16xi1>
        %eq3A_361 = arith.constant 5 : i32
        %eq3A_362 = vector.broadcast %eq3A_361 : i32 to vector<16xi32>
        %eq3A_363 = arith.cmpi eq, %iota3A, %eq3A_362 : vector<16xi32>
        tpu.vector_store_idx %arg16[%shift_right_logical3A_344, %and3A_346], %broadcast_in_dim3A_3 masked %eq3A_363 {add = true} : memref<80x128xf32, #tpu.memory_space<vmem>>[vector<16xi32>, vector<16xi32>], vector<16xf32>, vector<16xi1>
        %eq3A_364 = arith.constant 6 : i32
        %eq3A_365 = vector.broadcast %eq3A_364 : i32 to vector<16xi32>
        %eq3A_366 = arith.cmpi eq, %iota3A, %eq3A_365 : vector<16xi32>
        tpu.vector_store_idx %arg16[%shift_right_logical3A_344, %and3A_346], %broadcast_in_dim3A_3 masked %eq3A_366 {add = true} : memref<80x128xf32, #tpu.memory_space<vmem>>[vector<16xi32>, vector<16xi32>], vector<16xf32>, vector<16xi1>
        %eq3A_367 = arith.constant 7 : i32
        %eq3A_368 = vector.broadcast %eq3A_367 : i32 to vector<16xi32>
        %eq3A_369 = arith.cmpi eq, %iota3A, %eq3A_368 : vector<16xi32>
        tpu.vector_store_idx %arg16[%shift_right_logical3A_344, %and3A_346], %broadcast_in_dim3A_3 masked %eq3A_369 {add = true} : memref<80x128xf32, #tpu.memory_space<vmem>>[vector<16xi32>, vector<16xi32>], vector<16xf32>, vector<16xi1>
        %eq3A_370 = arith.constant 8 : i32
        %eq3A_371 = vector.broadcast %eq3A_370 : i32 to vector<16xi32>
        %eq3A_372 = arith.cmpi eq, %iota3A, %eq3A_371 : vector<16xi32>
        tpu.vector_store_idx %arg16[%shift_right_logical3A_344, %and3A_346], %broadcast_in_dim3A_3 masked %eq3A_372 {add = true} : memref<80x128xf32, #tpu.memory_space<vmem>>[vector<16xi32>, vector<16xi32>], vector<16xf32>, vector<16xi1>
        %eq3A_373 = arith.constant 9 : i32
        %eq3A_374 = vector.broadcast %eq3A_373 : i32 to vector<16xi32>
        %eq3A_375 = arith.cmpi eq, %iota3A, %eq3A_374 : vector<16xi32>
        tpu.vector_store_idx %arg16[%shift_right_logical3A_344, %and3A_346], %broadcast_in_dim3A_3 masked %eq3A_375 {add = true} : memref<80x128xf32, #tpu.memory_space<vmem>>[vector<16xi32>, vector<16xi32>], vector<16xf32>, vector<16xi1>
        %eq3A_376 = arith.constant 10 : i32
        %eq3A_377 = vector.broadcast %eq3A_376 : i32 to vector<16xi32>
        %eq3A_378 = arith.cmpi eq, %iota3A, %eq3A_377 : vector<16xi32>
        tpu.vector_store_idx %arg16[%shift_right_logical3A_344, %and3A_346], %broadcast_in_dim3A_3 masked %eq3A_378 {add = true} : memref<80x128xf32, #tpu.memory_space<vmem>>[vector<16xi32>, vector<16xi32>], vector<16xf32>, vector<16xi1>
        %eq3A_379 = arith.constant 11 : i32
        %eq3A_380 = vector.broadcast %eq3A_379 : i32 to vector<16xi32>
        %eq3A_381 = arith.cmpi eq, %iota3A, %eq3A_380 : vector<16xi32>
        tpu.vector_store_idx %arg16[%shift_right_logical3A_344, %and3A_346], %broadcast_in_dim3A_3 masked %eq3A_381 {add = true} : memref<80x128xf32, #tpu.memory_space<vmem>>[vector<16xi32>, vector<16xi32>], vector<16xf32>, vector<16xi1>
        %eq3A_382 = arith.constant 12 : i32
        %eq3A_383 = vector.broadcast %eq3A_382 : i32 to vector<16xi32>
        %eq3A_384 = arith.cmpi eq, %iota3A, %eq3A_383 : vector<16xi32>
        tpu.vector_store_idx %arg16[%shift_right_logical3A_344, %and3A_346], %broadcast_in_dim3A_3 masked %eq3A_384 {add = true} : memref<80x128xf32, #tpu.memory_space<vmem>>[vector<16xi32>, vector<16xi32>], vector<16xf32>, vector<16xi1>
        %eq3A_385 = arith.constant 13 : i32
        %eq3A_386 = vector.broadcast %eq3A_385 : i32 to vector<16xi32>
        %eq3A_387 = arith.cmpi eq, %iota3A, %eq3A_386 : vector<16xi32>
        tpu.vector_store_idx %arg16[%shift_right_logical3A_344, %and3A_346], %broadcast_in_dim3A_3 masked %eq3A_387 {add = true} : memref<80x128xf32, #tpu.memory_space<vmem>>[vector<16xi32>, vector<16xi32>], vector<16xf32>, vector<16xi1>
        %eq3A_388 = arith.constant 14 : i32
        %eq3A_389 = vector.broadcast %eq3A_388 : i32 to vector<16xi32>
        %eq3A_390 = arith.cmpi eq, %iota3A, %eq3A_389 : vector<16xi32>
        tpu.vector_store_idx %arg16[%shift_right_logical3A_344, %and3A_346], %broadcast_in_dim3A_3 masked %eq3A_390 {add = true} : memref<80x128xf32, #tpu.memory_space<vmem>>[vector<16xi32>, vector<16xi32>], vector<16xf32>, vector<16xi1>
        %eq3A_391 = arith.constant 15 : i32
        %eq3A_392 = vector.broadcast %eq3A_391 : i32 to vector<16xi32>
        %eq3A_393 = arith.cmpi eq, %iota3A, %eq3A_392 : vector<16xi32>
        tpu.vector_store_idx %arg16[%shift_right_logical3A_344, %and3A_346], %broadcast_in_dim3A_3 masked %eq3A_393 {add = true} : memref<80x128xf32, #tpu.memory_space<vmem>>[vector<16xi32>, vector<16xi32>], vector<16xf32>, vector<16xi1>
      }
      %scan3A_268 = arith.constant 8 : i32
      %dma_wait3A_269 = arith.constant 5 : i32
      %dma_wait3A_270 = arith.constant 0 : i32
      %dma_wait3A_271 = tpu.memref_slice %arg8[%dma_wait3A_269, %dma_wait3A_270] : memref<8x128xi32, #tpu.memory_space<vmem>> -> memref<1x128xi32, #tpu.memory_space<vmem>>
      %dma_wait3A_272 = tpu.memref_squeeze %dma_wait3A_271 : memref<1x128xi32, #tpu.memory_space<vmem>> -> memref<128xi32, #tpu.memory_space<vmem>>
      %dma_wait3A_273 = arith.constant 0 : i32
      %dma_wait3A_274 = arith.constant 0 : i32
      %dma_wait3A_275 = tpu.memref_slice %arg11[%dma_wait3A_273, %dma_wait3A_274] : memref<10112x128xf32, #tpu.memory_space<vmem_shared>> -> memref<10112x128xf32, #tpu.memory_space<vmem_shared>>
      tpu.wait_indirect_dma semaphore(%arg15 : memref<!tpu.dma_semaphore, #tpu.memory_space<semaphore_mem>>) src(%arg10 : memref<128x128xf32, #tpu.memory_space<vmem>>) dst(%dma_wait3A_275 : memref<10112x128xf32, #tpu.memory_space<vmem_shared>>)
      %dma_start3A_276 = arith.constant 7 : i32
      %dma_start3A_277 = arith.constant 0 : i32
      %dma_start3A_278 = tpu.memref_slice %arg7[%dma_start3A_276, %dma_start3A_277] : memref<8x128xi32, #tpu.memory_space<vmem>> -> memref<1x128xi32, #tpu.memory_space<vmem>>
      %dma_start3A_279 = tpu.memref_squeeze %dma_start3A_278 : memref<1x128xi32, #tpu.memory_space<vmem>> -> memref<128xi32, #tpu.memory_space<vmem>>
      %dma_start3A_280 = arith.constant 0 : i32
      %dma_start3A_281 = arith.constant 0 : i32
      %dma_start3A_282 = tpu.memref_slice %arg2[%dma_start3A_280, %dma_start3A_281] : memref<10000x128xf32, #tpu.memory_space<hbm>> -> memref<10000x128xf32, #tpu.memory_space<hbm>>
      tpu.enqueue_indirect_dma source(%dma_start3A_282 : memref<10000x128xf32, #tpu.memory_space<hbm>>) target(%arg10 : memref<128x128xf32, #tpu.memory_space<vmem>>) offsets(%dma_start3A_279 : memref<128xi32, #tpu.memory_space<vmem>>) semaphore(%arg13 : memref<!tpu.dma_semaphore, #tpu.memory_space<semaphore_mem>>)
      %dma_wait3A_283 = arith.constant 6 : i32
      %dma_wait3A_284 = arith.constant 0 : i32
      %dma_wait3A_285 = tpu.memref_slice %arg7[%dma_wait3A_283, %dma_wait3A_284] : memref<8x128xi32, #tpu.memory_space<vmem>> -> memref<1x128xi32, #tpu.memory_space<vmem>>
      %dma_wait3A_286 = tpu.memref_squeeze %dma_wait3A_285 : memref<1x128xi32, #tpu.memory_space<vmem>> -> memref<128xi32, #tpu.memory_space<vmem>>
      %dma_wait3A_287 = arith.constant 0 : i32
      %dma_wait3A_288 = arith.constant 0 : i32
      %dma_wait3A_289 = tpu.memref_slice %arg2[%dma_wait3A_287, %dma_wait3A_288] : memref<10000x128xf32, #tpu.memory_space<hbm>> -> memref<10000x128xf32, #tpu.memory_space<hbm>>
      tpu.wait_indirect_dma semaphore(%arg12 : memref<!tpu.dma_semaphore, #tpu.memory_space<semaphore_mem>>) src(%dma_wait3A_289 : memref<10000x128xf32, #tpu.memory_space<hbm>>) dst(%arg9 : memref<128x128xf32, #tpu.memory_space<vmem>>)
      %dma_start3A_290 = arith.constant 6 : i32
      %dma_start3A_291 = arith.constant 0 : i32
      %dma_start3A_292 = tpu.memref_slice %arg8[%dma_start3A_290, %dma_start3A_291] : memref<8x128xi32, #tpu.memory_space<vmem>> -> memref<1x128xi32, #tpu.memory_space<vmem>>
      %dma_start3A_293 = tpu.memref_squeeze %dma_start3A_292 : memref<1x128xi32, #tpu.memory_space<vmem>> -> memref<128xi32, #tpu.memory_space<vmem>>
      %dma_start3A_294 = arith.constant 0 : i32
      %dma_start3A_295 = arith.constant 0 : i32
      %dma_start3A_296 = tpu.memref_slice %arg11[%dma_start3A_294, %dma_start3A_295] : memref<10112x128xf32, #tpu.memory_space<vmem_shared>> -> memref<10112x128xf32, #tpu.memory_space<vmem_shared>>
      tpu.enqueue_indirect_dma source(%arg9 : memref<128x128xf32, #tpu.memory_space<vmem>>) target(%dma_start3A_296 : memref<10112x128xf32, #tpu.memory_space<vmem_shared>>) offsets(%dma_start3A_293 : memref<128xi32, #tpu.memory_space<vmem>>) semaphore(%arg14 : memref<!tpu.dma_semaphore, #tpu.memory_space<semaphore_mem>>) {add = true}
      %scan3A_297 = arith.constant 0 : i32
      %scan3A_298 = arith.constant 0 : i32
      %scan3A_299 = arith.constant 8 : i32
      %scan3A_300 = arith.addi %scan3A_298, %scan3A_299 : i32
      %scan3A_301 = arith.constant 1 : i32
      scf.for %scan3A_337 = %scan3A_298 to %scan3A_300 step %scan3A_301  : i32 {
        %mul3A_338 = arith.constant 16 : i32
        %mul3A_339 = arith.muli %scan3A_337, %mul3A_338 : i32
        %get3A = arith.constant 6 : i32
        %get3A_340 = arith.index_cast %get3A : i32 to index
        %get3A_341 = arith.index_cast %mul3A_339 : i32 to index
        %get3A_342 = tpu.vector_load %arg8[%get3A_340, %get3A_341] {strides = array<i32>} : memref<8x128xi32, #tpu.memory_space<vmem>>, vector<16xi32>,
        %shift_right_logical3A = arith.constant 7 : i32
        %shift_right_logical3A_343 = vector.broadcast %shift_right_logical3A : i32 to vector<16xi32>
        %shift_right_logical3A_344 = arith.shrui %get3A_342, %shift_right_logical3A_343 : vector<16xi32>
        %and3A = arith.constant 127 : i32
        %and3A_345 = vector.broadcast %and3A : i32 to vector<16xi32>
        %and3A_346 = arith.andi %get3A_342, %and3A_345 : vector<16xi32>
        %eq3A = arith.constant 0 : i32
        %eq3A_347 = vector.broadcast %eq3A : i32 to vector<16xi32>
        %eq3A_348 = arith.cmpi eq, %iota3A, %eq3A_347 : vector<16xi32>
        tpu.vector_store_idx %arg16[%shift_right_logical3A_344, %and3A_346], %broadcast_in_dim3A_3 masked %eq3A_348 {add = true} : memref<80x128xf32, #tpu.memory_space<vmem>>[vector<16xi32>, vector<16xi32>], vector<16xf32>, vector<16xi1>
        %eq3A_349 = arith.constant 1 : i32
        %eq3A_350 = vector.broadcast %eq3A_349 : i32 to vector<16xi32>
        %eq3A_351 = arith.cmpi eq, %iota3A, %eq3A_350 : vector<16xi32>
        tpu.vector_store_idx %arg16[%shift_right_logical3A_344, %and3A_346], %broadcast_in_dim3A_3 masked %eq3A_351 {add = true} : memref<80x128xf32, #tpu.memory_space<vmem>>[vector<16xi32>, vector<16xi32>], vector<16xf32>, vector<16xi1>
        %eq3A_352 = arith.constant 2 : i32
        %eq3A_353 = vector.broadcast %eq3A_352 : i32 to vector<16xi32>
        %eq3A_354 = arith.cmpi eq, %iota3A, %eq3A_353 : vector<16xi32>
        tpu.vector_store_idx %arg16[%shift_right_logical3A_344, %and3A_346], %broadcast_in_dim3A_3 masked %eq3A_354 {add = true} : memref<80x128xf32, #tpu.memory_space<vmem>>[vector<16xi32>, vector<16xi32>], vector<16xf32>, vector<16xi1>
        %eq3A_355 = arith.constant 3 : i32
        %eq3A_356 = vector.broadcast %eq3A_355 : i32 to vector<16xi32>
        %eq3A_357 = arith.cmpi eq, %iota3A, %eq3A_356 : vector<16xi32>
        tpu.vector_store_idx %arg16[%shift_right_logical3A_344, %and3A_346], %broadcast_in_dim3A_3 masked %eq3A_357 {add = true} : memref<80x128xf32, #tpu.memory_space<vmem>>[vector<16xi32>, vector<16xi32>], vector<16xf32>, vector<16xi1>
        %eq3A_358 = arith.constant 4 : i32
        %eq3A_359 = vector.broadcast %eq3A_358 : i32 to vector<16xi32>
        %eq3A_360 = arith.cmpi eq, %iota3A, %eq3A_359 : vector<16xi32>
        tpu.vector_store_idx %arg16[%shift_right_logical3A_344, %and3A_346], %broadcast_in_dim3A_3 masked %eq3A_360 {add = true} : memref<80x128xf32, #tpu.memory_space<vmem>>[vector<16xi32>, vector<16xi32>], vector<16xf32>, vector<16xi1>
        %eq3A_361 = arith.constant 5 : i32
        %eq3A_362 = vector.broadcast %eq3A_361 : i32 to vector<16xi32>
        %eq3A_363 = arith.cmpi eq, %iota3A, %eq3A_362 : vector<16xi32>
        tpu.vector_store_idx %arg16[%shift_right_logical3A_344, %and3A_346], %broadcast_in_dim3A_3 masked %eq3A_363 {add = true} : memref<80x128xf32, #tpu.memory_space<vmem>>[vector<16xi32>, vector<16xi32>], vector<16xf32>, vector<16xi1>
        %eq3A_364 = arith.constant 6 : i32
        %eq3A_365 = vector.broadcast %eq3A_364 : i32 to vector<16xi32>
        %eq3A_366 = arith.cmpi eq, %iota3A, %eq3A_365 : vector<16xi32>
        tpu.vector_store_idx %arg16[%shift_right_logical3A_344, %and3A_346], %broadcast_in_dim3A_3 masked %eq3A_366 {add = true} : memref<80x128xf32, #tpu.memory_space<vmem>>[vector<16xi32>, vector<16xi32>], vector<16xf32>, vector<16xi1>
        %eq3A_367 = arith.constant 7 : i32
        %eq3A_368 = vector.broadcast %eq3A_367 : i32 to vector<16xi32>
        %eq3A_369 = arith.cmpi eq, %iota3A, %eq3A_368 : vector<16xi32>
        tpu.vector_store_idx %arg16[%shift_right_logical3A_344, %and3A_346], %broadcast_in_dim3A_3 masked %eq3A_369 {add = true} : memref<80x128xf32, #tpu.memory_space<vmem>>[vector<16xi32>, vector<16xi32>], vector<16xf32>, vector<16xi1>
        %eq3A_370 = arith.constant 8 : i32
        %eq3A_371 = vector.broadcast %eq3A_370 : i32 to vector<16xi32>
        %eq3A_372 = arith.cmpi eq, %iota3A, %eq3A_371 : vector<16xi32>
        tpu.vector_store_idx %arg16[%shift_right_logical3A_344, %and3A_346], %broadcast_in_dim3A_3 masked %eq3A_372 {add = true} : memref<80x128xf32, #tpu.memory_space<vmem>>[vector<16xi32>, vector<16xi32>], vector<16xf32>, vector<16xi1>
        %eq3A_373 = arith.constant 9 : i32
        %eq3A_374 = vector.broadcast %eq3A_373 : i32 to vector<16xi32>
        %eq3A_375 = arith.cmpi eq, %iota3A, %eq3A_374 : vector<16xi32>
        tpu.vector_store_idx %arg16[%shift_right_logical3A_344, %and3A_346], %broadcast_in_dim3A_3 masked %eq3A_375 {add = true} : memref<80x128xf32, #tpu.memory_space<vmem>>[vector<16xi32>, vector<16xi32>], vector<16xf32>, vector<16xi1>
        %eq3A_376 = arith.constant 10 : i32
        %eq3A_377 = vector.broadcast %eq3A_376 : i32 to vector<16xi32>
        %eq3A_378 = arith.cmpi eq, %iota3A, %eq3A_377 : vector<16xi32>
        tpu.vector_store_idx %arg16[%shift_right_logical3A_344, %and3A_346], %broadcast_in_dim3A_3 masked %eq3A_378 {add = true} : memref<80x128xf32, #tpu.memory_space<vmem>>[vector<16xi32>, vector<16xi32>], vector<16xf32>, vector<16xi1>
        %eq3A_379 = arith.constant 11 : i32
        %eq3A_380 = vector.broadcast %eq3A_379 : i32 to vector<16xi32>
        %eq3A_381 = arith.cmpi eq, %iota3A, %eq3A_380 : vector<16xi32>
        tpu.vector_store_idx %arg16[%shift_right_logical3A_344, %and3A_346], %broadcast_in_dim3A_3 masked %eq3A_381 {add = true} : memref<80x128xf32, #tpu.memory_space<vmem>>[vector<16xi32>, vector<16xi32>], vector<16xf32>, vector<16xi1>
        %eq3A_382 = arith.constant 12 : i32
        %eq3A_383 = vector.broadcast %eq3A_382 : i32 to vector<16xi32>
        %eq3A_384 = arith.cmpi eq, %iota3A, %eq3A_383 : vector<16xi32>
        tpu.vector_store_idx %arg16[%shift_right_logical3A_344, %and3A_346], %broadcast_in_dim3A_3 masked %eq3A_384 {add = true} : memref<80x128xf32, #tpu.memory_space<vmem>>[vector<16xi32>, vector<16xi32>], vector<16xf32>, vector<16xi1>
        %eq3A_385 = arith.constant 13 : i32
        %eq3A_386 = vector.broadcast %eq3A_385 : i32 to vector<16xi32>
        %eq3A_387 = arith.cmpi eq, %iota3A, %eq3A_386 : vector<16xi32>
        tpu.vector_store_idx %arg16[%shift_right_logical3A_344, %and3A_346], %broadcast_in_dim3A_3 masked %eq3A_387 {add = true} : memref<80x128xf32, #tpu.memory_space<vmem>>[vector<16xi32>, vector<16xi32>], vector<16xf32>, vector<16xi1>
        %eq3A_388 = arith.constant 14 : i32
        %eq3A_389 = vector.broadcast %eq3A_388 : i32 to vector<16xi32>
        %eq3A_390 = arith.cmpi eq, %iota3A, %eq3A_389 : vector<16xi32>
        tpu.vector_store_idx %arg16[%shift_right_logical3A_344, %and3A_346], %broadcast_in_dim3A_3 masked %eq3A_390 {add = true} : memref<80x128xf32, #tpu.memory_space<vmem>>[vector<16xi32>, vector<16xi32>], vector<16xf32>, vector<16xi1>
        %eq3A_391 = arith.constant 15 : i32
        %eq3A_392 = vector.broadcast %eq3A_391 : i32 to vector<16xi32>
        %eq3A_393 = arith.cmpi eq, %iota3A, %eq3A_392 : vector<16xi32>
        tpu.vector_store_idx %arg16[%shift_right_logical3A_344, %and3A_346], %broadcast_in_dim3A_3 masked %eq3A_393 {add = true} : memref<80x128xf32, #tpu.memory_space<vmem>>[vector<16xi32>, vector<16xi32>], vector<16xf32>, vector<16xi1>
      }
      %scan3A_302 = arith.constant 8 : i32
      %dma_wait3A_303 = arith.constant 7 : i32
      %dma_wait3A_304 = arith.constant 0 : i32
      %dma_wait3A_305 = tpu.memref_slice %arg7[%dma_wait3A_303, %dma_wait3A_304] : memref<8x128xi32, #tpu.memory_space<vmem>> -> memref<1x128xi32, #tpu.memory_space<vmem>>
      %dma_wait3A_306 = tpu.memref_squeeze %dma_wait3A_305 : memref<1x128xi32, #tpu.memory_space<vmem>> -> memref<128xi32, #tpu.memory_space<vmem>>
      %dma_wait3A_307 = arith.constant 0 : i32
      %dma_wait3A_308 = arith.constant 0 : i32
      %dma_wait3A_309 = tpu.memref_slice %arg2[%dma_wait3A_307, %dma_wait3A_308] : memref<10000x128xf32, #tpu.memory_space<hbm>> -> memref<10000x128xf32, #tpu.memory_space<hbm>>
      tpu.wait_indirect_dma semaphore(%arg13 : memref<!tpu.dma_semaphore, #tpu.memory_space<semaphore_mem>>) src(%dma_wait3A_309 : memref<10000x128xf32, #tpu.memory_space<hbm>>) dst(%arg10 : memref<128x128xf32, #tpu.memory_space<vmem>>)
      %dma_start3A_310 = arith.constant 7 : i32
      %dma_start3A_311 = arith.constant 0 : i32
      %dma_start3A_312 = tpu.memref_slice %arg8[%dma_start3A_310, %dma_start3A_311] : memref<8x128xi32, #tpu.memory_space<vmem>> -> memref<1x128xi32, #tpu.memory_space<vmem>>
      %dma_start3A_313 = tpu.memref_squeeze %dma_start3A_312 : memref<1x128xi32, #tpu.memory_space<vmem>> -> memref<128xi32, #tpu.memory_space<vmem>>
      %dma_start3A_314 = arith.constant 0 : i32
      %dma_start3A_315 = arith.constant 0 : i32
      %dma_start3A_316 = tpu.memref_slice %arg11[%dma_start3A_314, %dma_start3A_315] : memref<10112x128xf32, #tpu.memory_space<vmem_shared>> -> memref<10112x128xf32, #tpu.memory_space<vmem_shared>>
      tpu.enqueue_indirect_dma source(%arg10 : memref<128x128xf32, #tpu.memory_space<vmem>>) target(%dma_start3A_316 : memref<10112x128xf32, #tpu.memory_space<vmem_shared>>) offsets(%dma_start3A_313 : memref<128xi32, #tpu.memory_space<vmem>>) semaphore(%arg15 : memref<!tpu.dma_semaphore, #tpu.memory_space<semaphore_mem>>) {add = true}
      %scan3A_317 = arith.constant 0 : i32
      %scan3A_318 = arith.constant 0 : i32
      %scan3A_319 = arith.constant 8 : i32
      %scan3A_320 = arith.addi %scan3A_318, %scan3A_319 : i32
      %scan3A_321 = arith.constant 1 : i32
      scf.for %scan3A_337 = %scan3A_318 to %scan3A_320 step %scan3A_321  : i32 {
        %mul3A_338 = arith.constant 16 : i32
        %mul3A_339 = arith.muli %scan3A_337, %mul3A_338 : i32
        %get3A = arith.constant 7 : i32
        %get3A_340 = arith.index_cast %get3A : i32 to index
        %get3A_341 = arith.index_cast %mul3A_339 : i32 to index
        %get3A_342 = tpu.vector_load %arg8[%get3A_340, %get3A_341] {strides = array<i32>} : memref<8x128xi32, #tpu.memory_space<vmem>>, vector<16xi32>,
        %shift_right_logical3A = arith.constant 7 : i32
        %shift_right_logical3A_343 = vector.broadcast %shift_right_logical3A : i32 to vector<16xi32>
        %shift_right_logical3A_344 = arith.shrui %get3A_342, %shift_right_logical3A_343 : vector<16xi32>
        %and3A = arith.constant 127 : i32
        %and3A_345 = vector.broadcast %and3A : i32 to vector<16xi32>
        %and3A_346 = arith.andi %get3A_342, %and3A_345 : vector<16xi32>
        %eq3A = arith.constant 0 : i32
        %eq3A_347 = vector.broadcast %eq3A : i32 to vector<16xi32>
        %eq3A_348 = arith.cmpi eq, %iota3A, %eq3A_347 : vector<16xi32>
        tpu.vector_store_idx %arg16[%shift_right_logical3A_344, %and3A_346], %broadcast_in_dim3A_3 masked %eq3A_348 {add = true} : memref<80x128xf32, #tpu.memory_space<vmem>>[vector<16xi32>, vector<16xi32>], vector<16xf32>, vector<16xi1>
        %eq3A_349 = arith.constant 1 : i32
        %eq3A_350 = vector.broadcast %eq3A_349 : i32 to vector<16xi32>
        %eq3A_351 = arith.cmpi eq, %iota3A, %eq3A_350 : vector<16xi32>
        tpu.vector_store_idx %arg16[%shift_right_logical3A_344, %and3A_346], %broadcast_in_dim3A_3 masked %eq3A_351 {add = true} : memref<80x128xf32, #tpu.memory_space<vmem>>[vector<16xi32>, vector<16xi32>], vector<16xf32>, vector<16xi1>
        %eq3A_352 = arith.constant 2 : i32
        %eq3A_353 = vector.broadcast %eq3A_352 : i32 to vector<16xi32>
        %eq3A_354 = arith.cmpi eq, %iota3A, %eq3A_353 : vector<16xi32>
        tpu.vector_store_idx %arg16[%shift_right_logical3A_344, %and3A_346], %broadcast_in_dim3A_3 masked %eq3A_354 {add = true} : memref<80x128xf32, #tpu.memory_space<vmem>>[vector<16xi32>, vector<16xi32>], vector<16xf32>, vector<16xi1>
        %eq3A_355 = arith.constant 3 : i32
        %eq3A_356 = vector.broadcast %eq3A_355 : i32 to vector<16xi32>
        %eq3A_357 = arith.cmpi eq, %iota3A, %eq3A_356 : vector<16xi32>
        tpu.vector_store_idx %arg16[%shift_right_logical3A_344, %and3A_346], %broadcast_in_dim3A_3 masked %eq3A_357 {add = true} : memref<80x128xf32, #tpu.memory_space<vmem>>[vector<16xi32>, vector<16xi32>], vector<16xf32>, vector<16xi1>
        %eq3A_358 = arith.constant 4 : i32
        %eq3A_359 = vector.broadcast %eq3A_358 : i32 to vector<16xi32>
        %eq3A_360 = arith.cmpi eq, %iota3A, %eq3A_359 : vector<16xi32>
        tpu.vector_store_idx %arg16[%shift_right_logical3A_344, %and3A_346], %broadcast_in_dim3A_3 masked %eq3A_360 {add = true} : memref<80x128xf32, #tpu.memory_space<vmem>>[vector<16xi32>, vector<16xi32>], vector<16xf32>, vector<16xi1>
        %eq3A_361 = arith.constant 5 : i32
        %eq3A_362 = vector.broadcast %eq3A_361 : i32 to vector<16xi32>
        %eq3A_363 = arith.cmpi eq, %iota3A, %eq3A_362 : vector<16xi32>
        tpu.vector_store_idx %arg16[%shift_right_logical3A_344, %and3A_346], %broadcast_in_dim3A_3 masked %eq3A_363 {add = true} : memref<80x128xf32, #tpu.memory_space<vmem>>[vector<16xi32>, vector<16xi32>], vector<16xf32>, vector<16xi1>
        %eq3A_364 = arith.constant 6 : i32
        %eq3A_365 = vector.broadcast %eq3A_364 : i32 to vector<16xi32>
        %eq3A_366 = arith.cmpi eq, %iota3A, %eq3A_365 : vector<16xi32>
        tpu.vector_store_idx %arg16[%shift_right_logical3A_344, %and3A_346], %broadcast_in_dim3A_3 masked %eq3A_366 {add = true} : memref<80x128xf32, #tpu.memory_space<vmem>>[vector<16xi32>, vector<16xi32>], vector<16xf32>, vector<16xi1>
        %eq3A_367 = arith.constant 7 : i32
        %eq3A_368 = vector.broadcast %eq3A_367 : i32 to vector<16xi32>
        %eq3A_369 = arith.cmpi eq, %iota3A, %eq3A_368 : vector<16xi32>
        tpu.vector_store_idx %arg16[%shift_right_logical3A_344, %and3A_346], %broadcast_in_dim3A_3 masked %eq3A_369 {add = true} : memref<80x128xf32, #tpu.memory_space<vmem>>[vector<16xi32>, vector<16xi32>], vector<16xf32>, vector<16xi1>
        %eq3A_370 = arith.constant 8 : i32
        %eq3A_371 = vector.broadcast %eq3A_370 : i32 to vector<16xi32>
        %eq3A_372 = arith.cmpi eq, %iota3A, %eq3A_371 : vector<16xi32>
        tpu.vector_store_idx %arg16[%shift_right_logical3A_344, %and3A_346], %broadcast_in_dim3A_3 masked %eq3A_372 {add = true} : memref<80x128xf32, #tpu.memory_space<vmem>>[vector<16xi32>, vector<16xi32>], vector<16xf32>, vector<16xi1>
        %eq3A_373 = arith.constant 9 : i32
        %eq3A_374 = vector.broadcast %eq3A_373 : i32 to vector<16xi32>
        %eq3A_375 = arith.cmpi eq, %iota3A, %eq3A_374 : vector<16xi32>
        tpu.vector_store_idx %arg16[%shift_right_logical3A_344, %and3A_346], %broadcast_in_dim3A_3 masked %eq3A_375 {add = true} : memref<80x128xf32, #tpu.memory_space<vmem>>[vector<16xi32>, vector<16xi32>], vector<16xf32>, vector<16xi1>
        %eq3A_376 = arith.constant 10 : i32
        %eq3A_377 = vector.broadcast %eq3A_376 : i32 to vector<16xi32>
        %eq3A_378 = arith.cmpi eq, %iota3A, %eq3A_377 : vector<16xi32>
        tpu.vector_store_idx %arg16[%shift_right_logical3A_344, %and3A_346], %broadcast_in_dim3A_3 masked %eq3A_378 {add = true} : memref<80x128xf32, #tpu.memory_space<vmem>>[vector<16xi32>, vector<16xi32>], vector<16xf32>, vector<16xi1>
        %eq3A_379 = arith.constant 11 : i32
        %eq3A_380 = vector.broadcast %eq3A_379 : i32 to vector<16xi32>
        %eq3A_381 = arith.cmpi eq, %iota3A, %eq3A_380 : vector<16xi32>
        tpu.vector_store_idx %arg16[%shift_right_logical3A_344, %and3A_346], %broadcast_in_dim3A_3 masked %eq3A_381 {add = true} : memref<80x128xf32, #tpu.memory_space<vmem>>[vector<16xi32>, vector<16xi32>], vector<16xf32>, vector<16xi1>
        %eq3A_382 = arith.constant 12 : i32
        %eq3A_383 = vector.broadcast %eq3A_382 : i32 to vector<16xi32>
        %eq3A_384 = arith.cmpi eq, %iota3A, %eq3A_383 : vector<16xi32>
        tpu.vector_store_idx %arg16[%shift_right_logical3A_344, %and3A_346], %broadcast_in_dim3A_3 masked %eq3A_384 {add = true} : memref<80x128xf32, #tpu.memory_space<vmem>>[vector<16xi32>, vector<16xi32>], vector<16xf32>, vector<16xi1>
        %eq3A_385 = arith.constant 13 : i32
        %eq3A_386 = vector.broadcast %eq3A_385 : i32 to vector<16xi32>
        %eq3A_387 = arith.cmpi eq, %iota3A, %eq3A_386 : vector<16xi32>
        tpu.vector_store_idx %arg16[%shift_right_logical3A_344, %and3A_346], %broadcast_in_dim3A_3 masked %eq3A_387 {add = true} : memref<80x128xf32, #tpu.memory_space<vmem>>[vector<16xi32>, vector<16xi32>], vector<16xf32>, vector<16xi1>
        %eq3A_388 = arith.constant 14 : i32
        %eq3A_389 = vector.broadcast %eq3A_388 : i32 to vector<16xi32>
        %eq3A_390 = arith.cmpi eq, %iota3A, %eq3A_389 : vector<16xi32>
        tpu.vector_store_idx %arg16[%shift_right_logical3A_344, %and3A_346], %broadcast_in_dim3A_3 masked %eq3A_390 {add = true} : memref<80x128xf32, #tpu.memory_space<vmem>>[vector<16xi32>, vector<16xi32>], vector<16xf32>, vector<16xi1>
        %eq3A_391 = arith.constant 15 : i32
        %eq3A_392 = vector.broadcast %eq3A_391 : i32 to vector<16xi32>
        %eq3A_393 = arith.cmpi eq, %iota3A, %eq3A_392 : vector<16xi32>
        tpu.vector_store_idx %arg16[%shift_right_logical3A_344, %and3A_346], %broadcast_in_dim3A_3 masked %eq3A_393 {add = true} : memref<80x128xf32, #tpu.memory_space<vmem>>[vector<16xi32>, vector<16xi32>], vector<16xf32>, vector<16xi1>
      }
      %scan3A_322 = arith.constant 8 : i32
      %dma_wait3A_323 = arith.constant 6 : i32
      %dma_wait3A_324 = arith.constant 0 : i32
      %dma_wait3A_325 = tpu.memref_slice %arg8[%dma_wait3A_323, %dma_wait3A_324] : memref<8x128xi32, #tpu.memory_space<vmem>> -> memref<1x128xi32, #tpu.memory_space<vmem>>
      %dma_wait3A_326 = tpu.memref_squeeze %dma_wait3A_325 : memref<1x128xi32, #tpu.memory_space<vmem>> -> memref<128xi32, #tpu.memory_space<vmem>>
      %dma_wait3A_327 = arith.constant 0 : i32
      %dma_wait3A_328 = arith.constant 0 : i32
      %dma_wait3A_329 = tpu.memref_slice %arg11[%dma_wait3A_327, %dma_wait3A_328] : memref<10112x128xf32, #tpu.memory_space<vmem_shared>> -> memref<10112x128xf32, #tpu.memory_space<vmem_shared>>
      tpu.wait_indirect_dma semaphore(%arg14 : memref<!tpu.dma_semaphore, #tpu.memory_space<semaphore_mem>>) src(%arg9 : memref<128x128xf32, #tpu.memory_space<vmem>>) dst(%dma_wait3A_329 : memref<10112x128xf32, #tpu.memory_space<vmem_shared>>)
      %dma_wait3A_330 = arith.constant 7 : i32
      %dma_wait3A_331 = arith.constant 0 : i32
      %dma_wait3A_332 = tpu.memref_slice %arg8[%dma_wait3A_330, %dma_wait3A_331] : memref<8x128xi32, #tpu.memory_space<vmem>> -> memref<1x128xi32, #tpu.memory_space<vmem>>
      %dma_wait3A_333 = tpu.memref_squeeze %dma_wait3A_332 : memref<1x128xi32, #tpu.memory_space<vmem>> -> memref<128xi32, #tpu.memory_space<vmem>>
      %dma_wait3A_334 = arith.constant 0 : i32
      %dma_wait3A_335 = arith.constant 0 : i32
      %dma_wait3A_336 = tpu.memref_slice %arg11[%dma_wait3A_334, %dma_wait3A_335] : memref<10112x128xf32, #tpu.memory_space<vmem_shared>> -> memref<10112x128xf32, #tpu.memory_space<vmem_shared>>
      tpu.wait_indirect_dma semaphore(%arg15 : memref<!tpu.dma_semaphore, #tpu.memory_space<semaphore_mem>>) src(%arg10 : memref<128x128xf32, #tpu.memory_space<vmem>>) dst(%dma_wait3A_336 : memref<10112x128xf32, #tpu.memory_space<vmem_shared>>)
    }
    %scan3A_54 = arith.constant 10 : i32
    "tpu.region"() ({
      %run_scoped3A = tpu.sem_alloc : memref<!tpu.dma_semaphore, #tpu.memory_space<semaphore_mem>>
      %dma_start3A = arith.constant 0 : i32
      %dma_start3A_61 = arith.constant 0 : i32
      %dma_start3A_62 = tpu.memref_slice %arg18[%dma_start3A, %dma_start3A_61] : memref<80x128xf32, #tpu.memory_space<vmem_shared>> -> memref<80x128xf32, #tpu.memory_space<vmem_shared>>
      tpu.enqueue_indirect_dma source(%arg16 : memref<80x128xf32, #tpu.memory_space<vmem>>) target(%dma_start3A_62 : memref<80x128xf32, #tpu.memory_space<vmem_shared>>) offsets(%arg17 : memref<80xi32, #tpu.memory_space<vmem>>) semaphore(%run_scoped3A : memref<!tpu.dma_semaphore, #tpu.memory_space<semaphore_mem>>) {add = true}
      %dma_wait3A = arith.constant 0 : i32
      %dma_wait3A_63 = arith.constant 0 : i32
      %dma_wait3A_64 = tpu.memref_slice %arg18[%dma_wait3A, %dma_wait3A_63] : memref<80x128xf32, #tpu.memory_space<vmem_shared>> -> memref<80x128xf32, #tpu.memory_space<vmem_shared>>
      tpu.wait_indirect_dma semaphore(%run_scoped3A : memref<!tpu.dma_semaphore, #tpu.memory_space<semaphore_mem>>) src(%arg16 : memref<80x128xf32, #tpu.memory_space<vmem>>) dst(%dma_wait3A_64 : memref<80x128xf32, #tpu.memory_space<vmem_shared>>)
      tpu.yield
    }) : () -> ()
    %barrier3A_55 = arith.constant 0 : index
    tpu.barrier barrier_id(%barrier3A_55)
    %mul3A_56 = arith.constant 10112 : i32
    %mul3A_57 = arith.muli %arg0, %mul3A_56 : i32
    %add3A_58 = arith.addi %mul3A_57, %mul3A_10 : i32
    "tpu.region"() ({
      %run_scoped3A = tpu.sem_alloc : memref<!tpu.dma_semaphore, #tpu.memory_space<semaphore_mem>>
      %dma_start3A = arith.constant 0 : i32
      %dma_start3A_61 = tpu.memref_slice %arg5[%add3A_58, %dma_start3A] : memref<20224x128xf32, #tpu.memory_space<hbm>> -> memref<632x128xf32, #tpu.memory_space<hbm>>
      %dma_start3A_62 = arith.constant 0 : i32
      %dma_start3A_63 = tpu.memref_slice %arg11[%mul3A_10, %dma_start3A_62] : memref<10112x128xf32, #tpu.memory_space<vmem_shared>> -> memref<632x128xf32, #tpu.memory_space<vmem_shared>>
      tpu.enqueue_dma source(%dma_start3A_63 : memref<632x128xf32, #tpu.memory_space<vmem_shared>>) target(%dma_start3A_61 : memref<632x128xf32, #tpu.memory_space<hbm>>) target_semaphore(%run_scoped3A : memref<!tpu.dma_semaphore, #tpu.memory_space<semaphore_mem>>)
      %dma_wait3A = arith.constant 0 : i32
      %dma_wait3A_64 = tpu.memref_slice %arg5[%add3A_58, %dma_wait3A] : memref<20224x128xf32, #tpu.memory_space<hbm>> -> memref<632x128xf32, #tpu.memory_space<hbm>>
      %dma_wait3A_65 = arith.constant 0 : i32
      %dma_wait3A_66 = tpu.memref_slice %arg11[%mul3A_10, %dma_wait3A_65] : memref<10112x128xf32, #tpu.memory_space<vmem_shared>> -> memref<632x128xf32, #tpu.memory_space<vmem_shared>>
      tpu.wait_dma2 semaphore(%run_scoped3A : memref<!tpu.dma_semaphore, #tpu.memory_space<semaphore_mem>>) src(%dma_wait3A_66 : memref<632x128xf32, #tpu.memory_space<vmem_shared>>) dst(%dma_wait3A_64 : memref<632x128xf32, #tpu.memory_space<hbm>>)
      tpu.yield
    }) : () -> ()
    %mul3A_59 = arith.constant 80 : i32
    %mul3A_60 = arith.muli %arg0, %mul3A_59 : i32
    "tpu.region"() ({
      %run_scoped3A = tpu.sem_alloc : memref<!tpu.dma_semaphore, #tpu.memory_space<semaphore_mem>>
      %dma_start3A = arith.constant 0 : i32
      %dma_start3A_61 = tpu.memref_slice %arg6[%mul3A_60, %dma_start3A] : memref<160x128xf32, #tpu.memory_space<hbm>> -> memref<80x128xf32, #tpu.memory_space<hbm>>
      tpu.enqueue_dma source(%arg18 : memref<80x128xf32, #tpu.memory_space<vmem_shared>>) target(%dma_start3A_61 : memref<80x128xf32, #tpu.memory_space<hbm>>) target_semaphore(%run_scoped3A : memref<!tpu.dma_semaphore, #tpu.memory_space<semaphore_mem>>)
      %dma_wait3A = arith.constant 0 : i32
      %dma_wait3A_62 = tpu.memref_slice %arg6[%mul3A_60, %dma_wait3A] : memref<160x128xf32, #tpu.memory_space<hbm>> -> memref<80x128xf32, #tpu.memory_space<hbm>>
      tpu.wait_dma2 semaphore(%run_scoped3A : memref<!tpu.dma_semaphore, #tpu.memory_space<semaphore_mem>>) src(%arg18 : memref<80x128xf32, #tpu.memory_space<vmem_shared>>) dst(%dma_wait3A_62 : memref<80x128xf32, #tpu.memory_space<hbm>>)
      tpu.yield
    }) : () -> ()
    return
  }
}

#map = affine_map<(d0, d1) -> (0, 0)>
module attributes {stable_mosaic.version = 14 : i64} {
  func.func @body(%arg0: i32, %arg1: i32, %arg2: memref<10000x128xf32, #tpu.memory_space<hbm>>, %arg3: memref<2560x128xi32, #tpu.memory_space<hbm>>, %arg4: memref<2560x128xi32, #tpu.memory_space<hbm>>, %arg5: memref<20224x128xf32, #tpu.memory_space<hbm>>, %arg6: memref<16x128xi32, #tpu.memory_space<vmem>>, %arg7: memref<16x128xi32, #tpu.memory_space<vmem>>, %arg8: memref<128x128xf32, #tpu.memory_space<vmem>>, %arg9: memref<128x128xf32, #tpu.memory_space<vmem>>, %arg10: memref<10112x128xf32, #tpu.memory_space<vmem_shared>>, %arg11: memref<!tpu.dma_semaphore, #tpu.memory_space<semaphore_mem>>, %arg12: memref<!tpu.dma_semaphore, #tpu.memory_space<semaphore_mem>>, %arg13: memref<!tpu.dma_semaphore, #tpu.memory_space<semaphore_mem>>, %arg14: memref<!tpu.dma_semaphore, #tpu.memory_space<semaphore_mem>>) attributes {dimension_semantics = [#tpu.dimension_semantics<core_parallel>, #tpu.dimension_semantics<subcore_parallel>], iteration_bounds = array<i64: 2, 16>, scalar_prefetch = 0 : i64, scratch_operands = 9 : i64, tpu.core_type = #tpu.core_type<sc_vector_subcore>, window_params = [{transform_indices = #map}, {transform_indices = #map}, {transform_indices = #map}, {transform_indices = #map}]} {
    %mul3A = arith.constant 16 : i32
    %mul3A_0 = arith.muli %arg0, %mul3A : i32
    %add3A = arith.addi %mul3A_0, %arg1 : i32
    %broadcast_in_dim3A = arith.constant 0.000000e+00 : f32
    %broadcast_in_dim3A_1 = vector.broadcast %broadcast_in_dim3A : f32 to vector<16xf32>
    %broadcast_in_dim3A_2 = arith.constant 1.000000e+00 : f32
    %broadcast_in_dim3A_3 = vector.broadcast %broadcast_in_dim3A_2 : f32 to vector<16xf32>
    %iota3A = tpu.iota {dimensions = array<i32: 0>} : vector<16xi32>
    %scan3A = arith.constant 0 : i32
    %scan3A_4 = arith.constant 0 : i32
    %scan3A_5 = arith.constant 128 : i32
    %scan3A_6 = arith.addi %scan3A_4, %scan3A_5 : i32
    %scan3A_7 = arith.constant 1 : i32
    scf.for %scan3A_29 = %scan3A_4 to %scan3A_6 step %scan3A_7  : i32 {
      %scan3A_30 = arith.constant 0 : i32
      %scan3A_31 = arith.constant 0 : i32
      %scan3A_32 = arith.constant 8 : i32
      %scan3A_33 = arith.addi %scan3A_31, %scan3A_32 : i32
      %scan3A_34 = arith.constant 1 : i32
      scf.for %scan3A_36 = %scan3A_31 to %scan3A_33 step %scan3A_34  : i32 {
        %mul3A_37 = arith.constant 16 : i32
        %mul3A_38 = arith.muli %scan3A_36, %mul3A_37 : i32
        %swap3A = arith.index_cast %scan3A_29 : i32 to index
        %swap3A_39 = arith.index_cast %mul3A_38 : i32 to index
        %swap3A_40 = tpu.vector_load %arg8[%swap3A, %swap3A_39] {strides = array<i32>} : memref<128x128xf32, #tpu.memory_space<vmem>>, vector<16xf32>,
        tpu.vector_store %arg8[%swap3A, %swap3A_39], %broadcast_in_dim3A_1 {strides = array<i32>} : memref<128x128xf32, #tpu.memory_space<vmem>>, vector<16xf32>,
      }
      %scan3A_35 = arith.constant 8 : i32
    }
    %scan3A_8 = arith.constant 128 : i32
    %mul3A_9 = arith.constant 632 : i32
    %mul3A_10 = arith.muli %arg1, %mul3A_9 : i32
    %scan3A_11 = arith.constant 0 : i32
    %scan3A_12 = arith.constant 0 : i32
    %scan3A_13 = arith.constant 4 : i32
    %scan3A_14 = arith.addi %scan3A_12, %scan3A_13 : i32
    %scan3A_15 = arith.constant 1 : i32
    scf.for %scan3A_29 = %scan3A_12 to %scan3A_14 step %scan3A_15  : i32 {
      %mul3A_30 = arith.constant 128 : i32
      %mul3A_31 = arith.muli %scan3A_29, %mul3A_30 : i32
      %add3A_32 = arith.addi %mul3A_10, %mul3A_31 : i32
      "tpu.region"() ({
        %run_scoped3A = tpu.sem_alloc : memref<!tpu.dma_semaphore, #tpu.memory_space<semaphore_mem>>
        %dma_start3A = arith.constant 0 : i32
        %dma_start3A_33 = tpu.memref_slice %arg10[%add3A_32, %dma_start3A] : memref<10112x128xf32, #tpu.memory_space<vmem_shared>> -> memref<128x128xf32, #tpu.memory_space<vmem_shared>>
        %dma_start3A_34 = arith.constant 0 : i32
        %dma_start3A_35 = tpu.memref_slice %arg10[%add3A_32, %dma_start3A_34] : memref<10112x128xf32, #tpu.memory_space<vmem_shared>> -> memref<128x128xf32, #tpu.memory_space<vmem_shared>>
        tpu.enqueue_dma source(%arg8 : memref<128x128xf32, #tpu.memory_space<vmem>>) target(%dma_start3A_35 : memref<128x128xf32, #tpu.memory_space<vmem_shared>>) target_semaphore(%run_scoped3A : memref<!tpu.dma_semaphore, #tpu.memory_space<semaphore_mem>>)
        %dma_wait3A = arith.constant 0 : i32
        %dma_wait3A_36 = tpu.memref_slice %arg10[%add3A_32, %dma_wait3A] : memref<10112x128xf32, #tpu.memory_space<vmem_shared>> -> memref<128x128xf32, #tpu.memory_space<vmem_shared>>
        %dma_wait3A_37 = arith.constant 0 : i32
        %dma_wait3A_38 = tpu.memref_slice %arg10[%add3A_32, %dma_wait3A_37] : memref<10112x128xf32, #tpu.memory_space<vmem_shared>> -> memref<128x128xf32, #tpu.memory_space<vmem_shared>>
        tpu.wait_dma2 semaphore(%run_scoped3A : memref<!tpu.dma_semaphore, #tpu.memory_space<semaphore_mem>>) src(%arg8 : memref<128x128xf32, #tpu.memory_space<vmem>>) dst(%dma_wait3A_38 : memref<128x128xf32, #tpu.memory_space<vmem_shared>>)
        tpu.yield
      }) : () -> ()
    }
    %scan3A_16 = arith.constant 4 : i32
    %add3A_17 = arith.constant 512 : i32
    %add3A_18 = arith.addi %mul3A_10, %add3A_17 : i32
    "tpu.region"() ({
      %run_scoped3A = tpu.sem_alloc : memref<!tpu.dma_semaphore, #tpu.memory_space<semaphore_mem>>
      %dma_start3A = arith.constant 0 : i32
      %dma_start3A_29 = arith.constant 0 : i32
      %dma_start3A_30 = tpu.memref_slice %arg8[%dma_start3A, %dma_start3A_29] : memref<128x128xf32, #tpu.memory_space<vmem>> -> memref<120x128xf32, #tpu.memory_space<vmem>>
      %dma_start3A_31 = arith.constant 0 : i32
      %dma_start3A_32 = tpu.memref_slice %arg10[%add3A_18, %dma_start3A_31] : memref<10112x128xf32, #tpu.memory_space<vmem_shared>> -> memref<120x128xf32, #tpu.memory_space<vmem_shared>>
      %dma_start3A_33 = arith.constant 0 : i32
      %dma_start3A_34 = tpu.memref_slice %arg10[%add3A_18, %dma_start3A_33] : memref<10112x128xf32, #tpu.memory_space<vmem_shared>> -> memref<120x128xf32, #tpu.memory_space<vmem_shared>>
      %dma_start3A_35 = arith.constant 0 : i32
      %dma_start3A_36 = arith.constant 0 : i32
      %dma_start3A_37 = tpu.memref_slice %arg8[%dma_start3A_35, %dma_start3A_36] : memref<128x128xf32, #tpu.memory_space<vmem>> -> memref<120x128xf32, #tpu.memory_space<vmem>>
      tpu.enqueue_dma source(%dma_start3A_37 : memref<120x128xf32, #tpu.memory_space<vmem>>) target(%dma_start3A_34 : memref<120x128xf32, #tpu.memory_space<vmem_shared>>) target_semaphore(%run_scoped3A : memref<!tpu.dma_semaphore, #tpu.memory_space<semaphore_mem>>)
      %dma_wait3A = arith.constant 0 : i32
      %dma_wait3A_38 = arith.constant 0 : i32
      %dma_wait3A_39 = tpu.memref_slice %arg8[%dma_wait3A, %dma_wait3A_38] : memref<128x128xf32, #tpu.memory_space<vmem>> -> memref<120x128xf32, #tpu.memory_space<vmem>>
      %dma_wait3A_40 = arith.constant 0 : i32
      %dma_wait3A_41 = tpu.memref_slice %arg10[%add3A_18, %dma_wait3A_40] : memref<10112x128xf32, #tpu.memory_space<vmem_shared>> -> memref<120x128xf32, #tpu.memory_space<vmem_shared>>
      %dma_wait3A_42 = arith.constant 0 : i32
      %dma_wait3A_43 = tpu.memref_slice %arg10[%add3A_18, %dma_wait3A_42] : memref<10112x128xf32, #tpu.memory_space<vmem_shared>> -> memref<120x128xf32, #tpu.memory_space<vmem_shared>>
      %dma_wait3A_44 = arith.constant 0 : i32
      %dma_wait3A_45 = arith.constant 0 : i32
      %dma_wait3A_46 = tpu.memref_slice %arg8[%dma_wait3A_44, %dma_wait3A_45] : memref<128x128xf32, #tpu.memory_space<vmem>> -> memref<120x128xf32, #tpu.memory_space<vmem>>
      tpu.wait_dma2 semaphore(%run_scoped3A : memref<!tpu.dma_semaphore, #tpu.memory_space<semaphore_mem>>) src(%dma_wait3A_46 : memref<120x128xf32, #tpu.memory_space<vmem>>) dst(%dma_wait3A_43 : memref<120x128xf32, #tpu.memory_space<vmem_shared>>)
      tpu.yield
    }) : () -> ()
    %barrier3A = arith.constant 0 : index
    tpu.barrier barrier_id(%barrier3A)
    %scan3A_19 = arith.constant 0 : i32
    %scan3A_20 = arith.constant 0 : i32
    %scan3A_21 = arith.constant 5 : i32
    %scan3A_22 = arith.addi %scan3A_20, %scan3A_21 : i32
    %scan3A_23 = arith.constant 1 : i32
    scf.for %scan3A_29 = %scan3A_20 to %scan3A_22 step %scan3A_23  : i32 {
      %mul3A_30 = arith.constant 80 : i32
      %mul3A_31 = arith.muli %add3A, %mul3A_30 : i32
      %mul3A_32 = arith.constant 16 : i32
      %mul3A_33 = arith.muli %scan3A_29, %mul3A_32 : i32
      %add3A_34 = arith.addi %mul3A_31, %mul3A_33 : i32
      "tpu.region"() ({
        %run_scoped3A = tpu.sem_alloc : memref<!tpu.dma_semaphore, #tpu.memory_space<semaphore_mem>>
        %dma_start3A_481 = arith.constant 0 : i32
        %dma_start3A_482 = tpu.memref_slice %arg3[%add3A_34, %dma_start3A_481] : memref<2560x128xi32, #tpu.memory_space<hbm>> -> memref<16x128xi32, #tpu.memory_space<hbm>>
        %dma_start3A_483 = arith.constant 0 : i32
        %dma_start3A_484 = tpu.memref_slice %arg3[%add3A_34, %dma_start3A_483] : memref<2560x128xi32, #tpu.memory_space<hbm>> -> memref<16x128xi32, #tpu.memory_space<hbm>>
        tpu.enqueue_dma source(%dma_start3A_484 : memref<16x128xi32, #tpu.memory_space<hbm>>) target(%arg6 : memref<16x128xi32, #tpu.memory_space<vmem>>) target_semaphore(%run_scoped3A : memref<!tpu.dma_semaphore, #tpu.memory_space<semaphore_mem>>)
        %dma_wait3A_485 = arith.constant 0 : i32
        %dma_wait3A_486 = tpu.memref_slice %arg3[%add3A_34, %dma_wait3A_485] : memref<2560x128xi32, #tpu.memory_space<hbm>> -> memref<16x128xi32, #tpu.memory_space<hbm>>
        %dma_wait3A_487 = arith.constant 0 : i32
        %dma_wait3A_488 = tpu.memref_slice %arg3[%add3A_34, %dma_wait3A_487] : memref<2560x128xi32, #tpu.memory_space<hbm>> -> memref<16x128xi32, #tpu.memory_space<hbm>>
        tpu.wait_dma2 semaphore(%run_scoped3A : memref<!tpu.dma_semaphore, #tpu.memory_space<semaphore_mem>>) src(%dma_wait3A_488 : memref<16x128xi32, #tpu.memory_space<hbm>>) dst(%arg6 : memref<16x128xi32, #tpu.memory_space<vmem>>)
        tpu.yield
      }) : () -> ()
      "tpu.region"() ({
        %run_scoped3A = tpu.sem_alloc : memref<!tpu.dma_semaphore, #tpu.memory_space<semaphore_mem>>
        %dma_start3A_481 = arith.constant 0 : i32
        %dma_start3A_482 = tpu.memref_slice %arg4[%add3A_34, %dma_start3A_481] : memref<2560x128xi32, #tpu.memory_space<hbm>> -> memref<16x128xi32, #tpu.memory_space<hbm>>
        %dma_start3A_483 = arith.constant 0 : i32
        %dma_start3A_484 = tpu.memref_slice %arg4[%add3A_34, %dma_start3A_483] : memref<2560x128xi32, #tpu.memory_space<hbm>> -> memref<16x128xi32, #tpu.memory_space<hbm>>
        tpu.enqueue_dma source(%dma_start3A_484 : memref<16x128xi32, #tpu.memory_space<hbm>>) target(%arg7 : memref<16x128xi32, #tpu.memory_space<vmem>>) target_semaphore(%run_scoped3A : memref<!tpu.dma_semaphore, #tpu.memory_space<semaphore_mem>>)
        %dma_wait3A_485 = arith.constant 0 : i32
        %dma_wait3A_486 = tpu.memref_slice %arg4[%add3A_34, %dma_wait3A_485] : memref<2560x128xi32, #tpu.memory_space<hbm>> -> memref<16x128xi32, #tpu.memory_space<hbm>>
        %dma_wait3A_487 = arith.constant 0 : i32
        %dma_wait3A_488 = tpu.memref_slice %arg4[%add3A_34, %dma_wait3A_487] : memref<2560x128xi32, #tpu.memory_space<hbm>> -> memref<16x128xi32, #tpu.memory_space<hbm>>
        tpu.wait_dma2 semaphore(%run_scoped3A : memref<!tpu.dma_semaphore, #tpu.memory_space<semaphore_mem>>) src(%dma_wait3A_488 : memref<16x128xi32, #tpu.memory_space<hbm>>) dst(%arg7 : memref<16x128xi32, #tpu.memory_space<vmem>>)
        tpu.yield
      }) : () -> ()
      %dma_start3A = arith.constant 0 : i32
      %dma_start3A_35 = arith.constant 0 : i32
      %dma_start3A_36 = tpu.memref_slice %arg6[%dma_start3A, %dma_start3A_35] : memref<16x128xi32, #tpu.memory_space<vmem>> -> memref<1x128xi32, #tpu.memory_space<vmem>>
      %dma_start3A_37 = tpu.memref_squeeze %dma_start3A_36 : memref<1x128xi32, #tpu.memory_space<vmem>> -> memref<128xi32, #tpu.memory_space<vmem>>
      %dma_start3A_38 = arith.constant 0 : i32
      %dma_start3A_39 = arith.constant 0 : i32
      %dma_start3A_40 = tpu.memref_slice %arg2[%dma_start3A_38, %dma_start3A_39] : memref<10000x128xf32, #tpu.memory_space<hbm>> -> memref<10000x128xf32, #tpu.memory_space<hbm>>
      tpu.enqueue_indirect_dma source(%dma_start3A_40 : memref<10000x128xf32, #tpu.memory_space<hbm>>) target(%arg8 : memref<128x128xf32, #tpu.memory_space<vmem>>) offsets(%dma_start3A_37 : memref<128xi32, #tpu.memory_space<vmem>>) semaphore(%arg11 : memref<!tpu.dma_semaphore, #tpu.memory_space<semaphore_mem>>)
      %dma_start3A_41 = arith.constant 1 : i32
      %dma_start3A_42 = arith.constant 0 : i32
      %dma_start3A_43 = tpu.memref_slice %arg6[%dma_start3A_41, %dma_start3A_42] : memref<16x128xi32, #tpu.memory_space<vmem>> -> memref<1x128xi32, #tpu.memory_space<vmem>>
      %dma_start3A_44 = tpu.memref_squeeze %dma_start3A_43 : memref<1x128xi32, #tpu.memory_space<vmem>> -> memref<128xi32, #tpu.memory_space<vmem>>
      %dma_start3A_45 = arith.constant 0 : i32
      %dma_start3A_46 = arith.constant 0 : i32
      %dma_start3A_47 = tpu.memref_slice %arg2[%dma_start3A_45, %dma_start3A_46] : memref<10000x128xf32, #tpu.memory_space<hbm>> -> memref<10000x128xf32, #tpu.memory_space<hbm>>
      tpu.enqueue_indirect_dma source(%dma_start3A_47 : memref<10000x128xf32, #tpu.memory_space<hbm>>) target(%arg9 : memref<128x128xf32, #tpu.memory_space<vmem>>) offsets(%dma_start3A_44 : memref<128xi32, #tpu.memory_space<vmem>>) semaphore(%arg12 : memref<!tpu.dma_semaphore, #tpu.memory_space<semaphore_mem>>)
      %dma_wait3A = arith.constant 0 : i32
      %dma_wait3A_48 = arith.constant 0 : i32
      %dma_wait3A_49 = tpu.memref_slice %arg6[%dma_wait3A, %dma_wait3A_48] : memref<16x128xi32, #tpu.memory_space<vmem>> -> memref<1x128xi32, #tpu.memory_space<vmem>>
      %dma_wait3A_50 = tpu.memref_squeeze %dma_wait3A_49 : memref<1x128xi32, #tpu.memory_space<vmem>> -> memref<128xi32, #tpu.memory_space<vmem>>
      %dma_wait3A_51 = arith.constant 0 : i32
      %dma_wait3A_52 = arith.constant 0 : i32
      %dma_wait3A_53 = tpu.memref_slice %arg2[%dma_wait3A_51, %dma_wait3A_52] : memref<10000x128xf32, #tpu.memory_space<hbm>> -> memref<10000x128xf32, #tpu.memory_space<hbm>>
      tpu.wait_indirect_dma semaphore(%arg11 : memref<!tpu.dma_semaphore, #tpu.memory_space<semaphore_mem>>) src(%dma_wait3A_53 : memref<10000x128xf32, #tpu.memory_space<hbm>>) dst(%arg8 : memref<128x128xf32, #tpu.memory_space<vmem>>)
      %dma_start3A_54 = arith.constant 0 : i32
      %dma_start3A_55 = arith.constant 0 : i32
      %dma_start3A_56 = tpu.memref_slice %arg7[%dma_start3A_54, %dma_start3A_55] : memref<16x128xi32, #tpu.memory_space<vmem>> -> memref<1x128xi32, #tpu.memory_space<vmem>>
      %dma_start3A_57 = tpu.memref_squeeze %dma_start3A_56 : memref<1x128xi32, #tpu.memory_space<vmem>> -> memref<128xi32, #tpu.memory_space<vmem>>
      %dma_start3A_58 = arith.constant 0 : i32
      %dma_start3A_59 = arith.constant 0 : i32
      %dma_start3A_60 = tpu.memref_slice %arg10[%dma_start3A_58, %dma_start3A_59] : memref<10112x128xf32, #tpu.memory_space<vmem_shared>> -> memref<10112x128xf32, #tpu.memory_space<vmem_shared>>
      tpu.enqueue_indirect_dma source(%arg8 : memref<128x128xf32, #tpu.memory_space<vmem>>) target(%dma_start3A_60 : memref<10112x128xf32, #tpu.memory_space<vmem_shared>>) offsets(%dma_start3A_57 : memref<128xi32, #tpu.memory_space<vmem>>) semaphore(%arg13 : memref<!tpu.dma_semaphore, #tpu.memory_space<semaphore_mem>>) {add = true}
      %dma_wait3A_61 = arith.constant 0 : i32
      %dma_wait3A_62 = arith.constant 0 : i32
      %dma_wait3A_63 = tpu.memref_slice %arg7[%dma_wait3A_61, %dma_wait3A_62] : memref<16x128xi32, #tpu.memory_space<vmem>> -> memref<1x128xi32, #tpu.memory_space<vmem>>
      %dma_wait3A_64 = tpu.memref_squeeze %dma_wait3A_63 : memref<1x128xi32, #tpu.memory_space<vmem>> -> memref<128xi32, #tpu.memory_space<vmem>>
      %dma_wait3A_65 = arith.constant 0 : i32
      %dma_wait3A_66 = arith.constant 0 : i32
      %dma_wait3A_67 = tpu.memref_slice %arg10[%dma_wait3A_65, %dma_wait3A_66] : memref<10112x128xf32, #tpu.memory_space<vmem_shared>> -> memref<10112x128xf32, #tpu.memory_space<vmem_shared>>
      tpu.wait_indirect_dma semaphore(%arg13 : memref<!tpu.dma_semaphore, #tpu.memory_space<semaphore_mem>>) src(%arg8 : memref<128x128xf32, #tpu.memory_space<vmem>>) dst(%dma_wait3A_67 : memref<10112x128xf32, #tpu.memory_space<vmem_shared>>)
      %dma_start3A_68 = arith.constant 2 : i32
      %dma_start3A_69 = arith.constant 0 : i32
      %dma_start3A_70 = tpu.memref_slice %arg6[%dma_start3A_68, %dma_start3A_69] : memref<16x128xi32, #tpu.memory_space<vmem>> -> memref<1x128xi32, #tpu.memory_space<vmem>>
      %dma_start3A_71 = tpu.memref_squeeze %dma_start3A_70 : memref<1x128xi32, #tpu.memory_space<vmem>> -> memref<128xi32, #tpu.memory_space<vmem>>
      %dma_start3A_72 = arith.constant 0 : i32
      %dma_start3A_73 = arith.constant 0 : i32
      %dma_start3A_74 = tpu.memref_slice %arg2[%dma_start3A_72, %dma_start3A_73] : memref<10000x128xf32, #tpu.memory_space<hbm>> -> memref<10000x128xf32, #tpu.memory_space<hbm>>
      tpu.enqueue_indirect_dma source(%dma_start3A_74 : memref<10000x128xf32, #tpu.memory_space<hbm>>) target(%arg8 : memref<128x128xf32, #tpu.memory_space<vmem>>) offsets(%dma_start3A_71 : memref<128xi32, #tpu.memory_space<vmem>>) semaphore(%arg11 : memref<!tpu.dma_semaphore, #tpu.memory_space<semaphore_mem>>)
      %dma_wait3A_75 = arith.constant 1 : i32
      %dma_wait3A_76 = arith.constant 0 : i32
      %dma_wait3A_77 = tpu.memref_slice %arg6[%dma_wait3A_75, %dma_wait3A_76] : memref<16x128xi32, #tpu.memory_space<vmem>> -> memref<1x128xi32, #tpu.memory_space<vmem>>
      %dma_wait3A_78 = tpu.memref_squeeze %dma_wait3A_77 : memref<1x128xi32, #tpu.memory_space<vmem>> -> memref<128xi32, #tpu.memory_space<vmem>>
      %dma_wait3A_79 = arith.constant 0 : i32
      %dma_wait3A_80 = arith.constant 0 : i32
      %dma_wait3A_81 = tpu.memref_slice %arg2[%dma_wait3A_79, %dma_wait3A_80] : memref<10000x128xf32, #tpu.memory_space<hbm>> -> memref<10000x128xf32, #tpu.memory_space<hbm>>
      tpu.wait_indirect_dma semaphore(%arg12 : memref<!tpu.dma_semaphore, #tpu.memory_space<semaphore_mem>>) src(%dma_wait3A_81 : memref<10000x128xf32, #tpu.memory_space<hbm>>) dst(%arg9 : memref<128x128xf32, #tpu.memory_space<vmem>>)
      %dma_start3A_82 = arith.constant 1 : i32
      %dma_start3A_83 = arith.constant 0 : i32
      %dma_start3A_84 = tpu.memref_slice %arg7[%dma_start3A_82, %dma_start3A_83] : memref<16x128xi32, #tpu.memory_space<vmem>> -> memref<1x128xi32, #tpu.memory_space<vmem>>
      %dma_start3A_85 = tpu.memref_squeeze %dma_start3A_84 : memref<1x128xi32, #tpu.memory_space<vmem>> -> memref<128xi32, #tpu.memory_space<vmem>>
      %dma_start3A_86 = arith.constant 0 : i32
      %dma_start3A_87 = arith.constant 0 : i32
      %dma_start3A_88 = tpu.memref_slice %arg10[%dma_start3A_86, %dma_start3A_87] : memref<10112x128xf32, #tpu.memory_space<vmem_shared>> -> memref<10112x128xf32, #tpu.memory_space<vmem_shared>>
      tpu.enqueue_indirect_dma source(%arg9 : memref<128x128xf32, #tpu.memory_space<vmem>>) target(%dma_start3A_88 : memref<10112x128xf32, #tpu.memory_space<vmem_shared>>) offsets(%dma_start3A_85 : memref<128xi32, #tpu.memory_space<vmem>>) semaphore(%arg14 : memref<!tpu.dma_semaphore, #tpu.memory_space<semaphore_mem>>) {add = true}
      %dma_wait3A_89 = arith.constant 1 : i32
      %dma_wait3A_90 = arith.constant 0 : i32
      %dma_wait3A_91 = tpu.memref_slice %arg7[%dma_wait3A_89, %dma_wait3A_90] : memref<16x128xi32, #tpu.memory_space<vmem>> -> memref<1x128xi32, #tpu.memory_space<vmem>>
      %dma_wait3A_92 = tpu.memref_squeeze %dma_wait3A_91 : memref<1x128xi32, #tpu.memory_space<vmem>> -> memref<128xi32, #tpu.memory_space<vmem>>
      %dma_wait3A_93 = arith.constant 0 : i32
      %dma_wait3A_94 = arith.constant 0 : i32
      %dma_wait3A_95 = tpu.memref_slice %arg10[%dma_wait3A_93, %dma_wait3A_94] : memref<10112x128xf32, #tpu.memory_space<vmem_shared>> -> memref<10112x128xf32, #tpu.memory_space<vmem_shared>>
      tpu.wait_indirect_dma semaphore(%arg14 : memref<!tpu.dma_semaphore, #tpu.memory_space<semaphore_mem>>) src(%arg9 : memref<128x128xf32, #tpu.memory_space<vmem>>) dst(%dma_wait3A_95 : memref<10112x128xf32, #tpu.memory_space<vmem_shared>>)
      %dma_start3A_96 = arith.constant 3 : i32
      %dma_start3A_97 = arith.constant 0 : i32
      %dma_start3A_98 = tpu.memref_slice %arg6[%dma_start3A_96, %dma_start3A_97] : memref<16x128xi32, #tpu.memory_space<vmem>> -> memref<1x128xi32, #tpu.memory_space<vmem>>
      %dma_start3A_99 = tpu.memref_squeeze %dma_start3A_98 : memref<1x128xi32, #tpu.memory_space<vmem>> -> memref<128xi32, #tpu.memory_space<vmem>>
      %dma_start3A_100 = arith.constant 0 : i32
      %dma_start3A_101 = arith.constant 0 : i32
      %dma_start3A_102 = tpu.memref_slice %arg2[%dma_start3A_100, %dma_start3A_101] : memref<10000x128xf32, #tpu.memory_space<hbm>> -> memref<10000x128xf32, #tpu.memory_space<hbm>>
      tpu.enqueue_indirect_dma source(%dma_start3A_102 : memref<10000x128xf32, #tpu.memory_space<hbm>>) target(%arg9 : memref<128x128xf32, #tpu.memory_space<vmem>>) offsets(%dma_start3A_99 : memref<128xi32, #tpu.memory_space<vmem>>) semaphore(%arg12 : memref<!tpu.dma_semaphore, #tpu.memory_space<semaphore_mem>>)
      %dma_wait3A_103 = arith.constant 2 : i32
      %dma_wait3A_104 = arith.constant 0 : i32
      %dma_wait3A_105 = tpu.memref_slice %arg6[%dma_wait3A_103, %dma_wait3A_104] : memref<16x128xi32, #tpu.memory_space<vmem>> -> memref<1x128xi32, #tpu.memory_space<vmem>>
      %dma_wait3A_106 = tpu.memref_squeeze %dma_wait3A_105 : memref<1x128xi32, #tpu.memory_space<vmem>> -> memref<128xi32, #tpu.memory_space<vmem>>
      %dma_wait3A_107 = arith.constant 0 : i32
      %dma_wait3A_108 = arith.constant 0 : i32
      %dma_wait3A_109 = tpu.memref_slice %arg2[%dma_wait3A_107, %dma_wait3A_108] : memref<10000x128xf32, #tpu.memory_space<hbm>> -> memref<10000x128xf32, #tpu.memory_space<hbm>>
      tpu.wait_indirect_dma semaphore(%arg11 : memref<!tpu.dma_semaphore, #tpu.memory_space<semaphore_mem>>) src(%dma_wait3A_109 : memref<10000x128xf32, #tpu.memory_space<hbm>>) dst(%arg8 : memref<128x128xf32, #tpu.memory_space<vmem>>)
      %dma_start3A_110 = arith.constant 2 : i32
      %dma_start3A_111 = arith.constant 0 : i32
      %dma_start3A_112 = tpu.memref_slice %arg7[%dma_start3A_110, %dma_start3A_111] : memref<16x128xi32, #tpu.memory_space<vmem>> -> memref<1x128xi32, #tpu.memory_space<vmem>>
      %dma_start3A_113 = tpu.memref_squeeze %dma_start3A_112 : memref<1x128xi32, #tpu.memory_space<vmem>> -> memref<128xi32, #tpu.memory_space<vmem>>
      %dma_start3A_114 = arith.constant 0 : i32
      %dma_start3A_115 = arith.constant 0 : i32
      %dma_start3A_116 = tpu.memref_slice %arg10[%dma_start3A_114, %dma_start3A_115] : memref<10112x128xf32, #tpu.memory_space<vmem_shared>> -> memref<10112x128xf32, #tpu.memory_space<vmem_shared>>
      tpu.enqueue_indirect_dma source(%arg8 : memref<128x128xf32, #tpu.memory_space<vmem>>) target(%dma_start3A_116 : memref<10112x128xf32, #tpu.memory_space<vmem_shared>>) offsets(%dma_start3A_113 : memref<128xi32, #tpu.memory_space<vmem>>) semaphore(%arg13 : memref<!tpu.dma_semaphore, #tpu.memory_space<semaphore_mem>>) {add = true}
      %dma_wait3A_117 = arith.constant 2 : i32
      %dma_wait3A_118 = arith.constant 0 : i32
      %dma_wait3A_119 = tpu.memref_slice %arg7[%dma_wait3A_117, %dma_wait3A_118] : memref<16x128xi32, #tpu.memory_space<vmem>> -> memref<1x128xi32, #tpu.memory_space<vmem>>
      %dma_wait3A_120 = tpu.memref_squeeze %dma_wait3A_119 : memref<1x128xi32, #tpu.memory_space<vmem>> -> memref<128xi32, #tpu.memory_space<vmem>>
      %dma_wait3A_121 = arith.constant 0 : i32
      %dma_wait3A_122 = arith.constant 0 : i32
      %dma_wait3A_123 = tpu.memref_slice %arg10[%dma_wait3A_121, %dma_wait3A_122] : memref<10112x128xf32, #tpu.memory_space<vmem_shared>> -> memref<10112x128xf32, #tpu.memory_space<vmem_shared>>
      tpu.wait_indirect_dma semaphore(%arg13 : memref<!tpu.dma_semaphore, #tpu.memory_space<semaphore_mem>>) src(%arg8 : memref<128x128xf32, #tpu.memory_space<vmem>>) dst(%dma_wait3A_123 : memref<10112x128xf32, #tpu.memory_space<vmem_shared>>)
      %dma_start3A_124 = arith.constant 4 : i32
      %dma_start3A_125 = arith.constant 0 : i32
      %dma_start3A_126 = tpu.memref_slice %arg6[%dma_start3A_124, %dma_start3A_125] : memref<16x128xi32, #tpu.memory_space<vmem>> -> memref<1x128xi32, #tpu.memory_space<vmem>>
      %dma_start3A_127 = tpu.memref_squeeze %dma_start3A_126 : memref<1x128xi32, #tpu.memory_space<vmem>> -> memref<128xi32, #tpu.memory_space<vmem>>
      %dma_start3A_128 = arith.constant 0 : i32
      %dma_start3A_129 = arith.constant 0 : i32
      %dma_start3A_130 = tpu.memref_slice %arg2[%dma_start3A_128, %dma_start3A_129] : memref<10000x128xf32, #tpu.memory_space<hbm>> -> memref<10000x128xf32, #tpu.memory_space<hbm>>
      tpu.enqueue_indirect_dma source(%dma_start3A_130 : memref<10000x128xf32, #tpu.memory_space<hbm>>) target(%arg8 : memref<128x128xf32, #tpu.memory_space<vmem>>) offsets(%dma_start3A_127 : memref<128xi32, #tpu.memory_space<vmem>>) semaphore(%arg11 : memref<!tpu.dma_semaphore, #tpu.memory_space<semaphore_mem>>)
      %dma_wait3A_131 = arith.constant 3 : i32
      %dma_wait3A_132 = arith.constant 0 : i32
      %dma_wait3A_133 = tpu.memref_slice %arg6[%dma_wait3A_131, %dma_wait3A_132] : memref<16x128xi32, #tpu.memory_space<vmem>> -> memref<1x128xi32, #tpu.memory_space<vmem>>
      %dma_wait3A_134 = tpu.memref_squeeze %dma_wait3A_133 : memref<1x128xi32, #tpu.memory_space<vmem>> -> memref<128xi32, #tpu.memory_space<vmem>>
      %dma_wait3A_135 = arith.constant 0 : i32
      %dma_wait3A_136 = arith.constant 0 : i32
      %dma_wait3A_137 = tpu.memref_slice %arg2[%dma_wait3A_135, %dma_wait3A_136] : memref<10000x128xf32, #tpu.memory_space<hbm>> -> memref<10000x128xf32, #tpu.memory_space<hbm>>
      tpu.wait_indirect_dma semaphore(%arg12 : memref<!tpu.dma_semaphore, #tpu.memory_space<semaphore_mem>>) src(%dma_wait3A_137 : memref<10000x128xf32, #tpu.memory_space<hbm>>) dst(%arg9 : memref<128x128xf32, #tpu.memory_space<vmem>>)
      %dma_start3A_138 = arith.constant 3 : i32
      %dma_start3A_139 = arith.constant 0 : i32
      %dma_start3A_140 = tpu.memref_slice %arg7[%dma_start3A_138, %dma_start3A_139] : memref<16x128xi32, #tpu.memory_space<vmem>> -> memref<1x128xi32, #tpu.memory_space<vmem>>
      %dma_start3A_141 = tpu.memref_squeeze %dma_start3A_140 : memref<1x128xi32, #tpu.memory_space<vmem>> -> memref<128xi32, #tpu.memory_space<vmem>>
      %dma_start3A_142 = arith.constant 0 : i32
      %dma_start3A_143 = arith.constant 0 : i32
      %dma_start3A_144 = tpu.memref_slice %arg10[%dma_start3A_142, %dma_start3A_143] : memref<10112x128xf32, #tpu.memory_space<vmem_shared>> -> memref<10112x128xf32, #tpu.memory_space<vmem_shared>>
      tpu.enqueue_indirect_dma source(%arg9 : memref<128x128xf32, #tpu.memory_space<vmem>>) target(%dma_start3A_144 : memref<10112x128xf32, #tpu.memory_space<vmem_shared>>) offsets(%dma_start3A_141 : memref<128xi32, #tpu.memory_space<vmem>>) semaphore(%arg14 : memref<!tpu.dma_semaphore, #tpu.memory_space<semaphore_mem>>) {add = true}
      %dma_wait3A_145 = arith.constant 3 : i32
      %dma_wait3A_146 = arith.constant 0 : i32
      %dma_wait3A_147 = tpu.memref_slice %arg7[%dma_wait3A_145, %dma_wait3A_146] : memref<16x128xi32, #tpu.memory_space<vmem>> -> memref<1x128xi32, #tpu.memory_space<vmem>>
      %dma_wait3A_148 = tpu.memref_squeeze %dma_wait3A_147 : memref<1x128xi32, #tpu.memory_space<vmem>> -> memref<128xi32, #tpu.memory_space<vmem>>
      %dma_wait3A_149 = arith.constant 0 : i32
      %dma_wait3A_150 = arith.constant 0 : i32
      %dma_wait3A_151 = tpu.memref_slice %arg10[%dma_wait3A_149, %dma_wait3A_150] : memref<10112x128xf32, #tpu.memory_space<vmem_shared>> -> memref<10112x128xf32, #tpu.memory_space<vmem_shared>>
      tpu.wait_indirect_dma semaphore(%arg14 : memref<!tpu.dma_semaphore, #tpu.memory_space<semaphore_mem>>) src(%arg9 : memref<128x128xf32, #tpu.memory_space<vmem>>) dst(%dma_wait3A_151 : memref<10112x128xf32, #tpu.memory_space<vmem_shared>>)
      %dma_start3A_152 = arith.constant 5 : i32
      %dma_start3A_153 = arith.constant 0 : i32
      %dma_start3A_154 = tpu.memref_slice %arg6[%dma_start3A_152, %dma_start3A_153] : memref<16x128xi32, #tpu.memory_space<vmem>> -> memref<1x128xi32, #tpu.memory_space<vmem>>
      %dma_start3A_155 = tpu.memref_squeeze %dma_start3A_154 : memref<1x128xi32, #tpu.memory_space<vmem>> -> memref<128xi32, #tpu.memory_space<vmem>>
      %dma_start3A_156 = arith.constant 0 : i32
      %dma_start3A_157 = arith.constant 0 : i32
      %dma_start3A_158 = tpu.memref_slice %arg2[%dma_start3A_156, %dma_start3A_157] : memref<10000x128xf32, #tpu.memory_space<hbm>> -> memref<10000x128xf32, #tpu.memory_space<hbm>>
      tpu.enqueue_indirect_dma source(%dma_start3A_158 : memref<10000x128xf32, #tpu.memory_space<hbm>>) target(%arg9 : memref<128x128xf32, #tpu.memory_space<vmem>>) offsets(%dma_start3A_155 : memref<128xi32, #tpu.memory_space<vmem>>) semaphore(%arg12 : memref<!tpu.dma_semaphore, #tpu.memory_space<semaphore_mem>>)
      %dma_wait3A_159 = arith.constant 4 : i32
      %dma_wait3A_160 = arith.constant 0 : i32
      %dma_wait3A_161 = tpu.memref_slice %arg6[%dma_wait3A_159, %dma_wait3A_160] : memref<16x128xi32, #tpu.memory_space<vmem>> -> memref<1x128xi32, #tpu.memory_space<vmem>>
      %dma_wait3A_162 = tpu.memref_squeeze %dma_wait3A_161 : memref<1x128xi32, #tpu.memory_space<vmem>> -> memref<128xi32, #tpu.memory_space<vmem>>
      %dma_wait3A_163 = arith.constant 0 : i32
      %dma_wait3A_164 = arith.constant 0 : i32
      %dma_wait3A_165 = tpu.memref_slice %arg2[%dma_wait3A_163, %dma_wait3A_164] : memref<10000x128xf32, #tpu.memory_space<hbm>> -> memref<10000x128xf32, #tpu.memory_space<hbm>>
      tpu.wait_indirect_dma semaphore(%arg11 : memref<!tpu.dma_semaphore, #tpu.memory_space<semaphore_mem>>) src(%dma_wait3A_165 : memref<10000x128xf32, #tpu.memory_space<hbm>>) dst(%arg8 : memref<128x128xf32, #tpu.memory_space<vmem>>)
      %dma_start3A_166 = arith.constant 4 : i32
      %dma_start3A_167 = arith.constant 0 : i32
      %dma_start3A_168 = tpu.memref_slice %arg7[%dma_start3A_166, %dma_start3A_167] : memref<16x128xi32, #tpu.memory_space<vmem>> -> memref<1x128xi32, #tpu.memory_space<vmem>>
      %dma_start3A_169 = tpu.memref_squeeze %dma_start3A_168 : memref<1x128xi32, #tpu.memory_space<vmem>> -> memref<128xi32, #tpu.memory_space<vmem>>
      %dma_start3A_170 = arith.constant 0 : i32
      %dma_start3A_171 = arith.constant 0 : i32
      %dma_start3A_172 = tpu.memref_slice %arg10[%dma_start3A_170, %dma_start3A_171] : memref<10112x128xf32, #tpu.memory_space<vmem_shared>> -> memref<10112x128xf32, #tpu.memory_space<vmem_shared>>
      tpu.enqueue_indirect_dma source(%arg8 : memref<128x128xf32, #tpu.memory_space<vmem>>) target(%dma_start3A_172 : memref<10112x128xf32, #tpu.memory_space<vmem_shared>>) offsets(%dma_start3A_169 : memref<128xi32, #tpu.memory_space<vmem>>) semaphore(%arg13 : memref<!tpu.dma_semaphore, #tpu.memory_space<semaphore_mem>>) {add = true}
      %dma_wait3A_173 = arith.constant 4 : i32
      %dma_wait3A_174 = arith.constant 0 : i32
      %dma_wait3A_175 = tpu.memref_slice %arg7[%dma_wait3A_173, %dma_wait3A_174] : memref<16x128xi32, #tpu.memory_space<vmem>> -> memref<1x128xi32, #tpu.memory_space<vmem>>
      %dma_wait3A_176 = tpu.memref_squeeze %dma_wait3A_175 : memref<1x128xi32, #tpu.memory_space<vmem>> -> memref<128xi32, #tpu.memory_space<vmem>>
      %dma_wait3A_177 = arith.constant 0 : i32
      %dma_wait3A_178 = arith.constant 0 : i32
      %dma_wait3A_179 = tpu.memref_slice %arg10[%dma_wait3A_177, %dma_wait3A_178] : memref<10112x128xf32, #tpu.memory_space<vmem_shared>> -> memref<10112x128xf32, #tpu.memory_space<vmem_shared>>
      tpu.wait_indirect_dma semaphore(%arg13 : memref<!tpu.dma_semaphore, #tpu.memory_space<semaphore_mem>>) src(%arg8 : memref<128x128xf32, #tpu.memory_space<vmem>>) dst(%dma_wait3A_179 : memref<10112x128xf32, #tpu.memory_space<vmem_shared>>)
      %dma_start3A_180 = arith.constant 6 : i32
      %dma_start3A_181 = arith.constant 0 : i32
      %dma_start3A_182 = tpu.memref_slice %arg6[%dma_start3A_180, %dma_start3A_181] : memref<16x128xi32, #tpu.memory_space<vmem>> -> memref<1x128xi32, #tpu.memory_space<vmem>>
      %dma_start3A_183 = tpu.memref_squeeze %dma_start3A_182 : memref<1x128xi32, #tpu.memory_space<vmem>> -> memref<128xi32, #tpu.memory_space<vmem>>
      %dma_start3A_184 = arith.constant 0 : i32
      %dma_start3A_185 = arith.constant 0 : i32
      %dma_start3A_186 = tpu.memref_slice %arg2[%dma_start3A_184, %dma_start3A_185] : memref<10000x128xf32, #tpu.memory_space<hbm>> -> memref<10000x128xf32, #tpu.memory_space<hbm>>
      tpu.enqueue_indirect_dma source(%dma_start3A_186 : memref<10000x128xf32, #tpu.memory_space<hbm>>) target(%arg8 : memref<128x128xf32, #tpu.memory_space<vmem>>) offsets(%dma_start3A_183 : memref<128xi32, #tpu.memory_space<vmem>>) semaphore(%arg11 : memref<!tpu.dma_semaphore, #tpu.memory_space<semaphore_mem>>)
      %dma_wait3A_187 = arith.constant 5 : i32
      %dma_wait3A_188 = arith.constant 0 : i32
      %dma_wait3A_189 = tpu.memref_slice %arg6[%dma_wait3A_187, %dma_wait3A_188] : memref<16x128xi32, #tpu.memory_space<vmem>> -> memref<1x128xi32, #tpu.memory_space<vmem>>
      %dma_wait3A_190 = tpu.memref_squeeze %dma_wait3A_189 : memref<1x128xi32, #tpu.memory_space<vmem>> -> memref<128xi32, #tpu.memory_space<vmem>>
      %dma_wait3A_191 = arith.constant 0 : i32
      %dma_wait3A_192 = arith.constant 0 : i32
      %dma_wait3A_193 = tpu.memref_slice %arg2[%dma_wait3A_191, %dma_wait3A_192] : memref<10000x128xf32, #tpu.memory_space<hbm>> -> memref<10000x128xf32, #tpu.memory_space<hbm>>
      tpu.wait_indirect_dma semaphore(%arg12 : memref<!tpu.dma_semaphore, #tpu.memory_space<semaphore_mem>>) src(%dma_wait3A_193 : memref<10000x128xf32, #tpu.memory_space<hbm>>) dst(%arg9 : memref<128x128xf32, #tpu.memory_space<vmem>>)
      %dma_start3A_194 = arith.constant 5 : i32
      %dma_start3A_195 = arith.constant 0 : i32
      %dma_start3A_196 = tpu.memref_slice %arg7[%dma_start3A_194, %dma_start3A_195] : memref<16x128xi32, #tpu.memory_space<vmem>> -> memref<1x128xi32, #tpu.memory_space<vmem>>
      %dma_start3A_197 = tpu.memref_squeeze %dma_start3A_196 : memref<1x128xi32, #tpu.memory_space<vmem>> -> memref<128xi32, #tpu.memory_space<vmem>>
      %dma_start3A_198 = arith.constant 0 : i32
      %dma_start3A_199 = arith.constant 0 : i32
      %dma_start3A_200 = tpu.memref_slice %arg10[%dma_start3A_198, %dma_start3A_199] : memref<10112x128xf32, #tpu.memory_space<vmem_shared>> -> memref<10112x128xf32, #tpu.memory_space<vmem_shared>>
      tpu.enqueue_indirect_dma source(%arg9 : memref<128x128xf32, #tpu.memory_space<vmem>>) target(%dma_start3A_200 : memref<10112x128xf32, #tpu.memory_space<vmem_shared>>) offsets(%dma_start3A_197 : memref<128xi32, #tpu.memory_space<vmem>>) semaphore(%arg14 : memref<!tpu.dma_semaphore, #tpu.memory_space<semaphore_mem>>) {add = true}
      %dma_wait3A_201 = arith.constant 5 : i32
      %dma_wait3A_202 = arith.constant 0 : i32
      %dma_wait3A_203 = tpu.memref_slice %arg7[%dma_wait3A_201, %dma_wait3A_202] : memref<16x128xi32, #tpu.memory_space<vmem>> -> memref<1x128xi32, #tpu.memory_space<vmem>>
      %dma_wait3A_204 = tpu.memref_squeeze %dma_wait3A_203 : memref<1x128xi32, #tpu.memory_space<vmem>> -> memref<128xi32, #tpu.memory_space<vmem>>
      %dma_wait3A_205 = arith.constant 0 : i32
      %dma_wait3A_206 = arith.constant 0 : i32
      %dma_wait3A_207 = tpu.memref_slice %arg10[%dma_wait3A_205, %dma_wait3A_206] : memref<10112x128xf32, #tpu.memory_space<vmem_shared>> -> memref<10112x128xf32, #tpu.memory_space<vmem_shared>>
      tpu.wait_indirect_dma semaphore(%arg14 : memref<!tpu.dma_semaphore, #tpu.memory_space<semaphore_mem>>) src(%arg9 : memref<128x128xf32, #tpu.memory_space<vmem>>) dst(%dma_wait3A_207 : memref<10112x128xf32, #tpu.memory_space<vmem_shared>>)
      %dma_start3A_208 = arith.constant 7 : i32
      %dma_start3A_209 = arith.constant 0 : i32
      %dma_start3A_210 = tpu.memref_slice %arg6[%dma_start3A_208, %dma_start3A_209] : memref<16x128xi32, #tpu.memory_space<vmem>> -> memref<1x128xi32, #tpu.memory_space<vmem>>
      %dma_start3A_211 = tpu.memref_squeeze %dma_start3A_210 : memref<1x128xi32, #tpu.memory_space<vmem>> -> memref<128xi32, #tpu.memory_space<vmem>>
      %dma_start3A_212 = arith.constant 0 : i32
      %dma_start3A_213 = arith.constant 0 : i32
      %dma_start3A_214 = tpu.memref_slice %arg2[%dma_start3A_212, %dma_start3A_213] : memref<10000x128xf32, #tpu.memory_space<hbm>> -> memref<10000x128xf32, #tpu.memory_space<hbm>>
      tpu.enqueue_indirect_dma source(%dma_start3A_214 : memref<10000x128xf32, #tpu.memory_space<hbm>>) target(%arg9 : memref<128x128xf32, #tpu.memory_space<vmem>>) offsets(%dma_start3A_211 : memref<128xi32, #tpu.memory_space<vmem>>) semaphore(%arg12 : memref<!tpu.dma_semaphore, #tpu.memory_space<semaphore_mem>>)
      %dma_wait3A_215 = arith.constant 6 : i32
      %dma_wait3A_216 = arith.constant 0 : i32
      %dma_wait3A_217 = tpu.memref_slice %arg6[%dma_wait3A_215, %dma_wait3A_216] : memref<16x128xi32, #tpu.memory_space<vmem>> -> memref<1x128xi32, #tpu.memory_space<vmem>>
      %dma_wait3A_218 = tpu.memref_squeeze %dma_wait3A_217 : memref<1x128xi32, #tpu.memory_space<vmem>> -> memref<128xi32, #tpu.memory_space<vmem>>
      %dma_wait3A_219 = arith.constant 0 : i32
      %dma_wait3A_220 = arith.constant 0 : i32
      %dma_wait3A_221 = tpu.memref_slice %arg2[%dma_wait3A_219, %dma_wait3A_220] : memref<10000x128xf32, #tpu.memory_space<hbm>> -> memref<10000x128xf32, #tpu.memory_space<hbm>>
      tpu.wait_indirect_dma semaphore(%arg11 : memref<!tpu.dma_semaphore, #tpu.memory_space<semaphore_mem>>) src(%dma_wait3A_221 : memref<10000x128xf32, #tpu.memory_space<hbm>>) dst(%arg8 : memref<128x128xf32, #tpu.memory_space<vmem>>)
      %dma_start3A_222 = arith.constant 6 : i32
      %dma_start3A_223 = arith.constant 0 : i32
      %dma_start3A_224 = tpu.memref_slice %arg7[%dma_start3A_222, %dma_start3A_223] : memref<16x128xi32, #tpu.memory_space<vmem>> -> memref<1x128xi32, #tpu.memory_space<vmem>>
      %dma_start3A_225 = tpu.memref_squeeze %dma_start3A_224 : memref<1x128xi32, #tpu.memory_space<vmem>> -> memref<128xi32, #tpu.memory_space<vmem>>
      %dma_start3A_226 = arith.constant 0 : i32
      %dma_start3A_227 = arith.constant 0 : i32
      %dma_start3A_228 = tpu.memref_slice %arg10[%dma_start3A_226, %dma_start3A_227] : memref<10112x128xf32, #tpu.memory_space<vmem_shared>> -> memref<10112x128xf32, #tpu.memory_space<vmem_shared>>
      tpu.enqueue_indirect_dma source(%arg8 : memref<128x128xf32, #tpu.memory_space<vmem>>) target(%dma_start3A_228 : memref<10112x128xf32, #tpu.memory_space<vmem_shared>>) offsets(%dma_start3A_225 : memref<128xi32, #tpu.memory_space<vmem>>) semaphore(%arg13 : memref<!tpu.dma_semaphore, #tpu.memory_space<semaphore_mem>>) {add = true}
      %dma_wait3A_229 = arith.constant 6 : i32
      %dma_wait3A_230 = arith.constant 0 : i32
      %dma_wait3A_231 = tpu.memref_slice %arg7[%dma_wait3A_229, %dma_wait3A_230] : memref<16x128xi32, #tpu.memory_space<vmem>> -> memref<1x128xi32, #tpu.memory_space<vmem>>
      %dma_wait3A_232 = tpu.memref_squeeze %dma_wait3A_231 : memref<1x128xi32, #tpu.memory_space<vmem>> -> memref<128xi32, #tpu.memory_space<vmem>>
      %dma_wait3A_233 = arith.constant 0 : i32
      %dma_wait3A_234 = arith.constant 0 : i32
      %dma_wait3A_235 = tpu.memref_slice %arg10[%dma_wait3A_233, %dma_wait3A_234] : memref<10112x128xf32, #tpu.memory_space<vmem_shared>> -> memref<10112x128xf32, #tpu.memory_space<vmem_shared>>
      tpu.wait_indirect_dma semaphore(%arg13 : memref<!tpu.dma_semaphore, #tpu.memory_space<semaphore_mem>>) src(%arg8 : memref<128x128xf32, #tpu.memory_space<vmem>>) dst(%dma_wait3A_235 : memref<10112x128xf32, #tpu.memory_space<vmem_shared>>)
      %dma_start3A_236 = arith.constant 8 : i32
      %dma_start3A_237 = arith.constant 0 : i32
      %dma_start3A_238 = tpu.memref_slice %arg6[%dma_start3A_236, %dma_start3A_237] : memref<16x128xi32, #tpu.memory_space<vmem>> -> memref<1x128xi32, #tpu.memory_space<vmem>>
      %dma_start3A_239 = tpu.memref_squeeze %dma_start3A_238 : memref<1x128xi32, #tpu.memory_space<vmem>> -> memref<128xi32, #tpu.memory_space<vmem>>
      %dma_start3A_240 = arith.constant 0 : i32
      %dma_start3A_241 = arith.constant 0 : i32
      %dma_start3A_242 = tpu.memref_slice %arg2[%dma_start3A_240, %dma_start3A_241] : memref<10000x128xf32, #tpu.memory_space<hbm>> -> memref<10000x128xf32, #tpu.memory_space<hbm>>
      tpu.enqueue_indirect_dma source(%dma_start3A_242 : memref<10000x128xf32, #tpu.memory_space<hbm>>) target(%arg8 : memref<128x128xf32, #tpu.memory_space<vmem>>) offsets(%dma_start3A_239 : memref<128xi32, #tpu.memory_space<vmem>>) semaphore(%arg11 : memref<!tpu.dma_semaphore, #tpu.memory_space<semaphore_mem>>)
      %dma_wait3A_243 = arith.constant 7 : i32
      %dma_wait3A_244 = arith.constant 0 : i32
      %dma_wait3A_245 = tpu.memref_slice %arg6[%dma_wait3A_243, %dma_wait3A_244] : memref<16x128xi32, #tpu.memory_space<vmem>> -> memref<1x128xi32, #tpu.memory_space<vmem>>
      %dma_wait3A_246 = tpu.memref_squeeze %dma_wait3A_245 : memref<1x128xi32, #tpu.memory_space<vmem>> -> memref<128xi32, #tpu.memory_space<vmem>>
      %dma_wait3A_247 = arith.constant 0 : i32
      %dma_wait3A_248 = arith.constant 0 : i32
      %dma_wait3A_249 = tpu.memref_slice %arg2[%dma_wait3A_247, %dma_wait3A_248] : memref<10000x128xf32, #tpu.memory_space<hbm>> -> memref<10000x128xf32, #tpu.memory_space<hbm>>
      tpu.wait_indirect_dma semaphore(%arg12 : memref<!tpu.dma_semaphore, #tpu.memory_space<semaphore_mem>>) src(%dma_wait3A_249 : memref<10000x128xf32, #tpu.memory_space<hbm>>) dst(%arg9 : memref<128x128xf32, #tpu.memory_space<vmem>>)
      %dma_start3A_250 = arith.constant 7 : i32
      %dma_start3A_251 = arith.constant 0 : i32
      %dma_start3A_252 = tpu.memref_slice %arg7[%dma_start3A_250, %dma_start3A_251] : memref<16x128xi32, #tpu.memory_space<vmem>> -> memref<1x128xi32, #tpu.memory_space<vmem>>
      %dma_start3A_253 = tpu.memref_squeeze %dma_start3A_252 : memref<1x128xi32, #tpu.memory_space<vmem>> -> memref<128xi32, #tpu.memory_space<vmem>>
      %dma_start3A_254 = arith.constant 0 : i32
      %dma_start3A_255 = arith.constant 0 : i32
      %dma_start3A_256 = tpu.memref_slice %arg10[%dma_start3A_254, %dma_start3A_255] : memref<10112x128xf32, #tpu.memory_space<vmem_shared>> -> memref<10112x128xf32, #tpu.memory_space<vmem_shared>>
      tpu.enqueue_indirect_dma source(%arg9 : memref<128x128xf32, #tpu.memory_space<vmem>>) target(%dma_start3A_256 : memref<10112x128xf32, #tpu.memory_space<vmem_shared>>) offsets(%dma_start3A_253 : memref<128xi32, #tpu.memory_space<vmem>>) semaphore(%arg14 : memref<!tpu.dma_semaphore, #tpu.memory_space<semaphore_mem>>) {add = true}
      %dma_wait3A_257 = arith.constant 7 : i32
      %dma_wait3A_258 = arith.constant 0 : i32
      %dma_wait3A_259 = tpu.memref_slice %arg7[%dma_wait3A_257, %dma_wait3A_258] : memref<16x128xi32, #tpu.memory_space<vmem>> -> memref<1x128xi32, #tpu.memory_space<vmem>>
      %dma_wait3A_260 = tpu.memref_squeeze %dma_wait3A_259 : memref<1x128xi32, #tpu.memory_space<vmem>> -> memref<128xi32, #tpu.memory_space<vmem>>
      %dma_wait3A_261 = arith.constant 0 : i32
      %dma_wait3A_262 = arith.constant 0 : i32
      %dma_wait3A_263 = tpu.memref_slice %arg10[%dma_wait3A_261, %dma_wait3A_262] : memref<10112x128xf32, #tpu.memory_space<vmem_shared>> -> memref<10112x128xf32, #tpu.memory_space<vmem_shared>>
      tpu.wait_indirect_dma semaphore(%arg14 : memref<!tpu.dma_semaphore, #tpu.memory_space<semaphore_mem>>) src(%arg9 : memref<128x128xf32, #tpu.memory_space<vmem>>) dst(%dma_wait3A_263 : memref<10112x128xf32, #tpu.memory_space<vmem_shared>>)
      %dma_start3A_264 = arith.constant 9 : i32
      %dma_start3A_265 = arith.constant 0 : i32
      %dma_start3A_266 = tpu.memref_slice %arg6[%dma_start3A_264, %dma_start3A_265] : memref<16x128xi32, #tpu.memory_space<vmem>> -> memref<1x128xi32, #tpu.memory_space<vmem>>
      %dma_start3A_267 = tpu.memref_squeeze %dma_start3A_266 : memref<1x128xi32, #tpu.memory_space<vmem>> -> memref<128xi32, #tpu.memory_space<vmem>>
      %dma_start3A_268 = arith.constant 0 : i32
      %dma_start3A_269 = arith.constant 0 : i32
      %dma_start3A_270 = tpu.memref_slice %arg2[%dma_start3A_268, %dma_start3A_269] : memref<10000x128xf32, #tpu.memory_space<hbm>> -> memref<10000x128xf32, #tpu.memory_space<hbm>>
      tpu.enqueue_indirect_dma source(%dma_start3A_270 : memref<10000x128xf32, #tpu.memory_space<hbm>>) target(%arg9 : memref<128x128xf32, #tpu.memory_space<vmem>>) offsets(%dma_start3A_267 : memref<128xi32, #tpu.memory_space<vmem>>) semaphore(%arg12 : memref<!tpu.dma_semaphore, #tpu.memory_space<semaphore_mem>>)
      %dma_wait3A_271 = arith.constant 8 : i32
      %dma_wait3A_272 = arith.constant 0 : i32
      %dma_wait3A_273 = tpu.memref_slice %arg6[%dma_wait3A_271, %dma_wait3A_272] : memref<16x128xi32, #tpu.memory_space<vmem>> -> memref<1x128xi32, #tpu.memory_space<vmem>>
      %dma_wait3A_274 = tpu.memref_squeeze %dma_wait3A_273 : memref<1x128xi32, #tpu.memory_space<vmem>> -> memref<128xi32, #tpu.memory_space<vmem>>
      %dma_wait3A_275 = arith.constant 0 : i32
      %dma_wait3A_276 = arith.constant 0 : i32
      %dma_wait3A_277 = tpu.memref_slice %arg2[%dma_wait3A_275, %dma_wait3A_276] : memref<10000x128xf32, #tpu.memory_space<hbm>> -> memref<10000x128xf32, #tpu.memory_space<hbm>>
      tpu.wait_indirect_dma semaphore(%arg11 : memref<!tpu.dma_semaphore, #tpu.memory_space<semaphore_mem>>) src(%dma_wait3A_277 : memref<10000x128xf32, #tpu.memory_space<hbm>>) dst(%arg8 : memref<128x128xf32, #tpu.memory_space<vmem>>)
      %dma_start3A_278 = arith.constant 8 : i32
      %dma_start3A_279 = arith.constant 0 : i32
      %dma_start3A_280 = tpu.memref_slice %arg7[%dma_start3A_278, %dma_start3A_279] : memref<16x128xi32, #tpu.memory_space<vmem>> -> memref<1x128xi32, #tpu.memory_space<vmem>>
      %dma_start3A_281 = tpu.memref_squeeze %dma_start3A_280 : memref<1x128xi32, #tpu.memory_space<vmem>> -> memref<128xi32, #tpu.memory_space<vmem>>
      %dma_start3A_282 = arith.constant 0 : i32
      %dma_start3A_283 = arith.constant 0 : i32
      %dma_start3A_284 = tpu.memref_slice %arg10[%dma_start3A_282, %dma_start3A_283] : memref<10112x128xf32, #tpu.memory_space<vmem_shared>> -> memref<10112x128xf32, #tpu.memory_space<vmem_shared>>
      tpu.enqueue_indirect_dma source(%arg8 : memref<128x128xf32, #tpu.memory_space<vmem>>) target(%dma_start3A_284 : memref<10112x128xf32, #tpu.memory_space<vmem_shared>>) offsets(%dma_start3A_281 : memref<128xi32, #tpu.memory_space<vmem>>) semaphore(%arg13 : memref<!tpu.dma_semaphore, #tpu.memory_space<semaphore_mem>>) {add = true}
      %dma_wait3A_285 = arith.constant 8 : i32
      %dma_wait3A_286 = arith.constant 0 : i32
      %dma_wait3A_287 = tpu.memref_slice %arg7[%dma_wait3A_285, %dma_wait3A_286] : memref<16x128xi32, #tpu.memory_space<vmem>> -> memref<1x128xi32, #tpu.memory_space<vmem>>
      %dma_wait3A_288 = tpu.memref_squeeze %dma_wait3A_287 : memref<1x128xi32, #tpu.memory_space<vmem>> -> memref<128xi32, #tpu.memory_space<vmem>>
      %dma_wait3A_289 = arith.constant 0 : i32
      %dma_wait3A_290 = arith.constant 0 : i32
      %dma_wait3A_291 = tpu.memref_slice %arg10[%dma_wait3A_289, %dma_wait3A_290] : memref<10112x128xf32, #tpu.memory_space<vmem_shared>> -> memref<10112x128xf32, #tpu.memory_space<vmem_shared>>
      tpu.wait_indirect_dma semaphore(%arg13 : memref<!tpu.dma_semaphore, #tpu.memory_space<semaphore_mem>>) src(%arg8 : memref<128x128xf32, #tpu.memory_space<vmem>>) dst(%dma_wait3A_291 : memref<10112x128xf32, #tpu.memory_space<vmem_shared>>)
      %dma_start3A_292 = arith.constant 10 : i32
      %dma_start3A_293 = arith.constant 0 : i32
      %dma_start3A_294 = tpu.memref_slice %arg6[%dma_start3A_292, %dma_start3A_293] : memref<16x128xi32, #tpu.memory_space<vmem>> -> memref<1x128xi32, #tpu.memory_space<vmem>>
      %dma_start3A_295 = tpu.memref_squeeze %dma_start3A_294 : memref<1x128xi32, #tpu.memory_space<vmem>> -> memref<128xi32, #tpu.memory_space<vmem>>
      %dma_start3A_296 = arith.constant 0 : i32
      %dma_start3A_297 = arith.constant 0 : i32
      %dma_start3A_298 = tpu.memref_slice %arg2[%dma_start3A_296, %dma_start3A_297] : memref<10000x128xf32, #tpu.memory_space<hbm>> -> memref<10000x128xf32, #tpu.memory_space<hbm>>
      tpu.enqueue_indirect_dma source(%dma_start3A_298 : memref<10000x128xf32, #tpu.memory_space<hbm>>) target(%arg8 : memref<128x128xf32, #tpu.memory_space<vmem>>) offsets(%dma_start3A_295 : memref<128xi32, #tpu.memory_space<vmem>>) semaphore(%arg11 : memref<!tpu.dma_semaphore, #tpu.memory_space<semaphore_mem>>)
      %dma_wait3A_299 = arith.constant 9 : i32
      %dma_wait3A_300 = arith.constant 0 : i32
      %dma_wait3A_301 = tpu.memref_slice %arg6[%dma_wait3A_299, %dma_wait3A_300] : memref<16x128xi32, #tpu.memory_space<vmem>> -> memref<1x128xi32, #tpu.memory_space<vmem>>
      %dma_wait3A_302 = tpu.memref_squeeze %dma_wait3A_301 : memref<1x128xi32, #tpu.memory_space<vmem>> -> memref<128xi32, #tpu.memory_space<vmem>>
      %dma_wait3A_303 = arith.constant 0 : i32
      %dma_wait3A_304 = arith.constant 0 : i32
      %dma_wait3A_305 = tpu.memref_slice %arg2[%dma_wait3A_303, %dma_wait3A_304] : memref<10000x128xf32, #tpu.memory_space<hbm>> -> memref<10000x128xf32, #tpu.memory_space<hbm>>
      tpu.wait_indirect_dma semaphore(%arg12 : memref<!tpu.dma_semaphore, #tpu.memory_space<semaphore_mem>>) src(%dma_wait3A_305 : memref<10000x128xf32, #tpu.memory_space<hbm>>) dst(%arg9 : memref<128x128xf32, #tpu.memory_space<vmem>>)
      %dma_start3A_306 = arith.constant 9 : i32
      %dma_start3A_307 = arith.constant 0 : i32
      %dma_start3A_308 = tpu.memref_slice %arg7[%dma_start3A_306, %dma_start3A_307] : memref<16x128xi32, #tpu.memory_space<vmem>> -> memref<1x128xi32, #tpu.memory_space<vmem>>
      %dma_start3A_309 = tpu.memref_squeeze %dma_start3A_308 : memref<1x128xi32, #tpu.memory_space<vmem>> -> memref<128xi32, #tpu.memory_space<vmem>>
      %dma_start3A_310 = arith.constant 0 : i32
      %dma_start3A_311 = arith.constant 0 : i32
      %dma_start3A_312 = tpu.memref_slice %arg10[%dma_start3A_310, %dma_start3A_311] : memref<10112x128xf32, #tpu.memory_space<vmem_shared>> -> memref<10112x128xf32, #tpu.memory_space<vmem_shared>>
      tpu.enqueue_indirect_dma source(%arg9 : memref<128x128xf32, #tpu.memory_space<vmem>>) target(%dma_start3A_312 : memref<10112x128xf32, #tpu.memory_space<vmem_shared>>) offsets(%dma_start3A_309 : memref<128xi32, #tpu.memory_space<vmem>>) semaphore(%arg14 : memref<!tpu.dma_semaphore, #tpu.memory_space<semaphore_mem>>) {add = true}
      %dma_wait3A_313 = arith.constant 9 : i32
      %dma_wait3A_314 = arith.constant 0 : i32
      %dma_wait3A_315 = tpu.memref_slice %arg7[%dma_wait3A_313, %dma_wait3A_314] : memref<16x128xi32, #tpu.memory_space<vmem>> -> memref<1x128xi32, #tpu.memory_space<vmem>>
      %dma_wait3A_316 = tpu.memref_squeeze %dma_wait3A_315 : memref<1x128xi32, #tpu.memory_space<vmem>> -> memref<128xi32, #tpu.memory_space<vmem>>
      %dma_wait3A_317 = arith.constant 0 : i32
      %dma_wait3A_318 = arith.constant 0 : i32
      %dma_wait3A_319 = tpu.memref_slice %arg10[%dma_wait3A_317, %dma_wait3A_318] : memref<10112x128xf32, #tpu.memory_space<vmem_shared>> -> memref<10112x128xf32, #tpu.memory_space<vmem_shared>>
      tpu.wait_indirect_dma semaphore(%arg14 : memref<!tpu.dma_semaphore, #tpu.memory_space<semaphore_mem>>) src(%arg9 : memref<128x128xf32, #tpu.memory_space<vmem>>) dst(%dma_wait3A_319 : memref<10112x128xf32, #tpu.memory_space<vmem_shared>>)
      %dma_start3A_320 = arith.constant 11 : i32
      %dma_start3A_321 = arith.constant 0 : i32
      %dma_start3A_322 = tpu.memref_slice %arg6[%dma_start3A_320, %dma_start3A_321] : memref<16x128xi32, #tpu.memory_space<vmem>> -> memref<1x128xi32, #tpu.memory_space<vmem>>
      %dma_start3A_323 = tpu.memref_squeeze %dma_start3A_322 : memref<1x128xi32, #tpu.memory_space<vmem>> -> memref<128xi32, #tpu.memory_space<vmem>>
      %dma_start3A_324 = arith.constant 0 : i32
      %dma_start3A_325 = arith.constant 0 : i32
      %dma_start3A_326 = tpu.memref_slice %arg2[%dma_start3A_324, %dma_start3A_325] : memref<10000x128xf32, #tpu.memory_space<hbm>> -> memref<10000x128xf32, #tpu.memory_space<hbm>>
      tpu.enqueue_indirect_dma source(%dma_start3A_326 : memref<10000x128xf32, #tpu.memory_space<hbm>>) target(%arg9 : memref<128x128xf32, #tpu.memory_space<vmem>>) offsets(%dma_start3A_323 : memref<128xi32, #tpu.memory_space<vmem>>) semaphore(%arg12 : memref<!tpu.dma_semaphore, #tpu.memory_space<semaphore_mem>>)
      %dma_wait3A_327 = arith.constant 10 : i32
      %dma_wait3A_328 = arith.constant 0 : i32
      %dma_wait3A_329 = tpu.memref_slice %arg6[%dma_wait3A_327, %dma_wait3A_328] : memref<16x128xi32, #tpu.memory_space<vmem>> -> memref<1x128xi32, #tpu.memory_space<vmem>>
      %dma_wait3A_330 = tpu.memref_squeeze %dma_wait3A_329 : memref<1x128xi32, #tpu.memory_space<vmem>> -> memref<128xi32, #tpu.memory_space<vmem>>
      %dma_wait3A_331 = arith.constant 0 : i32
      %dma_wait3A_332 = arith.constant 0 : i32
      %dma_wait3A_333 = tpu.memref_slice %arg2[%dma_wait3A_331, %dma_wait3A_332] : memref<10000x128xf32, #tpu.memory_space<hbm>> -> memref<10000x128xf32, #tpu.memory_space<hbm>>
      tpu.wait_indirect_dma semaphore(%arg11 : memref<!tpu.dma_semaphore, #tpu.memory_space<semaphore_mem>>) src(%dma_wait3A_333 : memref<10000x128xf32, #tpu.memory_space<hbm>>) dst(%arg8 : memref<128x128xf32, #tpu.memory_space<vmem>>)
      %dma_start3A_334 = arith.constant 10 : i32
      %dma_start3A_335 = arith.constant 0 : i32
      %dma_start3A_336 = tpu.memref_slice %arg7[%dma_start3A_334, %dma_start3A_335] : memref<16x128xi32, #tpu.memory_space<vmem>> -> memref<1x128xi32, #tpu.memory_space<vmem>>
      %dma_start3A_337 = tpu.memref_squeeze %dma_start3A_336 : memref<1x128xi32, #tpu.memory_space<vmem>> -> memref<128xi32, #tpu.memory_space<vmem>>
      %dma_start3A_338 = arith.constant 0 : i32
      %dma_start3A_339 = arith.constant 0 : i32
      %dma_start3A_340 = tpu.memref_slice %arg10[%dma_start3A_338, %dma_start3A_339] : memref<10112x128xf32, #tpu.memory_space<vmem_shared>> -> memref<10112x128xf32, #tpu.memory_space<vmem_shared>>
      tpu.enqueue_indirect_dma source(%arg8 : memref<128x128xf32, #tpu.memory_space<vmem>>) target(%dma_start3A_340 : memref<10112x128xf32, #tpu.memory_space<vmem_shared>>) offsets(%dma_start3A_337 : memref<128xi32, #tpu.memory_space<vmem>>) semaphore(%arg13 : memref<!tpu.dma_semaphore, #tpu.memory_space<semaphore_mem>>) {add = true}
      %dma_wait3A_341 = arith.constant 10 : i32
      %dma_wait3A_342 = arith.constant 0 : i32
      %dma_wait3A_343 = tpu.memref_slice %arg7[%dma_wait3A_341, %dma_wait3A_342] : memref<16x128xi32, #tpu.memory_space<vmem>> -> memref<1x128xi32, #tpu.memory_space<vmem>>
      %dma_wait3A_344 = tpu.memref_squeeze %dma_wait3A_343 : memref<1x128xi32, #tpu.memory_space<vmem>> -> memref<128xi32, #tpu.memory_space<vmem>>
      %dma_wait3A_345 = arith.constant 0 : i32
      %dma_wait3A_346 = arith.constant 0 : i32
      %dma_wait3A_347 = tpu.memref_slice %arg10[%dma_wait3A_345, %dma_wait3A_346] : memref<10112x128xf32, #tpu.memory_space<vmem_shared>> -> memref<10112x128xf32, #tpu.memory_space<vmem_shared>>
      tpu.wait_indirect_dma semaphore(%arg13 : memref<!tpu.dma_semaphore, #tpu.memory_space<semaphore_mem>>) src(%arg8 : memref<128x128xf32, #tpu.memory_space<vmem>>) dst(%dma_wait3A_347 : memref<10112x128xf32, #tpu.memory_space<vmem_shared>>)
      %dma_start3A_348 = arith.constant 12 : i32
      %dma_start3A_349 = arith.constant 0 : i32
      %dma_start3A_350 = tpu.memref_slice %arg6[%dma_start3A_348, %dma_start3A_349] : memref<16x128xi32, #tpu.memory_space<vmem>> -> memref<1x128xi32, #tpu.memory_space<vmem>>
      %dma_start3A_351 = tpu.memref_squeeze %dma_start3A_350 : memref<1x128xi32, #tpu.memory_space<vmem>> -> memref<128xi32, #tpu.memory_space<vmem>>
      %dma_start3A_352 = arith.constant 0 : i32
      %dma_start3A_353 = arith.constant 0 : i32
      %dma_start3A_354 = tpu.memref_slice %arg2[%dma_start3A_352, %dma_start3A_353] : memref<10000x128xf32, #tpu.memory_space<hbm>> -> memref<10000x128xf32, #tpu.memory_space<hbm>>
      tpu.enqueue_indirect_dma source(%dma_start3A_354 : memref<10000x128xf32, #tpu.memory_space<hbm>>) target(%arg8 : memref<128x128xf32, #tpu.memory_space<vmem>>) offsets(%dma_start3A_351 : memref<128xi32, #tpu.memory_space<vmem>>) semaphore(%arg11 : memref<!tpu.dma_semaphore, #tpu.memory_space<semaphore_mem>>)
      %dma_wait3A_355 = arith.constant 11 : i32
      %dma_wait3A_356 = arith.constant 0 : i32
      %dma_wait3A_357 = tpu.memref_slice %arg6[%dma_wait3A_355, %dma_wait3A_356] : memref<16x128xi32, #tpu.memory_space<vmem>> -> memref<1x128xi32, #tpu.memory_space<vmem>>
      %dma_wait3A_358 = tpu.memref_squeeze %dma_wait3A_357 : memref<1x128xi32, #tpu.memory_space<vmem>> -> memref<128xi32, #tpu.memory_space<vmem>>
      %dma_wait3A_359 = arith.constant 0 : i32
      %dma_wait3A_360 = arith.constant 0 : i32
      %dma_wait3A_361 = tpu.memref_slice %arg2[%dma_wait3A_359, %dma_wait3A_360] : memref<10000x128xf32, #tpu.memory_space<hbm>> -> memref<10000x128xf32, #tpu.memory_space<hbm>>
      tpu.wait_indirect_dma semaphore(%arg12 : memref<!tpu.dma_semaphore, #tpu.memory_space<semaphore_mem>>) src(%dma_wait3A_361 : memref<10000x128xf32, #tpu.memory_space<hbm>>) dst(%arg9 : memref<128x128xf32, #tpu.memory_space<vmem>>)
      %dma_start3A_362 = arith.constant 11 : i32
      %dma_start3A_363 = arith.constant 0 : i32
      %dma_start3A_364 = tpu.memref_slice %arg7[%dma_start3A_362, %dma_start3A_363] : memref<16x128xi32, #tpu.memory_space<vmem>> -> memref<1x128xi32, #tpu.memory_space<vmem>>
      %dma_start3A_365 = tpu.memref_squeeze %dma_start3A_364 : memref<1x128xi32, #tpu.memory_space<vmem>> -> memref<128xi32, #tpu.memory_space<vmem>>
      %dma_start3A_366 = arith.constant 0 : i32
      %dma_start3A_367 = arith.constant 0 : i32
      %dma_start3A_368 = tpu.memref_slice %arg10[%dma_start3A_366, %dma_start3A_367] : memref<10112x128xf32, #tpu.memory_space<vmem_shared>> -> memref<10112x128xf32, #tpu.memory_space<vmem_shared>>
      tpu.enqueue_indirect_dma source(%arg9 : memref<128x128xf32, #tpu.memory_space<vmem>>) target(%dma_start3A_368 : memref<10112x128xf32, #tpu.memory_space<vmem_shared>>) offsets(%dma_start3A_365 : memref<128xi32, #tpu.memory_space<vmem>>) semaphore(%arg14 : memref<!tpu.dma_semaphore, #tpu.memory_space<semaphore_mem>>) {add = true}
      %dma_wait3A_369 = arith.constant 11 : i32
      %dma_wait3A_370 = arith.constant 0 : i32
      %dma_wait3A_371 = tpu.memref_slice %arg7[%dma_wait3A_369, %dma_wait3A_370] : memref<16x128xi32, #tpu.memory_space<vmem>> -> memref<1x128xi32, #tpu.memory_space<vmem>>
      %dma_wait3A_372 = tpu.memref_squeeze %dma_wait3A_371 : memref<1x128xi32, #tpu.memory_space<vmem>> -> memref<128xi32, #tpu.memory_space<vmem>>
      %dma_wait3A_373 = arith.constant 0 : i32
      %dma_wait3A_374 = arith.constant 0 : i32
      %dma_wait3A_375 = tpu.memref_slice %arg10[%dma_wait3A_373, %dma_wait3A_374] : memref<10112x128xf32, #tpu.memory_space<vmem_shared>> -> memref<10112x128xf32, #tpu.memory_space<vmem_shared>>
      tpu.wait_indirect_dma semaphore(%arg14 : memref<!tpu.dma_semaphore, #tpu.memory_space<semaphore_mem>>) src(%arg9 : memref<128x128xf32, #tpu.memory_space<vmem>>) dst(%dma_wait3A_375 : memref<10112x128xf32, #tpu.memory_space<vmem_shared>>)
      %dma_start3A_376 = arith.constant 13 : i32
      %dma_start3A_377 = arith.constant 0 : i32
      %dma_start3A_378 = tpu.memref_slice %arg6[%dma_start3A_376, %dma_start3A_377] : memref<16x128xi32, #tpu.memory_space<vmem>> -> memref<1x128xi32, #tpu.memory_space<vmem>>
      %dma_start3A_379 = tpu.memref_squeeze %dma_start3A_378 : memref<1x128xi32, #tpu.memory_space<vmem>> -> memref<128xi32, #tpu.memory_space<vmem>>
      %dma_start3A_380 = arith.constant 0 : i32
      %dma_start3A_381 = arith.constant 0 : i32
      %dma_start3A_382 = tpu.memref_slice %arg2[%dma_start3A_380, %dma_start3A_381] : memref<10000x128xf32, #tpu.memory_space<hbm>> -> memref<10000x128xf32, #tpu.memory_space<hbm>>
      tpu.enqueue_indirect_dma source(%dma_start3A_382 : memref<10000x128xf32, #tpu.memory_space<hbm>>) target(%arg9 : memref<128x128xf32, #tpu.memory_space<vmem>>) offsets(%dma_start3A_379 : memref<128xi32, #tpu.memory_space<vmem>>) semaphore(%arg12 : memref<!tpu.dma_semaphore, #tpu.memory_space<semaphore_mem>>)
      %dma_wait3A_383 = arith.constant 12 : i32
      %dma_wait3A_384 = arith.constant 0 : i32
      %dma_wait3A_385 = tpu.memref_slice %arg6[%dma_wait3A_383, %dma_wait3A_384] : memref<16x128xi32, #tpu.memory_space<vmem>> -> memref<1x128xi32, #tpu.memory_space<vmem>>
      %dma_wait3A_386 = tpu.memref_squeeze %dma_wait3A_385 : memref<1x128xi32, #tpu.memory_space<vmem>> -> memref<128xi32, #tpu.memory_space<vmem>>
      %dma_wait3A_387 = arith.constant 0 : i32
      %dma_wait3A_388 = arith.constant 0 : i32
      %dma_wait3A_389 = tpu.memref_slice %arg2[%dma_wait3A_387, %dma_wait3A_388] : memref<10000x128xf32, #tpu.memory_space<hbm>> -> memref<10000x128xf32, #tpu.memory_space<hbm>>
      tpu.wait_indirect_dma semaphore(%arg11 : memref<!tpu.dma_semaphore, #tpu.memory_space<semaphore_mem>>) src(%dma_wait3A_389 : memref<10000x128xf32, #tpu.memory_space<hbm>>) dst(%arg8 : memref<128x128xf32, #tpu.memory_space<vmem>>)
      %dma_start3A_390 = arith.constant 12 : i32
      %dma_start3A_391 = arith.constant 0 : i32
      %dma_start3A_392 = tpu.memref_slice %arg7[%dma_start3A_390, %dma_start3A_391] : memref<16x128xi32, #tpu.memory_space<vmem>> -> memref<1x128xi32, #tpu.memory_space<vmem>>
      %dma_start3A_393 = tpu.memref_squeeze %dma_start3A_392 : memref<1x128xi32, #tpu.memory_space<vmem>> -> memref<128xi32, #tpu.memory_space<vmem>>
      %dma_start3A_394 = arith.constant 0 : i32
      %dma_start3A_395 = arith.constant 0 : i32
      %dma_start3A_396 = tpu.memref_slice %arg10[%dma_start3A_394, %dma_start3A_395] : memref<10112x128xf32, #tpu.memory_space<vmem_shared>> -> memref<10112x128xf32, #tpu.memory_space<vmem_shared>>
      tpu.enqueue_indirect_dma source(%arg8 : memref<128x128xf32, #tpu.memory_space<vmem>>) target(%dma_start3A_396 : memref<10112x128xf32, #tpu.memory_space<vmem_shared>>) offsets(%dma_start3A_393 : memref<128xi32, #tpu.memory_space<vmem>>) semaphore(%arg13 : memref<!tpu.dma_semaphore, #tpu.memory_space<semaphore_mem>>) {add = true}
      %dma_wait3A_397 = arith.constant 12 : i32
      %dma_wait3A_398 = arith.constant 0 : i32
      %dma_wait3A_399 = tpu.memref_slice %arg7[%dma_wait3A_397, %dma_wait3A_398] : memref<16x128xi32, #tpu.memory_space<vmem>> -> memref<1x128xi32, #tpu.memory_space<vmem>>
      %dma_wait3A_400 = tpu.memref_squeeze %dma_wait3A_399 : memref<1x128xi32, #tpu.memory_space<vmem>> -> memref<128xi32, #tpu.memory_space<vmem>>
      %dma_wait3A_401 = arith.constant 0 : i32
      %dma_wait3A_402 = arith.constant 0 : i32
      %dma_wait3A_403 = tpu.memref_slice %arg10[%dma_wait3A_401, %dma_wait3A_402] : memref<10112x128xf32, #tpu.memory_space<vmem_shared>> -> memref<10112x128xf32, #tpu.memory_space<vmem_shared>>
      tpu.wait_indirect_dma semaphore(%arg13 : memref<!tpu.dma_semaphore, #tpu.memory_space<semaphore_mem>>) src(%arg8 : memref<128x128xf32, #tpu.memory_space<vmem>>) dst(%dma_wait3A_403 : memref<10112x128xf32, #tpu.memory_space<vmem_shared>>)
      %dma_start3A_404 = arith.constant 14 : i32
      %dma_start3A_405 = arith.constant 0 : i32
      %dma_start3A_406 = tpu.memref_slice %arg6[%dma_start3A_404, %dma_start3A_405] : memref<16x128xi32, #tpu.memory_space<vmem>> -> memref<1x128xi32, #tpu.memory_space<vmem>>
      %dma_start3A_407 = tpu.memref_squeeze %dma_start3A_406 : memref<1x128xi32, #tpu.memory_space<vmem>> -> memref<128xi32, #tpu.memory_space<vmem>>
      %dma_start3A_408 = arith.constant 0 : i32
      %dma_start3A_409 = arith.constant 0 : i32
      %dma_start3A_410 = tpu.memref_slice %arg2[%dma_start3A_408, %dma_start3A_409] : memref<10000x128xf32, #tpu.memory_space<hbm>> -> memref<10000x128xf32, #tpu.memory_space<hbm>>
      tpu.enqueue_indirect_dma source(%dma_start3A_410 : memref<10000x128xf32, #tpu.memory_space<hbm>>) target(%arg8 : memref<128x128xf32, #tpu.memory_space<vmem>>) offsets(%dma_start3A_407 : memref<128xi32, #tpu.memory_space<vmem>>) semaphore(%arg11 : memref<!tpu.dma_semaphore, #tpu.memory_space<semaphore_mem>>)
      %dma_wait3A_411 = arith.constant 13 : i32
      %dma_wait3A_412 = arith.constant 0 : i32
      %dma_wait3A_413 = tpu.memref_slice %arg6[%dma_wait3A_411, %dma_wait3A_412] : memref<16x128xi32, #tpu.memory_space<vmem>> -> memref<1x128xi32, #tpu.memory_space<vmem>>
      %dma_wait3A_414 = tpu.memref_squeeze %dma_wait3A_413 : memref<1x128xi32, #tpu.memory_space<vmem>> -> memref<128xi32, #tpu.memory_space<vmem>>
      %dma_wait3A_415 = arith.constant 0 : i32
      %dma_wait3A_416 = arith.constant 0 : i32
      %dma_wait3A_417 = tpu.memref_slice %arg2[%dma_wait3A_415, %dma_wait3A_416] : memref<10000x128xf32, #tpu.memory_space<hbm>> -> memref<10000x128xf32, #tpu.memory_space<hbm>>
      tpu.wait_indirect_dma semaphore(%arg12 : memref<!tpu.dma_semaphore, #tpu.memory_space<semaphore_mem>>) src(%dma_wait3A_417 : memref<10000x128xf32, #tpu.memory_space<hbm>>) dst(%arg9 : memref<128x128xf32, #tpu.memory_space<vmem>>)
      %dma_start3A_418 = arith.constant 13 : i32
      %dma_start3A_419 = arith.constant 0 : i32
      %dma_start3A_420 = tpu.memref_slice %arg7[%dma_start3A_418, %dma_start3A_419] : memref<16x128xi32, #tpu.memory_space<vmem>> -> memref<1x128xi32, #tpu.memory_space<vmem>>
      %dma_start3A_421 = tpu.memref_squeeze %dma_start3A_420 : memref<1x128xi32, #tpu.memory_space<vmem>> -> memref<128xi32, #tpu.memory_space<vmem>>
      %dma_start3A_422 = arith.constant 0 : i32
      %dma_start3A_423 = arith.constant 0 : i32
      %dma_start3A_424 = tpu.memref_slice %arg10[%dma_start3A_422, %dma_start3A_423] : memref<10112x128xf32, #tpu.memory_space<vmem_shared>> -> memref<10112x128xf32, #tpu.memory_space<vmem_shared>>
      tpu.enqueue_indirect_dma source(%arg9 : memref<128x128xf32, #tpu.memory_space<vmem>>) target(%dma_start3A_424 : memref<10112x128xf32, #tpu.memory_space<vmem_shared>>) offsets(%dma_start3A_421 : memref<128xi32, #tpu.memory_space<vmem>>) semaphore(%arg14 : memref<!tpu.dma_semaphore, #tpu.memory_space<semaphore_mem>>) {add = true}
      %dma_wait3A_425 = arith.constant 13 : i32
      %dma_wait3A_426 = arith.constant 0 : i32
      %dma_wait3A_427 = tpu.memref_slice %arg7[%dma_wait3A_425, %dma_wait3A_426] : memref<16x128xi32, #tpu.memory_space<vmem>> -> memref<1x128xi32, #tpu.memory_space<vmem>>
      %dma_wait3A_428 = tpu.memref_squeeze %dma_wait3A_427 : memref<1x128xi32, #tpu.memory_space<vmem>> -> memref<128xi32, #tpu.memory_space<vmem>>
      %dma_wait3A_429 = arith.constant 0 : i32
      %dma_wait3A_430 = arith.constant 0 : i32
      %dma_wait3A_431 = tpu.memref_slice %arg10[%dma_wait3A_429, %dma_wait3A_430] : memref<10112x128xf32, #tpu.memory_space<vmem_shared>> -> memref<10112x128xf32, #tpu.memory_space<vmem_shared>>
      tpu.wait_indirect_dma semaphore(%arg14 : memref<!tpu.dma_semaphore, #tpu.memory_space<semaphore_mem>>) src(%arg9 : memref<128x128xf32, #tpu.memory_space<vmem>>) dst(%dma_wait3A_431 : memref<10112x128xf32, #tpu.memory_space<vmem_shared>>)
      %dma_start3A_432 = arith.constant 15 : i32
      %dma_start3A_433 = arith.constant 0 : i32
      %dma_start3A_434 = tpu.memref_slice %arg6[%dma_start3A_432, %dma_start3A_433] : memref<16x128xi32, #tpu.memory_space<vmem>> -> memref<1x128xi32, #tpu.memory_space<vmem>>
      %dma_start3A_435 = tpu.memref_squeeze %dma_start3A_434 : memref<1x128xi32, #tpu.memory_space<vmem>> -> memref<128xi32, #tpu.memory_space<vmem>>
      %dma_start3A_436 = arith.constant 0 : i32
      %dma_start3A_437 = arith.constant 0 : i32
      %dma_start3A_438 = tpu.memref_slice %arg2[%dma_start3A_436, %dma_start3A_437] : memref<10000x128xf32, #tpu.memory_space<hbm>> -> memref<10000x128xf32, #tpu.memory_space<hbm>>
      tpu.enqueue_indirect_dma source(%dma_start3A_438 : memref<10000x128xf32, #tpu.memory_space<hbm>>) target(%arg9 : memref<128x128xf32, #tpu.memory_space<vmem>>) offsets(%dma_start3A_435 : memref<128xi32, #tpu.memory_space<vmem>>) semaphore(%arg12 : memref<!tpu.dma_semaphore, #tpu.memory_space<semaphore_mem>>)
      %dma_wait3A_439 = arith.constant 14 : i32
      %dma_wait3A_440 = arith.constant 0 : i32
      %dma_wait3A_441 = tpu.memref_slice %arg6[%dma_wait3A_439, %dma_wait3A_440] : memref<16x128xi32, #tpu.memory_space<vmem>> -> memref<1x128xi32, #tpu.memory_space<vmem>>
      %dma_wait3A_442 = tpu.memref_squeeze %dma_wait3A_441 : memref<1x128xi32, #tpu.memory_space<vmem>> -> memref<128xi32, #tpu.memory_space<vmem>>
      %dma_wait3A_443 = arith.constant 0 : i32
      %dma_wait3A_444 = arith.constant 0 : i32
      %dma_wait3A_445 = tpu.memref_slice %arg2[%dma_wait3A_443, %dma_wait3A_444] : memref<10000x128xf32, #tpu.memory_space<hbm>> -> memref<10000x128xf32, #tpu.memory_space<hbm>>
      tpu.wait_indirect_dma semaphore(%arg11 : memref<!tpu.dma_semaphore, #tpu.memory_space<semaphore_mem>>) src(%dma_wait3A_445 : memref<10000x128xf32, #tpu.memory_space<hbm>>) dst(%arg8 : memref<128x128xf32, #tpu.memory_space<vmem>>)
      %dma_start3A_446 = arith.constant 14 : i32
      %dma_start3A_447 = arith.constant 0 : i32
      %dma_start3A_448 = tpu.memref_slice %arg7[%dma_start3A_446, %dma_start3A_447] : memref<16x128xi32, #tpu.memory_space<vmem>> -> memref<1x128xi32, #tpu.memory_space<vmem>>
      %dma_start3A_449 = tpu.memref_squeeze %dma_start3A_448 : memref<1x128xi32, #tpu.memory_space<vmem>> -> memref<128xi32, #tpu.memory_space<vmem>>
      %dma_start3A_450 = arith.constant 0 : i32
      %dma_start3A_451 = arith.constant 0 : i32
      %dma_start3A_452 = tpu.memref_slice %arg10[%dma_start3A_450, %dma_start3A_451] : memref<10112x128xf32, #tpu.memory_space<vmem_shared>> -> memref<10112x128xf32, #tpu.memory_space<vmem_shared>>
      tpu.enqueue_indirect_dma source(%arg8 : memref<128x128xf32, #tpu.memory_space<vmem>>) target(%dma_start3A_452 : memref<10112x128xf32, #tpu.memory_space<vmem_shared>>) offsets(%dma_start3A_449 : memref<128xi32, #tpu.memory_space<vmem>>) semaphore(%arg13 : memref<!tpu.dma_semaphore, #tpu.memory_space<semaphore_mem>>) {add = true}
      %dma_wait3A_453 = arith.constant 15 : i32
      %dma_wait3A_454 = arith.constant 0 : i32
      %dma_wait3A_455 = tpu.memref_slice %arg6[%dma_wait3A_453, %dma_wait3A_454] : memref<16x128xi32, #tpu.memory_space<vmem>> -> memref<1x128xi32, #tpu.memory_space<vmem>>
      %dma_wait3A_456 = tpu.memref_squeeze %dma_wait3A_455 : memref<1x128xi32, #tpu.memory_space<vmem>> -> memref<128xi32, #tpu.memory_space<vmem>>
      %dma_wait3A_457 = arith.constant 0 : i32
      %dma_wait3A_458 = arith.constant 0 : i32
      %dma_wait3A_459 = tpu.memref_slice %arg2[%dma_wait3A_457, %dma_wait3A_458] : memref<10000x128xf32, #tpu.memory_space<hbm>> -> memref<10000x128xf32, #tpu.memory_space<hbm>>
      tpu.wait_indirect_dma semaphore(%arg12 : memref<!tpu.dma_semaphore, #tpu.memory_space<semaphore_mem>>) src(%dma_wait3A_459 : memref<10000x128xf32, #tpu.memory_space<hbm>>) dst(%arg9 : memref<128x128xf32, #tpu.memory_space<vmem>>)
      %dma_start3A_460 = arith.constant 15 : i32
      %dma_start3A_461 = arith.constant 0 : i32
      %dma_start3A_462 = tpu.memref_slice %arg7[%dma_start3A_460, %dma_start3A_461] : memref<16x128xi32, #tpu.memory_space<vmem>> -> memref<1x128xi32, #tpu.memory_space<vmem>>
      %dma_start3A_463 = tpu.memref_squeeze %dma_start3A_462 : memref<1x128xi32, #tpu.memory_space<vmem>> -> memref<128xi32, #tpu.memory_space<vmem>>
      %dma_start3A_464 = arith.constant 0 : i32
      %dma_start3A_465 = arith.constant 0 : i32
      %dma_start3A_466 = tpu.memref_slice %arg10[%dma_start3A_464, %dma_start3A_465] : memref<10112x128xf32, #tpu.memory_space<vmem_shared>> -> memref<10112x128xf32, #tpu.memory_space<vmem_shared>>
      tpu.enqueue_indirect_dma source(%arg9 : memref<128x128xf32, #tpu.memory_space<vmem>>) target(%dma_start3A_466 : memref<10112x128xf32, #tpu.memory_space<vmem_shared>>) offsets(%dma_start3A_463 : memref<128xi32, #tpu.memory_space<vmem>>) semaphore(%arg14 : memref<!tpu.dma_semaphore, #tpu.memory_space<semaphore_mem>>) {add = true}
      %dma_wait3A_467 = arith.constant 14 : i32
      %dma_wait3A_468 = arith.constant 0 : i32
      %dma_wait3A_469 = tpu.memref_slice %arg7[%dma_wait3A_467, %dma_wait3A_468] : memref<16x128xi32, #tpu.memory_space<vmem>> -> memref<1x128xi32, #tpu.memory_space<vmem>>
      %dma_wait3A_470 = tpu.memref_squeeze %dma_wait3A_469 : memref<1x128xi32, #tpu.memory_space<vmem>> -> memref<128xi32, #tpu.memory_space<vmem>>
      %dma_wait3A_471 = arith.constant 0 : i32
      %dma_wait3A_472 = arith.constant 0 : i32
      %dma_wait3A_473 = tpu.memref_slice %arg10[%dma_wait3A_471, %dma_wait3A_472] : memref<10112x128xf32, #tpu.memory_space<vmem_shared>> -> memref<10112x128xf32, #tpu.memory_space<vmem_shared>>
      tpu.wait_indirect_dma semaphore(%arg13 : memref<!tpu.dma_semaphore, #tpu.memory_space<semaphore_mem>>) src(%arg8 : memref<128x128xf32, #tpu.memory_space<vmem>>) dst(%dma_wait3A_473 : memref<10112x128xf32, #tpu.memory_space<vmem_shared>>)
      %dma_wait3A_474 = arith.constant 15 : i32
      %dma_wait3A_475 = arith.constant 0 : i32
      %dma_wait3A_476 = tpu.memref_slice %arg7[%dma_wait3A_474, %dma_wait3A_475] : memref<16x128xi32, #tpu.memory_space<vmem>> -> memref<1x128xi32, #tpu.memory_space<vmem>>
      %dma_wait3A_477 = tpu.memref_squeeze %dma_wait3A_476 : memref<1x128xi32, #tpu.memory_space<vmem>> -> memref<128xi32, #tpu.memory_space<vmem>>
      %dma_wait3A_478 = arith.constant 0 : i32
      %dma_wait3A_479 = arith.constant 0 : i32
      %dma_wait3A_480 = tpu.memref_slice %arg10[%dma_wait3A_478, %dma_wait3A_479] : memref<10112x128xf32, #tpu.memory_space<vmem_shared>> -> memref<10112x128xf32, #tpu.memory_space<vmem_shared>>
      tpu.wait_indirect_dma semaphore(%arg14 : memref<!tpu.dma_semaphore, #tpu.memory_space<semaphore_mem>>) src(%arg9 : memref<128x128xf32, #tpu.memory_space<vmem>>) dst(%dma_wait3A_480 : memref<10112x128xf32, #tpu.memory_space<vmem_shared>>)
    }
    %scan3A_24 = arith.constant 5 : i32
    %barrier3A_25 = arith.constant 0 : index
    tpu.barrier barrier_id(%barrier3A_25)
    %mul3A_26 = arith.constant 10112 : i32
    %mul3A_27 = arith.muli %arg0, %mul3A_26 : i32
    %add3A_28 = arith.addi %mul3A_27, %mul3A_10 : i32
    "tpu.region"() ({
      %run_scoped3A = tpu.sem_alloc : memref<!tpu.dma_semaphore, #tpu.memory_space<semaphore_mem>>
      %dma_start3A = arith.constant 0 : i32
      %dma_start3A_29 = tpu.memref_slice %arg5[%add3A_28, %dma_start3A] : memref<20224x128xf32, #tpu.memory_space<hbm>> -> memref<632x128xf32, #tpu.memory_space<hbm>>
      %dma_start3A_30 = arith.constant 0 : i32
      %dma_start3A_31 = tpu.memref_slice %arg10[%mul3A_10, %dma_start3A_30] : memref<10112x128xf32, #tpu.memory_space<vmem_shared>> -> memref<632x128xf32, #tpu.memory_space<vmem_shared>>
      tpu.enqueue_dma source(%dma_start3A_31 : memref<632x128xf32, #tpu.memory_space<vmem_shared>>) target(%dma_start3A_29 : memref<632x128xf32, #tpu.memory_space<hbm>>) target_semaphore(%run_scoped3A : memref<!tpu.dma_semaphore, #tpu.memory_space<semaphore_mem>>)
      %dma_wait3A = arith.constant 0 : i32
      %dma_wait3A_32 = tpu.memref_slice %arg5[%add3A_28, %dma_wait3A] : memref<20224x128xf32, #tpu.memory_space<hbm>> -> memref<632x128xf32, #tpu.memory_space<hbm>>
      %dma_wait3A_33 = arith.constant 0 : i32
      %dma_wait3A_34 = tpu.memref_slice %arg10[%mul3A_10, %dma_wait3A_33] : memref<10112x128xf32, #tpu.memory_space<vmem_shared>> -> memref<632x128xf32, #tpu.memory_space<vmem_shared>>
      tpu.wait_dma2 semaphore(%run_scoped3A : memref<!tpu.dma_semaphore, #tpu.memory_space<semaphore_mem>>) src(%dma_wait3A_34 : memref<632x128xf32, #tpu.memory_space<vmem_shared>>) dst(%dma_wait3A_32 : memref<632x128xf32, #tpu.memory_space<hbm>>)
      tpu.yield
    }) : () -> ()
    return
  }
}

module attributes {stable_mosaic.version = 14 : i64} {
  func.func @_dense_body(%arg0: i32, %arg1: memref<1x1000x128xf32, #tpu.memory_space<vmem>>, %arg2: memref<1x1000x128xf32, #tpu.memory_space<vmem>>, %arg3: memref<1000x1xf32, #tpu.memory_space<vmem>>, %arg4: memref<1000x1xf32, #tpu.memory_space<vmem>>, %arg5: memref<1000x128xf32, #tpu.memory_space<vmem>>, %arg6: memref<128x128xf32, #tpu.memory_space<vmem>>, %arg7: memref<1x128xf32, #tpu.memory_space<vmem>>, %arg8: memref<128x128xf32, #tpu.memory_space<vmem>>, %arg9: memref<1000x128xf32, #tpu.memory_space<vmem>>) attributes {dimension_semantics = [#tpu.dimension_semantics<arbitrary>], iteration_bounds = array<i64: 10>, scalar_prefetch = 0 : i64, scratch_operands = 0 : i64, tpu.core_type = #tpu.core_type<tc>, window_params = [{transform_indices = @transform_0, window_bounds = array<i64: 1, 1000, 128>}, {transform_indices = @transform_1, window_bounds = array<i64: 1, 1000, 128>}, {transform_indices = @transform_2, window_bounds = array<i64: 1000, 1>}, {transform_indices = @transform_3, window_bounds = array<i64: 1000, 1>}, {transform_indices = @transform_4, window_bounds = array<i64: 1000, 128>}, {pipeline_mode = #tpu.pipeline_mode<synchronous>, transform_indices = @transform_5, window_bounds = array<i64: 128, 128>}, {pipeline_mode = #tpu.pipeline_mode<synchronous>, transform_indices = @transform_6, window_bounds = array<i64: 1, 128>}, {pipeline_mode = #tpu.pipeline_mode<synchronous>, transform_indices = @transform_7, window_bounds = array<i64: 128, 128>}, {transform_indices = @transform_8, window_bounds = array<i64: 1000, 128>}]} {
    %get3A = arith.constant 0 : index
    %get3A_0 = arith.constant 0 : index
    %get3A_1 = arith.constant 0 : index
    %get3A_2 = vector.load %arg1[%get3A, %get3A_0, %get3A_1] : memref<1x1000x128xf32, #tpu.memory_space<vmem>>, vector<1x1000x128xf32>
    %get3A_3 = vector.shape_cast %get3A_2 : vector<1x1000x128xf32> to vector<1000x128xf32>
    %get3A_4 = arith.constant 0 : index
    %get3A_5 = arith.constant 0 : index
    %get3A_6 = arith.constant 0 : index
    %get3A_7 = vector.load %arg2[%get3A_4, %get3A_5, %get3A_6] : memref<1x1000x128xf32, #tpu.memory_space<vmem>>, vector<1x1000x128xf32>
    %get3A_8 = vector.shape_cast %get3A_7 : vector<1x1000x128xf32> to vector<1000x128xf32>
    %add3A = arith.addf %get3A_3, %get3A_8 : vector<1000x128xf32>
    %get3A_9 = arith.constant 0 : index
    %get3A_10 = arith.constant 0 : index
    %get3A_11 = vector.load %arg3[%get3A_9, %get3A_10] : memref<1000x1xf32, #tpu.memory_space<vmem>>, vector<1000x1xf32>
    %get3A_12 = arith.constant 0 : index
    %get3A_13 = arith.constant 0 : index
    %get3A_14 = vector.load %arg4[%get3A_12, %get3A_13] : memref<1000x1xf32, #tpu.memory_space<vmem>>, vector<1000x1xf32>
    %add3A_15 = arith.addf %get3A_11, %get3A_14 : vector<1000x1xf32>
    %max3A = arith.constant 1.000000e+00 : f32
    %max3A_16 = vector.broadcast %max3A : f32 to vector<1000x1xf32>
    %max3A_17 = arith.maximumf %add3A_15, %max3A_16 : vector<1000x1xf32>
    %div3A = vector.broadcast %max3A_17 : vector<1000x1xf32> to vector<1000x128xf32>
    %div3A_18 = arith.divf %add3A, %div3A : vector<1000x128xf32>
    %get3A_19 = arith.constant 0 : index
    %get3A_20 = arith.constant 0 : index
    %get3A_21 = vector.load %arg6[%get3A_19, %get3A_20] : memref<128x128xf32, #tpu.memory_space<vmem>>, vector<128x128xf32>
    %dot_general3A = arith.constant dense<0.000000e+00> : vector<1000x128xf32>
    %dot_general3A_22 = tpu.matmul %div3A_18, %get3A_21, %dot_general3A {dimension_numbers = #tpu.dot_dimension_numbers<[1], [0], [0], [1], [0, 0, 1, 1], [], []>, transpose_lhs_hint = false} : vector<1000x128xf32>, vector<128x128xf32>, vector<1000x128xf32> -> vector<1000x128xf32>
    %get3A_23 = arith.constant 0 : index
    %get3A_24 = arith.constant 0 : index
    %get3A_25 = vector.load %arg7[%get3A_23, %get3A_24] : memref<1x128xf32, #tpu.memory_space<vmem>>, vector<1x128xf32>
    %add3A_26 = vector.broadcast %get3A_25 : vector<1x128xf32> to vector<1000x128xf32>
    %add3A_27 = arith.addf %dot_general3A_22, %add3A_26 : vector<1000x128xf32>
    %get3A_28 = arith.constant 0 : index
    %get3A_29 = arith.constant 0 : index
    %get3A_30 = vector.load %arg5[%get3A_28, %get3A_29] : memref<1000x128xf32, #tpu.memory_space<vmem>>, vector<1000x128xf32>
    %get3A_31 = arith.constant 0 : index
    %get3A_32 = arith.constant 0 : index
    %get3A_33 = vector.load %arg8[%get3A_31, %get3A_32] : memref<128x128xf32, #tpu.memory_space<vmem>>, vector<128x128xf32>
    %dot_general3A_34 = arith.constant dense<0.000000e+00> : vector<1000x128xf32>
    %dot_general3A_35 = tpu.matmul %get3A_30, %get3A_33, %dot_general3A_34 {dimension_numbers = #tpu.dot_dimension_numbers<[1], [0], [0], [1], [0, 0, 1, 1], [], []>, transpose_lhs_hint = false} : vector<1000x128xf32>, vector<128x128xf32>, vector<1000x128xf32> -> vector<1000x128xf32>
    %add3A_36 = arith.addf %add3A_27, %dot_general3A_35 : vector<1000x128xf32>
    %mul3A = arith.mulf %add3A_36, %add3A_36 : vector<1000x128xf32>
    %reduce_sum3A = arith.constant dense<0.000000e+00> : vector<1000xf32>
    %reduce_sum3A_37 = vector.multi_reduction <add>, %mul3A, %reduce_sum3A [1] : vector<1000x128xf32> to vector<1000xf32>
    %broadcast_in_dim3A = vector.shape_cast %reduce_sum3A_37 : vector<1000xf32> to vector<1000x1xf32>
    %sqrt3A = math.sqrt %broadcast_in_dim3A : vector<1000x1xf32>
    %max3A_38 = arith.constant 9.99999996E-13 : f32
    %max3A_39 = vector.broadcast %max3A_38 : f32 to vector<1000x1xf32>
    %max3A_40 = arith.maximumf %sqrt3A, %max3A_39 : vector<1000x1xf32>
    %div3A_41 = vector.broadcast %max3A_40 : vector<1000x1xf32> to vector<1000x128xf32>
    %div3A_42 = arith.divf %add3A_36, %div3A_41 : vector<1000x128xf32>
    %swap3A = arith.constant 0 : index
    %swap3A_43 = arith.constant 0 : index
    %swap3A_44 = vector.load %arg9[%swap3A, %swap3A_43] : memref<1000x128xf32, #tpu.memory_space<vmem>>, vector<1000x128xf32>
    tpu.vector_store %arg9[%swap3A, %swap3A_43], %div3A_42 {strides = array<i32>} : memref<1000x128xf32, #tpu.memory_space<vmem>>, vector<1000x128xf32>,
    return
  }
  func.func @transform_0(%arg0: i32) -> (i32, i32, i32) {
    %c0_i32 = arith.constant 0 : i32
    %c0_i32_0 = arith.constant 0 : i32
    %c0_i32_1 = arith.constant 0 : i32
    return %c0_i32, %arg0, %c0_i32_0 : i32, i32, i32
  }
  func.func @transform_1(%arg0: i32) -> (i32, i32, i32) {
    %c1_i32 = arith.constant 1 : i32
    %c0_i32 = arith.constant 0 : i32
    %c0_i32_0 = arith.constant 0 : i32
    return %c1_i32, %arg0, %c0_i32 : i32, i32, i32
  }
  func.func @transform_2(%arg0: i32) -> (i32, i32) {
    %c0_i32 = arith.constant 0 : i32
    %c0_i32_0 = arith.constant 0 : i32
    return %arg0, %c0_i32 : i32, i32
  }
  func.func @transform_3(%arg0: i32) -> (i32, i32) {
    %c0_i32 = arith.constant 0 : i32
    %c0_i32_0 = arith.constant 0 : i32
    return %arg0, %c0_i32 : i32, i32
  }
  func.func @transform_4(%arg0: i32) -> (i32, i32) {
    %c0_i32 = arith.constant 0 : i32
    %c0_i32_0 = arith.constant 0 : i32
    return %arg0, %c0_i32 : i32, i32
  }
  func.func @transform_5(%arg0: i32) -> (i32, i32) {
    %c0_i32 = arith.constant 0 : i32
    %c0_i32_0 = arith.constant 0 : i32
    %c0_i32_1 = arith.constant 0 : i32
    return %c0_i32, %c0_i32_0 : i32, i32
  }
  func.func @transform_6(%arg0: i32) -> (i32, i32) {
    %c0_i32 = arith.constant 0 : i32
    %c0_i32_0 = arith.constant 0 : i32
    %c0_i32_1 = arith.constant 0 : i32
    return %c0_i32, %c0_i32_0 : i32, i32
  }
  func.func @transform_7(%arg0: i32) -> (i32, i32) {
    %c0_i32 = arith.constant 0 : i32
    %c0_i32_0 = arith.constant 0 : i32
    %c0_i32_1 = arith.constant 0 : i32
    return %c0_i32, %c0_i32_0 : i32, i32
  }
  func.func @transform_8(%arg0: i32) -> (i32, i32) {
    %c0_i32 = arith.constant 0 : i32
    %c0_i32_0 = arith.constant 0 : i32
    return %arg0, %c0_i32 : i32, i32
  }
}

module attributes {stable_mosaic.version = 14 : i64} {
  func.func @_dense_body(%arg0: i32, %arg1: memref<1x1000x128xf32, #tpu.memory_space<vmem>>, %arg2: memref<1x1000x128xf32, #tpu.memory_space<vmem>>, %arg3: memref<1000x1xf32, #tpu.memory_space<vmem>>, %arg4: memref<1000x1xf32, #tpu.memory_space<vmem>>, %arg5: memref<1000x128xf32, #tpu.memory_space<vmem>>, %arg6: memref<128x128xf32, #tpu.memory_space<vmem>>, %arg7: memref<1x128xf32, #tpu.memory_space<vmem>>, %arg8: memref<128x128xf32, #tpu.memory_space<vmem>>, %arg9: memref<1000x128xf32, #tpu.memory_space<vmem>>) attributes {dimension_semantics = [#tpu.dimension_semantics<arbitrary>], iteration_bounds = array<i64: 10>, scalar_prefetch = 0 : i64, scratch_operands = 0 : i64, tpu.core_type = #tpu.core_type<tc>, window_params = [{transform_indices = @transform_0, window_bounds = array<i64: 1, 1000, 128>}, {transform_indices = @transform_1, window_bounds = array<i64: 1, 1000, 128>}, {transform_indices = @transform_2, window_bounds = array<i64: 1000, 1>}, {transform_indices = @transform_3, window_bounds = array<i64: 1000, 1>}, {transform_indices = @transform_4, window_bounds = array<i64: 1000, 128>}, {pipeline_mode = #tpu.pipeline_mode<synchronous>, transform_indices = @transform_5, window_bounds = array<i64: 128, 128>}, {pipeline_mode = #tpu.pipeline_mode<synchronous>, transform_indices = @transform_6, window_bounds = array<i64: 1, 128>}, {pipeline_mode = #tpu.pipeline_mode<synchronous>, transform_indices = @transform_7, window_bounds = array<i64: 128, 128>}, {transform_indices = @transform_8, window_bounds = array<i64: 1000, 128>}]} {
    %get3A = arith.constant 0 : index
    %get3A_0 = arith.constant 0 : index
    %get3A_1 = arith.constant 0 : index
    %get3A_2 = vector.load %arg1[%get3A, %get3A_0, %get3A_1] : memref<1x1000x128xf32, #tpu.memory_space<vmem>>, vector<1x1000x128xf32>
    %get3A_3 = vector.shape_cast %get3A_2 : vector<1x1000x128xf32> to vector<1000x128xf32>
    %get3A_4 = arith.constant 0 : index
    %get3A_5 = arith.constant 0 : index
    %get3A_6 = arith.constant 0 : index
    %get3A_7 = vector.load %arg2[%get3A_4, %get3A_5, %get3A_6] : memref<1x1000x128xf32, #tpu.memory_space<vmem>>, vector<1x1000x128xf32>
    %get3A_8 = vector.shape_cast %get3A_7 : vector<1x1000x128xf32> to vector<1000x128xf32>
    %add3A = arith.addf %get3A_3, %get3A_8 : vector<1000x128xf32>
    %get3A_9 = arith.constant 0 : index
    %get3A_10 = arith.constant 0 : index
    %get3A_11 = vector.load %arg3[%get3A_9, %get3A_10] : memref<1000x1xf32, #tpu.memory_space<vmem>>, vector<1000x1xf32>
    %get3A_12 = arith.constant 0 : index
    %get3A_13 = arith.constant 0 : index
    %get3A_14 = vector.load %arg4[%get3A_12, %get3A_13] : memref<1000x1xf32, #tpu.memory_space<vmem>>, vector<1000x1xf32>
    %add3A_15 = arith.addf %get3A_11, %get3A_14 : vector<1000x1xf32>
    %max3A = arith.constant 1.000000e+00 : f32
    %max3A_16 = vector.broadcast %max3A : f32 to vector<1000x1xf32>
    %max3A_17 = arith.maximumf %add3A_15, %max3A_16 : vector<1000x1xf32>
    %div3A = vector.broadcast %max3A_17 : vector<1000x1xf32> to vector<1000x128xf32>
    %div3A_18 = arith.divf %add3A, %div3A : vector<1000x128xf32>
    %get3A_19 = arith.constant 0 : index
    %get3A_20 = arith.constant 0 : index
    %get3A_21 = vector.load %arg6[%get3A_19, %get3A_20] : memref<128x128xf32, #tpu.memory_space<vmem>>, vector<128x128xf32>
    %dot_general3A = arith.constant dense<0.000000e+00> : vector<1000x128xf32>
    %dot_general3A_22 = tpu.matmul %div3A_18, %get3A_21, %dot_general3A {dimension_numbers = #tpu.dot_dimension_numbers<[1], [0], [0], [1], [0, 0, 1, 1], [], []>, transpose_lhs_hint = false} : vector<1000x128xf32>, vector<128x128xf32>, vector<1000x128xf32> -> vector<1000x128xf32>
    %get3A_23 = arith.constant 0 : index
    %get3A_24 = arith.constant 0 : index
    %get3A_25 = vector.load %arg7[%get3A_23, %get3A_24] : memref<1x128xf32, #tpu.memory_space<vmem>>, vector<1x128xf32>
    %add3A_26 = vector.broadcast %get3A_25 : vector<1x128xf32> to vector<1000x128xf32>
    %add3A_27 = arith.addf %dot_general3A_22, %add3A_26 : vector<1000x128xf32>
    %get3A_28 = arith.constant 0 : index
    %get3A_29 = arith.constant 0 : index
    %get3A_30 = vector.load %arg5[%get3A_28, %get3A_29] : memref<1000x128xf32, #tpu.memory_space<vmem>>, vector<1000x128xf32>
    %get3A_31 = arith.constant 0 : index
    %get3A_32 = arith.constant 0 : index
    %get3A_33 = vector.load %arg8[%get3A_31, %get3A_32] : memref<128x128xf32, #tpu.memory_space<vmem>>, vector<128x128xf32>
    %dot_general3A_34 = arith.constant dense<0.000000e+00> : vector<1000x128xf32>
    %dot_general3A_35 = tpu.matmul %get3A_30, %get3A_33, %dot_general3A_34 {dimension_numbers = #tpu.dot_dimension_numbers<[1], [0], [0], [1], [0, 0, 1, 1], [], []>, transpose_lhs_hint = false} : vector<1000x128xf32>, vector<128x128xf32>, vector<1000x128xf32> -> vector<1000x128xf32>
    %add3A_36 = arith.addf %add3A_27, %dot_general3A_35 : vector<1000x128xf32>
    %mul3A = arith.mulf %add3A_36, %add3A_36 : vector<1000x128xf32>
    %reduce_sum3A = arith.constant dense<0.000000e+00> : vector<1000xf32>
    %reduce_sum3A_37 = vector.multi_reduction <add>, %mul3A, %reduce_sum3A [1] : vector<1000x128xf32> to vector<1000xf32>
    %broadcast_in_dim3A = vector.shape_cast %reduce_sum3A_37 : vector<1000xf32> to vector<1000x1xf32>
    %sqrt3A = math.sqrt %broadcast_in_dim3A : vector<1000x1xf32>
    %max3A_38 = arith.constant 9.99999996E-13 : f32
    %max3A_39 = vector.broadcast %max3A_38 : f32 to vector<1000x1xf32>
    %max3A_40 = arith.maximumf %sqrt3A, %max3A_39 : vector<1000x1xf32>
    %div3A_41 = vector.broadcast %max3A_40 : vector<1000x1xf32> to vector<1000x128xf32>
    %div3A_42 = arith.divf %add3A_36, %div3A_41 : vector<1000x128xf32>
    %swap3A = arith.constant 0 : index
    %swap3A_43 = arith.constant 0 : index
    %swap3A_44 = vector.load %arg9[%swap3A, %swap3A_43] : memref<1000x128xf32, #tpu.memory_space<vmem>>, vector<1000x128xf32>
    tpu.vector_store %arg9[%swap3A, %swap3A_43], %div3A_42 {strides = array<i32>} : memref<1000x128xf32, #tpu.memory_space<vmem>>, vector<1000x128xf32>,
    return
  }
  func.func @transform_0(%arg0: i32) -> (i32, i32, i32) {
    %c0_i32 = arith.constant 0 : i32
    %c0_i32_0 = arith.constant 0 : i32
    %c0_i32_1 = arith.constant 0 : i32
    return %c0_i32, %arg0, %c0_i32_0 : i32, i32, i32
  }
  func.func @transform_1(%arg0: i32) -> (i32, i32, i32) {
    %c1_i32 = arith.constant 1 : i32
    %c0_i32 = arith.constant 0 : i32
    %c0_i32_0 = arith.constant 0 : i32
    return %c1_i32, %arg0, %c0_i32 : i32, i32, i32
  }
  func.func @transform_2(%arg0: i32) -> (i32, i32) {
    %c0_i32 = arith.constant 0 : i32
    %c0_i32_0 = arith.constant 0 : i32
    return %arg0, %c0_i32 : i32, i32
  }
  func.func @transform_3(%arg0: i32) -> (i32, i32) {
    %c0_i32 = arith.constant 0 : i32
    %c0_i32_0 = arith.constant 0 : i32
    return %arg0, %c0_i32 : i32, i32
  }
  func.func @transform_4(%arg0: i32) -> (i32, i32) {
    %c0_i32 = arith.constant 0 : i32
    %c0_i32_0 = arith.constant 0 : i32
    return %arg0, %c0_i32 : i32, i32
  }
  func.func @transform_5(%arg0: i32) -> (i32, i32) {
    %c0_i32 = arith.constant 0 : i32
    %c0_i32_0 = arith.constant 0 : i32
    %c0_i32_1 = arith.constant 0 : i32
    return %c0_i32, %c0_i32_0 : i32, i32
  }
  func.func @transform_6(%arg0: i32) -> (i32, i32) {
    %c0_i32 = arith.constant 0 : i32
    %c0_i32_0 = arith.constant 0 : i32
    %c0_i32_1 = arith.constant 0 : i32
    return %c0_i32, %c0_i32_0 : i32, i32
  }
  func.func @transform_7(%arg0: i32) -> (i32, i32) {
    %c0_i32 = arith.constant 0 : i32
    %c0_i32_0 = arith.constant 0 : i32
    %c0_i32_1 = arith.constant 0 : i32
    return %c0_i32, %c0_i32_0 : i32, i32
  }
  func.func @transform_8(%arg0: i32) -> (i32, i32) {
    %c0_i32 = arith.constant 0 : i32
    %c0_i32_0 = arith.constant 0 : i32
    return %arg0, %c0_i32 : i32, i32
  }
}

</mosaic_0001>

<sc_bundles>
// kernel: kernel.6.cloned.1.call-start
scs
__scs_entry_jumppad:
0x0: {  	(pc) =	sbr.rel $0x88, $3  }
0x1: {  	(tag) =	ssettag $0x0;
	lr =	simm.s32 $0x1  }
0x2: {  	[smem:$0x3F99] =	sst lr;
	_ =	strace $0xD0000000  }
0x3: {  	_ = 	snop  }
0x4: {  	_ = 	snop  }
0x5: {  	_ = 	snop  }
0x6: {  	_ = 	snop  }
0x7: {  	_ = 	snop  }
__scs_overlays_trampoline_lowered:
0x8: {  	[smem:$0x3FA8] =	sst s0  }
0x9: {  	[smem:$0x3FA9] =	sst s1  }
0xa: {  	[smem:$0x3FAA] =	sst s2  }
0xb: {  	[smem:$0x3FAB] =	sst s3  }
0xc: {  	[smem:$0x3FAC] =	sst s4  }
0xd: {  	[smem:$0x3FAD] =	sst s5  }
0xe: {  	[smem:$0x3FAE] =	sst s6  }
0xf: {  	[smem:$0x3FAF] =	sst s7  }
0x10: {  	[smem:$0x3FB0] =	sst s8  }
0x11: {  	[smem:$0x3FB1] =	sst s9;
	s0 =	simm.s32 @!p0 $0x0  }
0x12: {  	s1 =	sld [smem:$0x3F97];
	s0 =	simm.s32 @p0 $0x1  }
0x13: {  	[smem:$0x3FB2] =	sst s0;
	s0 =	simm.s32 @!p1 $0x0  }
0x14: {  	s2 =	sld [smem:$0x3F96];
	s0 =	simm.s32 @p1 $0x1  }
0x15: {  	[smem:$0x3FB3] =	sst s0;
	s0 =	simm.s32 @!p2 $0x0  }
0x16: {  	s3 =	sld [smem:$0x3FDB];
	s0 =	simm.s32 @p2 $0x1  }
0x17: {  	s4 =	simm.s32 $0x1BF5;
	[smem:$0x3FB5] =	sst s0  }
0x18: {  	s0 =	sld [smem:$0x3F98];
	_ =	swait.ge [sflag:s4], $0x0  }
0x19: {  	s7 =	sld [smem:$0x3F99]  }
0x1a: {  	s8 =	sadd.s32 $0xFFFFE003, lr  }
0x1b: {  	s9 =	sadd.s32 $0xFFFFFEF7, lr;
	s5 =	simm.s32 $0xFFFFFFFF;
	p2 =	slt.u32 s8, $0xFFFFF086  }
0x1c: {  	p1 =	slt.u32 s9, $0xF7A;
	s5 =	simm.s32 @!p2 $0x0  }
0x1d: {  	s5 =	simm.s32 @p1 $0x1;
	p0 =	seq.s32 s7, s2  }
0x1e: {  	s7 =	smul.u32 @!p0 $0xF7A, s2;
	p2 =	seq.s32 @!p0 s5, $0x0  }
0x1f: {  	s9 =	smul.u32 $0xF7A, s1;
	s8 =	simm.s32 @!p0 $0x1BF5;
	p2 =	por !p2, p0  }
0x20: {  	[sflag:s8] =	ssyncset.s32 @!p0 $0xFFFFF086;
	s6 =	sadd.s32 @!p0 s3, s7;
	s7 =	simm.s32 @!p0 $0x108  }
0x21: {  	s3 =	sadd.s32 s3, s9;
	s6 =	sadd.s32 @!p0 $0x88, s6;
	s7 =	simm.s32 @p2 $0x1082  }
0x22: {  	[simem:s7], [sflag:s8] =	dma.local @!p0 [hbm:s6], $0xF7A  }
0x23: {  	s9 =	sor.u32 $0xD0000000, s2;
	s6 =	simm.s32 $0x108;
	_ =	swait.ge @!p0 [sflag:s8], $0x0  }
0x24: {  	s3 =	sadd.s32 $0x88, s3;
	s6 =	simm.s32 @!p1 $0x1082;
	[sflag:s4] =	ssyncset.s32 $0xFFFFF086  }
0x25: {  	[simem:s6], [sflag:s4] =	dma.local [hbm:s3], $0xF7A  }
0x26: {  	[smem:$0x3F99] =	sst s1;
	(tag) =	ssettag s2;
	_ =	strace s9  }
0x27: {  	s1 =	sld [smem:$0x3FA9]  }
0x28: {  	s2 =	sld [smem:$0x3FAA]  }
0x29: {  	s4 =	sld [smem:$0x3FAC]  }
0x2a: {  	p0 =	seq.s32 s5, $0x0;
	s5 =	sld [smem:$0x3FAD]  }
0x2b: {  	s6 =	sld [smem:$0x3FAE]  }
0x2c: {  	s7 =	sld [smem:$0x3FAF]  }
0x2d: {  	s3 =	simm.s32 $0x108;
	s8 =	sld [smem:$0x3FB0]  }
0x2e: {  	s3 =	simm.s32 @!p0 $0x1082;
	s9 =	sld [smem:$0x3FB1]  }
0x2f: {  	lr =	sadd.s32 s0, s3;
	s0 =	sld [smem:$0x3FA8]  }
0x30: {  	s3 =	sld [smem:$0x3FAB]  }
0x31: {  	[smem:$0x3FB4] =	sst s10  }
0x32: {  	s10 =	sld [smem:$0x3FB2];
	_ =	sdelay $0x3  }
0x33: {  	p0 =	seq.s32 s10, $0x1;
	s10 =	sld [smem:$0x3FB4];
	_ =	sdelay $0x3  }
0x34: {  	[smem:$0x3FB4] =	sst s10  }
0x35: {  	s10 =	sld [smem:$0x3FB3];
	_ =	sdelay $0x3  }
0x36: {  	p1 =	seq.s32 s10, $0x1;
	s10 =	sld [smem:$0x3FB4];
	_ =	sdelay $0x3  }
0x37: {  	[smem:$0x3FB4] =	sst s10  }
0x38: {  	s10 =	sld [smem:$0x3FB5]  }
0x39: {  	_ = 	snop;
	(pc) =	sbr.ind lr, $3  }
0x3a: {  	_ = 	snop  }
0x3b: {  	_ = 	snop  }
0x3c: {  	p2 =	seq.s32 s10, $0x1;
	s10 =	sld [smem:$0x3FB4]  }
0x3d: {  	_ =	shalt  }
0x3e: {  	_ =	shalt  }
0x3f: {  	_ =	shalt  }
0x40: {  	_ =	shalt  }
0x41: {  	_ =	shalt  }
0x42: {  	_ =	shalt  }
0x43: {  	_ =	shalt  }
0x44: {  	_ =	shalt  }
0x45: {  	_ =	shalt  }
0x46: {  	_ =	shalt  }
0x47: {  	_ =	shalt  }
0x48: {  	_ =	shalt  }
0x49: {  	_ =	shalt  }
0x4a: {  	_ =	shalt  }
0x4b: {  	_ =	shalt  }
0x4c: {  	_ =	shalt  }
0x4d: {  	_ =	shalt  }
0x4e: {  	_ =	shalt  }
0x4f: {  	_ =	shalt  }
0x50: {  	_ =	shalt  }
0x51: {  	_ =	shalt  }
0x52: {  	_ =	shalt  }
0x53: {  	_ =	shalt  }
0x54: {  	_ =	shalt  }
0x55: {  	_ =	shalt  }
0x56: {  	_ =	shalt  }
0x57: {  	_ =	shalt  }
0x58: {  	_ =	shalt  }
0x59: {  	_ =	shalt  }
0x5a: {  	_ =	shalt  }
0x5b: {  	_ =	shalt  }
0x5c: {  	_ =	shalt  }
0x5d: {  	_ =	shalt  }
0x5e: {  	_ =	shalt  }
0x5f: {  	_ =	shalt  }
0x60: {  	_ =	shalt  }
0x61: {  	_ =	shalt  }
0x62: {  	_ =	shalt  }
0x63: {  	_ =	shalt  }
0x64: {  	_ =	shalt  }
0x65: {  	_ =	shalt  }
0x66: {  	_ =	shalt  }
0x67: {  	_ =	shalt  }
0x68: {  	_ =	shalt  }
0x69: {  	_ =	shalt  }
0x6a: {  	_ =	shalt  }
0x6b: {  	_ =	shalt  }
0x6c: {  	_ =	shalt  }
0x6d: {  	_ =	shalt  }
0x6e: {  	_ =	shalt  }
0x6f: {  	_ =	shalt  }
0x70: {  	_ =	shalt  }
0x71: {  	_ =	shalt  }
0x72: {  	_ =	shalt  }
0x73: {  	_ =	shalt  }
0x74: {  	_ =	shalt  }
0x75: {  	_ =	shalt  }
0x76: {  	_ =	shalt  }
0x77: {  	_ =	shalt  }
0x78: {  	_ =	shalt  }
0x79: {  	_ =	shalt  }
0x7a: {  	_ =	shalt  }
0x7b: {  	_ =	shalt  }
0x7c: {  	_ =	shalt  }
0x7d: {  	_ =	shalt  }
0x7e: {  	_ =	shalt  }
0x7f: {  	_ =	shalt  }
0x80: {  	_ =	shalt  }
0x81: {  	_ =	shalt  }
0x82: {  	_ =	shalt  }
0x83: {  	_ =	shalt  }
0x84: {  	_ =	shalt  }
0x85: {  	_ =	shalt  }
0x86: {  	_ =	shalt  }
0x87: {  	_ =	shalt  }
.Lfunc_end0:
.L_simem_size_0:
called_computation_lowered:
.L_overlay_start_0:
0x88: {  	s2 =	sld [smem:$0x3FD9]  }
0x89: {  	s3 =	sld [smem:$0x3FFE];
	_ =	sdelay $0x1  }
0x8a: {  	s1 =	srdreg.scid  }
0x8b: {  	s0 =	sand.u32 $0x1, s1  }
0x8c: {  	s17 =	sshll.u32 s0, $0xA;
	s2 =	sadd.s32 s3, s2  }
0x8d: {  	s2 =	sadd.s32 s2, s17  }
0x8e: {  	[smem:$0x3FC0] =	sst s2  }
0x8f: {  	_ = 	snop  }
0x90: {  	s2 =	sld [smem:$0x3FC9]  }
0x91: {  	s18 =	sld [smem:$0x3FD0];
	(tm) =	ssettm $0x1  }
0x92: {  	s4 =	sld [smem:$0x3FFB];
	_ =	sdelay $0x3  }
0x93: {  	_ =	strace s4  }
0x94: {  	s4 =	sld [smem:$0x3FFC];
	_ =	sdelay $0x3  }
0x95: {  	_ =	strace s4  }
0x96: {  	s4 =	sld [smem:$0x3FFD];
	_ =	sdelay $0x3  }
0x97: {  	_ =	strace s4  }
0x98: {  	_ =	strace $0x8FFFFFFF  }
0x99: {  	s19 =	sld [smem:$0x3FDB];
	_ =	sdelay $0x1  }
0x9a: {  	s5 =	simm.s32 $_scs_section_size  }
0x9b: {  	s6 =	simm.s32 $_size__tile_overlayer_lowered;
	s7 =	simm.s32 $_tile_overlayer_lowered  }
0x9c: {  	s22 =	simm.s32 $0x1BFF;
	s21 =	sshll.u32 s7, $0x1;
	s4 =	sadd.s32 s5, s19  }
0x9d: {  	s8 =	simm.s32 $0x0;
	s20 =	sshll.u32 s6, $0x1;
	s6 =	sadd.s32 s21, s4  }
0x9e: {  	[timem:s8], [sflag:s22] =	dma.local [hbm:s6], s20  }
0x9f: {  	_ =	swait.ge [sflag:s22], s20  }
0xa0: {  	s5 =	ssub.s32 $0x0, s20;
	[sflag:s22] =	ssyncset.done $0x0  }
0xa1: {  	[sflag:s22] =	ssyncadd.s32 s5;
	_ =	sdelay $0x1  }
0xa2: {  	s23 =	simm.s32 $0x1B8B  }
0xa3: {  	_ =	swait.ge [sflag:s23], $0x1  }
0xa4: {  	[sflag:s23] =	ssyncset.done $0x0  }
0xa5: {  	s25 =	simm.s32 $0x1B8E;
	s24 =	sld [smem:$0x3FFE];
	[sflag:s23] =	ssyncadd.s32 $0xFFFFFFFF  }
0xa6: {  	s26 =	simm.s32 $execute0_lowered;
	[smem:$0x3FD2] =	sst s25  }
0xa7: {  	s6 =	sshll.u32 s26, $0x1;
	_ =	strace $0x80000046;
	[dreg:$0x1] =	wrdreg $0xFFFFFFFF  }
0xa8: {  	s28 =	simm.s32 $_size_execute0_lowered;
	s4 =	sadd.s32 s4, s6;
	[dreg:$0x0] =	wrdreg $0x0  }
0xa9: {  	s6 =	sshll.u32 s28, $0x1;
	[dreg:$0x2] =	wrdreg s4  }
0xaa: {  	[dreg:$0x3] =	wrdreg s6  }
0xab: {  	[dreg:$0x4] =	wrdreg $0xC0  }
0xac: {  	_ =	task [dreg:s8], $0x5FFFF  }
0xad: {  	[dreg:$0x1] =	wrdreg $0xFFFFFFFF  }
0xae: {  	[dreg:$0x0] =	wrdreg $0x60  }
0xaf: {  	[dreg:$0x2] =	wrdreg s2  }
0xb0: {  	[dreg:$0x3] =	wrdreg s24  }
0xb1: {  	[dreg:$0x4] =	wrdreg s18  }
0xb2: {  	[dreg:$0x5] =	wrdreg $0x88000  }
0xb3: {  	[dreg:$0x6] =	wrdreg $0x1EC800  }
0xb4: {  	[dreg:$0x7] =	wrdreg $0x9  }
0xb5: {  	_ =	task.clear_ibuf [dreg:s8], $0x8FFFF;
	_ =	strace $0x90000046  }
0xb6: {  	s29 =	simm.s32 $0x9;
	_ =	strace $0x80000048  }
0xb7: {  	_ =	swait.ge [sflag:s29], $0x1  }
0xb8: {  	[sflag:s29] =	ssyncadd.s32 $0xFFFFFFFF  }
0xb9: {  	_ =	strace $0x90000048  }
0xba: {  	_ =	sfence  }
0xbb: {  	s30 =	sld [smem:$0x0];
	_ =	sdelay $0x2  }
0xbc: {  	s31 =	sshll.u32 s1, $0xD;
	s1 =	sshrl.u32 s1, $0x2  }
0xbd: {  	s3 =	sand.u32 $0x4000, s31;
	s1 =	sadd.s32 s1, s30  }
0xbe: {  	s0 =	sor.u32 s3, s0;
	s1 =	sshll.u32 s1, $0x11  }
0xbf: {  	s0 =	sor.u32 s1, s0  }
0xc0: {  	s0 =	sadd.s32 $0x8F2B, s0  }
0xc1: {  	[sflag:s0] =	ssyncadd.remote.s32 $0x1  }
0xc2: {  	_ =	sfence.sel $0xFFFF  }
0xc3: {  	[dreg:$0x0] =	wrdreg $0xFFFFFFFF;
	(pc) =	sbr.abs _section_cstart, $3  }
0xc4: {  	[dreg:$0x1] =	wrdreg $0xFFFFFFFF  }
0xc5: {  	_ =	task.clear_ibuf [dreg:s8], $0x2FFFF;
	_ =	strace $0x9FFFFFFF  }
0xc6: {  	(tm) =	ssettm $0x7FFFFFFF  }
0xc7: {  	_ =	shalt  }
tec
execute0_lowered:
.L_overlay_start_1:
0x0: {  	(tag) =	ssettag $0x1  }
0x1: {  	s0 =	rddreg [dreg:$0x0]  }
0x2: {  	s1 =	rddreg [dreg:$0x1]  }
0x3: {  	s2 =	rddreg [dreg:$0x2]  }
0x4: {  	s4 =	srdreg.scid;
	s11 =	stileid.u32  }
0x5: {  	s3 =	rddreg [dreg:$0x3];
	s7 =	smul.u32 $0x2780, s11  }
0x6: {  	s5 =	simm.s32 $0x0;
	s28 =	simm.s32 $0x180;
	s9 =	smul.u32 $0x4F000, s11  }
0x7: {  	s29 =	simm.s32 $0x500;
	s4 =	sand.u32 $0x1, s4;
	s11 =	smul.u32 $0x500, s11  }
0x8: {  	s30 =	simm.s32 $0x200;
	[smem:$0x7FF] =	sst s5;
	s6 =	smul.u32 $0x5000, s4  }
0x9: {  	s31 =	simm.s32 $0x580;
	s8 =	smul.u32 $0x27800, s4;
	_ =	strace $0x80000047  }
0xa: {  	s15 =	ssub.s32 $0x2, s4;
	s4 =	smul.u32 $0x500, s4;
	s16 =	sshrl.u32 s9, $0x2  }
0xb: {  	s17 =	sshrl.u32 s15, $0x1;
	s9 =	simm.s32 $0x380;
	s10 =	sadd.s32 s6, s1  }
0xc: {  	s7 =	sadd.s32 s7, s8;
	s6 =	sadd.s32 s16, s3;
	s18 =	ssub.s32 s15, s17  }
0xd: {  	s20 =	sadd.s32 s2, s4;
	s15 =	simm.s32 $0x800;
	s16 =	simm.s32 $0x5  }
0xe: {  	s17 =	simm.s32 $0x400;
	s2 =	simm.s32 $0x280;
	s8 =	simm.s32 $0x680  }
0xf: {  	s1 =	sadd.s32 s7, s1;
	s19 =	sadd.s32 $0x10000, s6;
	[dreg:$0xa] =	wrdreg s20  }
0x10: {  	s21 =	sadd.s32 s11, s10;
	s22 =	smax.u32 s18, $0x1;
	s23 =	sadd.s32 $0x4000, s6  }
0x11: {  	s25 =	sadd.s32 $0x8000, s6;
	[dreg:$0x7] =	wrdreg s6;
	s26 =	sadd.s32 $0xC000, s6  }
0x12: {  	v0 =	vlaneseq.u32;
	s18 =	simm.s32 $0x80;
	s20 =	simm.s32 $0x1;
	[dreg:$0x8] =	wrdreg s19  }
0x13: {  	v1 =	vimm.f32 $0.0e+00;
	v6 =	vimm.f32 $1.000000000e+00;
	vm0 =	vcmask $0x704;
	s7 =	simm.s32 $0x300;
	s10 =	simm.s32 $0x700;
	[dreg:$0xb] =	wrdreg s22  }
0x14: {  	vm1 =	vcmask $0xB08;
	vm2 =	vcmask $0xF0C;
	vm3 =	vcmask $0x1310;
	s11 =	simm.s32 $0x780;
	s6 =	simm.s32 $0x0;
	[dreg:$0xc] =	wrdreg s23  }
0x15: {  	vm4 =	vcmask $0x1714;
	vm5 =	vcmask $0x1B18;
	vm6 =	vcmask $0x1F1C;
	s1 =	sadd.s32 $0x16000, s1;
	s24 =	sadd.s32 $0xC000, s21;
	[dreg:$0xd] =	wrdreg s25  }
0x16: {  	vm7 =	vcmask $0x2320;
	vm8 =	vcmask $0x2724;
	vm9 =	vcmask $0x2B28;
	[dreg:$0xe] =	wrdreg s26;
	s14 =	sadd.s32 $0x2000, s21;
	s19 =	simm.s32 $0x4800  }
0x17: {  	vm10 =	vcmask $0x2F2C;
	vm11 =	vcmask $0x3330;
	vm12 =	vcmask $0x3734;
	s21 =	simm.s32 $0x1C400;
	s22 =	simm.s32 $0x3;
	s23 =	simm.s32 $0x100  }
0x18: {  	vm13 =	vcmask $0x3B38;
	vm14 =	vcmask $0x3F3C;
	v2 =	vor.u32 $0x10, v0;
	s25 =	simm.s32 $0x480;
	s26 =	simm.s32 $0x4;
	[dreg:$0x9] =	wrdreg s1  }
0x19: {  	v3 =	vor.u32 $0x20, v0;
	v4 =	vor.u32 $0x30, v0;
	v5 =	vor.u32 $0x40, v0;
	[dreg:$0x6] =	wrdreg s24;
	s24 =	simm.s32 $0x2;
	s1 =	simm.s32 $0x600  }
.LBB2_1:
0x1a: {  	s13 =	simm.s32 $0x0;
	s4 =	simm.s32 $0x200  }
.LBB2_2:
0x1b: {  	p0 =	sne.s32 s4, $0xFE00;
	[tilespmem:s13+$0x870] =	vst v1  }
0x1c: {  	[tilespmem:s13+$0x800] =	vst v1  }
0x1d: {  	[tilespmem:s13+$0x810] =	vst v1  }
.Ltmp0:
0x1e: {  	[tilespmem:s13+$0x820] =	vst v1;
	(pc) =	sbr.rel @p0 .LBB2_2-.Ltmp0, $4  }
0x1f: {  	[tilespmem:s13+$0x830] =	vst v1  }
0x20: {  	[tilespmem:s13+$0x840] =	vst v1  }
0x21: {  	[tilespmem:s13+$0x850] =	vst v1  }
0x22: {  	[tilespmem:s13+$0x860] =	vst v1;
	s13 =	sshra.s32 s4, $0x2;
	s4 =	sadd.s32 $0x200, s4  }
0x23: {  	[tilespmem:s13+$0x870] =	vst v1  }
0x24: {  	[tilespmem:s13+$0x800] =	vst v1  }
0x25: {  	[tilespmem:s13+$0x810] =	vst v1  }
0x26: {  	[tilespmem:s13+$0x820] =	vst v1  }
0x27: {  	[tilespmem:s13+$0x830] =	vst v1  }
0x28: {  	[tilespmem:s13+$0x840] =	vst v1  }
0x29: {  	[tilespmem:s13+$0x850] =	vst v1  }
0x2a: {  	[tilespmem:s13+$0x860] =	vst v1;
	s4 =	rddreg [dreg:$0x7]  }
0x2b: {  	[spmem:s4] =	stream.linear.scatter [tilespmem:s15], [sflag:$0x5], $0x4000, $0x38;
	[tilespmem:$0x1EF00] =	vst v63  }
0x2c: {  	_ =	swait.ge [sflag:s16], $0x4000  }
0x2d: {  	[sflag:s16] =	ssyncset.done $0x0  }
0x2e: {  	s12 =	rddreg [dreg:$0xc];
	[sflag:s16] =	ssyncadd.s32 $0xFFFFC000  }
0x2f: {  	[spmem:s12] =	stream.linear.scatter [tilespmem:s15], [sflag:$0x5], $0x4000, $0x38;
	[tilespmem:$0x1EF00] =	vst v63  }
0x30: {  	_ =	swait.ge [sflag:s16], $0x4000  }
0x31: {  	[sflag:s16] =	ssyncset.done $0x0  }
0x32: {  	s13 =	rddreg [dreg:$0xd];
	[sflag:s16] =	ssyncadd.s32 $0xFFFFC000  }
0x33: {  	[spmem:s13] =	stream.linear.scatter [tilespmem:s15], [sflag:$0x5], $0x4000, $0x38;
	[tilespmem:$0x1EF00] =	vst v63  }
0x34: {  	_ =	swait.ge [sflag:s16], $0x4000  }
0x35: {  	[sflag:s16] =	ssyncset.done $0x0  }
0x36: {  	s12 =	rddreg [dreg:$0xe];
	[sflag:s16] =	ssyncadd.s32 $0xFFFFC000  }
0x37: {  	[spmem:s12] =	stream.linear.scatter [tilespmem:s15], [sflag:$0x5], $0x4000, $0x38;
	[tilespmem:$0x1EF00] =	vst v63  }
0x38: {  	_ =	swait.ge [sflag:s16], $0x4000  }
0x39: {  	[sflag:s16] =	ssyncset.done $0x0  }
0x3a: {  	s13 =	rddreg [dreg:$0x8];
	[sflag:s16] =	ssyncadd.s32 $0xFFFFC000  }
0x3b: {  	[spmem:s13] =	stream.linear.scatter [tilespmem:s15], [sflag:$0x5], $0x3C00, $0x38;
	[tilespmem:$0x1EF00] =	vst v63  }
0x3c: {  	_ =	swait.ge [sflag:s16], $0x3C00  }
0x3d: {  	[sflag:s16] =	ssyncset.done $0x0  }
0x3e: {  	s4 =	simm.s32 $0x3C0;
	s13 =	simm.s32 $0x70;
	[sflag:s16] =	ssyncadd.s32 $0xFFFFC400  }
.LBB2_4:
0x3f: {  	p0 =	sne.s32 s4, $0x9FC0;
	[tilespmem:s13+$0x1C400] =	vst v1  }
0x40: {  	[tilespmem:s13+$0x1C390] =	vst v1  }
0x41: {  	[tilespmem:s13+$0x1C3A0] =	vst v1  }
.Ltmp1:
0x42: {  	[tilespmem:s13+$0x1C3B0] =	vst v1;
	(pc) =	sbr.rel @p0 .LBB2_4-.Ltmp1, $4  }
0x43: {  	[tilespmem:s13+$0x1C3C0] =	vst v1  }
0x44: {  	[tilespmem:s13+$0x1C3D0] =	vst v1  }
0x45: {  	[tilespmem:s13+$0x1C3E0] =	vst v1  }
0x46: {  	[tilespmem:s13+$0x1C3F0] =	vst v1;
	s13 =	sshra.s32 s4, $0x2;
	s4 =	sadd.s32 $0x200, s4  }
0x47: {  	[tilespmem:s13+$0x1C400] =	vst v1  }
0x48: {  	[tilespmem:s13+$0x1C390] =	vst v1  }
0x49: {  	[tilespmem:s13+$0x1C3A0] =	vst v1  }
0x4a: {  	[tilespmem:s13+$0x1C3B0] =	vst v1  }
0x4b: {  	[tilespmem:s13+$0x1C3C0] =	vst v1  }
0x4c: {  	[tilespmem:s13+$0x1C3D0] =	vst v1  }
0x4d: {  	[tilespmem:s13+$0x1C3E0] =	vst v1  }
0x4e: {  	[tilespmem:s13+$0x1C3F0] =	vst v1  }
0x4f: {  	[tilespmem:$0x1EC00] =	vst v0  }
0x50: {  	[tilespmem:$0x1EC10] =	vst v2  }
0x51: {  	[tilespmem:$0x1EC20] =	vst v3  }
0x52: {  	[dreg:$0xf] =	wrdreg s6;
	[tilespmem:$0x1EC30] =	vst v4  }
0x53: {  	s4 =	rddreg [dreg:$0x4];
	[tilespmem:$0x1EC40] =	vst v5  }
0x54: {  	[spmem:s4] =	stream.linear.scatter [tilespmem:s15], [sflag:$0x5], $0x2800, $0x38;
	[tilespmem:$0x1EF00] =	vst v63  }
0x55: {  	_ =	swait.ge [sflag:s16], $0x2800  }
0x56: {  	[sflag:s16] =	ssyncset.done $0x0  }
0x57: {  	[sflag:s16] =	ssyncadd.s32 $0xFFFFD800  }
0x58: {  	s13 =	simm.s32 $0x0;
	[bflag:$0x0] =	sbarrier.arrive $0xFFFF  }
.LBB2_6:
0x59: {  	s4 =	sadd.s32 s13, s14  }
0x5a: {  	[tilespmem:s5], [sflag:$0x5] =	stream.linear.gather [hbm4b:s4+s5], $0x400, $0x38;
	[tilespmem:$0x1EF00] =	vst v63  }
0x5b: {  	_ =	swait.ge [sflag:s16], $0x400  }
0x5c: {  	s12 =	rddreg [dreg:$0x6];
	[sflag:s16] =	ssyncset.done $0x0  }
0x5d: {  	[sflag:s16] =	ssyncadd.s32 $0xFFFFFC00;
	s4 =	sadd.s32 s13, s12  }
0x5e: {  	[tilespmem:s17], [sflag:$0x5] =	stream.linear.gather [hbm4b:s4+s5], $0x400, $0x38;
	[tilespmem:$0x1EF00] =	vst v63  }
0x5f: {  	_ =	swait.ge [sflag:s16], $0x400  }
0x60: {  	[sflag:s16] =	ssyncset.done $0x0  }
0x61: {  	[sflag:s16] =	ssyncadd.s32 $0xFFFFFC00  }
0x62: {  	[tilespmem:s15], [sflag:$0x1] =	stream.indirect.gather [hbm4b:s0+s18], $0x80, s5, s18, $0xb8;
	[tilespmem:$0x1EF00] =	vst v63  }
0x63: {  	_ = 	snop  }
0x64: {  	[tilespmem:s19], [sflag:$0x2] =	stream.indirect.gather [hbm4b:s0+s18], $0x80, s18, s18, $0xb8;
	[tilespmem:$0x1EF00] =	vst v63  }
0x65: {  	_ =	swait.ge [sflag:s20], $0x4000  }
0x66: {  	[sflag:s20] =	ssyncset.done $0x0  }
0x67: {  	[sflag:s20] =	ssyncadd.s32 $0xFFFFC000  }
0x68: {  	[spmem:s3] =	stream.indirect.scatter.add.f32 [tilespmem:s15], [sflag:$0x3], $0x80, s17, s18, $0xb8;
	[tilespmem:$0x1EF00] =	vst v63  }
0x69: {  	v7 =	vld [tilespmem:$0x400];
	_ =	sdelay $0x7  }
0x6a: {  	[tilespmem:v7+s21+$0x0] =	vst.idx.add.f32.msk $0x1, v6  }
0x6b: {  	[tilespmem:v7+s21+$0x0] =	vst.idx.add.f32.msk vm0, v6  }
0x6c: {  	[tilespmem:v7+s21+$0x0] =	vst.idx.add.f32.msk vm1, v6  }
0x6d: {  	[tilespmem:v7+s21+$0x0] =	vst.idx.add.f32.msk vm2, v6  }
0x6e: {  	[tilespmem:v7+s21+$0x0] =	vst.idx.add.f32.msk vm3, v6  }
0x6f: {  	[tilespmem:v7+s21+$0x0] =	vst.idx.add.f32.msk vm4, v6  }
0x70: {  	[tilespmem:v7+s21+$0x0] =	vst.idx.add.f32.msk vm5, v6  }
0x71: {  	[tilespmem:v7+s21+$0x0] =	vst.idx.add.f32.msk vm6, v6  }
0x72: {  	[tilespmem:v7+s21+$0x0] =	vst.idx.add.f32.msk vm7, v6  }
0x73: {  	[tilespmem:v7+s21+$0x0] =	vst.idx.add.f32.msk vm8, v6  }
0x74: {  	[tilespmem:v7+s21+$0x0] =	vst.idx.add.f32.msk vm9, v6  }
0x75: {  	[tilespmem:v7+s21+$0x0] =	vst.idx.add.f32.msk vm10, v6  }
0x76: {  	[tilespmem:v7+s21+$0x0] =	vst.idx.add.f32.msk vm11, v6  }
0x77: {  	[tilespmem:v7+s21+$0x0] =	vst.idx.add.f32.msk vm12, v6  }
0x78: {  	[tilespmem:v7+s21+$0x0] =	vst.idx.add.f32.msk vm13, v6  }
0x79: {  	[tilespmem:v7+s21+$0x0] =	vst.idx.add.f32.msk vm14, v6  }
0x7a: {  	v7 =	vld [tilespmem:$0x410];
	_ =	sdelay $0x7  }
0x7b: {  	[tilespmem:v7+s21+$0x0] =	vst.idx.add.f32.msk $0x1, v6  }
0x7c: {  	[tilespmem:v7+s21+$0x0] =	vst.idx.add.f32.msk vm0, v6  }
0x7d: {  	[tilespmem:v7+s21+$0x0] =	vst.idx.add.f32.msk vm1, v6  }
0x7e: {  	[tilespmem:v7+s21+$0x0] =	vst.idx.add.f32.msk vm2, v6  }
0x7f: {  	[tilespmem:v7+s21+$0x0] =	vst.idx.add.f32.msk vm3, v6  }
0x80: {  	[tilespmem:v7+s21+$0x0] =	vst.idx.add.f32.msk vm4, v6  }
0x81: {  	[tilespmem:v7+s21+$0x0] =	vst.idx.add.f32.msk vm5, v6  }
0x82: {  	[tilespmem:v7+s21+$0x0] =	vst.idx.add.f32.msk vm6, v6  }
0x83: {  	[tilespmem:v7+s21+$0x0] =	vst.idx.add.f32.msk vm7, v6  }
0x84: {  	[tilespmem:v7+s21+$0x0] =	vst.idx.add.f32.msk vm8, v6  }
0x85: {  	[tilespmem:v7+s21+$0x0] =	vst.idx.add.f32.msk vm9, v6  }
0x86: {  	[tilespmem:v7+s21+$0x0] =	vst.idx.add.f32.msk vm10, v6  }
0x87: {  	[tilespmem:v7+s21+$0x0] =	vst.idx.add.f32.msk vm11, v6  }
0x88: {  	[tilespmem:v7+s21+$0x0] =	vst.idx.add.f32.msk vm12, v6  }
0x89: {  	[tilespmem:v7+s21+$0x0] =	vst.idx.add.f32.msk vm13, v6  }
0x8a: {  	[tilespmem:v7+s21+$0x0] =	vst.idx.add.f32.msk vm14, v6  }
0x8b: {  	v7 =	vld [tilespmem:$0x420];
	_ =	sdelay $0x7  }
0x8c: {  	[tilespmem:v7+s21+$0x0] =	vst.idx.add.f32.msk $0x1, v6  }
0x8d: {  	[tilespmem:v7+s21+$0x0] =	vst.idx.add.f32.msk vm0, v6  }
0x8e: {  	[tilespmem:v7+s21+$0x0] =	vst.idx.add.f32.msk vm1, v6  }
0x8f: {  	[tilespmem:v7+s21+$0x0] =	vst.idx.add.f32.msk vm2, v6  }
0x90: {  	[tilespmem:v7+s21+$0x0] =	vst.idx.add.f32.msk vm3, v6  }
0x91: {  	[tilespmem:v7+s21+$0x0] =	vst.idx.add.f32.msk vm4, v6  }
0x92: {  	[tilespmem:v7+s21+$0x0] =	vst.idx.add.f32.msk vm5, v6  }
0x93: {  	[tilespmem:v7+s21+$0x0] =	vst.idx.add.f32.msk vm6, v6  }
0x94: {  	[tilespmem:v7+s21+$0x0] =	vst.idx.add.f32.msk vm7, v6  }
0x95: {  	[tilespmem:v7+s21+$0x0] =	vst.idx.add.f32.msk vm8, v6  }
0x96: {  	[tilespmem:v7+s21+$0x0] =	vst.idx.add.f32.msk vm9, v6  }
0x97: {  	[tilespmem:v7+s21+$0x0] =	vst.idx.add.f32.msk vm10, v6  }
0x98: {  	[tilespmem:v7+s21+$0x0] =	vst.idx.add.f32.msk vm11, v6  }
0x99: {  	[tilespmem:v7+s21+$0x0] =	vst.idx.add.f32.msk vm12, v6  }
0x9a: {  	[tilespmem:v7+s21+$0x0] =	vst.idx.add.f32.msk vm13, v6  }
0x9b: {  	[tilespmem:v7+s21+$0x0] =	vst.idx.add.f32.msk vm14, v6  }
0x9c: {  	v7 =	vld [tilespmem:$0x430];
	_ =	sdelay $0x7  }
0x9d: {  	[tilespmem:v7+s21+$0x0] =	vst.idx.add.f32.msk $0x1, v6  }
0x9e: {  	[tilespmem:v7+s21+$0x0] =	vst.idx.add.f32.msk vm0, v6  }
0x9f: {  	[tilespmem:v7+s21+$0x0] =	vst.idx.add.f32.msk vm1, v6  }
0xa0: {  	[tilespmem:v7+s21+$0x0] =	vst.idx.add.f32.msk vm2, v6  }
0xa1: {  	[tilespmem:v7+s21+$0x0] =	vst.idx.add.f32.msk vm3, v6  }
0xa2: {  	[tilespmem:v7+s21+$0x0] =	vst.idx.add.f32.msk vm4, v6  }
0xa3: {  	[tilespmem:v7+s21+$0x0] =	vst.idx.add.f32.msk vm5, v6  }
0xa4: {  	[tilespmem:v7+s21+$0x0] =	vst.idx.add.f32.msk vm6, v6  }
0xa5: {  	[tilespmem:v7+s21+$0x0] =	vst.idx.add.f32.msk vm7, v6  }
0xa6: {  	[tilespmem:v7+s21+$0x0] =	vst.idx.add.f32.msk vm8, v6  }
0xa7: {  	[tilespmem:v7+s21+$0x0] =	vst.idx.add.f32.msk vm9, v6  }
0xa8: {  	[tilespmem:v7+s21+$0x0] =	vst.idx.add.f32.msk vm10, v6  }
0xa9: {  	[tilespmem:v7+s21+$0x0] =	vst.idx.add.f32.msk vm11, v6  }
0xaa: {  	[tilespmem:v7+s21+$0x0] =	vst.idx.add.f32.msk vm12, v6  }
0xab: {  	[tilespmem:v7+s21+$0x0] =	vst.idx.add.f32.msk vm13, v6  }
0xac: {  	[tilespmem:v7+s21+$0x0] =	vst.idx.add.f32.msk vm14, v6  }
0xad: {  	v7 =	vld [tilespmem:$0x440];
	_ =	sdelay $0x7  }
0xae: {  	[tilespmem:v7+s21+$0x0] =	vst.idx.add.f32.msk $0x1, v6  }
0xaf: {  	[tilespmem:v7+s21+$0x0] =	vst.idx.add.f32.msk vm0, v6  }
0xb0: {  	[tilespmem:v7+s21+$0x0] =	vst.idx.add.f32.msk vm1, v6  }
0xb1: {  	[tilespmem:v7+s21+$0x0] =	vst.idx.add.f32.msk vm2, v6  }
0xb2: {  	[tilespmem:v7+s21+$0x0] =	vst.idx.add.f32.msk vm3, v6  }
0xb3: {  	[tilespmem:v7+s21+$0x0] =	vst.idx.add.f32.msk vm4, v6  }
0xb4: {  	[tilespmem:v7+s21+$0x0] =	vst.idx.add.f32.msk vm5, v6  }
0xb5: {  	[tilespmem:v7+s21+$0x0] =	vst.idx.add.f32.msk vm6, v6  }
0xb6: {  	[tilespmem:v7+s21+$0x0] =	vst.idx.add.f32.msk vm7, v6  }
0xb7: {  	[tilespmem:v7+s21+$0x0] =	vst.idx.add.f32.msk vm8, v6  }
0xb8: {  	[tilespmem:v7+s21+$0x0] =	vst.idx.add.f32.msk vm9, v6  }
0xb9: {  	[tilespmem:v7+s21+$0x0] =	vst.idx.add.f32.msk vm10, v6  }
0xba: {  	[tilespmem:v7+s21+$0x0] =	vst.idx.add.f32.msk vm11, v6  }
0xbb: {  	[tilespmem:v7+s21+$0x0] =	vst.idx.add.f32.msk vm12, v6  }
0xbc: {  	[tilespmem:v7+s21+$0x0] =	vst.idx.add.f32.msk vm13, v6  }
0xbd: {  	[tilespmem:v7+s21+$0x0] =	vst.idx.add.f32.msk vm14, v6  }
0xbe: {  	v7 =	vld [tilespmem:$0x450];
	_ =	sdelay $0x7  }
0xbf: {  	[tilespmem:v7+s21+$0x0] =	vst.idx.add.f32.msk $0x1, v6  }
0xc0: {  	[tilespmem:v7+s21+$0x0] =	vst.idx.add.f32.msk vm0, v6  }
0xc1: {  	[tilespmem:v7+s21+$0x0] =	vst.idx.add.f32.msk vm1, v6  }
0xc2: {  	[tilespmem:v7+s21+$0x0] =	vst.idx.add.f32.msk vm2, v6  }
0xc3: {  	[tilespmem:v7+s21+$0x0] =	vst.idx.add.f32.msk vm3, v6  }
0xc4: {  	[tilespmem:v7+s21+$0x0] =	vst.idx.add.f32.msk vm4, v6  }
0xc5: {  	[tilespmem:v7+s21+$0x0] =	vst.idx.add.f32.msk vm5, v6  }
0xc6: {  	[tilespmem:v7+s21+$0x0] =	vst.idx.add.f32.msk vm6, v6  }
0xc7: {  	[tilespmem:v7+s21+$0x0] =	vst.idx.add.f32.msk vm7, v6  }
0xc8: {  	[tilespmem:v7+s21+$0x0] =	vst.idx.add.f32.msk vm8, v6  }
0xc9: {  	[tilespmem:v7+s21+$0x0] =	vst.idx.add.f32.msk vm9, v6  }
0xca: {  	[tilespmem:v7+s21+$0x0] =	vst.idx.add.f32.msk vm10, v6  }
0xcb: {  	[tilespmem:v7+s21+$0x0] =	vst.idx.add.f32.msk vm11, v6  }
0xcc: {  	[tilespmem:v7+s21+$0x0] =	vst.idx.add.f32.msk vm12, v6  }
0xcd: {  	[tilespmem:v7+s21+$0x0] =	vst.idx.add.f32.msk vm13, v6  }
0xce: {  	[tilespmem:v7+s21+$0x0] =	vst.idx.add.f32.msk vm14, v6  }
0xcf: {  	v7 =	vld [tilespmem:$0x460];
	_ =	sdelay $0x7  }
0xd0: {  	[tilespmem:v7+s21+$0x0] =	vst.idx.add.f32.msk $0x1, v6  }
0xd1: {  	[tilespmem:v7+s21+$0x0] =	vst.idx.add.f32.msk vm0, v6  }
0xd2: {  	[tilespmem:v7+s21+$0x0] =	vst.idx.add.f32.msk vm1, v6  }
0xd3: {  	[tilespmem:v7+s21+$0x0] =	vst.idx.add.f32.msk vm2, v6  }
0xd4: {  	[tilespmem:v7+s21+$0x0] =	vst.idx.add.f32.msk vm3, v6  }
0xd5: {  	[tilespmem:v7+s21+$0x0] =	vst.idx.add.f32.msk vm4, v6  }
0xd6: {  	[tilespmem:v7+s21+$0x0] =	vst.idx.add.f32.msk vm5, v6  }
0xd7: {  	[tilespmem:v7+s21+$0x0] =	vst.idx.add.f32.msk vm6, v6  }
0xd8: {  	[tilespmem:v7+s21+$0x0] =	vst.idx.add.f32.msk vm7, v6  }
0xd9: {  	[tilespmem:v7+s21+$0x0] =	vst.idx.add.f32.msk vm8, v6  }
0xda: {  	[tilespmem:v7+s21+$0x0] =	vst.idx.add.f32.msk vm9, v6  }
0xdb: {  	[tilespmem:v7+s21+$0x0] =	vst.idx.add.f32.msk vm10, v6  }
0xdc: {  	[tilespmem:v7+s21+$0x0] =	vst.idx.add.f32.msk vm11, v6  }
0xdd: {  	[tilespmem:v7+s21+$0x0] =	vst.idx.add.f32.msk vm12, v6  }
0xde: {  	[tilespmem:v7+s21+$0x0] =	vst.idx.add.f32.msk vm13, v6  }
0xdf: {  	[tilespmem:v7+s21+$0x0] =	vst.idx.add.f32.msk vm14, v6  }
0xe0: {  	v7 =	vld [tilespmem:$0x470];
	_ =	sdelay $0x7  }
0xe1: {  	[tilespmem:v7+s21+$0x0] =	vst.idx.add.f32.msk $0x1, v6  }
0xe2: {  	[tilespmem:v7+s21+$0x0] =	vst.idx.add.f32.msk vm0, v6  }
0xe3: {  	[tilespmem:v7+s21+$0x0] =	vst.idx.add.f32.msk vm1, v6  }
0xe4: {  	[tilespmem:v7+s21+$0x0] =	vst.idx.add.f32.msk vm2, v6  }
0xe5: {  	[tilespmem:v7+s21+$0x0] =	vst.idx.add.f32.msk vm3, v6  }
0xe6: {  	[tilespmem:v7+s21+$0x0] =	vst.idx.add.f32.msk vm4, v6  }
0xe7: {  	[tilespmem:v7+s21+$0x0] =	vst.idx.add.f32.msk vm5, v6  }
0xe8: {  	[tilespmem:v7+s21+$0x0] =	vst.idx.add.f32.msk vm6, v6  }
0xe9: {  	[tilespmem:v7+s21+$0x0] =	vst.idx.add.f32.msk vm7, v6  }
0xea: {  	[tilespmem:v7+s21+$0x0] =	vst.idx.add.f32.msk vm8, v6  }
0xeb: {  	[tilespmem:v7+s21+$0x0] =	vst.idx.add.f32.msk vm9, v6  }
0xec: {  	[tilespmem:v7+s21+$0x0] =	vst.idx.add.f32.msk vm10, v6  }
0xed: {  	[tilespmem:v7+s21+$0x0] =	vst.idx.add.f32.msk vm11, v6  }
0xee: {  	[tilespmem:v7+s21+$0x0] =	vst.idx.add.f32.msk vm12, v6  }
0xef: {  	[tilespmem:v7+s21+$0x0] =	vst.idx.add.f32.msk vm13, v6  }
0xf0: {  	[tilespmem:v7+s21+$0x0] =	vst.idx.add.f32.msk vm14, v6  }
0xf1: {  	_ =	swait.ge [sflag:s22], $0x4000  }
0xf2: {  	[sflag:s22] =	ssyncset.done $0x0  }
0xf3: {  	[sflag:s22] =	ssyncadd.s32 $0xFFFFC000  }
0xf4: {  	[tilespmem:s15], [sflag:$0x1] =	stream.indirect.gather [hbm4b:s0+s18], $0x80, s23, s18, $0xb8;
	[tilespmem:$0x1EF00] =	vst v63  }
0xf5: {  	_ =	swait.ge [sflag:s24], $0x4000  }
0xf6: {  	[sflag:s24] =	ssyncset.done $0x0  }
0xf7: {  	[sflag:s24] =	ssyncadd.s32 $0xFFFFC000  }
0xf8: {  	[spmem:s3] =	stream.indirect.scatter.add.f32 [tilespmem:s19], [sflag:$0x4], $0x80, s25, s18, $0xb8;
	[tilespmem:$0x1EF00] =	vst v63  }
0xf9: {  	v7 =	vld [tilespmem:$0x480];
	_ =	sdelay $0x7  }
0xfa: {  	[tilespmem:v7+s21+$0x0] =	vst.idx.add.f32.msk $0x1, v6  }
0xfb: {  	[tilespmem:v7+s21+$0x0] =	vst.idx.add.f32.msk vm0, v6  }
0xfc: {  	[tilespmem:v7+s21+$0x0] =	vst.idx.add.f32.msk vm1, v6  }
0xfd: {  	[tilespmem:v7+s21+$0x0] =	vst.idx.add.f32.msk vm2, v6  }
0xfe: {  	[tilespmem:v7+s21+$0x0] =	vst.idx.add.f32.msk vm3, v6  }
0xff: {  	[tilespmem:v7+s21+$0x0] =	vst.idx.add.f32.msk vm4, v6  }
0x100: {  	[tilespmem:v7+s21+$0x0] =	vst.idx.add.f32.msk vm5, v6  }
0x101: {  	[tilespmem:v7+s21+$0x0] =	vst.idx.add.f32.msk vm6, v6  }
0x102: {  	[tilespmem:v7+s21+$0x0] =	vst.idx.add.f32.msk vm7, v6  }
0x103: {  	[tilespmem:v7+s21+$0x0] =	vst.idx.add.f32.msk vm8, v6  }
0x104: {  	[tilespmem:v7+s21+$0x0] =	vst.idx.add.f32.msk vm9, v6  }
0x105: {  	[tilespmem:v7+s21+$0x0] =	vst.idx.add.f32.msk vm10, v6  }
0x106: {  	[tilespmem:v7+s21+$0x0] =	vst.idx.add.f32.msk vm11, v6  }
0x107: {  	[tilespmem:v7+s21+$0x0] =	vst.idx.add.f32.msk vm12, v6  }
0x108: {  	[tilespmem:v7+s21+$0x0] =	vst.idx.add.f32.msk vm13, v6  }
0x109: {  	[tilespmem:v7+s21+$0x0] =	vst.idx.add.f32.msk vm14, v6  }
0x10a: {  	v7 =	vld [tilespmem:$0x490];
	_ =	sdelay $0x7  }
0x10b: {  	[tilespmem:v7+s21+$0x0] =	vst.idx.add.f32.msk $0x1, v6  }
0x10c: {  	[tilespmem:v7+s21+$0x0] =	vst.idx.add.f32.msk vm0, v6  }
0x10d: {  	[tilespmem:v7+s21+$0x0] =	vst.idx.add.f32.msk vm1, v6  }
0x10e: {  	[tilespmem:v7+s21+$0x0] =	vst.idx.add.f32.msk vm2, v6  }
0x10f: {  	[tilespmem:v7+s21+$0x0] =	vst.idx.add.f32.msk vm3, v6  }
0x110: {  	[tilespmem:v7+s21+$0x0] =	vst.idx.add.f32.msk vm4, v6  }
0x111: {  	[tilespmem:v7+s21+$0x0] =	vst.idx.add.f32.msk vm5, v6  }
0x112: {  	[tilespmem:v7+s21+$0x0] =	vst.idx.add.f32.msk vm6, v6  }
0x113: {  	[tilespmem:v7+s21+$0x0] =	vst.idx.add.f32.msk vm7, v6  }
0x114: {  	[tilespmem:v7+s21+$0x0] =	vst.idx.add.f32.msk vm8, v6  }
0x115: {  	[tilespmem:v7+s21+$0x0] =	vst.idx.add.f32.msk vm9, v6  }
0x116: {  	[tilespmem:v7+s21+$0x0] =	vst.idx.add.f32.msk vm10, v6  }
0x117: {  	[tilespmem:v7+s21+$0x0] =	vst.idx.add.f32.msk vm11, v6  }
0x118: {  	[tilespmem:v7+s21+$0x0] =	vst.idx.add.f32.msk vm12, v6  }
0x119: {  	[tilespmem:v7+s21+$0x0] =	vst.idx.add.f32.msk vm13, v6  }
0x11a: {  	[tilespmem:v7+s21+$0x0] =	vst.idx.add.f32.msk vm14, v6  }
0x11b: {  	v7 =	vld [tilespmem:$0x4A0];
	_ =	sdelay $0x7  }
0x11c: {  	[tilespmem:v7+s21+$0x0] =	vst.idx.add.f32.msk $0x1, v6  }
0x11d: {  	[tilespmem:v7+s21+$0x0] =	vst.idx.add.f32.msk vm0, v6  }
0x11e: {  	[tilespmem:v7+s21+$0x0] =	vst.idx.add.f32.msk vm1, v6  }
0x11f: {  	[tilespmem:v7+s21+$0x0] =	vst.idx.add.f32.msk vm2, v6  }
0x120: {  	[tilespmem:v7+s21+$0x0] =	vst.idx.add.f32.msk vm3, v6  }
0x121: {  	[tilespmem:v7+s21+$0x0] =	vst.idx.add.f32.msk vm4, v6  }
0x122: {  	[tilespmem:v7+s21+$0x0] =	vst.idx.add.f32.msk vm5, v6  }
0x123: {  	[tilespmem:v7+s21+$0x0] =	vst.idx.add.f32.msk vm6, v6  }
0x124: {  	[tilespmem:v7+s21+$0x0] =	vst.idx.add.f32.msk vm7, v6  }
0x125: {  	[tilespmem:v7+s21+$0x0] =	vst.idx.add.f32.msk vm8, v6  }
0x126: {  	[tilespmem:v7+s21+$0x0] =	vst.idx.add.f32.msk vm9, v6  }
0x127: {  	[tilespmem:v7+s21+$0x0] =	vst.idx.add.f32.msk vm10, v6  }
0x128: {  	[tilespmem:v7+s21+$0x0] =	vst.idx.add.f32.msk vm11, v6  }
0x129: {  	[tilespmem:v7+s21+$0x0] =	vst.idx.add.f32.msk vm12, v6  }
0x12a: {  	[tilespmem:v7+s21+$0x0] =	vst.idx.add.f32.msk vm13, v6  }
0x12b: {  	[tilespmem:v7+s21+$0x0] =	vst.idx.add.f32.msk vm14, v6  }
0x12c: {  	v7 =	vld [tilespmem:$0x4B0];
	_ =	sdelay $0x7  }
0x12d: {  	[tilespmem:v7+s21+$0x0] =	vst.idx.add.f32.msk $0x1, v6  }
0x12e: {  	[tilespmem:v7+s21+$0x0] =	vst.idx.add.f32.msk vm0, v6  }
0x12f: {  	[tilespmem:v7+s21+$0x0] =	vst.idx.add.f32.msk vm1, v6  }
0x130: {  	[tilespmem:v7+s21+$0x0] =	vst.idx.add.f32.msk vm2, v6  }
0x131: {  	[tilespmem:v7+s21+$0x0] =	vst.idx.add.f32.msk vm3, v6  }
0x132: {  	[tilespmem:v7+s21+$0x0] =	vst.idx.add.f32.msk vm4, v6  }
0x133: {  	[tilespmem:v7+s21+$0x0] =	vst.idx.add.f32.msk vm5, v6  }
0x134: {  	[tilespmem:v7+s21+$0x0] =	vst.idx.add.f32.msk vm6, v6  }
0x135: {  	[tilespmem:v7+s21+$0x0] =	vst.idx.add.f32.msk vm7, v6  }
0x136: {  	[tilespmem:v7+s21+$0x0] =	vst.idx.add.f32.msk vm8, v6  }
0x137: {  	[tilespmem:v7+s21+$0x0] =	vst.idx.add.f32.msk vm9, v6  }
0x138: {  	[tilespmem:v7+s21+$0x0] =	vst.idx.add.f32.msk vm10, v6  }
0x139: {  	[tilespmem:v7+s21+$0x0] =	vst.idx.add.f32.msk vm11, v6  }
0x13a: {  	[tilespmem:v7+s21+$0x0] =	vst.idx.add.f32.msk vm12, v6  }
0x13b: {  	[tilespmem:v7+s21+$0x0] =	vst.idx.add.f32.msk vm13, v6  }
0x13c: {  	[tilespmem:v7+s21+$0x0] =	vst.idx.add.f32.msk vm14, v6  }
0x13d: {  	v7 =	vld [tilespmem:$0x4C0];
	_ =	sdelay $0x7  }
0x13e: {  	[tilespmem:v7+s21+$0x0] =	vst.idx.add.f32.msk $0x1, v6  }
0x13f: {  	[tilespmem:v7+s21+$0x0] =	vst.idx.add.f32.msk vm0, v6  }
0x140: {  	[tilespmem:v7+s21+$0x0] =	vst.idx.add.f32.msk vm1, v6  }
0x141: {  	[tilespmem:v7+s21+$0x0] =	vst.idx.add.f32.msk vm2, v6  }
0x142: {  	[tilespmem:v7+s21+$0x0] =	vst.idx.add.f32.msk vm3, v6  }
0x143: {  	[tilespmem:v7+s21+$0x0] =	vst.idx.add.f32.msk vm4, v6  }
0x144: {  	[tilespmem:v7+s21+$0x0] =	vst.idx.add.f32.msk vm5, v6  }
0x145: {  	[tilespmem:v7+s21+$0x0] =	vst.idx.add.f32.msk vm6, v6  }
0x146: {  	[tilespmem:v7+s21+$0x0] =	vst.idx.add.f32.msk vm7, v6  }
0x147: {  	[tilespmem:v7+s21+$0x0] =	vst.idx.add.f32.msk vm8, v6  }
0x148: {  	[tilespmem:v7+s21+$0x0] =	vst.idx.add.f32.msk vm9, v6  }
0x149: {  	[tilespmem:v7+s21+$0x0] =	vst.idx.add.f32.msk vm10, v6  }
0x14a: {  	[tilespmem:v7+s21+$0x0] =	vst.idx.add.f32.msk vm11, v6  }
0x14b: {  	[tilespmem:v7+s21+$0x0] =	vst.idx.add.f32.msk vm12, v6  }
0x14c: {  	[tilespmem:v7+s21+$0x0] =	vst.idx.add.f32.msk vm13, v6  }
0x14d: {  	[tilespmem:v7+s21+$0x0] =	vst.idx.add.f32.msk vm14, v6  }
0x14e: {  	v7 =	vld [tilespmem:$0x4D0];
	_ =	sdelay $0x7  }
0x14f: {  	[tilespmem:v7+s21+$0x0] =	vst.idx.add.f32.msk $0x1, v6  }
0x150: {  	[tilespmem:v7+s21+$0x0] =	vst.idx.add.f32.msk vm0, v6  }
0x151: {  	[tilespmem:v7+s21+$0x0] =	vst.idx.add.f32.msk vm1, v6  }
0x152: {  	[tilespmem:v7+s21+$0x0] =	vst.idx.add.f32.msk vm2, v6  }
0x153: {  	[tilespmem:v7+s21+$0x0] =	vst.idx.add.f32.msk vm3, v6  }
0x154: {  	[tilespmem:v7+s21+$0x0] =	vst.idx.add.f32.msk vm4, v6  }
0x155: {  	[tilespmem:v7+s21+$0x0] =	vst.idx.add.f32.msk vm5, v6  }
0x156: {  	[tilespmem:v7+s21+$0x0] =	vst.idx.add.f32.msk vm6, v6  }
0x157: {  	[tilespmem:v7+s21+$0x0] =	vst.idx.add.f32.msk vm7, v6  }
0x158: {  	[tilespmem:v7+s21+$0x0] =	vst.idx.add.f32.msk vm8, v6  }
0x159: {  	[tilespmem:v7+s21+$0x0] =	vst.idx.add.f32.msk vm9, v6  }
0x15a: {  	[tilespmem:v7+s21+$0x0] =	vst.idx.add.f32.msk vm10, v6  }
0x15b: {  	[tilespmem:v7+s21+$0x0] =	vst.idx.add.f32.msk vm11, v6  }
0x15c: {  	[tilespmem:v7+s21+$0x0] =	vst.idx.add.f32.msk vm12, v6  }
0x15d: {  	[tilespmem:v7+s21+$0x0] =	vst.idx.add.f32.msk vm13, v6  }
0x15e: {  	[tilespmem:v7+s21+$0x0] =	vst.idx.add.f32.msk vm14, v6  }
0x15f: {  	v7 =	vld [tilespmem:$0x4E0];
	_ =	sdelay $0x7  }
0x160: {  	[tilespmem:v7+s21+$0x0] =	vst.idx.add.f32.msk $0x1, v6  }
0x161: {  	[tilespmem:v7+s21+$0x0] =	vst.idx.add.f32.msk vm0, v6  }
0x162: {  	[tilespmem:v7+s21+$0x0] =	vst.idx.add.f32.msk vm1, v6  }
0x163: {  	[tilespmem:v7+s21+$0x0] =	vst.idx.add.f32.msk vm2, v6  }
0x164: {  	[tilespmem:v7+s21+$0x0] =	vst.idx.add.f32.msk vm3, v6  }
0x165: {  	[tilespmem:v7+s21+$0x0] =	vst.idx.add.f32.msk vm4, v6  }
0x166: {  	[tilespmem:v7+s21+$0x0] =	vst.idx.add.f32.msk vm5, v6  }
0x167: {  	[tilespmem:v7+s21+$0x0] =	vst.idx.add.f32.msk vm6, v6  }
0x168: {  	[tilespmem:v7+s21+$0x0] =	vst.idx.add.f32.msk vm7, v6  }
0x169: {  	[tilespmem:v7+s21+$0x0] =	vst.idx.add.f32.msk vm8, v6  }
0x16a: {  	[tilespmem:v7+s21+$0x0] =	vst.idx.add.f32.msk vm9, v6  }
0x16b: {  	[tilespmem:v7+s21+$0x0] =	vst.idx.add.f32.msk vm10, v6  }
0x16c: {  	[tilespmem:v7+s21+$0x0] =	vst.idx.add.f32.msk vm11, v6  }
0x16d: {  	[tilespmem:v7+s21+$0x0] =	vst.idx.add.f32.msk vm12, v6  }
0x16e: {  	[tilespmem:v7+s21+$0x0] =	vst.idx.add.f32.msk vm13, v6  }
0x16f: {  	[tilespmem:v7+s21+$0x0] =	vst.idx.add.f32.msk vm14, v6  }
0x170: {  	v7 =	vld [tilespmem:$0x4F0];
	_ =	sdelay $0x7  }
0x171: {  	[tilespmem:v7+s21+$0x0] =	vst.idx.add.f32.msk $0x1, v6  }
0x172: {  	[tilespmem:v7+s21+$0x0] =	vst.idx.add.f32.msk vm0, v6  }
0x173: {  	[tilespmem:v7+s21+$0x0] =	vst.idx.add.f32.msk vm1, v6  }
0x174: {  	[tilespmem:v7+s21+$0x0] =	vst.idx.add.f32.msk vm2, v6  }
0x175: {  	[tilespmem:v7+s21+$0x0] =	vst.idx.add.f32.msk vm3, v6  }
0x176: {  	[tilespmem:v7+s21+$0x0] =	vst.idx.add.f32.msk vm4, v6  }
0x177: {  	[tilespmem:v7+s21+$0x0] =	vst.idx.add.f32.msk vm5, v6  }
0x178: {  	[tilespmem:v7+s21+$0x0] =	vst.idx.add.f32.msk vm6, v6  }
0x179: {  	[tilespmem:v7+s21+$0x0] =	vst.idx.add.f32.msk vm7, v6  }
0x17a: {  	[tilespmem:v7+s21+$0x0] =	vst.idx.add.f32.msk vm8, v6  }
0x17b: {  	[tilespmem:v7+s21+$0x0] =	vst.idx.add.f32.msk vm9, v6  }
0x17c: {  	[tilespmem:v7+s21+$0x0] =	vst.idx.add.f32.msk vm10, v6  }
0x17d: {  	[tilespmem:v7+s21+$0x0] =	vst.idx.add.f32.msk vm11, v6  }
0x17e: {  	[tilespmem:v7+s21+$0x0] =	vst.idx.add.f32.msk vm12, v6  }
0x17f: {  	[tilespmem:v7+s21+$0x0] =	vst.idx.add.f32.msk vm13, v6  }
0x180: {  	[tilespmem:v7+s21+$0x0] =	vst.idx.add.f32.msk vm14, v6  }
0x181: {  	_ =	swait.ge [sflag:s26], $0x4000  }
0x182: {  	[sflag:s26] =	ssyncset.done $0x0  }
0x183: {  	[sflag:s26] =	ssyncadd.s32 $0xFFFFC000  }
0x184: {  	[tilespmem:s19], [sflag:$0x2] =	stream.indirect.gather [hbm4b:s0+s18], $0x80, s28, s18, $0xb8;
	[tilespmem:$0x1EF00] =	vst v63  }
0x185: {  	_ =	swait.ge [sflag:s20], $0x4000  }
0x186: {  	[sflag:s20] =	ssyncset.done $0x0  }
0x187: {  	[sflag:s20] =	ssyncadd.s32 $0xFFFFC000  }
0x188: {  	[spmem:s3] =	stream.indirect.scatter.add.f32 [tilespmem:s15], [sflag:$0x3], $0x80, s29, s18, $0xb8;
	[tilespmem:$0x1EF00] =	vst v63  }
0x189: {  	v7 =	vld [tilespmem:$0x500];
	_ =	sdelay $0x7  }
0x18a: {  	[tilespmem:v7+s21+$0x0] =	vst.idx.add.f32.msk $0x1, v6  }
0x18b: {  	[tilespmem:v7+s21+$0x0] =	vst.idx.add.f32.msk vm0, v6  }
0x18c: {  	[tilespmem:v7+s21+$0x0] =	vst.idx.add.f32.msk vm1, v6  }
0x18d: {  	[tilespmem:v7+s21+$0x0] =	vst.idx.add.f32.msk vm2, v6  }
0x18e: {  	[tilespmem:v7+s21+$0x0] =	vst.idx.add.f32.msk vm3, v6  }
0x18f: {  	[tilespmem:v7+s21+$0x0] =	vst.idx.add.f32.msk vm4, v6  }
0x190: {  	[tilespmem:v7+s21+$0x0] =	vst.idx.add.f32.msk vm5, v6  }
0x191: {  	[tilespmem:v7+s21+$0x0] =	vst.idx.add.f32.msk vm6, v6  }
0x192: {  	[tilespmem:v7+s21+$0x0] =	vst.idx.add.f32.msk vm7, v6  }
0x193: {  	[tilespmem:v7+s21+$0x0] =	vst.idx.add.f32.msk vm8, v6  }
0x194: {  	[tilespmem:v7+s21+$0x0] =	vst.idx.add.f32.msk vm9, v6  }
0x195: {  	[tilespmem:v7+s21+$0x0] =	vst.idx.add.f32.msk vm10, v6  }
0x196: {  	[tilespmem:v7+s21+$0x0] =	vst.idx.add.f32.msk vm11, v6  }
0x197: {  	[tilespmem:v7+s21+$0x0] =	vst.idx.add.f32.msk vm12, v6  }
0x198: {  	[tilespmem:v7+s21+$0x0] =	vst.idx.add.f32.msk vm13, v6  }
0x199: {  	[tilespmem:v7+s21+$0x0] =	vst.idx.add.f32.msk vm14, v6  }
0x19a: {  	v7 =	vld [tilespmem:$0x510];
	_ =	sdelay $0x7  }
0x19b: {  	[tilespmem:v7+s21+$0x0] =	vst.idx.add.f32.msk $0x1, v6  }
0x19c: {  	[tilespmem:v7+s21+$0x0] =	vst.idx.add.f32.msk vm0, v6  }
0x19d: {  	[tilespmem:v7+s21+$0x0] =	vst.idx.add.f32.msk vm1, v6  }
0x19e: {  	[tilespmem:v7+s21+$0x0] =	vst.idx.add.f32.msk vm2, v6  }
0x19f: {  	[tilespmem:v7+s21+$0x0] =	vst.idx.add.f32.msk vm3, v6  }
0x1a0: {  	[tilespmem:v7+s21+$0x0] =	vst.idx.add.f32.msk vm4, v6  }
0x1a1: {  	[tilespmem:v7+s21+$0x0] =	vst.idx.add.f32.msk vm5, v6  }
0x1a2: {  	[tilespmem:v7+s21+$0x0] =	vst.idx.add.f32.msk vm6, v6  }
0x1a3: {  	[tilespmem:v7+s21+$0x0] =	vst.idx.add.f32.msk vm7, v6  }
0x1a4: {  	[tilespmem:v7+s21+$0x0] =	vst.idx.add.f32.msk vm8, v6  }
0x1a5: {  	[tilespmem:v7+s21+$0x0] =	vst.idx.add.f32.msk vm9, v6  }
0x1a6: {  	[tilespmem:v7+s21+$0x0] =	vst.idx.add.f32.msk vm10, v6  }
0x1a7: {  	[tilespmem:v7+s21+$0x0] =	vst.idx.add.f32.msk vm11, v6  }
0x1a8: {  	[tilespmem:v7+s21+$0x0] =	vst.idx.add.f32.msk vm12, v6  }
0x1a9: {  	[tilespmem:v7+s21+$0x0] =	vst.idx.add.f32.msk vm13, v6  }
0x1aa: {  	[tilespmem:v7+s21+$0x0] =	vst.idx.add.f32.msk vm14, v6  }
0x1ab: {  	v7 =	vld [tilespmem:$0x520];
	_ =	sdelay $0x7  }
0x1ac: {  	[tilespmem:v7+s21+$0x0] =	vst.idx.add.f32.msk $0x1, v6  }
0x1ad: {  	[tilespmem:v7+s21+$0x0] =	vst.idx.add.f32.msk vm0, v6  }
0x1ae: {  	[tilespmem:v7+s21+$0x0] =	vst.idx.add.f32.msk vm1, v6  }
0x1af: {  	[tilespmem:v7+s21+$0x0] =	vst.idx.add.f32.msk vm2, v6  }
0x1b0: {  	[tilespmem:v7+s21+$0x0] =	vst.idx.add.f32.msk vm3, v6  }
0x1b1: {  	[tilespmem:v7+s21+$0x0] =	vst.idx.add.f32.msk vm4, v6  }
0x1b2: {  	[tilespmem:v7+s21+$0x0] =	vst.idx.add.f32.msk vm5, v6  }
0x1b3: {  	[tilespmem:v7+s21+$0x0] =	vst.idx.add.f32.msk vm6, v6  }
0x1b4: {  	[tilespmem:v7+s21+$0x0] =	vst.idx.add.f32.msk vm7, v6  }
0x1b5: {  	[tilespmem:v7+s21+$0x0] =	vst.idx.add.f32.msk vm8, v6  }
0x1b6: {  	[tilespmem:v7+s21+$0x0] =	vst.idx.add.f32.msk vm9, v6  }
0x1b7: {  	[tilespmem:v7+s21+$0x0] =	vst.idx.add.f32.msk vm10, v6  }
0x1b8: {  	[tilespmem:v7+s21+$0x0] =	vst.idx.add.f32.msk vm11, v6  }
0x1b9: {  	[tilespmem:v7+s21+$0x0] =	vst.idx.add.f32.msk vm12, v6  }
0x1ba: {  	[tilespmem:v7+s21+$0x0] =	vst.idx.add.f32.msk vm13, v6  }
0x1bb: {  	[tilespmem:v7+s21+$0x0] =	vst.idx.add.f32.msk vm14, v6  }
0x1bc: {  	v7 =	vld [tilespmem:$0x530];
	_ =	sdelay $0x7  }
0x1bd: {  	[tilespmem:v7+s21+$0x0] =	vst.idx.add.f32.msk $0x1, v6  }
0x1be: {  	[tilespmem:v7+s21+$0x0] =	vst.idx.add.f32.msk vm0, v6  }
0x1bf: {  	[tilespmem:v7+s21+$0x0] =	vst.idx.add.f32.msk vm1, v6  }
0x1c0: {  	[tilespmem:v7+s21+$0x0] =	vst.idx.add.f32.msk vm2, v6  }
0x1c1: {  	[tilespmem:v7+s21+$0x0] =	vst.idx.add.f32.msk vm3, v6  }
0x1c2: {  	[tilespmem:v7+s21+$0x0] =	vst.idx.add.f32.msk vm4, v6  }
0x1c3: {  	[tilespmem:v7+s21+$0x0] =	vst.idx.add.f32.msk vm5, v6  }
0x1c4: {  	[tilespmem:v7+s21+$0x0] =	vst.idx.add.f32.msk vm6, v6  }
0x1c5: {  	[tilespmem:v7+s21+$0x0] =	vst.idx.add.f32.msk vm7, v6  }
0x1c6: {  	[tilespmem:v7+s21+$0x0] =	vst.idx.add.f32.msk vm8, v6  }
0x1c7: {  	[tilespmem:v7+s21+$0x0] =	vst.idx.add.f32.msk vm9, v6  }
0x1c8: {  	[tilespmem:v7+s21+$0x0] =	vst.idx.add.f32.msk vm10, v6  }
0x1c9: {  	[tilespmem:v7+s21+$0x0] =	vst.idx.add.f32.msk vm11, v6  }
0x1ca: {  	[tilespmem:v7+s21+$0x0] =	vst.idx.add.f32.msk vm12, v6  }
0x1cb: {  	[tilespmem:v7+s21+$0x0] =	vst.idx.add.f32.msk vm13, v6  }
0x1cc: {  	[tilespmem:v7+s21+$0x0] =	vst.idx.add.f32.msk vm14, v6  }
0x1cd: {  	v7 =	vld [tilespmem:$0x540];
	_ =	sdelay $0x7  }
0x1ce: {  	[tilespmem:v7+s21+$0x0] =	vst.idx.add.f32.msk $0x1, v6  }
0x1cf: {  	[tilespmem:v7+s21+$0x0] =	vst.idx.add.f32.msk vm0, v6  }
0x1d0: {  	[tilespmem:v7+s21+$0x0] =	vst.idx.add.f32.msk vm1, v6  }
0x1d1: {  	[tilespmem:v7+s21+$0x0] =	vst.idx.add.f32.msk vm2, v6  }
0x1d2: {  	[tilespmem:v7+s21+$0x0] =	vst.idx.add.f32.msk vm3, v6  }
0x1d3: {  	[tilespmem:v7+s21+$0x0] =	vst.idx.add.f32.msk vm4, v6  }
0x1d4: {  	[tilespmem:v7+s21+$0x0] =	vst.idx.add.f32.msk vm5, v6  }
0x1d5: {  	[tilespmem:v7+s21+$0x0] =	vst.idx.add.f32.msk vm6, v6  }
0x1d6: {  	[tilespmem:v7+s21+$0x0] =	vst.idx.add.f32.msk vm7, v6  }
0x1d7: {  	[tilespmem:v7+s21+$0x0] =	vst.idx.add.f32.msk vm8, v6  }
0x1d8: {  	[tilespmem:v7+s21+$0x0] =	vst.idx.add.f32.msk vm9, v6  }
0x1d9: {  	[tilespmem:v7+s21+$0x0] =	vst.idx.add.f32.msk vm10, v6  }
0x1da: {  	[tilespmem:v7+s21+$0x0] =	vst.idx.add.f32.msk vm11, v6  }
0x1db: {  	[tilespmem:v7+s21+$0x0] =	vst.idx.add.f32.msk vm12, v6  }
0x1dc: {  	[tilespmem:v7+s21+$0x0] =	vst.idx.add.f32.msk vm13, v6  }
0x1dd: {  	[tilespmem:v7+s21+$0x0] =	vst.idx.add.f32.msk vm14, v6  }
0x1de: {  	v7 =	vld [tilespmem:$0x550];
	_ =	sdelay $0x7  }
0x1df: {  	[tilespmem:v7+s21+$0x0] =	vst.idx.add.f32.msk $0x1, v6  }
0x1e0: {  	[tilespmem:v7+s21+$0x0] =	vst.idx.add.f32.msk vm0, v6  }
0x1e1: {  	[tilespmem:v7+s21+$0x0] =	vst.idx.add.f32.msk vm1, v6  }
0x1e2: {  	[tilespmem:v7+s21+$0x0] =	vst.idx.add.f32.msk vm2, v6  }
0x1e3: {  	[tilespmem:v7+s21+$0x0] =	vst.idx.add.f32.msk vm3, v6  }
0x1e4: {  	[tilespmem:v7+s21+$0x0] =	vst.idx.add.f32.msk vm4, v6  }
0x1e5: {  	[tilespmem:v7+s21+$0x0] =	vst.idx.add.f32.msk vm5, v6  }
0x1e6: {  	[tilespmem:v7+s21+$0x0] =	vst.idx.add.f32.msk vm6, v6  }
0x1e7: {  	[tilespmem:v7+s21+$0x0] =	vst.idx.add.f32.msk vm7, v6  }
0x1e8: {  	[tilespmem:v7+s21+$0x0] =	vst.idx.add.f32.msk vm8, v6  }
0x1e9: {  	[tilespmem:v7+s21+$0x0] =	vst.idx.add.f32.msk vm9, v6  }
0x1ea: {  	[tilespmem:v7+s21+$0x0] =	vst.idx.add.f32.msk vm10, v6  }
0x1eb: {  	[tilespmem:v7+s21+$0x0] =	vst.idx.add.f32.msk vm11, v6  }
0x1ec: {  	[tilespmem:v7+s21+$0x0] =	vst.idx.add.f32.msk vm12, v6  }
0x1ed: {  	[tilespmem:v7+s21+$0x0] =	vst.idx.add.f32.msk vm13, v6  }
0x1ee: {  	[tilespmem:v7+s21+$0x0] =	vst.idx.add.f32.msk vm14, v6  }
0x1ef: {  	v7 =	vld [tilespmem:$0x560];
	_ =	sdelay $0x7  }
0x1f0: {  	[tilespmem:v7+s21+$0x0] =	vst.idx.add.f32.msk $0x1, v6  }
0x1f1: {  	[tilespmem:v7+s21+$0x0] =	vst.idx.add.f32.msk vm0, v6  }
0x1f2: {  	[tilespmem:v7+s21+$0x0] =	vst.idx.add.f32.msk vm1, v6  }
0x1f3: {  	[tilespmem:v7+s21+$0x0] =	vst.idx.add.f32.msk vm2, v6  }
0x1f4: {  	[tilespmem:v7+s21+$0x0] =	vst.idx.add.f32.msk vm3, v6  }
0x1f5: {  	[tilespmem:v7+s21+$0x0] =	vst.idx.add.f32.msk vm4, v6  }
0x1f6: {  	[tilespmem:v7+s21+$0x0] =	vst.idx.add.f32.msk vm5, v6  }
0x1f7: {  	[tilespmem:v7+s21+$0x0] =	vst.idx.add.f32.msk vm6, v6  }
0x1f8: {  	[tilespmem:v7+s21+$0x0] =	vst.idx.add.f32.msk vm7, v6  }
0x1f9: {  	[tilespmem:v7+s21+$0x0] =	vst.idx.add.f32.msk vm8, v6  }
0x1fa: {  	[tilespmem:v7+s21+$0x0] =	vst.idx.add.f32.msk vm9, v6  }
0x1fb: {  	[tilespmem:v7+s21+$0x0] =	vst.idx.add.f32.msk vm10, v6  }
0x1fc: {  	[tilespmem:v7+s21+$0x0] =	vst.idx.add.f32.msk vm11, v6  }
0x1fd: {  	[tilespmem:v7+s21+$0x0] =	vst.idx.add.f32.msk vm12, v6  }
0x1fe: {  	[tilespmem:v7+s21+$0x0] =	vst.idx.add.f32.msk vm13, v6  }
0x1ff: {  	[tilespmem:v7+s21+$0x0] =	vst.idx.add.f32.msk vm14, v6  }
0x200: {  	v7 =	vld [tilespmem:$0x570];
	_ =	sdelay $0x7  }
0x201: {  	[tilespmem:v7+s21+$0x0] =	vst.idx.add.f32.msk $0x1, v6  }
0x202: {  	[tilespmem:v7+s21+$0x0] =	vst.idx.add.f32.msk vm0, v6  }
0x203: {  	[tilespmem:v7+s21+$0x0] =	vst.idx.add.f32.msk vm1, v6  }
0x204: {  	[tilespmem:v7+s21+$0x0] =	vst.idx.add.f32.msk vm2, v6  }
0x205: {  	[tilespmem:v7+s21+$0x0] =	vst.idx.add.f32.msk vm3, v6  }
0x206: {  	[tilespmem:v7+s21+$0x0] =	vst.idx.add.f32.msk vm4, v6  }
0x207: {  	[tilespmem:v7+s21+$0x0] =	vst.idx.add.f32.msk vm5, v6  }
0x208: {  	[tilespmem:v7+s21+$0x0] =	vst.idx.add.f32.msk vm6, v6  }
0x209: {  	[tilespmem:v7+s21+$0x0] =	vst.idx.add.f32.msk vm7, v6  }
0x20a: {  	[tilespmem:v7+s21+$0x0] =	vst.idx.add.f32.msk vm8, v6  }
0x20b: {  	[tilespmem:v7+s21+$0x0] =	vst.idx.add.f32.msk vm9, v6  }
0x20c: {  	[tilespmem:v7+s21+$0x0] =	vst.idx.add.f32.msk vm10, v6  }
0x20d: {  	[tilespmem:v7+s21+$0x0] =	vst.idx.add.f32.msk vm11, v6  }
0x20e: {  	[tilespmem:v7+s21+$0x0] =	vst.idx.add.f32.msk vm12, v6  }
0x20f: {  	[tilespmem:v7+s21+$0x0] =	vst.idx.add.f32.msk vm13, v6  }
0x210: {  	[tilespmem:v7+s21+$0x0] =	vst.idx.add.f32.msk vm14, v6  }
0x211: {  	_ =	swait.ge [sflag:s22], $0x4000  }
0x212: {  	[sflag:s22] =	ssyncset.done $0x0  }
0x213: {  	[sflag:s22] =	ssyncadd.s32 $0xFFFFC000  }
0x214: {  	[tilespmem:s15], [sflag:$0x1] =	stream.indirect.gather [hbm4b:s0+s18], $0x80, s30, s18, $0xb8;
	[tilespmem:$0x1EF00] =	vst v63  }
0x215: {  	_ =	swait.ge [sflag:s24], $0x4000  }
0x216: {  	[sflag:s24] =	ssyncset.done $0x0  }
0x217: {  	[sflag:s24] =	ssyncadd.s32 $0xFFFFC000  }
0x218: {  	[spmem:s3] =	stream.indirect.scatter.add.f32 [tilespmem:s19], [sflag:$0x4], $0x80, s31, s18, $0xb8;
	[tilespmem:$0x1EF00] =	vst v63  }
0x219: {  	v7 =	vld [tilespmem:$0x580];
	_ =	sdelay $0x7  }
0x21a: {  	[tilespmem:v7+s21+$0x0] =	vst.idx.add.f32.msk $0x1, v6  }
0x21b: {  	[tilespmem:v7+s21+$0x0] =	vst.idx.add.f32.msk vm0, v6  }
0x21c: {  	[tilespmem:v7+s21+$0x0] =	vst.idx.add.f32.msk vm1, v6  }
0x21d: {  	[tilespmem:v7+s21+$0x0] =	vst.idx.add.f32.msk vm2, v6  }
0x21e: {  	[tilespmem:v7+s21+$0x0] =	vst.idx.add.f32.msk vm3, v6  }
0x21f: {  	[tilespmem:v7+s21+$0x0] =	vst.idx.add.f32.msk vm4, v6  }
0x220: {  	[tilespmem:v7+s21+$0x0] =	vst.idx.add.f32.msk vm5, v6  }
0x221: {  	[tilespmem:v7+s21+$0x0] =	vst.idx.add.f32.msk vm6, v6  }
0x222: {  	[tilespmem:v7+s21+$0x0] =	vst.idx.add.f32.msk vm7, v6  }
0x223: {  	[tilespmem:v7+s21+$0x0] =	vst.idx.add.f32.msk vm8, v6  }
0x224: {  	[tilespmem:v7+s21+$0x0] =	vst.idx.add.f32.msk vm9, v6  }
0x225: {  	[tilespmem:v7+s21+$0x0] =	vst.idx.add.f32.msk vm10, v6  }
0x226: {  	[tilespmem:v7+s21+$0x0] =	vst.idx.add.f32.msk vm11, v6  }
0x227: {  	[tilespmem:v7+s21+$0x0] =	vst.idx.add.f32.msk vm12, v6  }
0x228: {  	[tilespmem:v7+s21+$0x0] =	vst.idx.add.f32.msk vm13, v6  }
0x229: {  	[tilespmem:v7+s21+$0x0] =	vst.idx.add.f32.msk vm14, v6  }
0x22a: {  	v7 =	vld [tilespmem:$0x590];
	_ =	sdelay $0x7  }
0x22b: {  	[tilespmem:v7+s21+$0x0] =	vst.idx.add.f32.msk $0x1, v6  }
0x22c: {  	[tilespmem:v7+s21+$0x0] =	vst.idx.add.f32.msk vm0, v6  }
0x22d: {  	[tilespmem:v7+s21+$0x0] =	vst.idx.add.f32.msk vm1, v6  }
0x22e: {  	[tilespmem:v7+s21+$0x0] =	vst.idx.add.f32.msk vm2, v6  }
0x22f: {  	[tilespmem:v7+s21+$0x0] =	vst.idx.add.f32.msk vm3, v6  }
0x230: {  	[tilespmem:v7+s21+$0x0] =	vst.idx.add.f32.msk vm4, v6  }
0x231: {  	[tilespmem:v7+s21+$0x0] =	vst.idx.add.f32.msk vm5, v6  }
0x232: {  	[tilespmem:v7+s21+$0x0] =	vst.idx.add.f32.msk vm6, v6  }
0x233: {  	[tilespmem:v7+s21+$0x0] =	vst.idx.add.f32.msk vm7, v6  }
0x234: {  	[tilespmem:v7+s21+$0x0] =	vst.idx.add.f32.msk vm8, v6  }
0x235: {  	[tilespmem:v7+s21+$0x0] =	vst.idx.add.f32.msk vm9, v6  }
0x236: {  	[tilespmem:v7+s21+$0x0] =	vst.idx.add.f32.msk vm10, v6  }
0x237: {  	[tilespmem:v7+s21+$0x0] =	vst.idx.add.f32.msk vm11, v6  }
0x238: {  	[tilespmem:v7+s21+$0x0] =	vst.idx.add.f32.msk vm12, v6  }
0x239: {  	[tilespmem:v7+s21+$0x0] =	vst.idx.add.f32.msk vm13, v6  }
0x23a: {  	[tilespmem:v7+s21+$0x0] =	vst.idx.add.f32.msk vm14, v6  }
0x23b: {  	v7 =	vld [tilespmem:$0x5A0];
	_ =	sdelay $0x7  }
0x23c: {  	[tilespmem:v7+s21+$0x0] =	vst.idx.add.f32.msk $0x1, v6  }
0x23d: {  	[tilespmem:v7+s21+$0x0] =	vst.idx.add.f32.msk vm0, v6  }
0x23e: {  	[tilespmem:v7+s21+$0x0] =	vst.idx.add.f32.msk vm1, v6  }
0x23f: {  	[tilespmem:v7+s21+$0x0] =	vst.idx.add.f32.msk vm2, v6  }
0x240: {  	[tilespmem:v7+s21+$0x0] =	vst.idx.add.f32.msk vm3, v6  }
0x241: {  	[tilespmem:v7+s21+$0x0] =	vst.idx.add.f32.msk vm4, v6  }
0x242: {  	[tilespmem:v7+s21+$0x0] =	vst.idx.add.f32.msk vm5, v6  }
0x243: {  	[tilespmem:v7+s21+$0x0] =	vst.idx.add.f32.msk vm6, v6  }
0x244: {  	[tilespmem:v7+s21+$0x0] =	vst.idx.add.f32.msk vm7, v6  }
0x245: {  	[tilespmem:v7+s21+$0x0] =	vst.idx.add.f32.msk vm8, v6  }
0x246: {  	[tilespmem:v7+s21+$0x0] =	vst.idx.add.f32.msk vm9, v6  }
0x247: {  	[tilespmem:v7+s21+$0x0] =	vst.idx.add.f32.msk vm10, v6  }
0x248: {  	[tilespmem:v7+s21+$0x0] =	vst.idx.add.f32.msk vm11, v6  }
0x249: {  	[tilespmem:v7+s21+$0x0] =	vst.idx.add.f32.msk vm12, v6  }
0x24a: {  	[tilespmem:v7+s21+$0x0] =	vst.idx.add.f32.msk vm13, v6  }
0x24b: {  	[tilespmem:v7+s21+$0x0] =	vst.idx.add.f32.msk vm14, v6  }
0x24c: {  	v7 =	vld [tilespmem:$0x5B0];
	_ =	sdelay $0x7  }
0x24d: {  	[tilespmem:v7+s21+$0x0] =	vst.idx.add.f32.msk $0x1, v6  }
0x24e: {  	[tilespmem:v7+s21+$0x0] =	vst.idx.add.f32.msk vm0, v6  }
0x24f: {  	[tilespmem:v7+s21+$0x0] =	vst.idx.add.f32.msk vm1, v6  }
0x250: {  	[tilespmem:v7+s21+$0x0] =	vst.idx.add.f32.msk vm2, v6  }
0x251: {  	[tilespmem:v7+s21+$0x0] =	vst.idx.add.f32.msk vm3, v6  }
0x252: {  	[tilespmem:v7+s21+$0x0] =	vst.idx.add.f32.msk vm4, v6  }
0x253: {  	[tilespmem:v7+s21+$0x0] =	vst.idx.add.f32.msk vm5, v6  }
0x254: {  	[tilespmem:v7+s21+$0x0] =	vst.idx.add.f32.msk vm6, v6  }
0x255: {  	[tilespmem:v7+s21+$0x0] =	vst.idx.add.f32.msk vm7, v6  }
0x256: {  	[tilespmem:v7+s21+$0x0] =	vst.idx.add.f32.msk vm8, v6  }
0x257: {  	[tilespmem:v7+s21+$0x0] =	vst.idx.add.f32.msk vm9, v6  }
0x258: {  	[tilespmem:v7+s21+$0x0] =	vst.idx.add.f32.msk vm10, v6  }
0x259: {  	[tilespmem:v7+s21+$0x0] =	vst.idx.add.f32.msk vm11, v6  }
0x25a: {  	[tilespmem:v7+s21+$0x0] =	vst.idx.add.f32.msk vm12, v6  }
0x25b: {  	[tilespmem:v7+s21+$0x0] =	vst.idx.add.f32.msk vm13, v6  }
0x25c: {  	[tilespmem:v7+s21+$0x0] =	vst.idx.add.f32.msk vm14, v6  }
0x25d: {  	v7 =	vld [tilespmem:$0x5C0];
	_ =	sdelay $0x7  }
0x25e: {  	[tilespmem:v7+s21+$0x0] =	vst.idx.add.f32.msk $0x1, v6  }
0x25f: {  	[tilespmem:v7+s21+$0x0] =	vst.idx.add.f32.msk vm0, v6  }
0x260: {  	[tilespmem:v7+s21+$0x0] =	vst.idx.add.f32.msk vm1, v6  }
0x261: {  	[tilespmem:v7+s21+$0x0] =	vst.idx.add.f32.msk vm2, v6  }
0x262: {  	[tilespmem:v7+s21+$0x0] =	vst.idx.add.f32.msk vm3, v6  }
0x263: {  	[tilespmem:v7+s21+$0x0] =	vst.idx.add.f32.msk vm4, v6  }
0x264: {  	[tilespmem:v7+s21+$0x0] =	vst.idx.add.f32.msk vm5, v6  }
0x265: {  	[tilespmem:v7+s21+$0x0] =	vst.idx.add.f32.msk vm6, v6  }
0x266: {  	[tilespmem:v7+s21+$0x0] =	vst.idx.add.f32.msk vm7, v6  }
0x267: {  	[tilespmem:v7+s21+$0x0] =	vst.idx.add.f32.msk vm8, v6  }
0x268: {  	[tilespmem:v7+s21+$0x0] =	vst.idx.add.f32.msk vm9, v6  }
0x269: {  	[tilespmem:v7+s21+$0x0] =	vst.idx.add.f32.msk vm10, v6  }
0x26a: {  	[tilespmem:v7+s21+$0x0] =	vst.idx.add.f32.msk vm11, v6  }
0x26b: {  	[tilespmem:v7+s21+$0x0] =	vst.idx.add.f32.msk vm12, v6  }
0x26c: {  	[tilespmem:v7+s21+$0x0] =	vst.idx.add.f32.msk vm13, v6  }
0x26d: {  	[tilespmem:v7+s21+$0x0] =	vst.idx.add.f32.msk vm14, v6  }
0x26e: {  	v7 =	vld [tilespmem:$0x5D0];
	_ =	sdelay $0x7  }
0x26f: {  	[tilespmem:v7+s21+$0x0] =	vst.idx.add.f32.msk $0x1, v6  }
0x270: {  	[tilespmem:v7+s21+$0x0] =	vst.idx.add.f32.msk vm0, v6  }
0x271: {  	[tilespmem:v7+s21+$0x0] =	vst.idx.add.f32.msk vm1, v6  }
0x272: {  	[tilespmem:v7+s21+$0x0] =	vst.idx.add.f32.msk vm2, v6  }
0x273: {  	[tilespmem:v7+s21+$0x0] =	vst.idx.add.f32.msk vm3, v6  }
0x274: {  	[tilespmem:v7+s21+$0x0] =	vst.idx.add.f32.msk vm4, v6  }
0x275: {  	[tilespmem:v7+s21+$0x0] =	vst.idx.add.f32.msk vm5, v6  }
0x276: {  	[tilespmem:v7+s21+$0x0] =	vst.idx.add.f32.msk vm6, v6  }
0x277: {  	[tilespmem:v7+s21+$0x0] =	vst.idx.add.f32.msk vm7, v6  }
0x278: {  	[tilespmem:v7+s21+$0x0] =	vst.idx.add.f32.msk vm8, v6  }
0x279: {  	[tilespmem:v7+s21+$0x0] =	vst.idx.add.f32.msk vm9, v6  }
0x27a: {  	[tilespmem:v7+s21+$0x0] =	vst.idx.add.f32.msk vm10, v6  }
0x27b: {  	[tilespmem:v7+s21+$0x0] =	vst.idx.add.f32.msk vm11, v6  }
0x27c: {  	[tilespmem:v7+s21+$0x0] =	vst.idx.add.f32.msk vm12, v6  }
0x27d: {  	[tilespmem:v7+s21+$0x0] =	vst.idx.add.f32.msk vm13, v6  }
0x27e: {  	[tilespmem:v7+s21+$0x0] =	vst.idx.add.f32.msk vm14, v6  }
0x27f: {  	v7 =	vld [tilespmem:$0x5E0];
	_ =	sdelay $0x7  }
0x280: {  	[tilespmem:v7+s21+$0x0] =	vst.idx.add.f32.msk $0x1, v6  }
0x281: {  	[tilespmem:v7+s21+$0x0] =	vst.idx.add.f32.msk vm0, v6  }
0x282: {  	[tilespmem:v7+s21+$0x0] =	vst.idx.add.f32.msk vm1, v6  }
0x283: {  	[tilespmem:v7+s21+$0x0] =	vst.idx.add.f32.msk vm2, v6  }
0x284: {  	[tilespmem:v7+s21+$0x0] =	vst.idx.add.f32.msk vm3, v6  }
0x285: {  	[tilespmem:v7+s21+$0x0] =	vst.idx.add.f32.msk vm4, v6  }
0x286: {  	[tilespmem:v7+s21+$0x0] =	vst.idx.add.f32.msk vm5, v6  }
0x287: {  	[tilespmem:v7+s21+$0x0] =	vst.idx.add.f32.msk vm6, v6  }
0x288: {  	[tilespmem:v7+s21+$0x0] =	vst.idx.add.f32.msk vm7, v6  }
0x289: {  	[tilespmem:v7+s21+$0x0] =	vst.idx.add.f32.msk vm8, v6  }
0x28a: {  	[tilespmem:v7+s21+$0x0] =	vst.idx.add.f32.msk vm9, v6  }
0x28b: {  	[tilespmem:v7+s21+$0x0] =	vst.idx.add.f32.msk vm10, v6  }
0x28c: {  	[tilespmem:v7+s21+$0x0] =	vst.idx.add.f32.msk vm11, v6  }
0x28d: {  	[tilespmem:v7+s21+$0x0] =	vst.idx.add.f32.msk vm12, v6  }
0x28e: {  	[tilespmem:v7+s21+$0x0] =	vst.idx.add.f32.msk vm13, v6  }
0x28f: {  	[tilespmem:v7+s21+$0x0] =	vst.idx.add.f32.msk vm14, v6  }
0x290: {  	v7 =	vld [tilespmem:$0x5F0];
	_ =	sdelay $0x7  }
0x291: {  	[tilespmem:v7+s21+$0x0] =	vst.idx.add.f32.msk $0x1, v6  }
0x292: {  	[tilespmem:v7+s21+$0x0] =	vst.idx.add.f32.msk vm0, v6  }
0x293: {  	[tilespmem:v7+s21+$0x0] =	vst.idx.add.f32.msk vm1, v6  }
0x294: {  	[tilespmem:v7+s21+$0x0] =	vst.idx.add.f32.msk vm2, v6  }
0x295: {  	[tilespmem:v7+s21+$0x0] =	vst.idx.add.f32.msk vm3, v6  }
0x296: {  	[tilespmem:v7+s21+$0x0] =	vst.idx.add.f32.msk vm4, v6  }
0x297: {  	[tilespmem:v7+s21+$0x0] =	vst.idx.add.f32.msk vm5, v6  }
0x298: {  	[tilespmem:v7+s21+$0x0] =	vst.idx.add.f32.msk vm6, v6  }
0x299: {  	[tilespmem:v7+s21+$0x0] =	vst.idx.add.f32.msk vm7, v6  }
0x29a: {  	[tilespmem:v7+s21+$0x0] =	vst.idx.add.f32.msk vm8, v6  }
0x29b: {  	[tilespmem:v7+s21+$0x0] =	vst.idx.add.f32.msk vm9, v6  }
0x29c: {  	[tilespmem:v7+s21+$0x0] =	vst.idx.add.f32.msk vm10, v6  }
0x29d: {  	[tilespmem:v7+s21+$0x0] =	vst.idx.add.f32.msk vm11, v6  }
0x29e: {  	[tilespmem:v7+s21+$0x0] =	vst.idx.add.f32.msk vm12, v6  }
0x29f: {  	[tilespmem:v7+s21+$0x0] =	vst.idx.add.f32.msk vm13, v6  }
0x2a0: {  	[tilespmem:v7+s21+$0x0] =	vst.idx.add.f32.msk vm14, v6  }
0x2a1: {  	_ =	swait.ge [sflag:s26], $0x4000  }
0x2a2: {  	[sflag:s26] =	ssyncset.done $0x0  }
0x2a3: {  	[sflag:s26] =	ssyncadd.s32 $0xFFFFC000  }
0x2a4: {  	[tilespmem:s19], [sflag:$0x2] =	stream.indirect.gather [hbm4b:s0+s18], $0x80, s2, s18, $0xb8;
	[tilespmem:$0x1EF00] =	vst v63  }
0x2a5: {  	_ =	swait.ge [sflag:s20], $0x4000  }
0x2a6: {  	[sflag:s20] =	ssyncset.done $0x0  }
0x2a7: {  	[sflag:s20] =	ssyncadd.s32 $0xFFFFC000  }
0x2a8: {  	[spmem:s3] =	stream.indirect.scatter.add.f32 [tilespmem:s15], [sflag:$0x3], $0x80, s1, s18, $0xb8;
	[tilespmem:$0x1EF00] =	vst v63  }
0x2a9: {  	v7 =	vld [tilespmem:$0x600];
	_ =	sdelay $0x7  }
0x2aa: {  	[tilespmem:v7+s21+$0x0] =	vst.idx.add.f32.msk $0x1, v6  }
0x2ab: {  	[tilespmem:v7+s21+$0x0] =	vst.idx.add.f32.msk vm0, v6  }
0x2ac: {  	[tilespmem:v7+s21+$0x0] =	vst.idx.add.f32.msk vm1, v6  }
0x2ad: {  	[tilespmem:v7+s21+$0x0] =	vst.idx.add.f32.msk vm2, v6  }
0x2ae: {  	[tilespmem:v7+s21+$0x0] =	vst.idx.add.f32.msk vm3, v6  }
0x2af: {  	[tilespmem:v7+s21+$0x0] =	vst.idx.add.f32.msk vm4, v6  }
0x2b0: {  	[tilespmem:v7+s21+$0x0] =	vst.idx.add.f32.msk vm5, v6  }
0x2b1: {  	[tilespmem:v7+s21+$0x0] =	vst.idx.add.f32.msk vm6, v6  }
0x2b2: {  	[tilespmem:v7+s21+$0x0] =	vst.idx.add.f32.msk vm7, v6  }
0x2b3: {  	[tilespmem:v7+s21+$0x0] =	vst.idx.add.f32.msk vm8, v6  }
0x2b4: {  	[tilespmem:v7+s21+$0x0] =	vst.idx.add.f32.msk vm9, v6  }
0x2b5: {  	[tilespmem:v7+s21+$0x0] =	vst.idx.add.f32.msk vm10, v6  }
0x2b6: {  	[tilespmem:v7+s21+$0x0] =	vst.idx.add.f32.msk vm11, v6  }
0x2b7: {  	[tilespmem:v7+s21+$0x0] =	vst.idx.add.f32.msk vm12, v6  }
0x2b8: {  	[tilespmem:v7+s21+$0x0] =	vst.idx.add.f32.msk vm13, v6  }
0x2b9: {  	[tilespmem:v7+s21+$0x0] =	vst.idx.add.f32.msk vm14, v6  }
0x2ba: {  	v7 =	vld [tilespmem:$0x610];
	_ =	sdelay $0x7  }
0x2bb: {  	[tilespmem:v7+s21+$0x0] =	vst.idx.add.f32.msk $0x1, v6  }
0x2bc: {  	[tilespmem:v7+s21+$0x0] =	vst.idx.add.f32.msk vm0, v6  }
0x2bd: {  	[tilespmem:v7+s21+$0x0] =	vst.idx.add.f32.msk vm1, v6  }
0x2be: {  	[tilespmem:v7+s21+$0x0] =	vst.idx.add.f32.msk vm2, v6  }
0x2bf: {  	[tilespmem:v7+s21+$0x0] =	vst.idx.add.f32.msk vm3, v6  }
0x2c0: {  	[tilespmem:v7+s21+$0x0] =	vst.idx.add.f32.msk vm4, v6  }
0x2c1: {  	[tilespmem:v7+s21+$0x0] =	vst.idx.add.f32.msk vm5, v6  }
0x2c2: {  	[tilespmem:v7+s21+$0x0] =	vst.idx.add.f32.msk vm6, v6  }
0x2c3: {  	[tilespmem:v7+s21+$0x0] =	vst.idx.add.f32.msk vm7, v6  }
0x2c4: {  	[tilespmem:v7+s21+$0x0] =	vst.idx.add.f32.msk vm8, v6  }
0x2c5: {  	[tilespmem:v7+s21+$0x0] =	vst.idx.add.f32.msk vm9, v6  }
0x2c6: {  	[tilespmem:v7+s21+$0x0] =	vst.idx.add.f32.msk vm10, v6  }
0x2c7: {  	[tilespmem:v7+s21+$0x0] =	vst.idx.add.f32.msk vm11, v6  }
0x2c8: {  	[tilespmem:v7+s21+$0x0] =	vst.idx.add.f32.msk vm12, v6  }
0x2c9: {  	[tilespmem:v7+s21+$0x0] =	vst.idx.add.f32.msk vm13, v6  }
0x2ca: {  	[tilespmem:v7+s21+$0x0] =	vst.idx.add.f32.msk vm14, v6  }
0x2cb: {  	v7 =	vld [tilespmem:$0x620];
	_ =	sdelay $0x7  }
0x2cc: {  	[tilespmem:v7+s21+$0x0] =	vst.idx.add.f32.msk $0x1, v6  }
0x2cd: {  	[tilespmem:v7+s21+$0x0] =	vst.idx.add.f32.msk vm0, v6  }
0x2ce: {  	[tilespmem:v7+s21+$0x0] =	vst.idx.add.f32.msk vm1, v6  }
0x2cf: {  	[tilespmem:v7+s21+$0x0] =	vst.idx.add.f32.msk vm2, v6  }
0x2d0: {  	[tilespmem:v7+s21+$0x0] =	vst.idx.add.f32.msk vm3, v6  }
0x2d1: {  	[tilespmem:v7+s21+$0x0] =	vst.idx.add.f32.msk vm4, v6  }
0x2d2: {  	[tilespmem:v7+s21+$0x0] =	vst.idx.add.f32.msk vm5, v6  }
0x2d3: {  	[tilespmem:v7+s21+$0x0] =	vst.idx.add.f32.msk vm6, v6  }
0x2d4: {  	[tilespmem:v7+s21+$0x0] =	vst.idx.add.f32.msk vm7, v6  }
0x2d5: {  	[tilespmem:v7+s21+$0x0] =	vst.idx.add.f32.msk vm8, v6  }
0x2d6: {  	[tilespmem:v7+s21+$0x0] =	vst.idx.add.f32.msk vm9, v6  }
0x2d7: {  	[tilespmem:v7+s21+$0x0] =	vst.idx.add.f32.msk vm10, v6  }
0x2d8: {  	[tilespmem:v7+s21+$0x0] =	vst.idx.add.f32.msk vm11, v6  }
0x2d9: {  	[tilespmem:v7+s21+$0x0] =	vst.idx.add.f32.msk vm12, v6  }
0x2da: {  	[tilespmem:v7+s21+$0x0] =	vst.idx.add.f32.msk vm13, v6  }
0x2db: {  	[tilespmem:v7+s21+$0x0] =	vst.idx.add.f32.msk vm14, v6  }
0x2dc: {  	v7 =	vld [tilespmem:$0x630];
	_ =	sdelay $0x7  }
0x2dd: {  	[tilespmem:v7+s21+$0x0] =	vst.idx.add.f32.msk $0x1, v6  }
0x2de: {  	[tilespmem:v7+s21+$0x0] =	vst.idx.add.f32.msk vm0, v6  }
0x2df: {  	[tilespmem:v7+s21+$0x0] =	vst.idx.add.f32.msk vm1, v6  }
0x2e0: {  	[tilespmem:v7+s21+$0x0] =	vst.idx.add.f32.msk vm2, v6  }
0x2e1: {  	[tilespmem:v7+s21+$0x0] =	vst.idx.add.f32.msk vm3, v6  }
0x2e2: {  	[tilespmem:v7+s21+$0x0] =	vst.idx.add.f32.msk vm4, v6  }
0x2e3: {  	[tilespmem:v7+s21+$0x0] =	vst.idx.add.f32.msk vm5, v6  }
0x2e4: {  	[tilespmem:v7+s21+$0x0] =	vst.idx.add.f32.msk vm6, v6  }
0x2e5: {  	[tilespmem:v7+s21+$0x0] =	vst.idx.add.f32.msk vm7, v6  }
0x2e6: {  	[tilespmem:v7+s21+$0x0] =	vst.idx.add.f32.msk vm8, v6  }
0x2e7: {  	[tilespmem:v7+s21+$0x0] =	vst.idx.add.f32.msk vm9, v6  }
0x2e8: {  	[tilespmem:v7+s21+$0x0] =	vst.idx.add.f32.msk vm10, v6  }
0x2e9: {  	[tilespmem:v7+s21+$0x0] =	vst.idx.add.f32.msk vm11, v6  }
0x2ea: {  	[tilespmem:v7+s21+$0x0] =	vst.idx.add.f32.msk vm12, v6  }
0x2eb: {  	[tilespmem:v7+s21+$0x0] =	vst.idx.add.f32.msk vm13, v6  }
0x2ec: {  	[tilespmem:v7+s21+$0x0] =	vst.idx.add.f32.msk vm14, v6  }
0x2ed: {  	v7 =	vld [tilespmem:$0x640];
	_ =	sdelay $0x7  }
0x2ee: {  	[tilespmem:v7+s21+$0x0] =	vst.idx.add.f32.msk $0x1, v6  }
0x2ef: {  	[tilespmem:v7+s21+$0x0] =	vst.idx.add.f32.msk vm0, v6  }
0x2f0: {  	[tilespmem:v7+s21+$0x0] =	vst.idx.add.f32.msk vm1, v6  }
0x2f1: {  	[tilespmem:v7+s21+$0x0] =	vst.idx.add.f32.msk vm2, v6  }
0x2f2: {  	[tilespmem:v7+s21+$0x0] =	vst.idx.add.f32.msk vm3, v6  }
0x2f3: {  	[tilespmem:v7+s21+$0x0] =	vst.idx.add.f32.msk vm4, v6  }
0x2f4: {  	[tilespmem:v7+s21+$0x0] =	vst.idx.add.f32.msk vm5, v6  }
0x2f5: {  	[tilespmem:v7+s21+$0x0] =	vst.idx.add.f32.msk vm6, v6  }
0x2f6: {  	[tilespmem:v7+s21+$0x0] =	vst.idx.add.f32.msk vm7, v6  }
0x2f7: {  	[tilespmem:v7+s21+$0x0] =	vst.idx.add.f32.msk vm8, v6  }
0x2f8: {  	[tilespmem:v7+s21+$0x0] =	vst.idx.add.f32.msk vm9, v6  }
0x2f9: {  	[tilespmem:v7+s21+$0x0] =	vst.idx.add.f32.msk vm10, v6  }
0x2fa: {  	[tilespmem:v7+s21+$0x0] =	vst.idx.add.f32.msk vm11, v6  }
0x2fb: {  	[tilespmem:v7+s21+$0x0] =	vst.idx.add.f32.msk vm12, v6  }
0x2fc: {  	[tilespmem:v7+s21+$0x0] =	vst.idx.add.f32.msk vm13, v6  }
0x2fd: {  	[tilespmem:v7+s21+$0x0] =	vst.idx.add.f32.msk vm14, v6  }
0x2fe: {  	v7 =	vld [tilespmem:$0x650];
	_ =	sdelay $0x7  }
0x2ff: {  	[tilespmem:v7+s21+$0x0] =	vst.idx.add.f32.msk $0x1, v6  }
0x300: {  	[tilespmem:v7+s21+$0x0] =	vst.idx.add.f32.msk vm0, v6  }
0x301: {  	[tilespmem:v7+s21+$0x0] =	vst.idx.add.f32.msk vm1, v6  }
0x302: {  	[tilespmem:v7+s21+$0x0] =	vst.idx.add.f32.msk vm2, v6  }
0x303: {  	[tilespmem:v7+s21+$0x0] =	vst.idx.add.f32.msk vm3, v6  }
0x304: {  	[tilespmem:v7+s21+$0x0] =	vst.idx.add.f32.msk vm4, v6  }
0x305: {  	[tilespmem:v7+s21+$0x0] =	vst.idx.add.f32.msk vm5, v6  }
0x306: {  	[tilespmem:v7+s21+$0x0] =	vst.idx.add.f32.msk vm6, v6  }
0x307: {  	[tilespmem:v7+s21+$0x0] =	vst.idx.add.f32.msk vm7, v6  }
0x308: {  	[tilespmem:v7+s21+$0x0] =	vst.idx.add.f32.msk vm8, v6  }
0x309: {  	[tilespmem:v7+s21+$0x0] =	vst.idx.add.f32.msk vm9, v6  }
0x30a: {  	[tilespmem:v7+s21+$0x0] =	vst.idx.add.f32.msk vm10, v6  }
0x30b: {  	[tilespmem:v7+s21+$0x0] =	vst.idx.add.f32.msk vm11, v6  }
0x30c: {  	[tilespmem:v7+s21+$0x0] =	vst.idx.add.f32.msk vm12, v6  }
0x30d: {  	[tilespmem:v7+s21+$0x0] =	vst.idx.add.f32.msk vm13, v6  }
0x30e: {  	[tilespmem:v7+s21+$0x0] =	vst.idx.add.f32.msk vm14, v6  }
0x30f: {  	v7 =	vld [tilespmem:$0x660];
	_ =	sdelay $0x7  }
0x310: {  	[tilespmem:v7+s21+$0x0] =	vst.idx.add.f32.msk $0x1, v6  }
0x311: {  	[tilespmem:v7+s21+$0x0] =	vst.idx.add.f32.msk vm0, v6  }
0x312: {  	[tilespmem:v7+s21+$0x0] =	vst.idx.add.f32.msk vm1, v6  }
0x313: {  	[tilespmem:v7+s21+$0x0] =	vst.idx.add.f32.msk vm2, v6  }
0x314: {  	[tilespmem:v7+s21+$0x0] =	vst.idx.add.f32.msk vm3, v6  }
0x315: {  	[tilespmem:v7+s21+$0x0] =	vst.idx.add.f32.msk vm4, v6  }
0x316: {  	[tilespmem:v7+s21+$0x0] =	vst.idx.add.f32.msk vm5, v6  }
0x317: {  	[tilespmem:v7+s21+$0x0] =	vst.idx.add.f32.msk vm6, v6  }
0x318: {  	[tilespmem:v7+s21+$0x0] =	vst.idx.add.f32.msk vm7, v6  }
0x319: {  	[tilespmem:v7+s21+$0x0] =	vst.idx.add.f32.msk vm8, v6  }
0x31a: {  	[tilespmem:v7+s21+$0x0] =	vst.idx.add.f32.msk vm9, v6  }
0x31b: {  	[tilespmem:v7+s21+$0x0] =	vst.idx.add.f32.msk vm10, v6  }
0x31c: {  	[tilespmem:v7+s21+$0x0] =	vst.idx.add.f32.msk vm11, v6  }
0x31d: {  	[tilespmem:v7+s21+$0x0] =	vst.idx.add.f32.msk vm12, v6  }
0x31e: {  	[tilespmem:v7+s21+$0x0] =	vst.idx.add.f32.msk vm13, v6  }
0x31f: {  	[tilespmem:v7+s21+$0x0] =	vst.idx.add.f32.msk vm14, v6  }
0x320: {  	v7 =	vld [tilespmem:$0x670];
	_ =	sdelay $0x7  }
0x321: {  	[tilespmem:v7+s21+$0x0] =	vst.idx.add.f32.msk $0x1, v6  }
0x322: {  	[tilespmem:v7+s21+$0x0] =	vst.idx.add.f32.msk vm0, v6  }
0x323: {  	[tilespmem:v7+s21+$0x0] =	vst.idx.add.f32.msk vm1, v6  }
0x324: {  	[tilespmem:v7+s21+$0x0] =	vst.idx.add.f32.msk vm2, v6  }
0x325: {  	[tilespmem:v7+s21+$0x0] =	vst.idx.add.f32.msk vm3, v6  }
0x326: {  	[tilespmem:v7+s21+$0x0] =	vst.idx.add.f32.msk vm4, v6  }
0x327: {  	[tilespmem:v7+s21+$0x0] =	vst.idx.add.f32.msk vm5, v6  }
0x328: {  	[tilespmem:v7+s21+$0x0] =	vst.idx.add.f32.msk vm6, v6  }
0x329: {  	[tilespmem:v7+s21+$0x0] =	vst.idx.add.f32.msk vm7, v6  }
0x32a: {  	[tilespmem:v7+s21+$0x0] =	vst.idx.add.f32.msk vm8, v6  }
0x32b: {  	[tilespmem:v7+s21+$0x0] =	vst.idx.add.f32.msk vm9, v6  }
0x32c: {  	[tilespmem:v7+s21+$0x0] =	vst.idx.add.f32.msk vm10, v6  }
0x32d: {  	[tilespmem:v7+s21+$0x0] =	vst.idx.add.f32.msk vm11, v6  }
0x32e: {  	[tilespmem:v7+s21+$0x0] =	vst.idx.add.f32.msk vm12, v6  }
0x32f: {  	[tilespmem:v7+s21+$0x0] =	vst.idx.add.f32.msk vm13, v6  }
0x330: {  	[tilespmem:v7+s21+$0x0] =	vst.idx.add.f32.msk vm14, v6  }
0x331: {  	_ =	swait.ge [sflag:s22], $0x4000  }
0x332: {  	[sflag:s22] =	ssyncset.done $0x0  }
0x333: {  	[sflag:s22] =	ssyncadd.s32 $0xFFFFC000  }
0x334: {  	[tilespmem:s15], [sflag:$0x1] =	stream.indirect.gather [hbm4b:s0+s18], $0x80, s7, s18, $0xb8;
	[tilespmem:$0x1EF00] =	vst v63  }
0x335: {  	_ =	swait.ge [sflag:s24], $0x4000  }
0x336: {  	[sflag:s24] =	ssyncset.done $0x0  }
0x337: {  	[sflag:s24] =	ssyncadd.s32 $0xFFFFC000  }
0x338: {  	[spmem:s3] =	stream.indirect.scatter.add.f32 [tilespmem:s19], [sflag:$0x4], $0x80, s8, s18, $0xb8;
	[tilespmem:$0x1EF00] =	vst v63  }
0x339: {  	v7 =	vld [tilespmem:$0x680];
	_ =	sdelay $0x7  }
0x33a: {  	[tilespmem:v7+s21+$0x0] =	vst.idx.add.f32.msk $0x1, v6  }
0x33b: {  	[tilespmem:v7+s21+$0x0] =	vst.idx.add.f32.msk vm0, v6  }
0x33c: {  	[tilespmem:v7+s21+$0x0] =	vst.idx.add.f32.msk vm1, v6  }
0x33d: {  	[tilespmem:v7+s21+$0x0] =	vst.idx.add.f32.msk vm2, v6  }
0x33e: {  	[tilespmem:v7+s21+$0x0] =	vst.idx.add.f32.msk vm3, v6  }
0x33f: {  	[tilespmem:v7+s21+$0x0] =	vst.idx.add.f32.msk vm4, v6  }
0x340: {  	[tilespmem:v7+s21+$0x0] =	vst.idx.add.f32.msk vm5, v6  }
0x341: {  	[tilespmem:v7+s21+$0x0] =	vst.idx.add.f32.msk vm6, v6  }
0x342: {  	[tilespmem:v7+s21+$0x0] =	vst.idx.add.f32.msk vm7, v6  }
0x343: {  	[tilespmem:v7+s21+$0x0] =	vst.idx.add.f32.msk vm8, v6  }
0x344: {  	[tilespmem:v7+s21+$0x0] =	vst.idx.add.f32.msk vm9, v6  }
0x345: {  	[tilespmem:v7+s21+$0x0] =	vst.idx.add.f32.msk vm10, v6  }
0x346: {  	[tilespmem:v7+s21+$0x0] =	vst.idx.add.f32.msk vm11, v6  }
0x347: {  	[tilespmem:v7+s21+$0x0] =	vst.idx.add.f32.msk vm12, v6  }
0x348: {  	[tilespmem:v7+s21+$0x0] =	vst.idx.add.f32.msk vm13, v6  }
0x349: {  	[tilespmem:v7+s21+$0x0] =	vst.idx.add.f32.msk vm14, v6  }
0x34a: {  	v7 =	vld [tilespmem:$0x690];
	_ =	sdelay $0x7  }
0x34b: {  	[tilespmem:v7+s21+$0x0] =	vst.idx.add.f32.msk $0x1, v6  }
0x34c: {  	[tilespmem:v7+s21+$0x0] =	vst.idx.add.f32.msk vm0, v6  }
0x34d: {  	[tilespmem:v7+s21+$0x0] =	vst.idx.add.f32.msk vm1, v6  }
0x34e: {  	[tilespmem:v7+s21+$0x0] =	vst.idx.add.f32.msk vm2, v6  }
0x34f: {  	[tilespmem:v7+s21+$0x0] =	vst.idx.add.f32.msk vm3, v6  }
0x350: {  	[tilespmem:v7+s21+$0x0] =	vst.idx.add.f32.msk vm4, v6  }
0x351: {  	[tilespmem:v7+s21+$0x0] =	vst.idx.add.f32.msk vm5, v6  }
0x352: {  	[tilespmem:v7+s21+$0x0] =	vst.idx.add.f32.msk vm6, v6  }
0x353: {  	[tilespmem:v7+s21+$0x0] =	vst.idx.add.f32.msk vm7, v6  }
0x354: {  	[tilespmem:v7+s21+$0x0] =	vst.idx.add.f32.msk vm8, v6  }
0x355: {  	[tilespmem:v7+s21+$0x0] =	vst.idx.add.f32.msk vm9, v6  }
0x356: {  	[tilespmem:v7+s21+$0x0] =	vst.idx.add.f32.msk vm10, v6  }
0x357: {  	[tilespmem:v7+s21+$0x0] =	vst.idx.add.f32.msk vm11, v6  }
0x358: {  	[tilespmem:v7+s21+$0x0] =	vst.idx.add.f32.msk vm12, v6  }
0x359: {  	[tilespmem:v7+s21+$0x0] =	vst.idx.add.f32.msk vm13, v6  }
0x35a: {  	[tilespmem:v7+s21+$0x0] =	vst.idx.add.f32.msk vm14, v6  }
0x35b: {  	v7 =	vld [tilespmem:$0x6A0];
	_ =	sdelay $0x7  }
0x35c: {  	[tilespmem:v7+s21+$0x0] =	vst.idx.add.f32.msk $0x1, v6  }
0x35d: {  	[tilespmem:v7+s21+$0x0] =	vst.idx.add.f32.msk vm0, v6  }
0x35e: {  	[tilespmem:v7+s21+$0x0] =	vst.idx.add.f32.msk vm1, v6  }
0x35f: {  	[tilespmem:v7+s21+$0x0] =	vst.idx.add.f32.msk vm2, v6  }
0x360: {  	[tilespmem:v7+s21+$0x0] =	vst.idx.add.f32.msk vm3, v6  }
0x361: {  	[tilespmem:v7+s21+$0x0] =	vst.idx.add.f32.msk vm4, v6  }
0x362: {  	[tilespmem:v7+s21+$0x0] =	vst.idx.add.f32.msk vm5, v6  }
0x363: {  	[tilespmem:v7+s21+$0x0] =	vst.idx.add.f32.msk vm6, v6  }
0x364: {  	[tilespmem:v7+s21+$0x0] =	vst.idx.add.f32.msk vm7, v6  }
0x365: {  	[tilespmem:v7+s21+$0x0] =	vst.idx.add.f32.msk vm8, v6  }
0x366: {  	[tilespmem:v7+s21+$0x0] =	vst.idx.add.f32.msk vm9, v6  }
0x367: {  	[tilespmem:v7+s21+$0x0] =	vst.idx.add.f32.msk vm10, v6  }
0x368: {  	[tilespmem:v7+s21+$0x0] =	vst.idx.add.f32.msk vm11, v6  }
0x369: {  	[tilespmem:v7+s21+$0x0] =	vst.idx.add.f32.msk vm12, v6  }
0x36a: {  	[tilespmem:v7+s21+$0x0] =	vst.idx.add.f32.msk vm13, v6  }
0x36b: {  	[tilespmem:v7+s21+$0x0] =	vst.idx.add.f32.msk vm14, v6  }
0x36c: {  	v7 =	vld [tilespmem:$0x6B0];
	_ =	sdelay $0x7  }
0x36d: {  	[tilespmem:v7+s21+$0x0] =	vst.idx.add.f32.msk $0x1, v6  }
0x36e: {  	[tilespmem:v7+s21+$0x0] =	vst.idx.add.f32.msk vm0, v6  }
0x36f: {  	[tilespmem:v7+s21+$0x0] =	vst.idx.add.f32.msk vm1, v6  }
0x370: {  	[tilespmem:v7+s21+$0x0] =	vst.idx.add.f32.msk vm2, v6  }
0x371: {  	[tilespmem:v7+s21+$0x0] =	vst.idx.add.f32.msk vm3, v6  }
0x372: {  	[tilespmem:v7+s21+$0x0] =	vst.idx.add.f32.msk vm4, v6  }
0x373: {  	[tilespmem:v7+s21+$0x0] =	vst.idx.add.f32.msk vm5, v6  }
0x374: {  	[tilespmem:v7+s21+$0x0] =	vst.idx.add.f32.msk vm6, v6  }
0x375: {  	[tilespmem:v7+s21+$0x0] =	vst.idx.add.f32.msk vm7, v6  }
0x376: {  	[tilespmem:v7+s21+$0x0] =	vst.idx.add.f32.msk vm8, v6  }
0x377: {  	[tilespmem:v7+s21+$0x0] =	vst.idx.add.f32.msk vm9, v6  }
0x378: {  	[tilespmem:v7+s21+$0x0] =	vst.idx.add.f32.msk vm10, v6  }
0x379: {  	[tilespmem:v7+s21+$0x0] =	vst.idx.add.f32.msk vm11, v6  }
0x37a: {  	[tilespmem:v7+s21+$0x0] =	vst.idx.add.f32.msk vm12, v6  }
0x37b: {  	[tilespmem:v7+s21+$0x0] =	vst.idx.add.f32.msk vm13, v6  }
0x37c: {  	[tilespmem:v7+s21+$0x0] =	vst.idx.add.f32.msk vm14, v6  }
0x37d: {  	v7 =	vld [tilespmem:$0x6C0];
	_ =	sdelay $0x7  }
0x37e: {  	[tilespmem:v7+s21+$0x0] =	vst.idx.add.f32.msk $0x1, v6  }
0x37f: {  	[tilespmem:v7+s21+$0x0] =	vst.idx.add.f32.msk vm0, v6  }
0x380: {  	[tilespmem:v7+s21+$0x0] =	vst.idx.add.f32.msk vm1, v6  }
0x381: {  	[tilespmem:v7+s21+$0x0] =	vst.idx.add.f32.msk vm2, v6  }
0x382: {  	[tilespmem:v7+s21+$0x0] =	vst.idx.add.f32.msk vm3, v6  }
0x383: {  	[tilespmem:v7+s21+$0x0] =	vst.idx.add.f32.msk vm4, v6  }
0x384: {  	[tilespmem:v7+s21+$0x0] =	vst.idx.add.f32.msk vm5, v6  }
0x385: {  	[tilespmem:v7+s21+$0x0] =	vst.idx.add.f32.msk vm6, v6  }
0x386: {  	[tilespmem:v7+s21+$0x0] =	vst.idx.add.f32.msk vm7, v6  }
0x387: {  	[tilespmem:v7+s21+$0x0] =	vst.idx.add.f32.msk vm8, v6  }
0x388: {  	[tilespmem:v7+s21+$0x0] =	vst.idx.add.f32.msk vm9, v6  }
0x389: {  	[tilespmem:v7+s21+$0x0] =	vst.idx.add.f32.msk vm10, v6  }
0x38a: {  	[tilespmem:v7+s21+$0x0] =	vst.idx.add.f32.msk vm11, v6  }
0x38b: {  	[tilespmem:v7+s21+$0x0] =	vst.idx.add.f32.msk vm12, v6  }
0x38c: {  	[tilespmem:v7+s21+$0x0] =	vst.idx.add.f32.msk vm13, v6  }
0x38d: {  	[tilespmem:v7+s21+$0x0] =	vst.idx.add.f32.msk vm14, v6  }
0x38e: {  	v7 =	vld [tilespmem:$0x6D0];
	_ =	sdelay $0x7  }
0x38f: {  	[tilespmem:v7+s21+$0x0] =	vst.idx.add.f32.msk $0x1, v6  }
0x390: {  	[tilespmem:v7+s21+$0x0] =	vst.idx.add.f32.msk vm0, v6  }
0x391: {  	[tilespmem:v7+s21+$0x0] =	vst.idx.add.f32.msk vm1, v6  }
0x392: {  	[tilespmem:v7+s21+$0x0] =	vst.idx.add.f32.msk vm2, v6  }
0x393: {  	[tilespmem:v7+s21+$0x0] =	vst.idx.add.f32.msk vm3, v6  }
0x394: {  	[tilespmem:v7+s21+$0x0] =	vst.idx.add.f32.msk vm4, v6  }
0x395: {  	[tilespmem:v7+s21+$0x0] =	vst.idx.add.f32.msk vm5, v6  }
0x396: {  	[tilespmem:v7+s21+$0x0] =	vst.idx.add.f32.msk vm6, v6  }
0x397: {  	[tilespmem:v7+s21+$0x0] =	vst.idx.add.f32.msk vm7, v6  }
0x398: {  	[tilespmem:v7+s21+$0x0] =	vst.idx.add.f32.msk vm8, v6  }
0x399: {  	[tilespmem:v7+s21+$0x0] =	vst.idx.add.f32.msk vm9, v6  }
0x39a: {  	[tilespmem:v7+s21+$0x0] =	vst.idx.add.f32.msk vm10, v6  }
0x39b: {  	[tilespmem:v7+s21+$0x0] =	vst.idx.add.f32.msk vm11, v6  }
0x39c: {  	[tilespmem:v7+s21+$0x0] =	vst.idx.add.f32.msk vm12, v6  }
0x39d: {  	[tilespmem:v7+s21+$0x0] =	vst.idx.add.f32.msk vm13, v6  }
0x39e: {  	[tilespmem:v7+s21+$0x0] =	vst.idx.add.f32.msk vm14, v6  }
0x39f: {  	v7 =	vld [tilespmem:$0x6E0];
	_ =	sdelay $0x7  }
0x3a0: {  	[tilespmem:v7+s21+$0x0] =	vst.idx.add.f32.msk $0x1, v6  }
0x3a1: {  	[tilespmem:v7+s21+$0x0] =	vst.idx.add.f32.msk vm0, v6  }
0x3a2: {  	[tilespmem:v7+s21+$0x0] =	vst.idx.add.f32.msk vm1, v6  }
0x3a3: {  	[tilespmem:v7+s21+$0x0] =	vst.idx.add.f32.msk vm2, v6  }
0x3a4: {  	[tilespmem:v7+s21+$0x0] =	vst.idx.add.f32.msk vm3, v6  }
0x3a5: {  	[tilespmem:v7+s21+$0x0] =	vst.idx.add.f32.msk vm4, v6  }
0x3a6: {  	[tilespmem:v7+s21+$0x0] =	vst.idx.add.f32.msk vm5, v6  }
0x3a7: {  	[tilespmem:v7+s21+$0x0] =	vst.idx.add.f32.msk vm6, v6  }
0x3a8: {  	[tilespmem:v7+s21+$0x0] =	vst.idx.add.f32.msk vm7, v6  }
0x3a9: {  	[tilespmem:v7+s21+$0x0] =	vst.idx.add.f32.msk vm8, v6  }
0x3aa: {  	[tilespmem:v7+s21+$0x0] =	vst.idx.add.f32.msk vm9, v6  }
0x3ab: {  	[tilespmem:v7+s21+$0x0] =	vst.idx.add.f32.msk vm10, v6  }
0x3ac: {  	[tilespmem:v7+s21+$0x0] =	vst.idx.add.f32.msk vm11, v6  }
0x3ad: {  	[tilespmem:v7+s21+$0x0] =	vst.idx.add.f32.msk vm12, v6  }
0x3ae: {  	[tilespmem:v7+s21+$0x0] =	vst.idx.add.f32.msk vm13, v6  }
0x3af: {  	[tilespmem:v7+s21+$0x0] =	vst.idx.add.f32.msk vm14, v6  }
0x3b0: {  	v7 =	vld [tilespmem:$0x6F0];
	_ =	sdelay $0x7  }
0x3b1: {  	[tilespmem:v7+s21+$0x0] =	vst.idx.add.f32.msk $0x1, v6  }
0x3b2: {  	[tilespmem:v7+s21+$0x0] =	vst.idx.add.f32.msk vm0, v6  }
0x3b3: {  	[tilespmem:v7+s21+$0x0] =	vst.idx.add.f32.msk vm1, v6  }
0x3b4: {  	[tilespmem:v7+s21+$0x0] =	vst.idx.add.f32.msk vm2, v6  }
0x3b5: {  	[tilespmem:v7+s21+$0x0] =	vst.idx.add.f32.msk vm3, v6  }
0x3b6: {  	[tilespmem:v7+s21+$0x0] =	vst.idx.add.f32.msk vm4, v6  }
0x3b7: {  	[tilespmem:v7+s21+$0x0] =	vst.idx.add.f32.msk vm5, v6  }
0x3b8: {  	[tilespmem:v7+s21+$0x0] =	vst.idx.add.f32.msk vm6, v6  }
0x3b9: {  	[tilespmem:v7+s21+$0x0] =	vst.idx.add.f32.msk vm7, v6  }
0x3ba: {  	[tilespmem:v7+s21+$0x0] =	vst.idx.add.f32.msk vm8, v6  }
0x3bb: {  	[tilespmem:v7+s21+$0x0] =	vst.idx.add.f32.msk vm9, v6  }
0x3bc: {  	[tilespmem:v7+s21+$0x0] =	vst.idx.add.f32.msk vm10, v6  }
0x3bd: {  	[tilespmem:v7+s21+$0x0] =	vst.idx.add.f32.msk vm11, v6  }
0x3be: {  	[tilespmem:v7+s21+$0x0] =	vst.idx.add.f32.msk vm12, v6  }
0x3bf: {  	[tilespmem:v7+s21+$0x0] =	vst.idx.add.f32.msk vm13, v6  }
0x3c0: {  	[tilespmem:v7+s21+$0x0] =	vst.idx.add.f32.msk vm14, v6  }
0x3c1: {  	_ =	swait.ge [sflag:s26], $0x4000  }
0x3c2: {  	[sflag:s26] =	ssyncset.done $0x0  }
0x3c3: {  	[sflag:s26] =	ssyncadd.s32 $0xFFFFC000  }
0x3c4: {  	[tilespmem:s19], [sflag:$0x2] =	stream.indirect.gather [hbm4b:s0+s18], $0x80, s9, s18, $0xb8;
	[tilespmem:$0x1EF00] =	vst v63  }
0x3c5: {  	_ =	swait.ge [sflag:s20], $0x4000  }
0x3c6: {  	[sflag:s20] =	ssyncset.done $0x0  }
0x3c7: {  	[sflag:s20] =	ssyncadd.s32 $0xFFFFC000  }
0x3c8: {  	[spmem:s3] =	stream.indirect.scatter.add.f32 [tilespmem:s15], [sflag:$0x3], $0x80, s10, s18, $0xb8;
	[tilespmem:$0x1EF00] =	vst v63  }
0x3c9: {  	v7 =	vld [tilespmem:$0x700];
	_ =	sdelay $0x7  }
0x3ca: {  	[tilespmem:v7+s21+$0x0] =	vst.idx.add.f32.msk $0x1, v6  }
0x3cb: {  	[tilespmem:v7+s21+$0x0] =	vst.idx.add.f32.msk vm0, v6  }
0x3cc: {  	[tilespmem:v7+s21+$0x0] =	vst.idx.add.f32.msk vm1, v6  }
0x3cd: {  	[tilespmem:v7+s21+$0x0] =	vst.idx.add.f32.msk vm2, v6  }
0x3ce: {  	[tilespmem:v7+s21+$0x0] =	vst.idx.add.f32.msk vm3, v6  }
0x3cf: {  	[tilespmem:v7+s21+$0x0] =	vst.idx.add.f32.msk vm4, v6  }
0x3d0: {  	[tilespmem:v7+s21+$0x0] =	vst.idx.add.f32.msk vm5, v6  }
0x3d1: {  	[tilespmem:v7+s21+$0x0] =	vst.idx.add.f32.msk vm6, v6  }
0x3d2: {  	[tilespmem:v7+s21+$0x0] =	vst.idx.add.f32.msk vm7, v6  }
0x3d3: {  	[tilespmem:v7+s21+$0x0] =	vst.idx.add.f32.msk vm8, v6  }
0x3d4: {  	[tilespmem:v7+s21+$0x0] =	vst.idx.add.f32.msk vm9, v6  }
0x3d5: {  	[tilespmem:v7+s21+$0x0] =	vst.idx.add.f32.msk vm10, v6  }
0x3d6: {  	[tilespmem:v7+s21+$0x0] =	vst.idx.add.f32.msk vm11, v6  }
0x3d7: {  	[tilespmem:v7+s21+$0x0] =	vst.idx.add.f32.msk vm12, v6  }
0x3d8: {  	[tilespmem:v7+s21+$0x0] =	vst.idx.add.f32.msk vm13, v6  }
0x3d9: {  	[tilespmem:v7+s21+$0x0] =	vst.idx.add.f32.msk vm14, v6  }
0x3da: {  	v7 =	vld [tilespmem:$0x710];
	_ =	sdelay $0x7  }
0x3db: {  	[tilespmem:v7+s21+$0x0] =	vst.idx.add.f32.msk $0x1, v6  }
0x3dc: {  	[tilespmem:v7+s21+$0x0] =	vst.idx.add.f32.msk vm0, v6  }
0x3dd: {  	[tilespmem:v7+s21+$0x0] =	vst.idx.add.f32.msk vm1, v6  }
0x3de: {  	[tilespmem:v7+s21+$0x0] =	vst.idx.add.f32.msk vm2, v6  }
0x3df: {  	[tilespmem:v7+s21+$0x0] =	vst.idx.add.f32.msk vm3, v6  }
0x3e0: {  	[tilespmem:v7+s21+$0x0] =	vst.idx.add.f32.msk vm4, v6  }
0x3e1: {  	[tilespmem:v7+s21+$0x0] =	vst.idx.add.f32.msk vm5, v6  }
0x3e2: {  	[tilespmem:v7+s21+$0x0] =	vst.idx.add.f32.msk vm6, v6  }
0x3e3: {  	[tilespmem:v7+s21+$0x0] =	vst.idx.add.f32.msk vm7, v6  }
0x3e4: {  	[tilespmem:v7+s21+$0x0] =	vst.idx.add.f32.msk vm8, v6  }
0x3e5: {  	[tilespmem:v7+s21+$0x0] =	vst.idx.add.f32.msk vm9, v6  }
0x3e6: {  	[tilespmem:v7+s21+$0x0] =	vst.idx.add.f32.msk vm10, v6  }
0x3e7: {  	[tilespmem:v7+s21+$0x0] =	vst.idx.add.f32.msk vm11, v6  }
0x3e8: {  	[tilespmem:v7+s21+$0x0] =	vst.idx.add.f32.msk vm12, v6  }
0x3e9: {  	[tilespmem:v7+s21+$0x0] =	vst.idx.add.f32.msk vm13, v6  }
0x3ea: {  	[tilespmem:v7+s21+$0x0] =	vst.idx.add.f32.msk vm14, v6  }
0x3eb: {  	v7 =	vld [tilespmem:$0x720];
	_ =	sdelay $0x7  }
0x3ec: {  	[tilespmem:v7+s21+$0x0] =	vst.idx.add.f32.msk $0x1, v6  }
0x3ed: {  	[tilespmem:v7+s21+$0x0] =	vst.idx.add.f32.msk vm0, v6  }
0x3ee: {  	[tilespmem:v7+s21+$0x0] =	vst.idx.add.f32.msk vm1, v6  }
0x3ef: {  	[tilespmem:v7+s21+$0x0] =	vst.idx.add.f32.msk vm2, v6  }
0x3f0: {  	[tilespmem:v7+s21+$0x0] =	vst.idx.add.f32.msk vm3, v6  }
0x3f1: {  	[tilespmem:v7+s21+$0x0] =	vst.idx.add.f32.msk vm4, v6  }
0x3f2: {  	[tilespmem:v7+s21+$0x0] =	vst.idx.add.f32.msk vm5, v6  }
0x3f3: {  	[tilespmem:v7+s21+$0x0] =	vst.idx.add.f32.msk vm6, v6  }
0x3f4: {  	[tilespmem:v7+s21+$0x0] =	vst.idx.add.f32.msk vm7, v6  }
0x3f5: {  	[tilespmem:v7+s21+$0x0] =	vst.idx.add.f32.msk vm8, v6  }
0x3f6: {  	[tilespmem:v7+s21+$0x0] =	vst.idx.add.f32.msk vm9, v6  }
0x3f7: {  	[tilespmem:v7+s21+$0x0] =	vst.idx.add.f32.msk vm10, v6  }
0x3f8: {  	[tilespmem:v7+s21+$0x0] =	vst.idx.add.f32.msk vm11, v6  }
0x3f9: {  	[tilespmem:v7+s21+$0x0] =	vst.idx.add.f32.msk vm12, v6  }
0x3fa: {  	[tilespmem:v7+s21+$0x0] =	vst.idx.add.f32.msk vm13, v6  }
0x3fb: {  	[tilespmem:v7+s21+$0x0] =	vst.idx.add.f32.msk vm14, v6  }
0x3fc: {  	v7 =	vld [tilespmem:$0x730];
	_ =	sdelay $0x7  }
0x3fd: {  	[tilespmem:v7+s21+$0x0] =	vst.idx.add.f32.msk $0x1, v6  }
0x3fe: {  	[tilespmem:v7+s21+$0x0] =	vst.idx.add.f32.msk vm0, v6  }
0x3ff: {  	[tilespmem:v7+s21+$0x0] =	vst.idx.add.f32.msk vm1, v6  }
0x400: {  	[tilespmem:v7+s21+$0x0] =	vst.idx.add.f32.msk vm2, v6  }
0x401: {  	[tilespmem:v7+s21+$0x0] =	vst.idx.add.f32.msk vm3, v6  }
0x402: {  	[tilespmem:v7+s21+$0x0] =	vst.idx.add.f32.msk vm4, v6  }
0x403: {  	[tilespmem:v7+s21+$0x0] =	vst.idx.add.f32.msk vm5, v6  }
0x404: {  	[tilespmem:v7+s21+$0x0] =	vst.idx.add.f32.msk vm6, v6  }
0x405: {  	[tilespmem:v7+s21+$0x0] =	vst.idx.add.f32.msk vm7, v6  }
0x406: {  	[tilespmem:v7+s21+$0x0] =	vst.idx.add.f32.msk vm8, v6  }
0x407: {  	[tilespmem:v7+s21+$0x0] =	vst.idx.add.f32.msk vm9, v6  }
0x408: {  	[tilespmem:v7+s21+$0x0] =	vst.idx.add.f32.msk vm10, v6  }
0x409: {  	[tilespmem:v7+s21+$0x0] =	vst.idx.add.f32.msk vm11, v6  }
0x40a: {  	[tilespmem:v7+s21+$0x0] =	vst.idx.add.f32.msk vm12, v6  }
0x40b: {  	[tilespmem:v7+s21+$0x0] =	vst.idx.add.f32.msk vm13, v6  }
0x40c: {  	[tilespmem:v7+s21+$0x0] =	vst.idx.add.f32.msk vm14, v6  }
0x40d: {  	v7 =	vld [tilespmem:$0x740];
	_ =	sdelay $0x7  }
0x40e: {  	[tilespmem:v7+s21+$0x0] =	vst.idx.add.f32.msk $0x1, v6  }
0x40f: {  	[tilespmem:v7+s21+$0x0] =	vst.idx.add.f32.msk vm0, v6  }
0x410: {  	[tilespmem:v7+s21+$0x0] =	vst.idx.add.f32.msk vm1, v6  }
0x411: {  	[tilespmem:v7+s21+$0x0] =	vst.idx.add.f32.msk vm2, v6  }
0x412: {  	[tilespmem:v7+s21+$0x0] =	vst.idx.add.f32.msk vm3, v6  }
0x413: {  	[tilespmem:v7+s21+$0x0] =	vst.idx.add.f32.msk vm4, v6  }
0x414: {  	[tilespmem:v7+s21+$0x0] =	vst.idx.add.f32.msk vm5, v6  }
0x415: {  	[tilespmem:v7+s21+$0x0] =	vst.idx.add.f32.msk vm6, v6  }
0x416: {  	[tilespmem:v7+s21+$0x0] =	vst.idx.add.f32.msk vm7, v6  }
0x417: {  	[tilespmem:v7+s21+$0x0] =	vst.idx.add.f32.msk vm8, v6  }
0x418: {  	[tilespmem:v7+s21+$0x0] =	vst.idx.add.f32.msk vm9, v6  }
0x419: {  	[tilespmem:v7+s21+$0x0] =	vst.idx.add.f32.msk vm10, v6  }
0x41a: {  	[tilespmem:v7+s21+$0x0] =	vst.idx.add.f32.msk vm11, v6  }
0x41b: {  	[tilespmem:v7+s21+$0x0] =	vst.idx.add.f32.msk vm12, v6  }
0x41c: {  	[tilespmem:v7+s21+$0x0] =	vst.idx.add.f32.msk vm13, v6  }
0x41d: {  	[tilespmem:v7+s21+$0x0] =	vst.idx.add.f32.msk vm14, v6  }
0x41e: {  	v7 =	vld [tilespmem:$0x750];
	_ =	sdelay $0x7  }
0x41f: {  	[tilespmem:v7+s21+$0x0] =	vst.idx.add.f32.msk $0x1, v6  }
0x420: {  	[tilespmem:v7+s21+$0x0] =	vst.idx.add.f32.msk vm0, v6  }
0x421: {  	[tilespmem:v7+s21+$0x0] =	vst.idx.add.f32.msk vm1, v6  }
0x422: {  	[tilespmem:v7+s21+$0x0] =	vst.idx.add.f32.msk vm2, v6  }
0x423: {  	[tilespmem:v7+s21+$0x0] =	vst.idx.add.f32.msk vm3, v6  }
0x424: {  	[tilespmem:v7+s21+$0x0] =	vst.idx.add.f32.msk vm4, v6  }
0x425: {  	[tilespmem:v7+s21+$0x0] =	vst.idx.add.f32.msk vm5, v6  }
0x426: {  	[tilespmem:v7+s21+$0x0] =	vst.idx.add.f32.msk vm6, v6  }
0x427: {  	[tilespmem:v7+s21+$0x0] =	vst.idx.add.f32.msk vm7, v6  }
0x428: {  	[tilespmem:v7+s21+$0x0] =	vst.idx.add.f32.msk vm8, v6  }
0x429: {  	[tilespmem:v7+s21+$0x0] =	vst.idx.add.f32.msk vm9, v6  }
0x42a: {  	[tilespmem:v7+s21+$0x0] =	vst.idx.add.f32.msk vm10, v6  }
0x42b: {  	[tilespmem:v7+s21+$0x0] =	vst.idx.add.f32.msk vm11, v6  }
0x42c: {  	[tilespmem:v7+s21+$0x0] =	vst.idx.add.f32.msk vm12, v6  }
0x42d: {  	[tilespmem:v7+s21+$0x0] =	vst.idx.add.f32.msk vm13, v6  }
0x42e: {  	[tilespmem:v7+s21+$0x0] =	vst.idx.add.f32.msk vm14, v6  }
0x42f: {  	v7 =	vld [tilespmem:$0x760];
	_ =	sdelay $0x7  }
0x430: {  	[tilespmem:v7+s21+$0x0] =	vst.idx.add.f32.msk $0x1, v6  }
0x431: {  	[tilespmem:v7+s21+$0x0] =	vst.idx.add.f32.msk vm0, v6  }
0x432: {  	[tilespmem:v7+s21+$0x0] =	vst.idx.add.f32.msk vm1, v6  }
0x433: {  	[tilespmem:v7+s21+$0x0] =	vst.idx.add.f32.msk vm2, v6  }
0x434: {  	[tilespmem:v7+s21+$0x0] =	vst.idx.add.f32.msk vm3, v6  }
0x435: {  	[tilespmem:v7+s21+$0x0] =	vst.idx.add.f32.msk vm4, v6  }
0x436: {  	[tilespmem:v7+s21+$0x0] =	vst.idx.add.f32.msk vm5, v6  }
0x437: {  	[tilespmem:v7+s21+$0x0] =	vst.idx.add.f32.msk vm6, v6  }
0x438: {  	[tilespmem:v7+s21+$0x0] =	vst.idx.add.f32.msk vm7, v6  }
0x439: {  	[tilespmem:v7+s21+$0x0] =	vst.idx.add.f32.msk vm8, v6  }
0x43a: {  	[tilespmem:v7+s21+$0x0] =	vst.idx.add.f32.msk vm9, v6  }
0x43b: {  	[tilespmem:v7+s21+$0x0] =	vst.idx.add.f32.msk vm10, v6  }
0x43c: {  	[tilespmem:v7+s21+$0x0] =	vst.idx.add.f32.msk vm11, v6  }
0x43d: {  	[tilespmem:v7+s21+$0x0] =	vst.idx.add.f32.msk vm12, v6  }
0x43e: {  	[tilespmem:v7+s21+$0x0] =	vst.idx.add.f32.msk vm13, v6  }
0x43f: {  	[tilespmem:v7+s21+$0x0] =	vst.idx.add.f32.msk vm14, v6  }
0x440: {  	v7 =	vld [tilespmem:$0x770];
	_ =	sdelay $0x7  }
0x441: {  	[tilespmem:v7+s21+$0x0] =	vst.idx.add.f32.msk $0x1, v6  }
0x442: {  	[tilespmem:v7+s21+$0x0] =	vst.idx.add.f32.msk vm0, v6  }
0x443: {  	[tilespmem:v7+s21+$0x0] =	vst.idx.add.f32.msk vm1, v6  }
0x444: {  	[tilespmem:v7+s21+$0x0] =	vst.idx.add.f32.msk vm2, v6  }
0x445: {  	[tilespmem:v7+s21+$0x0] =	vst.idx.add.f32.msk vm3, v6  }
0x446: {  	[tilespmem:v7+s21+$0x0] =	vst.idx.add.f32.msk vm4, v6  }
0x447: {  	[tilespmem:v7+s21+$0x0] =	vst.idx.add.f32.msk vm5, v6  }
0x448: {  	[tilespmem:v7+s21+$0x0] =	vst.idx.add.f32.msk vm6, v6  }
0x449: {  	[tilespmem:v7+s21+$0x0] =	vst.idx.add.f32.msk vm7, v6  }
0x44a: {  	[tilespmem:v7+s21+$0x0] =	vst.idx.add.f32.msk vm8, v6  }
0x44b: {  	[tilespmem:v7+s21+$0x0] =	vst.idx.add.f32.msk vm9, v6  }
0x44c: {  	[tilespmem:v7+s21+$0x0] =	vst.idx.add.f32.msk vm10, v6  }
0x44d: {  	[tilespmem:v7+s21+$0x0] =	vst.idx.add.f32.msk vm11, v6  }
0x44e: {  	[tilespmem:v7+s21+$0x0] =	vst.idx.add.f32.msk vm12, v6  }
0x44f: {  	[tilespmem:v7+s21+$0x0] =	vst.idx.add.f32.msk vm13, v6  }
0x450: {  	[tilespmem:v7+s21+$0x0] =	vst.idx.add.f32.msk vm14, v6  }
0x451: {  	_ =	swait.ge [sflag:s24], $0x4000  }
0x452: {  	[sflag:s24] =	ssyncset.done $0x0  }
0x453: {  	[sflag:s24] =	ssyncadd.s32 $0xFFFFC000  }
0x454: {  	[spmem:s3] =	stream.indirect.scatter.add.f32 [tilespmem:s19], [sflag:$0x4], $0x80, s11, s18, $0xb8;
	[tilespmem:$0x1EF00] =	vst v63  }
0x455: {  	v7 =	vld [tilespmem:$0x780];
	_ =	sdelay $0x7  }
0x456: {  	[tilespmem:v7+s21+$0x0] =	vst.idx.add.f32.msk $0x1, v6  }
0x457: {  	[tilespmem:v7+s21+$0x0] =	vst.idx.add.f32.msk vm0, v6  }
0x458: {  	[tilespmem:v7+s21+$0x0] =	vst.idx.add.f32.msk vm1, v6  }
0x459: {  	[tilespmem:v7+s21+$0x0] =	vst.idx.add.f32.msk vm2, v6  }
0x45a: {  	[tilespmem:v7+s21+$0x0] =	vst.idx.add.f32.msk vm3, v6  }
0x45b: {  	[tilespmem:v7+s21+$0x0] =	vst.idx.add.f32.msk vm4, v6  }
0x45c: {  	[tilespmem:v7+s21+$0x0] =	vst.idx.add.f32.msk vm5, v6  }
0x45d: {  	[tilespmem:v7+s21+$0x0] =	vst.idx.add.f32.msk vm6, v6  }
0x45e: {  	[tilespmem:v7+s21+$0x0] =	vst.idx.add.f32.msk vm7, v6  }
0x45f: {  	[tilespmem:v7+s21+$0x0] =	vst.idx.add.f32.msk vm8, v6  }
0x460: {  	[tilespmem:v7+s21+$0x0] =	vst.idx.add.f32.msk vm9, v6  }
0x461: {  	[tilespmem:v7+s21+$0x0] =	vst.idx.add.f32.msk vm10, v6  }
0x462: {  	[tilespmem:v7+s21+$0x0] =	vst.idx.add.f32.msk vm11, v6  }
0x463: {  	[tilespmem:v7+s21+$0x0] =	vst.idx.add.f32.msk vm12, v6  }
0x464: {  	[tilespmem:v7+s21+$0x0] =	vst.idx.add.f32.msk vm13, v6  }
0x465: {  	[tilespmem:v7+s21+$0x0] =	vst.idx.add.f32.msk vm14, v6  }
0x466: {  	v7 =	vld [tilespmem:$0x790];
	_ =	sdelay $0x7  }
0x467: {  	[tilespmem:v7+s21+$0x0] =	vst.idx.add.f32.msk $0x1, v6  }
0x468: {  	[tilespmem:v7+s21+$0x0] =	vst.idx.add.f32.msk vm0, v6  }
0x469: {  	[tilespmem:v7+s21+$0x0] =	vst.idx.add.f32.msk vm1, v6  }
0x46a: {  	[tilespmem:v7+s21+$0x0] =	vst.idx.add.f32.msk vm2, v6  }
0x46b: {  	[tilespmem:v7+s21+$0x0] =	vst.idx.add.f32.msk vm3, v6  }
0x46c: {  	[tilespmem:v7+s21+$0x0] =	vst.idx.add.f32.msk vm4, v6  }
0x46d: {  	[tilespmem:v7+s21+$0x0] =	vst.idx.add.f32.msk vm5, v6  }
0x46e: {  	[tilespmem:v7+s21+$0x0] =	vst.idx.add.f32.msk vm6, v6  }
0x46f: {  	[tilespmem:v7+s21+$0x0] =	vst.idx.add.f32.msk vm7, v6  }
0x470: {  	[tilespmem:v7+s21+$0x0] =	vst.idx.add.f32.msk vm8, v6  }
0x471: {  	[tilespmem:v7+s21+$0x0] =	vst.idx.add.f32.msk vm9, v6  }
0x472: {  	[tilespmem:v7+s21+$0x0] =	vst.idx.add.f32.msk vm10, v6  }
0x473: {  	[tilespmem:v7+s21+$0x0] =	vst.idx.add.f32.msk vm11, v6  }
0x474: {  	[tilespmem:v7+s21+$0x0] =	vst.idx.add.f32.msk vm12, v6  }
0x475: {  	[tilespmem:v7+s21+$0x0] =	vst.idx.add.f32.msk vm13, v6  }
0x476: {  	[tilespmem:v7+s21+$0x0] =	vst.idx.add.f32.msk vm14, v6  }
0x477: {  	v7 =	vld [tilespmem:$0x7A0];
	_ =	sdelay $0x7  }
0x478: {  	[tilespmem:v7+s21+$0x0] =	vst.idx.add.f32.msk $0x1, v6  }
0x479: {  	[tilespmem:v7+s21+$0x0] =	vst.idx.add.f32.msk vm0, v6  }
0x47a: {  	[tilespmem:v7+s21+$0x0] =	vst.idx.add.f32.msk vm1, v6  }
0x47b: {  	[tilespmem:v7+s21+$0x0] =	vst.idx.add.f32.msk vm2, v6  }
0x47c: {  	[tilespmem:v7+s21+$0x0] =	vst.idx.add.f32.msk vm3, v6  }
0x47d: {  	[tilespmem:v7+s21+$0x0] =	vst.idx.add.f32.msk vm4, v6  }
0x47e: {  	[tilespmem:v7+s21+$0x0] =	vst.idx.add.f32.msk vm5, v6  }
0x47f: {  	[tilespmem:v7+s21+$0x0] =	vst.idx.add.f32.msk vm6, v6  }
0x480: {  	[tilespmem:v7+s21+$0x0] =	vst.idx.add.f32.msk vm7, v6  }
0x481: {  	[tilespmem:v7+s21+$0x0] =	vst.idx.add.f32.msk vm8, v6  }
0x482: {  	[tilespmem:v7+s21+$0x0] =	vst.idx.add.f32.msk vm9, v6  }
0x483: {  	[tilespmem:v7+s21+$0x0] =	vst.idx.add.f32.msk vm10, v6  }
0x484: {  	[tilespmem:v7+s21+$0x0] =	vst.idx.add.f32.msk vm11, v6  }
0x485: {  	[tilespmem:v7+s21+$0x0] =	vst.idx.add.f32.msk vm12, v6  }
0x486: {  	[tilespmem:v7+s21+$0x0] =	vst.idx.add.f32.msk vm13, v6  }
0x487: {  	[tilespmem:v7+s21+$0x0] =	vst.idx.add.f32.msk vm14, v6  }
0x488: {  	v7 =	vld [tilespmem:$0x7B0];
	_ =	sdelay $0x7  }
0x489: {  	[tilespmem:v7+s21+$0x0] =	vst.idx.add.f32.msk $0x1, v6  }
0x48a: {  	[tilespmem:v7+s21+$0x0] =	vst.idx.add.f32.msk vm0, v6  }
0x48b: {  	[tilespmem:v7+s21+$0x0] =	vst.idx.add.f32.msk vm1, v6  }
0x48c: {  	[tilespmem:v7+s21+$0x0] =	vst.idx.add.f32.msk vm2, v6  }
0x48d: {  	[tilespmem:v7+s21+$0x0] =	vst.idx.add.f32.msk vm3, v6  }
0x48e: {  	[tilespmem:v7+s21+$0x0] =	vst.idx.add.f32.msk vm4, v6  }
0x48f: {  	[tilespmem:v7+s21+$0x0] =	vst.idx.add.f32.msk vm5, v6  }
0x490: {  	[tilespmem:v7+s21+$0x0] =	vst.idx.add.f32.msk vm6, v6  }
0x491: {  	[tilespmem:v7+s21+$0x0] =	vst.idx.add.f32.msk vm7, v6  }
0x492: {  	[tilespmem:v7+s21+$0x0] =	vst.idx.add.f32.msk vm8, v6  }
0x493: {  	[tilespmem:v7+s21+$0x0] =	vst.idx.add.f32.msk vm9, v6  }
0x494: {  	[tilespmem:v7+s21+$0x0] =	vst.idx.add.f32.msk vm10, v6  }
0x495: {  	[tilespmem:v7+s21+$0x0] =	vst.idx.add.f32.msk vm11, v6  }
0x496: {  	[tilespmem:v7+s21+$0x0] =	vst.idx.add.f32.msk vm12, v6  }
0x497: {  	[tilespmem:v7+s21+$0x0] =	vst.idx.add.f32.msk vm13, v6  }
0x498: {  	[tilespmem:v7+s21+$0x0] =	vst.idx.add.f32.msk vm14, v6  }
0x499: {  	v7 =	vld [tilespmem:$0x7C0];
	_ =	sdelay $0x7  }
0x49a: {  	[tilespmem:v7+s21+$0x0] =	vst.idx.add.f32.msk $0x1, v6  }
0x49b: {  	[tilespmem:v7+s21+$0x0] =	vst.idx.add.f32.msk vm0, v6  }
0x49c: {  	[tilespmem:v7+s21+$0x0] =	vst.idx.add.f32.msk vm1, v6  }
0x49d: {  	[tilespmem:v7+s21+$0x0] =	vst.idx.add.f32.msk vm2, v6  }
0x49e: {  	[tilespmem:v7+s21+$0x0] =	vst.idx.add.f32.msk vm3, v6  }
0x49f: {  	[tilespmem:v7+s21+$0x0] =	vst.idx.add.f32.msk vm4, v6  }
0x4a0: {  	[tilespmem:v7+s21+$0x0] =	vst.idx.add.f32.msk vm5, v6  }
0x4a1: {  	[tilespmem:v7+s21+$0x0] =	vst.idx.add.f32.msk vm6, v6  }
0x4a2: {  	[tilespmem:v7+s21+$0x0] =	vst.idx.add.f32.msk vm7, v6  }
0x4a3: {  	[tilespmem:v7+s21+$0x0] =	vst.idx.add.f32.msk vm8, v6  }
0x4a4: {  	[tilespmem:v7+s21+$0x0] =	vst.idx.add.f32.msk vm9, v6  }
0x4a5: {  	[tilespmem:v7+s21+$0x0] =	vst.idx.add.f32.msk vm10, v6  }
0x4a6: {  	[tilespmem:v7+s21+$0x0] =	vst.idx.add.f32.msk vm11, v6  }
0x4a7: {  	[tilespmem:v7+s21+$0x0] =	vst.idx.add.f32.msk vm12, v6  }
0x4a8: {  	[tilespmem:v7+s21+$0x0] =	vst.idx.add.f32.msk vm13, v6  }
0x4a9: {  	[tilespmem:v7+s21+$0x0] =	vst.idx.add.f32.msk vm14, v6  }
0x4aa: {  	v7 =	vld [tilespmem:$0x7D0];
	_ =	sdelay $0x7  }
0x4ab: {  	[tilespmem:v7+s21+$0x0] =	vst.idx.add.f32.msk $0x1, v6  }
0x4ac: {  	[tilespmem:v7+s21+$0x0] =	vst.idx.add.f32.msk vm0, v6  }
0x4ad: {  	[tilespmem:v7+s21+$0x0] =	vst.idx.add.f32.msk vm1, v6  }
0x4ae: {  	[tilespmem:v7+s21+$0x0] =	vst.idx.add.f32.msk vm2, v6  }
0x4af: {  	[tilespmem:v7+s21+$0x0] =	vst.idx.add.f32.msk vm3, v6  }
0x4b0: {  	[tilespmem:v7+s21+$0x0] =	vst.idx.add.f32.msk vm4, v6  }
0x4b1: {  	[tilespmem:v7+s21+$0x0] =	vst.idx.add.f32.msk vm5, v6  }
0x4b2: {  	[tilespmem:v7+s21+$0x0] =	vst.idx.add.f32.msk vm6, v6  }
0x4b3: {  	[tilespmem:v7+s21+$0x0] =	vst.idx.add.f32.msk vm7, v6  }
0x4b4: {  	[tilespmem:v7+s21+$0x0] =	vst.idx.add.f32.msk vm8, v6  }
0x4b5: {  	[tilespmem:v7+s21+$0x0] =	vst.idx.add.f32.msk vm9, v6  }
0x4b6: {  	[tilespmem:v7+s21+$0x0] =	vst.idx.add.f32.msk vm10, v6  }
0x4b7: {  	[tilespmem:v7+s21+$0x0] =	vst.idx.add.f32.msk vm11, v6  }
0x4b8: {  	[tilespmem:v7+s21+$0x0] =	vst.idx.add.f32.msk vm12, v6  }
0x4b9: {  	[tilespmem:v7+s21+$0x0] =	vst.idx.add.f32.msk vm13, v6  }
0x4ba: {  	[tilespmem:v7+s21+$0x0] =	vst.idx.add.f32.msk vm14, v6  }
0x4bb: {  	v7 =	vld [tilespmem:$0x7E0];
	_ =	sdelay $0x7  }
0x4bc: {  	[tilespmem:v7+s21+$0x0] =	vst.idx.add.f32.msk $0x1, v6  }
0x4bd: {  	[tilespmem:v7+s21+$0x0] =	vst.idx.add.f32.msk vm0, v6  }
0x4be: {  	[tilespmem:v7+s21+$0x0] =	vst.idx.add.f32.msk vm1, v6  }
0x4bf: {  	[tilespmem:v7+s21+$0x0] =	vst.idx.add.f32.msk vm2, v6  }
0x4c0: {  	[tilespmem:v7+s21+$0x0] =	vst.idx.add.f32.msk vm3, v6  }
0x4c1: {  	[tilespmem:v7+s21+$0x0] =	vst.idx.add.f32.msk vm4, v6  }
0x4c2: {  	[tilespmem:v7+s21+$0x0] =	vst.idx.add.f32.msk vm5, v6  }
0x4c3: {  	[tilespmem:v7+s21+$0x0] =	vst.idx.add.f32.msk vm6, v6  }
0x4c4: {  	[tilespmem:v7+s21+$0x0] =	vst.idx.add.f32.msk vm7, v6  }
0x4c5: {  	[tilespmem:v7+s21+$0x0] =	vst.idx.add.f32.msk vm8, v6  }
0x4c6: {  	[tilespmem:v7+s21+$0x0] =	vst.idx.add.f32.msk vm9, v6  }
0x4c7: {  	[tilespmem:v7+s21+$0x0] =	vst.idx.add.f32.msk vm10, v6  }
0x4c8: {  	[tilespmem:v7+s21+$0x0] =	vst.idx.add.f32.msk vm11, v6  }
0x4c9: {  	[tilespmem:v7+s21+$0x0] =	vst.idx.add.f32.msk vm12, v6  }
0x4ca: {  	[tilespmem:v7+s21+$0x0] =	vst.idx.add.f32.msk vm13, v6  }
0x4cb: {  	[tilespmem:v7+s21+$0x0] =	vst.idx.add.f32.msk vm14, v6  }
0x4cc: {  	v7 =	vld [tilespmem:$0x7F0];
	_ =	sdelay $0x7  }
0x4cd: {  	[tilespmem:v7+s21+$0x0] =	vst.idx.add.f32.msk $0x1, v6  }
0x4ce: {  	[tilespmem:v7+s21+$0x0] =	vst.idx.add.f32.msk vm0, v6  }
0x4cf: {  	[tilespmem:v7+s21+$0x0] =	vst.idx.add.f32.msk vm1, v6  }
0x4d0: {  	[tilespmem:v7+s21+$0x0] =	vst.idx.add.f32.msk vm2, v6  }
0x4d1: {  	[tilespmem:v7+s21+$0x0] =	vst.idx.add.f32.msk vm3, v6  }
0x4d2: {  	[tilespmem:v7+s21+$0x0] =	vst.idx.add.f32.msk vm4, v6  }
0x4d3: {  	[tilespmem:v7+s21+$0x0] =	vst.idx.add.f32.msk vm5, v6  }
0x4d4: {  	[tilespmem:v7+s21+$0x0] =	vst.idx.add.f32.msk vm6, v6  }
0x4d5: {  	[tilespmem:v7+s21+$0x0] =	vst.idx.add.f32.msk vm7, v6  }
0x4d6: {  	[tilespmem:v7+s21+$0x0] =	vst.idx.add.f32.msk vm8, v6  }
0x4d7: {  	[tilespmem:v7+s21+$0x0] =	vst.idx.add.f32.msk vm9, v6  }
0x4d8: {  	[tilespmem:v7+s21+$0x0] =	vst.idx.add.f32.msk vm10, v6  }
0x4d9: {  	[tilespmem:v7+s21+$0x0] =	vst.idx.add.f32.msk vm11, v6  }
0x4da: {  	[tilespmem:v7+s21+$0x0] =	vst.idx.add.f32.msk vm12, v6  }
0x4db: {  	[tilespmem:v7+s21+$0x0] =	vst.idx.add.f32.msk vm13, v6  }
0x4dc: {  	[tilespmem:v7+s21+$0x0] =	vst.idx.add.f32.msk vm14, v6  }
0x4dd: {  	p0 =	sne.s32 s13, $0x480;
	_ =	swait.ge [sflag:s22], $0x4000  }
.Ltmp2:
0x4de: {  	[sflag:s22] =	ssyncset.done $0x0;
	(pc) =	sbr.rel @p0 .LBB2_6-.Ltmp2, $4  }
0x4df: {  	[sflag:s22] =	ssyncadd.s32 $0xFFFFC000  }
0x4e0: {  	_ =	swait.ge [sflag:s26], $0x4000  }
0x4e1: {  	[sflag:s26] =	ssyncset.done $0x0  }
0x4e2: {  	s13 =	sadd.s32 $0x80, s13;
	[sflag:s26] =	ssyncadd.s32 $0xFFFFC000  }
0x4e3: {  	s6 =	rddreg [dreg:$0x4];
	s4 =	simm.s32 $0x50;
	s12 =	simm.s32 $0x1EC00  }
0x4e4: {  	[spmem:s6] =	stream.indirect.scatter.add.f32 [tilespmem:s21], [sflag:$0x5], $0x80, s12, s4, $0xb8;
	[tilespmem:$0x1EF00] =	vst v63  }
0x4e5: {  	_ =	swait.ge [sflag:s16], $0x2800  }
0x4e6: {  	[sflag:s16] =	ssyncset.done $0x0  }
0x4e7: {  	[sflag:s16] =	ssyncadd.s32 $0xFFFFD800  }
0x4e8: {  	s13 =	stileid.u32;
	[bflag:$0x0] =	sbarrier.arrive $0xFFFF  }
0x4e9: {  	s4 =	sshll.u32 s13, $0x6;
	s13 =	rddreg [dreg:$0x7]  }
0x4ea: {  	s4 =	sor.u32 $0x1C05, s4;
	s12 =	rddreg [dreg:$0x9];
	s13 =	sshrl.u32 s13, $0x3  }
0x4eb: {  	[hbm:s12], [sflag:s4] =	dma.local [spmem:s13], $0x2780  }
0x4ec: {  	_ =	swait.ge [sflag:s16], $0x2780  }
0x4ed: {  	[sflag:s16] =	ssyncset.done $0x0  }
0x4ee: {  	s6 =	sshrl.u32 s6, $0x3;
	s12 =	rddreg [dreg:$0xa];
	[sflag:s16] =	ssyncadd.s32 $0xFFFFD880  }
0x4ef: {  	[hbm:s12], [sflag:s4] =	dma.local [spmem:s6], $0x500  }
0x4f0: {  	_ =	swait.ge [sflag:s16], $0x500  }
0x4f1: {  	s12 =	rddreg [dreg:$0xf]  }
0x4f2: {  	s13 =	rddreg [dreg:$0xb];
	s6 =	sadd.s32 $0x1, s12  }
0x4f3: {  	p0 =	sne.s32 s6, s13  }
.Ltmp3:
0x4f4: {  	_ = 	snop;
	(pc) =	sbr.rel @p0 .LBB2_1-.Ltmp3, $3  }
0x4f5: {  	_ =	sdelay $0x1  }
0x4f6: {  	[sflag:s16] =	ssyncset.done $0x0  }
0x4f7: {  	[sflag:s16] =	ssyncadd.s32 $0xFFFFFB00  }
0x4f8: {  	_ =	sfence.sel $0x180000  }
0x4f9: {  	[bflag:$0x0] =	sbarrier.arrive $0xFFFF  }
0x4fa: {  	_ =	strace $0x90000047  }
0x4fb: {  	s0 =	stileid.u32;
	[bflag:$0x2] =	sbarrier.arrive $0xFFFF  }
0x4fc: {  	p0 =	sne.s32 s0, $0x0;
	s0 =	rddreg [dreg:$0x5]  }
0x4fd: {  	s0 =	sadd.s32 @!p0 $0x100000, s0  }
0x4fe: {  	[sflag:s0] =	ssyncadd.tile.s32 @!p0 $0x1;
	_ =	shalt  }
.Lfunc_end2:
_tile_overlayer_lowered:
.L_overlay_start_2:
0x4ff: {  	(tag) =	ssettag $0x2  }
0x500: {  	s0 =	rddreg [dreg:$0x0];
	s2 =	stileid.u32  }
0x501: {  	s1 =	rddreg [dreg:$0x1];
	p0 =	sne.s32 s2, $0x0  }
0x502: {  	s3 =	rddreg [dreg:$0x2];
	[bflag:$0x3] =	sbarrier.arrive $0xFFFF;
	s2 =	simm.s32 @!p0 $0x1C05  }
0x503: {  	[timem:s3], [sflag:s2] =	dma.local @!p0 [hbm:s0], s1  }
0x504: {  	s0 =	simm.s32 @!p0 $0x5  }
0x505: {  	_ =	swait.ge @!p0 [sflag:s0], s1  }
0x506: {  	s1 =	ssub.s32 @!p0 $0x0, s1;
	[sflag:s0] =	ssyncset.done @!p0 $0x0  }
0x507: {  	[sflag:s0] =	ssyncadd.s32 @!p0 s1  }
0x508: {  	[bflag:$0x3] =	sbarrier.arrive $0xFFFF  }
0x509: {  	_ =	shalt  }

// kernel: kernel.9.cloned.1.call-start
scs
__scs_entry_jumppad:
0x0: {  	(pc) =	sbr.rel $0x88, $3  }
0x1: {  	(tag) =	ssettag $0x0;
	lr =	simm.s32 $0x1  }
0x2: {  	[smem:$0x3F99] =	sst lr;
	_ =	strace $0xD0000000  }
0x3: {  	_ = 	snop  }
0x4: {  	_ = 	snop  }
0x5: {  	_ = 	snop  }
0x6: {  	_ = 	snop  }
0x7: {  	_ = 	snop  }
__scs_overlays_trampoline_lowered:
0x8: {  	[smem:$0x3FA8] =	sst s0  }
0x9: {  	[smem:$0x3FA9] =	sst s1  }
0xa: {  	[smem:$0x3FAA] =	sst s2  }
0xb: {  	[smem:$0x3FAB] =	sst s3  }
0xc: {  	[smem:$0x3FAC] =	sst s4  }
0xd: {  	[smem:$0x3FAD] =	sst s5  }
0xe: {  	[smem:$0x3FAE] =	sst s6  }
0xf: {  	[smem:$0x3FAF] =	sst s7  }
0x10: {  	[smem:$0x3FB0] =	sst s8  }
0x11: {  	[smem:$0x3FB1] =	sst s9;
	s0 =	simm.s32 @!p0 $0x0  }
0x12: {  	s1 =	sld [smem:$0x3F97];
	s0 =	simm.s32 @p0 $0x1  }
0x13: {  	[smem:$0x3FB2] =	sst s0;
	s0 =	simm.s32 @!p1 $0x0  }
0x14: {  	s2 =	sld [smem:$0x3F96];
	s0 =	simm.s32 @p1 $0x1  }
0x15: {  	[smem:$0x3FB3] =	sst s0;
	s0 =	simm.s32 @!p2 $0x0  }
0x16: {  	s3 =	sld [smem:$0x3FDB];
	s0 =	simm.s32 @p2 $0x1  }
0x17: {  	s4 =	simm.s32 $0x1BF5;
	[smem:$0x3FB5] =	sst s0  }
0x18: {  	s0 =	sld [smem:$0x3F98];
	_ =	swait.ge [sflag:s4], $0x0  }
0x19: {  	s7 =	sld [smem:$0x3F99]  }
0x1a: {  	s8 =	sadd.s32 $0xFFFFE003, lr  }
0x1b: {  	s9 =	sadd.s32 $0xFFFFFEF7, lr;
	s5 =	simm.s32 $0xFFFFFFFF;
	p2 =	slt.u32 s8, $0xFFFFF086  }
0x1c: {  	p1 =	slt.u32 s9, $0xF7A;
	s5 =	simm.s32 @!p2 $0x0  }
0x1d: {  	s5 =	simm.s32 @p1 $0x1;
	p0 =	seq.s32 s7, s2  }
0x1e: {  	s7 =	smul.u32 @!p0 $0xF7A, s2;
	p2 =	seq.s32 @!p0 s5, $0x0  }
0x1f: {  	s9 =	smul.u32 $0xF7A, s1;
	s8 =	simm.s32 @!p0 $0x1BF5;
	p2 =	por !p2, p0  }
0x20: {  	[sflag:s8] =	ssyncset.s32 @!p0 $0xFFFFF086;
	s6 =	sadd.s32 @!p0 s3, s7;
	s7 =	simm.s32 @!p0 $0x108  }
0x21: {  	s3 =	sadd.s32 s3, s9;
	s6 =	sadd.s32 @!p0 $0x88, s6;
	s7 =	simm.s32 @p2 $0x1082  }
0x22: {  	[simem:s7], [sflag:s8] =	dma.local @!p0 [hbm:s6], $0xF7A  }
0x23: {  	s9 =	sor.u32 $0xD0000000, s2;
	s6 =	simm.s32 $0x108;
	_ =	swait.ge @!p0 [sflag:s8], $0x0  }
0x24: {  	s3 =	sadd.s32 $0x88, s3;
	s6 =	simm.s32 @!p1 $0x1082;
	[sflag:s4] =	ssyncset.s32 $0xFFFFF086  }
0x25: {  	[simem:s6], [sflag:s4] =	dma.local [hbm:s3], $0xF7A  }
0x26: {  	[smem:$0x3F99] =	sst s1;
	(tag) =	ssettag s2;
	_ =	strace s9  }
0x27: {  	s1 =	sld [smem:$0x3FA9]  }
0x28: {  	s2 =	sld [smem:$0x3FAA]  }
0x29: {  	s4 =	sld [smem:$0x3FAC]  }
0x2a: {  	p0 =	seq.s32 s5, $0x0;
	s5 =	sld [smem:$0x3FAD]  }
0x2b: {  	s6 =	sld [smem:$0x3FAE]  }
0x2c: {  	s7 =	sld [smem:$0x3FAF]  }
0x2d: {  	s3 =	simm.s32 $0x108;
	s8 =	sld [smem:$0x3FB0]  }
0x2e: {  	s3 =	simm.s32 @!p0 $0x1082;
	s9 =	sld [smem:$0x3FB1]  }
0x2f: {  	lr =	sadd.s32 s0, s3;
	s0 =	sld [smem:$0x3FA8]  }
0x30: {  	s3 =	sld [smem:$0x3FAB]  }
0x31: {  	[smem:$0x3FB4] =	sst s10  }
0x32: {  	s10 =	sld [smem:$0x3FB2];
	_ =	sdelay $0x3  }
0x33: {  	p0 =	seq.s32 s10, $0x1;
	s10 =	sld [smem:$0x3FB4];
	_ =	sdelay $0x3  }
0x34: {  	[smem:$0x3FB4] =	sst s10  }
0x35: {  	s10 =	sld [smem:$0x3FB3];
	_ =	sdelay $0x3  }
0x36: {  	p1 =	seq.s32 s10, $0x1;
	s10 =	sld [smem:$0x3FB4];
	_ =	sdelay $0x3  }
0x37: {  	[smem:$0x3FB4] =	sst s10  }
0x38: {  	s10 =	sld [smem:$0x3FB5]  }
0x39: {  	_ = 	snop;
	(pc) =	sbr.ind lr, $3  }
0x3a: {  	_ = 	snop  }
0x3b: {  	_ = 	snop  }
0x3c: {  	p2 =	seq.s32 s10, $0x1;
	s10 =	sld [smem:$0x3FB4]  }
0x3d: {  	_ =	shalt  }
0x3e: {  	_ =	shalt  }
0x3f: {  	_ =	shalt  }
0x40: {  	_ =	shalt  }
0x41: {  	_ =	shalt  }
0x42: {  	_ =	shalt  }
0x43: {  	_ =	shalt  }
0x44: {  	_ =	shalt  }
0x45: {  	_ =	shalt  }
0x46: {  	_ =	shalt  }
0x47: {  	_ =	shalt  }
0x48: {  	_ =	shalt  }
0x49: {  	_ =	shalt  }
0x4a: {  	_ =	shalt  }
0x4b: {  	_ =	shalt  }
0x4c: {  	_ =	shalt  }
0x4d: {  	_ =	shalt  }
0x4e: {  	_ =	shalt  }
0x4f: {  	_ =	shalt  }
0x50: {  	_ =	shalt  }
0x51: {  	_ =	shalt  }
0x52: {  	_ =	shalt  }
0x53: {  	_ =	shalt  }
0x54: {  	_ =	shalt  }
0x55: {  	_ =	shalt  }
0x56: {  	_ =	shalt  }
0x57: {  	_ =	shalt  }
0x58: {  	_ =	shalt  }
0x59: {  	_ =	shalt  }
0x5a: {  	_ =	shalt  }
0x5b: {  	_ =	shalt  }
0x5c: {  	_ =	shalt  }
0x5d: {  	_ =	shalt  }
0x5e: {  	_ =	shalt  }
0x5f: {  	_ =	shalt  }
0x60: {  	_ =	shalt  }
0x61: {  	_ =	shalt  }
0x62: {  	_ =	shalt  }
0x63: {  	_ =	shalt  }
0x64: {  	_ =	shalt  }
0x65: {  	_ =	shalt  }
0x66: {  	_ =	shalt  }
0x67: {  	_ =	shalt  }
0x68: {  	_ =	shalt  }
0x69: {  	_ =	shalt  }
0x6a: {  	_ =	shalt  }
0x6b: {  	_ =	shalt  }
0x6c: {  	_ =	shalt  }
0x6d: {  	_ =	shalt  }
0x6e: {  	_ =	shalt  }
0x6f: {  	_ =	shalt  }
0x70: {  	_ =	shalt  }
0x71: {  	_ =	shalt  }
0x72: {  	_ =	shalt  }
0x73: {  	_ =	shalt  }
0x74: {  	_ =	shalt  }
0x75: {  	_ =	shalt  }
0x76: {  	_ =	shalt  }
0x77: {  	_ =	shalt  }
0x78: {  	_ =	shalt  }
0x79: {  	_ =	shalt  }
0x7a: {  	_ =	shalt  }
0x7b: {  	_ =	shalt  }
0x7c: {  	_ =	shalt  }
0x7d: {  	_ =	shalt  }
0x7e: {  	_ =	shalt  }
0x7f: {  	_ =	shalt  }
0x80: {  	_ =	shalt  }
0x81: {  	_ =	shalt  }
0x82: {  	_ =	shalt  }
0x83: {  	_ =	shalt  }
0x84: {  	_ =	shalt  }
0x85: {  	_ =	shalt  }
0x86: {  	_ =	shalt  }
0x87: {  	_ =	shalt  }
.Lfunc_end0:
.L_simem_size_0:
called_computation.1_lowered:
.L_overlay_start_0:
0x88: {  	s2 =	sld [smem:$0x3FD9]  }
0x89: {  	s3 =	sld [smem:$0x3FFE];
	_ =	sdelay $0x1  }
0x8a: {  	s1 =	srdreg.scid  }
0x8b: {  	s0 =	sand.u32 $0x1, s1  }
0x8c: {  	s17 =	sshll.u32 s0, $0xA;
	s2 =	sadd.s32 s3, s2  }
0x8d: {  	s2 =	sadd.s32 s2, s17  }
0x8e: {  	[smem:$0x3FC0] =	sst s2  }
0x8f: {  	_ = 	snop  }
0x90: {  	s2 =	sld [smem:$0x3FD0];
	(tm) =	ssettm $0x1  }
0x91: {  	s18 =	sld [smem:$0x3FFB];
	_ =	sdelay $0x3  }
0x92: {  	_ =	strace s18  }
0x93: {  	s3 =	sld [smem:$0x3FFC];
	_ =	sdelay $0x3  }
0x94: {  	_ =	strace s3  }
0x95: {  	s3 =	sld [smem:$0x3FFD];
	_ =	sdelay $0x3  }
0x96: {  	_ =	strace s3  }
0x97: {  	_ =	strace $0x8FFFFFFF  }
0x98: {  	s19 =	sld [smem:$0x3FDB];
	_ =	sdelay $0x1  }
0x99: {  	s4 =	simm.s32 $_scs_section_size  }
0x9a: {  	s5 =	simm.s32 $_size__tile_overlayer_lowered;
	s6 =	simm.s32 $_tile_overlayer_lowered  }
0x9b: {  	s22 =	simm.s32 $0x1BFF;
	s21 =	sshll.u32 s6, $0x1;
	s3 =	sadd.s32 s4, s19  }
0x9c: {  	s7 =	simm.s32 $0x0;
	s20 =	sshll.u32 s5, $0x1;
	s5 =	sadd.s32 s21, s3  }
0x9d: {  	[timem:s7], [sflag:s22] =	dma.local [hbm:s5], s20  }
0x9e: {  	_ =	swait.ge [sflag:s22], s20  }
0x9f: {  	s4 =	ssub.s32 $0x0, s20;
	[sflag:s22] =	ssyncset.done $0x0  }
0xa0: {  	[sflag:s22] =	ssyncadd.s32 s4;
	_ =	sdelay $0x1  }
0xa1: {  	s23 =	simm.s32 $0x1B8B  }
0xa2: {  	_ =	swait.ge [sflag:s23], $0x1  }
0xa3: {  	[sflag:s23] =	ssyncset.done $0x0  }
0xa4: {  	s25 =	simm.s32 $0x1B8E;
	s24 =	sld [smem:$0x3FFE];
	[sflag:s23] =	ssyncadd.s32 $0xFFFFFFFF  }
0xa5: {  	s26 =	simm.s32 $execute0_lowered;
	[smem:$0x3FD2] =	sst s25  }
0xa6: {  	s5 =	sshll.u32 s26, $0x1;
	_ =	strace $0x80000049;
	[dreg:$0x1] =	wrdreg $0xFFFFFFFF  }
0xa7: {  	s28 =	simm.s32 $_size_execute0_lowered;
	s3 =	sadd.s32 s3, s5;
	[dreg:$0x0] =	wrdreg $0x0  }
0xa8: {  	s5 =	sshll.u32 s28, $0x1;
	[dreg:$0x2] =	wrdreg s3  }
0xa9: {  	[dreg:$0x3] =	wrdreg s5  }
0xaa: {  	[dreg:$0x4] =	wrdreg $0xC0  }
0xab: {  	_ =	task [dreg:s7], $0x5FFFF  }
0xac: {  	[dreg:$0x1] =	wrdreg $0xFFFFFFFF  }
0xad: {  	[dreg:$0x0] =	wrdreg $0x60  }
0xae: {  	[dreg:$0x2] =	wrdreg s2  }
0xaf: {  	[dreg:$0x3] =	wrdreg s24  }
0xb0: {  	[dreg:$0x4] =	wrdreg $0x90000  }
0xb1: {  	[dreg:$0x5] =	wrdreg $0x9  }
0xb2: {  	_ =	task.clear_ibuf [dreg:s7], $0x6FFFF;
	_ =	strace $0x90000049  }
0xb3: {  	s29 =	simm.s32 $0x9;
	_ =	strace $0x8000004B  }
0xb4: {  	_ =	swait.ge [sflag:s29], $0x1  }
0xb5: {  	[sflag:s29] =	ssyncadd.s32 $0xFFFFFFFF  }
0xb6: {  	_ =	strace $0x9000004B  }
0xb7: {  	_ =	sfence  }
0xb8: {  	s30 =	sld [smem:$0x0];
	_ =	sdelay $0x2  }
0xb9: {  	s31 =	sshll.u32 s1, $0xD;
	s1 =	sshrl.u32 s1, $0x2  }
0xba: {  	s3 =	sand.u32 $0x4000, s31;
	s1 =	sadd.s32 s1, s30  }
0xbb: {  	s0 =	sor.u32 s3, s0;
	s1 =	sshll.u32 s1, $0x11  }
0xbc: {  	s0 =	sor.u32 s1, s0  }
0xbd: {  	s0 =	sadd.s32 $0x8F2B, s0  }
0xbe: {  	[sflag:s0] =	ssyncadd.remote.s32 $0x1  }
0xbf: {  	_ =	sfence.sel $0xFFFF  }
0xc0: {  	[dreg:$0x0] =	wrdreg $0xFFFFFFFF;
	(pc) =	sbr.abs _section_cstart, $3  }
0xc1: {  	[dreg:$0x1] =	wrdreg $0xFFFFFFFF  }
0xc2: {  	_ =	task.clear_ibuf [dreg:s7], $0x2FFFF;
	_ =	strace $0x9FFFFFFF  }
0xc3: {  	(tm) =	ssettm $0x7FFFFFFF  }
tec
execute0_lowered:
.L_overlay_start_1:
0x0: {  	(tag) =	ssettag $0x1  }
0x1: {  	s1 =	rddreg [dreg:$0x0];
	s0 =	srdreg.scid  }
0x2: {  	s2 =	rddreg [dreg:$0x1];
	s8 =	stileid.u32  }
0x3: {  	s3 =	rddreg [dreg:$0x2];
	s4 =	simm.s32 $0x0;
	s10 =	simm.s32 $0x100  }
0x4: {  	s11 =	simm.s32 $0x880;
	s12 =	simm.s32 $0x180;
	s14 =	simm.s32 $0x900  }
0x5: {  	s16 =	simm.s32 $0x200;
	s18 =	simm.s32 $0x980;
	[smem:$0x7FF] =	sst s4  }
0x6: {  	s19 =	simm.s32 $0x280;
	_ =	strace $0x8000004A;
	[dreg:$0x6] =	wrdreg s10  }
0x7: {  	s20 =	simm.s32 $0xA00;
	s21 =	simm.s32 $0x300;
	[dreg:$0x7] =	wrdreg s11  }
0x8: {  	s22 =	simm.s32 $0xA80;
	s23 =	simm.s32 $0x380;
	[dreg:$0x8] =	wrdreg s12  }
0x9: {  	s28 =	simm.s32 $0x600;
	s6 =	smul.u32 $0x2800, s8;
	[dreg:$0x9] =	wrdreg s14  }
0xa: {  	s29 =	simm.s32 $0xD80;
	s7 =	smul.u32 $0x2780, s8;
	[dreg:$0xa] =	wrdreg s16  }
0xb: {  	s0 =	sand.u32 $0x1, s0;
	s25 =	smul.u32 $0x4F000, s8;
	[dreg:$0xb] =	wrdreg s18  }
0xc: {  	s30 =	simm.s32 $0x680;
	s5 =	smul.u32 $0x28000, s0;
	[dreg:$0xc] =	wrdreg s19  }
0xd: {  	s31 =	simm.s32 $0xE00;
	s24 =	smul.u32 $0x27800, s0;
	[dreg:$0xd] =	wrdreg s20  }
0xe: {  	s0 =	ssub.s32 $0x2, s0;
	s12 =	simm.s32 $0x1000;
	[dreg:$0xe] =	wrdreg s21  }
0xf: {  	s14 =	simm.s32 $0x800;
	s16 =	simm.s32 $0x5000;
	[dreg:$0xf] =	wrdreg s22  }
0x10: {  	[dreg:$0x10] =	wrdreg s23;
	s18 =	simm.s32 $0x3;
	s19 =	simm.s32 $0x2  }
0x11: {  	s20 =	simm.s32 $0x4;
	s26 =	sshrl.u32 s0, $0x1;
	s5 =	sadd.s32 s6, s5  }
0x12: {  	s6 =	sadd.s32 s7, s24;
	s0 =	ssub.s32 s0, s26;
	s24 =	simm.s32 $0xB00  }
0x13: {  	s7 =	sshrl.u32 s25, $0x2;
	s25 =	simm.s32 $0x400;
	[dreg:$0x11] =	wrdreg s24  }
0x14: {  	s26 =	simm.s32 $0xB80;
	s5 =	sshrl.u32 s5, $0x3;
	[dreg:$0x12] =	wrdreg s25  }
0x15: {  	s0 =	smax.u32 s0, $0x1;
	[dreg:$0x13] =	wrdreg s26;
	s5 =	sadd.s32 s5, s2  }
0x16: {  	s2 =	sadd.s32 s6, s2;
	s6 =	sadd.s32 s7, s3;
	[dreg:$0x17] =	wrdreg s0  }
0x17: {  	s21 =	simm.s32 $0x480;
	s8 =	sadd.s32 $0xC000, s5;
	[dreg:$0x14] =	wrdreg s6  }
0x18: {  	s22 =	simm.s32 $0xC00;
	s9 =	sadd.s32 $0x10000, s6;
	[dreg:$0x4] =	wrdreg s8  }
0x19: {  	s23 =	simm.s32 $0x500;
	s5 =	sadd.s32 $0x2000, s5;
	[dreg:$0x15] =	wrdreg s9  }
0x1a: {  	s24 =	simm.s32 $0xC80;
	s2 =	sadd.s32 $0x16000, s2;
	[dreg:$0x5] =	wrdreg s5  }
0x1b: {  	s25 =	simm.s32 $0x580;
	s13 =	sadd.s32 $0x4000, s6;
	[dreg:$0x16] =	wrdreg s2  }
0x1c: {  	s26 =	simm.s32 $0xD00;
	s15 =	sadd.s32 $0x8000, s6;
	[dreg:$0x18] =	wrdreg s13  }
0x1d: {  	s0 =	simm.s32 $0xE80;
	s17 =	sadd.s32 $0xC000, s6;
	[dreg:$0x19] =	wrdreg s15  }
0x1e: {  	s7 =	simm.s32 $0xF00;
	s6 =	simm.s32 $0x780;
	[dreg:$0x1a] =	wrdreg s17  }
0x1f: {  	s13 =	simm.s32 $0x5;
	s15 =	simm.s32 $0x80;
	s17 =	simm.s32 $0x1  }
0x20: {  	v0 =	vimm.f32 $0.0e+00;
	s2 =	simm.s32 $0x700;
	s8 =	simm.s32 $0xF80;
	s9 =	simm.s32 $0x0  }
.LBB2_1:
0x21: {  	s10 =	simm.s32 $0x0;
	s11 =	simm.s32 $0x200  }
.LBB2_2:
0x22: {  	p0 =	sne.s32 s11, $0xFE00;
	[tilespmem:s10+$0x1070] =	vst v0  }
0x23: {  	[tilespmem:s10+$0x1000] =	vst v0  }
0x24: {  	[tilespmem:s10+$0x1010] =	vst v0  }
.Ltmp0:
0x25: {  	[tilespmem:s10+$0x1020] =	vst v0;
	(pc) =	sbr.rel @p0 .LBB2_2-.Ltmp0, $4  }
0x26: {  	[tilespmem:s10+$0x1030] =	vst v0  }
0x27: {  	[tilespmem:s10+$0x1040] =	vst v0  }
0x28: {  	[tilespmem:s10+$0x1050] =	vst v0  }
0x29: {  	[tilespmem:s10+$0x1060] =	vst v0;
	s10 =	sshra.s32 s11, $0x2;
	s11 =	sadd.s32 $0x200, s11  }
0x2a: {  	[tilespmem:s10+$0x1070] =	vst v0  }
0x2b: {  	[tilespmem:s10+$0x1000] =	vst v0  }
0x2c: {  	[tilespmem:s10+$0x1010] =	vst v0  }
0x2d: {  	[tilespmem:s10+$0x1020] =	vst v0  }
0x2e: {  	[tilespmem:s10+$0x1030] =	vst v0  }
0x2f: {  	[tilespmem:s10+$0x1040] =	vst v0  }
0x30: {  	[dreg:$0x1b] =	wrdreg s9;
	[tilespmem:s10+$0x1050] =	vst v0  }
0x31: {  	[tilespmem:s10+$0x1060] =	vst v0;
	s5 =	rddreg [dreg:$0x14]  }
0x32: {  	[spmem:s5] =	stream.linear.scatter [tilespmem:s12], [sflag:$0x5], $0x4000, $0x38;
	[tilespmem:$0x1CC00] =	vst v63  }
0x33: {  	_ =	swait.ge [sflag:s13], $0x4000  }
0x34: {  	[sflag:s13] =	ssyncset.done $0x0  }
0x35: {  	s10 =	rddreg [dreg:$0x18];
	[sflag:s13] =	ssyncadd.s32 $0xFFFFC000  }
0x36: {  	[spmem:s10] =	stream.linear.scatter [tilespmem:s12], [sflag:$0x5], $0x4000, $0x38;
	[tilespmem:$0x1CC00] =	vst v63  }
0x37: {  	_ =	swait.ge [sflag:s13], $0x4000  }
0x38: {  	[sflag:s13] =	ssyncset.done $0x0  }
0x39: {  	s11 =	rddreg [dreg:$0x19];
	[sflag:s13] =	ssyncadd.s32 $0xFFFFC000  }
0x3a: {  	[spmem:s11] =	stream.linear.scatter [tilespmem:s12], [sflag:$0x5], $0x4000, $0x38;
	[tilespmem:$0x1CC00] =	vst v63  }
0x3b: {  	_ =	swait.ge [sflag:s13], $0x4000  }
0x3c: {  	[sflag:s13] =	ssyncset.done $0x0  }
0x3d: {  	s9 =	rddreg [dreg:$0x1a];
	[sflag:s13] =	ssyncadd.s32 $0xFFFFC000  }
0x3e: {  	[spmem:s9] =	stream.linear.scatter [tilespmem:s12], [sflag:$0x5], $0x4000, $0x38;
	[tilespmem:$0x1CC00] =	vst v63  }
0x3f: {  	_ =	swait.ge [sflag:s13], $0x4000  }
0x40: {  	[sflag:s13] =	ssyncset.done $0x0  }
0x41: {  	s10 =	rddreg [dreg:$0x15];
	[sflag:s13] =	ssyncadd.s32 $0xFFFFC000  }
0x42: {  	[spmem:s10] =	stream.linear.scatter [tilespmem:s12], [sflag:$0x5], $0x3C00, $0x38;
	[tilespmem:$0x1CC00] =	vst v63  }
0x43: {  	_ =	swait.ge [sflag:s13], $0x3C00  }
0x44: {  	[sflag:s13] =	ssyncset.done $0x0  }
0x45: {  	[sflag:s13] =	ssyncadd.s32 $0xFFFFC400  }
0x46: {  	[bflag:$0x0] =	sbarrier.arrive $0xFFFF  }
0x47: {  	s11 =	rddreg [dreg:$0x5]  }
0x48: {  	s5 =	sadd.s32 $0x0, s11  }
0x49: {  	[tilespmem:s4], [sflag:$0x5] =	stream.linear.gather [hbm4b:s5+s4], $0x800, $0x38;
	[tilespmem:$0x1CC00] =	vst v63  }
0x4a: {  	_ =	swait.ge [sflag:s13], $0x800  }
0x4b: {  	s9 =	rddreg [dreg:$0x4];
	[sflag:s13] =	ssyncset.done $0x0  }
0x4c: {  	[sflag:s13] =	ssyncadd.s32 $0xFFFFF800;
	s5 =	sadd.s32 $0x0, s9  }
0x4d: {  	[tilespmem:s14], [sflag:$0x5] =	stream.linear.gather [hbm4b:s5+s4], $0x800, $0x38;
	[tilespmem:$0x1CC00] =	vst v63  }
0x4e: {  	_ =	swait.ge [sflag:s13], $0x800  }
0x4f: {  	[sflag:s13] =	ssyncset.done $0x0  }
0x50: {  	[sflag:s13] =	ssyncadd.s32 $0xFFFFF800  }
0x51: {  	[tilespmem:s12], [sflag:$0x1] =	stream.indirect.gather [hbm4b:s1+s15], $0x80, s4, s15, $0xb8;
	[tilespmem:$0x1CC00] =	vst v63  }
0x52: {  	_ = 	snop  }
0x53: {  	[tilespmem:s16], [sflag:$0x2] =	stream.indirect.gather [hbm4b:s1+s15], $0x80, s15, s15, $0xb8;
	[tilespmem:$0x1CC00] =	vst v63  }
0x54: {  	_ =	swait.ge [sflag:s17], $0x4000  }
0x55: {  	[sflag:s17] =	ssyncset.done $0x0  }
0x56: {  	[sflag:s17] =	ssyncadd.s32 $0xFFFFC000  }
0x57: {  	[spmem:s3] =	stream.indirect.scatter.add.f32 [tilespmem:s12], [sflag:$0x3], $0x80, s14, s15, $0xb8;
	[tilespmem:$0x1CC00] =	vst v63  }
0x58: {  	_ =	swait.ge [sflag:s18], $0x4000  }
0x59: {  	[sflag:s18] =	ssyncset.done $0x0  }
0x5a: {  	s10 =	rddreg [dreg:$0x6];
	[sflag:s18] =	ssyncadd.s32 $0xFFFFC000  }
0x5b: {  	[tilespmem:s12], [sflag:$0x1] =	stream.indirect.gather [hbm4b:s1+s15], $0x80, s10, s15, $0xb8;
	[tilespmem:$0x1CC00] =	vst v63  }
0x5c: {  	_ =	swait.ge [sflag:s19], $0x4000  }
0x5d: {  	[sflag:s19] =	ssyncset.done $0x0  }
0x5e: {  	s11 =	rddreg [dreg:$0x7];
	[sflag:s19] =	ssyncadd.s32 $0xFFFFC000  }
0x5f: {  	[spmem:s3] =	stream.indirect.scatter.add.f32 [tilespmem:s16], [sflag:$0x4], $0x80, s11, s15, $0xb8;
	[tilespmem:$0x1CC00] =	vst v63  }
0x60: {  	_ =	swait.ge [sflag:s20], $0x4000  }
0x61: {  	[sflag:s20] =	ssyncset.done $0x0  }
0x62: {  	s9 =	rddreg [dreg:$0x8];
	[sflag:s20] =	ssyncadd.s32 $0xFFFFC000  }
0x63: {  	[tilespmem:s16], [sflag:$0x2] =	stream.indirect.gather [hbm4b:s1+s15], $0x80, s9, s15, $0xb8;
	[tilespmem:$0x1CC00] =	vst v63  }
0x64: {  	_ =	swait.ge [sflag:s17], $0x4000  }
0x65: {  	[sflag:s17] =	ssyncset.done $0x0  }
0x66: {  	s10 =	rddreg [dreg:$0x9];
	[sflag:s17] =	ssyncadd.s32 $0xFFFFC000  }
0x67: {  	[spmem:s3] =	stream.indirect.scatter.add.f32 [tilespmem:s12], [sflag:$0x3], $0x80, s10, s15, $0xb8;
	[tilespmem:$0x1CC00] =	vst v63  }
0x68: {  	_ =	swait.ge [sflag:s18], $0x4000  }
0x69: {  	[sflag:s18] =	ssyncset.done $0x0  }
0x6a: {  	s11 =	rddreg [dreg:$0xa];
	[sflag:s18] =	ssyncadd.s32 $0xFFFFC000  }
0x6b: {  	[tilespmem:s12], [sflag:$0x1] =	stream.indirect.gather [hbm4b:s1+s15], $0x80, s11, s15, $0xb8;
	[tilespmem:$0x1CC00] =	vst v63  }
0x6c: {  	_ =	swait.ge [sflag:s19], $0x4000  }
0x6d: {  	[sflag:s19] =	ssyncset.done $0x0  }
0x6e: {  	s9 =	rddreg [dreg:$0xb];
	[sflag:s19] =	ssyncadd.s32 $0xFFFFC000  }
0x6f: {  	[spmem:s3] =	stream.indirect.scatter.add.f32 [tilespmem:s16], [sflag:$0x4], $0x80, s9, s15, $0xb8;
	[tilespmem:$0x1CC00] =	vst v63  }
0x70: {  	_ =	swait.ge [sflag:s20], $0x4000  }
0x71: {  	[sflag:s20] =	ssyncset.done $0x0  }
0x72: {  	s10 =	rddreg [dreg:$0xc];
	[sflag:s20] =	ssyncadd.s32 $0xFFFFC000  }
0x73: {  	[tilespmem:s16], [sflag:$0x2] =	stream.indirect.gather [hbm4b:s1+s15], $0x80, s10, s15, $0xb8;
	[tilespmem:$0x1CC00] =	vst v63  }
0x74: {  	_ =	swait.ge [sflag:s17], $0x4000  }
0x75: {  	[sflag:s17] =	ssyncset.done $0x0  }
0x76: {  	s11 =	rddreg [dreg:$0xd];
	[sflag:s17] =	ssyncadd.s32 $0xFFFFC000  }
0x77: {  	[spmem:s3] =	stream.indirect.scatter.add.f32 [tilespmem:s12], [sflag:$0x3], $0x80, s11, s15, $0xb8;
	[tilespmem:$0x1CC00] =	vst v63  }
0x78: {  	_ =	swait.ge [sflag:s18], $0x4000  }
0x79: {  	[sflag:s18] =	ssyncset.done $0x0  }
0x7a: {  	s9 =	rddreg [dreg:$0xe];
	[sflag:s18] =	ssyncadd.s32 $0xFFFFC000  }
0x7b: {  	[tilespmem:s12], [sflag:$0x1] =	stream.indirect.gather [hbm4b:s1+s15], $0x80, s9, s15, $0xb8;
	[tilespmem:$0x1CC00] =	vst v63  }
0x7c: {  	_ =	swait.ge [sflag:s19], $0x4000  }
0x7d: {  	[sflag:s19] =	ssyncset.done $0x0  }
0x7e: {  	s10 =	rddreg [dreg:$0xf];
	[sflag:s19] =	ssyncadd.s32 $0xFFFFC000  }
0x7f: {  	[spmem:s3] =	stream.indirect.scatter.add.f32 [tilespmem:s16], [sflag:$0x4], $0x80, s10, s15, $0xb8;
	[tilespmem:$0x1CC00] =	vst v63  }
0x80: {  	_ =	swait.ge [sflag:s20], $0x4000  }
0x81: {  	[sflag:s20] =	ssyncset.done $0x0  }
0x82: {  	s11 =	rddreg [dreg:$0x10];
	[sflag:s20] =	ssyncadd.s32 $0xFFFFC000  }
0x83: {  	[tilespmem:s16], [sflag:$0x2] =	stream.indirect.gather [hbm4b:s1+s15], $0x80, s11, s15, $0xb8;
	[tilespmem:$0x1CC00] =	vst v63  }
0x84: {  	_ =	swait.ge [sflag:s17], $0x4000  }
0x85: {  	[sflag:s17] =	ssyncset.done $0x0  }
0x86: {  	s9 =	rddreg [dreg:$0x11];
	[sflag:s17] =	ssyncadd.s32 $0xFFFFC000  }
0x87: {  	[spmem:s3] =	stream.indirect.scatter.add.f32 [tilespmem:s12], [sflag:$0x3], $0x80, s9, s15, $0xb8;
	[tilespmem:$0x1CC00] =	vst v63  }
0x88: {  	_ =	swait.ge [sflag:s18], $0x4000  }
0x89: {  	[sflag:s18] =	ssyncset.done $0x0  }
0x8a: {  	s10 =	rddreg [dreg:$0x12];
	[sflag:s18] =	ssyncadd.s32 $0xFFFFC000  }
0x8b: {  	[tilespmem:s12], [sflag:$0x1] =	stream.indirect.gather [hbm4b:s1+s15], $0x80, s10, s15, $0xb8;
	[tilespmem:$0x1CC00] =	vst v63  }
0x8c: {  	_ =	swait.ge [sflag:s19], $0x4000  }
0x8d: {  	[sflag:s19] =	ssyncset.done $0x0  }
0x8e: {  	s11 =	rddreg [dreg:$0x13];
	[sflag:s19] =	ssyncadd.s32 $0xFFFFC000  }
0x8f: {  	[spmem:s3] =	stream.indirect.scatter.add.f32 [tilespmem:s16], [sflag:$0x4], $0x80, s11, s15, $0xb8;
	[tilespmem:$0x1CC00] =	vst v63  }
0x90: {  	_ =	swait.ge [sflag:s20], $0x4000  }
0x91: {  	[sflag:s20] =	ssyncset.done $0x0  }
0x92: {  	[sflag:s20] =	ssyncadd.s32 $0xFFFFC000  }
0x93: {  	[tilespmem:s16], [sflag:$0x2] =	stream.indirect.gather [hbm4b:s1+s15], $0x80, s21, s15, $0xb8;
	[tilespmem:$0x1CC00] =	vst v63  }
0x94: {  	_ =	swait.ge [sflag:s17], $0x4000  }
0x95: {  	[sflag:s17] =	ssyncset.done $0x0  }
0x96: {  	[sflag:s17] =	ssyncadd.s32 $0xFFFFC000  }
0x97: {  	[spmem:s3] =	stream.indirect.scatter.add.f32 [tilespmem:s12], [sflag:$0x3], $0x80, s22, s15, $0xb8;
	[tilespmem:$0x1CC00] =	vst v63  }
0x98: {  	_ =	swait.ge [sflag:s18], $0x4000  }
0x99: {  	[sflag:s18] =	ssyncset.done $0x0  }
0x9a: {  	[sflag:s18] =	ssyncadd.s32 $0xFFFFC000  }
0x9b: {  	[tilespmem:s12], [sflag:$0x1] =	stream.indirect.gather [hbm4b:s1+s15], $0x80, s23, s15, $0xb8;
	[tilespmem:$0x1CC00] =	vst v63  }
0x9c: {  	_ =	swait.ge [sflag:s19], $0x4000  }
0x9d: {  	[sflag:s19] =	ssyncset.done $0x0  }
0x9e: {  	[sflag:s19] =	ssyncadd.s32 $0xFFFFC000  }
0x9f: {  	[spmem:s3] =	stream.indirect.scatter.add.f32 [tilespmem:s16], [sflag:$0x4], $0x80, s24, s15, $0xb8;
	[tilespmem:$0x1CC00] =	vst v63  }
0xa0: {  	_ =	swait.ge [sflag:s20], $0x4000  }
0xa1: {  	[sflag:s20] =	ssyncset.done $0x0  }
0xa2: {  	[sflag:s20] =	ssyncadd.s32 $0xFFFFC000  }
0xa3: {  	[tilespmem:s16], [sflag:$0x2] =	stream.indirect.gather [hbm4b:s1+s15], $0x80, s25, s15, $0xb8;
	[tilespmem:$0x1CC00] =	vst v63  }
0xa4: {  	_ =	swait.ge [sflag:s17], $0x4000  }
0xa5: {  	[sflag:s17] =	ssyncset.done $0x0  }
0xa6: {  	[sflag:s17] =	ssyncadd.s32 $0xFFFFC000  }
0xa7: {  	[spmem:s3] =	stream.indirect.scatter.add.f32 [tilespmem:s12], [sflag:$0x3], $0x80, s26, s15, $0xb8;
	[tilespmem:$0x1CC00] =	vst v63  }
0xa8: {  	_ =	swait.ge [sflag:s18], $0x4000  }
0xa9: {  	[sflag:s18] =	ssyncset.done $0x0  }
0xaa: {  	[sflag:s18] =	ssyncadd.s32 $0xFFFFC000  }
0xab: {  	[tilespmem:s12], [sflag:$0x1] =	stream.indirect.gather [hbm4b:s1+s15], $0x80, s28, s15, $0xb8;
	[tilespmem:$0x1CC00] =	vst v63  }
0xac: {  	_ =	swait.ge [sflag:s19], $0x4000  }
0xad: {  	[sflag:s19] =	ssyncset.done $0x0  }
0xae: {  	[sflag:s19] =	ssyncadd.s32 $0xFFFFC000  }
0xaf: {  	[spmem:s3] =	stream.indirect.scatter.add.f32 [tilespmem:s16], [sflag:$0x4], $0x80, s29, s15, $0xb8;
	[tilespmem:$0x1CC00] =	vst v63  }
0xb0: {  	_ =	swait.ge [sflag:s20], $0x4000  }
0xb1: {  	[sflag:s20] =	ssyncset.done $0x0  }
0xb2: {  	[sflag:s20] =	ssyncadd.s32 $0xFFFFC000  }
0xb3: {  	[tilespmem:s16], [sflag:$0x2] =	stream.indirect.gather [hbm4b:s1+s15], $0x80, s30, s15, $0xb8;
	[tilespmem:$0x1CC00] =	vst v63  }
0xb4: {  	_ =	swait.ge [sflag:s17], $0x4000  }
0xb5: {  	[sflag:s17] =	ssyncset.done $0x0  }
0xb6: {  	[sflag:s17] =	ssyncadd.s32 $0xFFFFC000  }
0xb7: {  	[spmem:s3] =	stream.indirect.scatter.add.f32 [tilespmem:s12], [sflag:$0x3], $0x80, s31, s15, $0xb8;
	[tilespmem:$0x1CC00] =	vst v63  }
0xb8: {  	_ =	swait.ge [sflag:s18], $0x4000  }
0xb9: {  	[sflag:s18] =	ssyncset.done $0x0  }
0xba: {  	[sflag:s18] =	ssyncadd.s32 $0xFFFFC000  }
0xbb: {  	[tilespmem:s12], [sflag:$0x1] =	stream.indirect.gather [hbm4b:s1+s15], $0x80, s2, s15, $0xb8;
	[tilespmem:$0x1CC00] =	vst v63  }
0xbc: {  	_ =	swait.ge [sflag:s19], $0x4000  }
0xbd: {  	[sflag:s19] =	ssyncset.done $0x0  }
0xbe: {  	[sflag:s19] =	ssyncadd.s32 $0xFFFFC000  }
0xbf: {  	[spmem:s3] =	stream.indirect.scatter.add.f32 [tilespmem:s16], [sflag:$0x4], $0x80, s0, s15, $0xb8;
	[tilespmem:$0x1CC00] =	vst v63  }
0xc0: {  	_ =	swait.ge [sflag:s20], $0x4000  }
0xc1: {  	[sflag:s20] =	ssyncset.done $0x0  }
0xc2: {  	[sflag:s20] =	ssyncadd.s32 $0xFFFFC000  }
0xc3: {  	[tilespmem:s16], [sflag:$0x2] =	stream.indirect.gather [hbm4b:s1+s15], $0x80, s6, s15, $0xb8;
	[tilespmem:$0x1CC00] =	vst v63  }
0xc4: {  	_ =	swait.ge [sflag:s17], $0x4000  }
0xc5: {  	[sflag:s17] =	ssyncset.done $0x0  }
0xc6: {  	[sflag:s17] =	ssyncadd.s32 $0xFFFFC000  }
0xc7: {  	[spmem:s3] =	stream.indirect.scatter.add.f32 [tilespmem:s12], [sflag:$0x3], $0x80, s7, s15, $0xb8;
	[tilespmem:$0x1CC00] =	vst v63  }
0xc8: {  	_ =	swait.ge [sflag:s19], $0x4000  }
0xc9: {  	[sflag:s19] =	ssyncset.done $0x0  }
0xca: {  	[sflag:s19] =	ssyncadd.s32 $0xFFFFC000  }
0xcb: {  	[spmem:s3] =	stream.indirect.scatter.add.f32 [tilespmem:s16], [sflag:$0x4], $0x80, s8, s15, $0xb8;
	[tilespmem:$0x1CC00] =	vst v63  }
0xcc: {  	_ =	swait.ge [sflag:s18], $0x4000  }
0xcd: {  	[sflag:s18] =	ssyncset.done $0x0  }
0xce: {  	[sflag:s18] =	ssyncadd.s32 $0xFFFFC000  }
0xcf: {  	s10 =	simm.s32 $0x100;
	_ =	swait.ge [sflag:s20], $0x4000  }
0xd0: {  	s11 =	simm.s32 $0x200;
	s5 =	rddreg [dreg:$0x5];
	[sflag:s20] =	ssyncset.done $0x0  }
.LBB2_4:
0xd1: {  	[sflag:s20] =	ssyncadd.s32 $0xFFFFC000;
	s5 =	sadd.s32 s10, s5  }
0xd2: {  	[tilespmem:s4], [sflag:$0x5] =	stream.linear.gather [hbm4b:s5+s4], $0x800, $0x38;
	[tilespmem:$0x1CC00] =	vst v63  }
0xd3: {  	_ =	swait.ge [sflag:s13], $0x800  }
0xd4: {  	s5 =	rddreg [dreg:$0x4];
	[sflag:s13] =	ssyncset.done $0x0  }
0xd5: {  	[sflag:s13] =	ssyncadd.s32 $0xFFFFF800;
	s5 =	sadd.s32 s10, s5  }
0xd6: {  	[tilespmem:s14], [sflag:$0x5] =	stream.linear.gather [hbm4b:s5+s4], $0x800, $0x38;
	[tilespmem:$0x1CC00] =	vst v63  }
0xd7: {  	_ =	swait.ge [sflag:s13], $0x800  }
0xd8: {  	[sflag:s13] =	ssyncset.done $0x0  }
0xd9: {  	[sflag:s13] =	ssyncadd.s32 $0xFFFFF800  }
0xda: {  	[tilespmem:s12], [sflag:$0x1] =	stream.indirect.gather [hbm4b:s1+s15], $0x80, s4, s15, $0xb8;
	[tilespmem:$0x1CC00] =	vst v63  }
0xdb: {  	_ = 	snop  }
0xdc: {  	[tilespmem:s16], [sflag:$0x2] =	stream.indirect.gather [hbm4b:s1+s15], $0x80, s15, s15, $0xb8;
	[tilespmem:$0x1CC00] =	vst v63  }
0xdd: {  	_ =	swait.ge [sflag:s17], $0x4000  }
0xde: {  	[sflag:s17] =	ssyncset.done $0x0  }
0xdf: {  	[sflag:s17] =	ssyncadd.s32 $0xFFFFC000  }
0xe0: {  	[spmem:s3] =	stream.indirect.scatter.add.f32 [tilespmem:s12], [sflag:$0x3], $0x80, s14, s15, $0xb8;
	[tilespmem:$0x1CC00] =	vst v63  }
0xe1: {  	_ =	swait.ge [sflag:s18], $0x4000  }
0xe2: {  	s9 =	smov.u32 s11;
	[sflag:s18] =	ssyncset.done $0x0  }
0xe3: {  	s10 =	smov.u32 s9;
	s9 =	rddreg [dreg:$0x6];
	[sflag:s18] =	ssyncadd.s32 $0xFFFFC000  }
0xe4: {  	[tilespmem:s12], [sflag:$0x1] =	stream.indirect.gather [hbm4b:s1+s15], $0x80, s9, s15, $0xb8;
	[tilespmem:$0x1CC00] =	vst v63  }
0xe5: {  	_ =	swait.ge [sflag:s19], $0x4000  }
0xe6: {  	[sflag:s19] =	ssyncset.done $0x0  }
0xe7: {  	s9 =	rddreg [dreg:$0x7];
	[sflag:s19] =	ssyncadd.s32 $0xFFFFC000  }
0xe8: {  	[spmem:s3] =	stream.indirect.scatter.add.f32 [tilespmem:s16], [sflag:$0x4], $0x80, s9, s15, $0xb8;
	[tilespmem:$0x1CC00] =	vst v63  }
0xe9: {  	_ =	swait.ge [sflag:s20], $0x4000  }
0xea: {  	[sflag:s20] =	ssyncset.done $0x0  }
0xeb: {  	s9 =	rddreg [dreg:$0x8];
	[sflag:s20] =	ssyncadd.s32 $0xFFFFC000  }
0xec: {  	[tilespmem:s16], [sflag:$0x2] =	stream.indirect.gather [hbm4b:s1+s15], $0x80, s9, s15, $0xb8;
	[tilespmem:$0x1CC00] =	vst v63  }
0xed: {  	_ =	swait.ge [sflag:s17], $0x4000  }
0xee: {  	[sflag:s17] =	ssyncset.done $0x0  }
0xef: {  	s9 =	rddreg [dreg:$0x9];
	[sflag:s17] =	ssyncadd.s32 $0xFFFFC000  }
0xf0: {  	[spmem:s3] =	stream.indirect.scatter.add.f32 [tilespmem:s12], [sflag:$0x3], $0x80, s9, s15, $0xb8;
	[tilespmem:$0x1CC00] =	vst v63  }
0xf1: {  	_ =	swait.ge [sflag:s18], $0x4000  }
0xf2: {  	[sflag:s18] =	ssyncset.done $0x0  }
0xf3: {  	s9 =	rddreg [dreg:$0xa];
	[sflag:s18] =	ssyncadd.s32 $0xFFFFC000  }
0xf4: {  	[tilespmem:s12], [sflag:$0x1] =	stream.indirect.gather [hbm4b:s1+s15], $0x80, s9, s15, $0xb8;
	[tilespmem:$0x1CC00] =	vst v63  }
0xf5: {  	_ =	swait.ge [sflag:s19], $0x4000  }
0xf6: {  	[sflag:s19] =	ssyncset.done $0x0  }
0xf7: {  	s9 =	rddreg [dreg:$0xb];
	[sflag:s19] =	ssyncadd.s32 $0xFFFFC000  }
0xf8: {  	[spmem:s3] =	stream.indirect.scatter.add.f32 [tilespmem:s16], [sflag:$0x4], $0x80, s9, s15, $0xb8;
	[tilespmem:$0x1CC00] =	vst v63  }
0xf9: {  	_ =	swait.ge [sflag:s20], $0x4000  }
0xfa: {  	[sflag:s20] =	ssyncset.done $0x0  }
0xfb: {  	s9 =	rddreg [dreg:$0xc];
	[sflag:s20] =	ssyncadd.s32 $0xFFFFC000  }
0xfc: {  	[tilespmem:s16], [sflag:$0x2] =	stream.indirect.gather [hbm4b:s1+s15], $0x80, s9, s15, $0xb8;
	[tilespmem:$0x1CC00] =	vst v63  }
0xfd: {  	_ =	swait.ge [sflag:s17], $0x4000  }
0xfe: {  	[sflag:s17] =	ssyncset.done $0x0  }
0xff: {  	s9 =	rddreg [dreg:$0xd];
	[sflag:s17] =	ssyncadd.s32 $0xFFFFC000  }
0x100: {  	[spmem:s3] =	stream.indirect.scatter.add.f32 [tilespmem:s12], [sflag:$0x3], $0x80, s9, s15, $0xb8;
	[tilespmem:$0x1CC00] =	vst v63  }
0x101: {  	_ =	swait.ge [sflag:s18], $0x4000  }
0x102: {  	[sflag:s18] =	ssyncset.done $0x0  }
0x103: {  	s9 =	rddreg [dreg:$0xe];
	[sflag:s18] =	ssyncadd.s32 $0xFFFFC000  }
0x104: {  	[tilespmem:s12], [sflag:$0x1] =	stream.indirect.gather [hbm4b:s1+s15], $0x80, s9, s15, $0xb8;
	[tilespmem:$0x1CC00] =	vst v63  }
0x105: {  	_ =	swait.ge [sflag:s19], $0x4000  }
0x106: {  	[sflag:s19] =	ssyncset.done $0x0  }
0x107: {  	s9 =	rddreg [dreg:$0xf];
	[sflag:s19] =	ssyncadd.s32 $0xFFFFC000  }
0x108: {  	[spmem:s3] =	stream.indirect.scatter.add.f32 [tilespmem:s16], [sflag:$0x4], $0x80, s9, s15, $0xb8;
	[tilespmem:$0x1CC00] =	vst v63  }
0x109: {  	_ =	swait.ge [sflag:s20], $0x4000  }
0x10a: {  	[sflag:s20] =	ssyncset.done $0x0  }
0x10b: {  	s9 =	rddreg [dreg:$0x10];
	[sflag:s20] =	ssyncadd.s32 $0xFFFFC000  }
0x10c: {  	[tilespmem:s16], [sflag:$0x2] =	stream.indirect.gather [hbm4b:s1+s15], $0x80, s9, s15, $0xb8;
	[tilespmem:$0x1CC00] =	vst v63  }
0x10d: {  	_ =	swait.ge [sflag:s17], $0x4000  }
0x10e: {  	[sflag:s17] =	ssyncset.done $0x0  }
0x10f: {  	s9 =	rddreg [dreg:$0x11];
	[sflag:s17] =	ssyncadd.s32 $0xFFFFC000  }
0x110: {  	[spmem:s3] =	stream.indirect.scatter.add.f32 [tilespmem:s12], [sflag:$0x3], $0x80, s9, s15, $0xb8;
	[tilespmem:$0x1CC00] =	vst v63  }
0x111: {  	_ =	swait.ge [sflag:s18], $0x4000  }
0x112: {  	[sflag:s18] =	ssyncset.done $0x0  }
0x113: {  	s9 =	rddreg [dreg:$0x12];
	[sflag:s18] =	ssyncadd.s32 $0xFFFFC000  }
0x114: {  	[tilespmem:s12], [sflag:$0x1] =	stream.indirect.gather [hbm4b:s1+s15], $0x80, s9, s15, $0xb8;
	[tilespmem:$0x1CC00] =	vst v63  }
0x115: {  	_ =	swait.ge [sflag:s19], $0x4000  }
0x116: {  	[sflag:s19] =	ssyncset.done $0x0  }
0x117: {  	s9 =	rddreg [dreg:$0x13];
	[sflag:s19] =	ssyncadd.s32 $0xFFFFC000  }
0x118: {  	[spmem:s3] =	stream.indirect.scatter.add.f32 [tilespmem:s16], [sflag:$0x4], $0x80, s9, s15, $0xb8;
	[tilespmem:$0x1CC00] =	vst v63  }
0x119: {  	_ =	swait.ge [sflag:s20], $0x4000  }
0x11a: {  	[sflag:s20] =	ssyncset.done $0x0  }
0x11b: {  	[sflag:s20] =	ssyncadd.s32 $0xFFFFC000  }
0x11c: {  	[tilespmem:s16], [sflag:$0x2] =	stream.indirect.gather [hbm4b:s1+s15], $0x80, s21, s15, $0xb8;
	[tilespmem:$0x1CC00] =	vst v63  }
0x11d: {  	_ =	swait.ge [sflag:s17], $0x4000  }
0x11e: {  	[sflag:s17] =	ssyncset.done $0x0  }
0x11f: {  	[sflag:s17] =	ssyncadd.s32 $0xFFFFC000  }
0x120: {  	[spmem:s3] =	stream.indirect.scatter.add.f32 [tilespmem:s12], [sflag:$0x3], $0x80, s22, s15, $0xb8;
	[tilespmem:$0x1CC00] =	vst v63  }
0x121: {  	_ =	swait.ge [sflag:s18], $0x4000  }
0x122: {  	[sflag:s18] =	ssyncset.done $0x0  }
0x123: {  	[sflag:s18] =	ssyncadd.s32 $0xFFFFC000  }
0x124: {  	[tilespmem:s12], [sflag:$0x1] =	stream.indirect.gather [hbm4b:s1+s15], $0x80, s23, s15, $0xb8;
	[tilespmem:$0x1CC00] =	vst v63  }
0x125: {  	_ =	swait.ge [sflag:s19], $0x4000  }
0x126: {  	[sflag:s19] =	ssyncset.done $0x0  }
0x127: {  	[sflag:s19] =	ssyncadd.s32 $0xFFFFC000  }
0x128: {  	[spmem:s3] =	stream.indirect.scatter.add.f32 [tilespmem:s16], [sflag:$0x4], $0x80, s24, s15, $0xb8;
	[tilespmem:$0x1CC00] =	vst v63  }
0x129: {  	_ =	swait.ge [sflag:s20], $0x4000  }
0x12a: {  	[sflag:s20] =	ssyncset.done $0x0  }
0x12b: {  	[sflag:s20] =	ssyncadd.s32 $0xFFFFC000  }
0x12c: {  	[tilespmem:s16], [sflag:$0x2] =	stream.indirect.gather [hbm4b:s1+s15], $0x80, s25, s15, $0xb8;
	[tilespmem:$0x1CC00] =	vst v63  }
0x12d: {  	_ =	swait.ge [sflag:s17], $0x4000  }
0x12e: {  	[sflag:s17] =	ssyncset.done $0x0  }
0x12f: {  	[sflag:s17] =	ssyncadd.s32 $0xFFFFC000  }
0x130: {  	[spmem:s3] =	stream.indirect.scatter.add.f32 [tilespmem:s12], [sflag:$0x3], $0x80, s26, s15, $0xb8;
	[tilespmem:$0x1CC00] =	vst v63  }
0x131: {  	_ =	swait.ge [sflag:s18], $0x4000  }
0x132: {  	[sflag:s18] =	ssyncset.done $0x0  }
0x133: {  	[sflag:s18] =	ssyncadd.s32 $0xFFFFC000  }
0x134: {  	[tilespmem:s12], [sflag:$0x1] =	stream.indirect.gather [hbm4b:s1+s15], $0x80, s28, s15, $0xb8;
	[tilespmem:$0x1CC00] =	vst v63  }
0x135: {  	_ =	swait.ge [sflag:s19], $0x4000  }
0x136: {  	[sflag:s19] =	ssyncset.done $0x0  }
0x137: {  	[sflag:s19] =	ssyncadd.s32 $0xFFFFC000  }
0x138: {  	[spmem:s3] =	stream.indirect.scatter.add.f32 [tilespmem:s16], [sflag:$0x4], $0x80, s29, s15, $0xb8;
	[tilespmem:$0x1CC00] =	vst v63  }
0x139: {  	_ =	swait.ge [sflag:s20], $0x4000  }
0x13a: {  	[sflag:s20] =	ssyncset.done $0x0  }
0x13b: {  	[sflag:s20] =	ssyncadd.s32 $0xFFFFC000  }
0x13c: {  	[tilespmem:s16], [sflag:$0x2] =	stream.indirect.gather [hbm4b:s1+s15], $0x80, s30, s15, $0xb8;
	[tilespmem:$0x1CC00] =	vst v63  }
0x13d: {  	_ =	swait.ge [sflag:s17], $0x4000  }
0x13e: {  	[sflag:s17] =	ssyncset.done $0x0  }
0x13f: {  	[sflag:s17] =	ssyncadd.s32 $0xFFFFC000  }
0x140: {  	[spmem:s3] =	stream.indirect.scatter.add.f32 [tilespmem:s12], [sflag:$0x3], $0x80, s31, s15, $0xb8;
	[tilespmem:$0x1CC00] =	vst v63  }
0x141: {  	_ =	swait.ge [sflag:s18], $0x4000  }
0x142: {  	[sflag:s18] =	ssyncset.done $0x0  }
0x143: {  	[sflag:s18] =	ssyncadd.s32 $0xFFFFC000  }
0x144: {  	[tilespmem:s12], [sflag:$0x1] =	stream.indirect.gather [hbm4b:s1+s15], $0x80, s2, s15, $0xb8;
	[tilespmem:$0x1CC00] =	vst v63  }
0x145: {  	_ =	swait.ge [sflag:s19], $0x4000  }
0x146: {  	[sflag:s19] =	ssyncset.done $0x0  }
0x147: {  	[sflag:s19] =	ssyncadd.s32 $0xFFFFC000  }
0x148: {  	[spmem:s3] =	stream.indirect.scatter.add.f32 [tilespmem:s16], [sflag:$0x4], $0x80, s0, s15, $0xb8;
	[tilespmem:$0x1CC00] =	vst v63  }
0x149: {  	_ =	swait.ge [sflag:s20], $0x4000  }
0x14a: {  	[sflag:s20] =	ssyncset.done $0x0  }
0x14b: {  	[sflag:s20] =	ssyncadd.s32 $0xFFFFC000  }
0x14c: {  	[tilespmem:s16], [sflag:$0x2] =	stream.indirect.gather [hbm4b:s1+s15], $0x80, s6, s15, $0xb8;
	[tilespmem:$0x1CC00] =	vst v63  }
0x14d: {  	_ =	swait.ge [sflag:s17], $0x4000  }
0x14e: {  	[sflag:s17] =	ssyncset.done $0x0  }
0x14f: {  	[sflag:s17] =	ssyncadd.s32 $0xFFFFC000  }
0x150: {  	[spmem:s3] =	stream.indirect.scatter.add.f32 [tilespmem:s12], [sflag:$0x3], $0x80, s7, s15, $0xb8;
	[tilespmem:$0x1CC00] =	vst v63  }
0x151: {  	_ =	swait.ge [sflag:s19], $0x4000  }
0x152: {  	[sflag:s19] =	ssyncset.done $0x0  }
0x153: {  	p0 =	sne.s32 s11, $0x400;
	[sflag:s19] =	ssyncadd.s32 $0xFFFFC000  }
0x154: {  	[spmem:s3] =	stream.indirect.scatter.add.f32 [tilespmem:s16], [sflag:$0x4], $0x80, s8, s15, $0xb8;
	[tilespmem:$0x1CC00] =	vst v63  }
.Ltmp1:
0x155: {  	_ =	swait.ge [sflag:s18], $0x4000;
	(pc) =	sbr.rel @p0 .LBB2_4-.Ltmp1, $4  }
0x156: {  	[sflag:s18] =	ssyncset.done $0x0  }
0x157: {  	[sflag:s18] =	ssyncadd.s32 $0xFFFFC000  }
0x158: {  	_ =	swait.ge [sflag:s20], $0x4000  }
0x159: {  	s11 =	sadd.s32 $0x100, s11;
	s5 =	rddreg [dreg:$0x5];
	[sflag:s20] =	ssyncset.done $0x0  }
0x15a: {  	[sflag:s20] =	ssyncadd.s32 $0xFFFFC000;
	s5 =	sadd.s32 s10, s5  }
0x15b: {  	[tilespmem:s4], [sflag:$0x5] =	stream.linear.gather [hbm4b:s5+s4], $0x800, $0x38;
	[tilespmem:$0x1CC00] =	vst v63  }
0x15c: {  	_ =	swait.ge [sflag:s13], $0x800  }
0x15d: {  	s9 =	rddreg [dreg:$0x4];
	[sflag:s13] =	ssyncset.done $0x0  }
0x15e: {  	[sflag:s13] =	ssyncadd.s32 $0xFFFFF800;
	s5 =	sadd.s32 s10, s9  }
0x15f: {  	[tilespmem:s14], [sflag:$0x5] =	stream.linear.gather [hbm4b:s5+s4], $0x800, $0x38;
	[tilespmem:$0x1CC00] =	vst v63  }
0x160: {  	_ =	swait.ge [sflag:s13], $0x800  }
0x161: {  	[sflag:s13] =	ssyncset.done $0x0  }
0x162: {  	[sflag:s13] =	ssyncadd.s32 $0xFFFFF800  }
0x163: {  	[tilespmem:s12], [sflag:$0x1] =	stream.indirect.gather [hbm4b:s1+s15], $0x80, s4, s15, $0xb8;
	[tilespmem:$0x1CC00] =	vst v63  }
0x164: {  	_ = 	snop  }
0x165: {  	[tilespmem:s16], [sflag:$0x2] =	stream.indirect.gather [hbm4b:s1+s15], $0x80, s15, s15, $0xb8;
	[tilespmem:$0x1CC00] =	vst v63  }
0x166: {  	_ =	swait.ge [sflag:s17], $0x4000  }
0x167: {  	[sflag:s17] =	ssyncset.done $0x0  }
0x168: {  	[sflag:s17] =	ssyncadd.s32 $0xFFFFC000  }
0x169: {  	[spmem:s3] =	stream.indirect.scatter.add.f32 [tilespmem:s12], [sflag:$0x3], $0x80, s14, s15, $0xb8;
	[tilespmem:$0x1CC00] =	vst v63  }
0x16a: {  	_ =	swait.ge [sflag:s18], $0x4000  }
0x16b: {  	[sflag:s18] =	ssyncset.done $0x0  }
0x16c: {  	s11 =	rddreg [dreg:$0x6];
	[sflag:s18] =	ssyncadd.s32 $0xFFFFC000  }
0x16d: {  	[tilespmem:s12], [sflag:$0x1] =	stream.indirect.gather [hbm4b:s1+s15], $0x80, s11, s15, $0xb8;
	[tilespmem:$0x1CC00] =	vst v63  }
0x16e: {  	_ =	swait.ge [sflag:s19], $0x4000  }
0x16f: {  	[sflag:s19] =	ssyncset.done $0x0  }
0x170: {  	s9 =	rddreg [dreg:$0x7];
	[sflag:s19] =	ssyncadd.s32 $0xFFFFC000  }
0x171: {  	[spmem:s3] =	stream.indirect.scatter.add.f32 [tilespmem:s16], [sflag:$0x4], $0x80, s9, s15, $0xb8;
	[tilespmem:$0x1CC00] =	vst v63  }
0x172: {  	_ =	swait.ge [sflag:s20], $0x4000  }
0x173: {  	[sflag:s20] =	ssyncset.done $0x0  }
0x174: {  	s10 =	rddreg [dreg:$0x8];
	[sflag:s20] =	ssyncadd.s32 $0xFFFFC000  }
0x175: {  	[tilespmem:s16], [sflag:$0x2] =	stream.indirect.gather [hbm4b:s1+s15], $0x80, s10, s15, $0xb8;
	[tilespmem:$0x1CC00] =	vst v63  }
0x176: {  	_ =	swait.ge [sflag:s17], $0x4000  }
0x177: {  	[sflag:s17] =	ssyncset.done $0x0  }
0x178: {  	s11 =	rddreg [dreg:$0x9];
	[sflag:s17] =	ssyncadd.s32 $0xFFFFC000  }
0x179: {  	[spmem:s3] =	stream.indirect.scatter.add.f32 [tilespmem:s12], [sflag:$0x3], $0x80, s11, s15, $0xb8;
	[tilespmem:$0x1CC00] =	vst v63  }
0x17a: {  	_ =	swait.ge [sflag:s18], $0x4000  }
0x17b: {  	[sflag:s18] =	ssyncset.done $0x0  }
0x17c: {  	s9 =	rddreg [dreg:$0xa];
	[sflag:s18] =	ssyncadd.s32 $0xFFFFC000  }
0x17d: {  	[tilespmem:s12], [sflag:$0x1] =	stream.indirect.gather [hbm4b:s1+s15], $0x80, s9, s15, $0xb8;
	[tilespmem:$0x1CC00] =	vst v63  }
0x17e: {  	_ =	swait.ge [sflag:s19], $0x4000  }
0x17f: {  	[sflag:s19] =	ssyncset.done $0x0  }
0x180: {  	s10 =	rddreg [dreg:$0xb];
	[sflag:s19] =	ssyncadd.s32 $0xFFFFC000  }
0x181: {  	[spmem:s3] =	stream.indirect.scatter.add.f32 [tilespmem:s16], [sflag:$0x4], $0x80, s10, s15, $0xb8;
	[tilespmem:$0x1CC00] =	vst v63  }
0x182: {  	_ =	swait.ge [sflag:s20], $0x4000  }
0x183: {  	[sflag:s20] =	ssyncset.done $0x0  }
0x184: {  	s11 =	rddreg [dreg:$0xc];
	[sflag:s20] =	ssyncadd.s32 $0xFFFFC000  }
0x185: {  	[tilespmem:s16], [sflag:$0x2] =	stream.indirect.gather [hbm4b:s1+s15], $0x80, s11, s15, $0xb8;
	[tilespmem:$0x1CC00] =	vst v63  }
0x186: {  	_ =	swait.ge [sflag:s17], $0x4000  }
0x187: {  	[sflag:s17] =	ssyncset.done $0x0  }
0x188: {  	s9 =	rddreg [dreg:$0xd];
	[sflag:s17] =	ssyncadd.s32 $0xFFFFC000  }
0x189: {  	[spmem:s3] =	stream.indirect.scatter.add.f32 [tilespmem:s12], [sflag:$0x3], $0x80, s9, s15, $0xb8;
	[tilespmem:$0x1CC00] =	vst v63  }
0x18a: {  	_ =	swait.ge [sflag:s18], $0x4000  }
0x18b: {  	[sflag:s18] =	ssyncset.done $0x0  }
0x18c: {  	s10 =	rddreg [dreg:$0xe];
	[sflag:s18] =	ssyncadd.s32 $0xFFFFC000  }
0x18d: {  	[tilespmem:s12], [sflag:$0x1] =	stream.indirect.gather [hbm4b:s1+s15], $0x80, s10, s15, $0xb8;
	[tilespmem:$0x1CC00] =	vst v63  }
0x18e: {  	_ =	swait.ge [sflag:s19], $0x4000  }
0x18f: {  	[sflag:s19] =	ssyncset.done $0x0  }
0x190: {  	s11 =	rddreg [dreg:$0xf];
	[sflag:s19] =	ssyncadd.s32 $0xFFFFC000  }
0x191: {  	[spmem:s3] =	stream.indirect.scatter.add.f32 [tilespmem:s16], [sflag:$0x4], $0x80, s11, s15, $0xb8;
	[tilespmem:$0x1CC00] =	vst v63  }
0x192: {  	_ =	swait.ge [sflag:s20], $0x4000  }
0x193: {  	[sflag:s20] =	ssyncset.done $0x0  }
0x194: {  	s9 =	rddreg [dreg:$0x10];
	[sflag:s20] =	ssyncadd.s32 $0xFFFFC000  }
0x195: {  	[tilespmem:s16], [sflag:$0x2] =	stream.indirect.gather [hbm4b:s1+s15], $0x80, s9, s15, $0xb8;
	[tilespmem:$0x1CC00] =	vst v63  }
0x196: {  	_ =	swait.ge [sflag:s17], $0x4000  }
0x197: {  	[sflag:s17] =	ssyncset.done $0x0  }
0x198: {  	s10 =	rddreg [dreg:$0x11];
	[sflag:s17] =	ssyncadd.s32 $0xFFFFC000  }
0x199: {  	[spmem:s3] =	stream.indirect.scatter.add.f32 [tilespmem:s12], [sflag:$0x3], $0x80, s10, s15, $0xb8;
	[tilespmem:$0x1CC00] =	vst v63  }
0x19a: {  	_ =	swait.ge [sflag:s18], $0x4000  }
0x19b: {  	[sflag:s18] =	ssyncset.done $0x0  }
0x19c: {  	s11 =	rddreg [dreg:$0x12];
	[sflag:s18] =	ssyncadd.s32 $0xFFFFC000  }
0x19d: {  	[tilespmem:s12], [sflag:$0x1] =	stream.indirect.gather [hbm4b:s1+s15], $0x80, s11, s15, $0xb8;
	[tilespmem:$0x1CC00] =	vst v63  }
0x19e: {  	_ =	swait.ge [sflag:s19], $0x4000  }
0x19f: {  	[sflag:s19] =	ssyncset.done $0x0  }
0x1a0: {  	s9 =	rddreg [dreg:$0x13];
	[sflag:s19] =	ssyncadd.s32 $0xFFFFC000  }
0x1a1: {  	[spmem:s3] =	stream.indirect.scatter.add.f32 [tilespmem:s16], [sflag:$0x4], $0x80, s9, s15, $0xb8;
	[tilespmem:$0x1CC00] =	vst v63  }
0x1a2: {  	_ =	swait.ge [sflag:s20], $0x4000  }
0x1a3: {  	[sflag:s20] =	ssyncset.done $0x0  }
0x1a4: {  	[sflag:s20] =	ssyncadd.s32 $0xFFFFC000  }
0x1a5: {  	[tilespmem:s16], [sflag:$0x2] =	stream.indirect.gather [hbm4b:s1+s15], $0x80, s21, s15, $0xb8;
	[tilespmem:$0x1CC00] =	vst v63  }
0x1a6: {  	_ =	swait.ge [sflag:s17], $0x4000  }
0x1a7: {  	[sflag:s17] =	ssyncset.done $0x0  }
0x1a8: {  	[sflag:s17] =	ssyncadd.s32 $0xFFFFC000  }
0x1a9: {  	[spmem:s3] =	stream.indirect.scatter.add.f32 [tilespmem:s12], [sflag:$0x3], $0x80, s22, s15, $0xb8;
	[tilespmem:$0x1CC00] =	vst v63  }
0x1aa: {  	_ =	swait.ge [sflag:s18], $0x4000  }
0x1ab: {  	[sflag:s18] =	ssyncset.done $0x0  }
0x1ac: {  	[sflag:s18] =	ssyncadd.s32 $0xFFFFC000  }
0x1ad: {  	[tilespmem:s12], [sflag:$0x1] =	stream.indirect.gather [hbm4b:s1+s15], $0x80, s23, s15, $0xb8;
	[tilespmem:$0x1CC00] =	vst v63  }
0x1ae: {  	_ =	swait.ge [sflag:s19], $0x4000  }
0x1af: {  	[sflag:s19] =	ssyncset.done $0x0  }
0x1b0: {  	[sflag:s19] =	ssyncadd.s32 $0xFFFFC000  }
0x1b1: {  	[spmem:s3] =	stream.indirect.scatter.add.f32 [tilespmem:s16], [sflag:$0x4], $0x80, s24, s15, $0xb8;
	[tilespmem:$0x1CC00] =	vst v63  }
0x1b2: {  	_ =	swait.ge [sflag:s20], $0x4000  }
0x1b3: {  	[sflag:s20] =	ssyncset.done $0x0  }
0x1b4: {  	[sflag:s20] =	ssyncadd.s32 $0xFFFFC000  }
0x1b5: {  	[tilespmem:s16], [sflag:$0x2] =	stream.indirect.gather [hbm4b:s1+s15], $0x80, s25, s15, $0xb8;
	[tilespmem:$0x1CC00] =	vst v63  }
0x1b6: {  	_ =	swait.ge [sflag:s17], $0x4000  }
0x1b7: {  	[sflag:s17] =	ssyncset.done $0x0  }
0x1b8: {  	[sflag:s17] =	ssyncadd.s32 $0xFFFFC000  }
0x1b9: {  	[spmem:s3] =	stream.indirect.scatter.add.f32 [tilespmem:s12], [sflag:$0x3], $0x80, s26, s15, $0xb8;
	[tilespmem:$0x1CC00] =	vst v63  }
0x1ba: {  	_ =	swait.ge [sflag:s18], $0x4000  }
0x1bb: {  	[sflag:s18] =	ssyncset.done $0x0  }
0x1bc: {  	[sflag:s18] =	ssyncadd.s32 $0xFFFFC000  }
0x1bd: {  	[tilespmem:s12], [sflag:$0x1] =	stream.indirect.gather [hbm4b:s1+s15], $0x80, s28, s15, $0xb8;
	[tilespmem:$0x1CC00] =	vst v63  }
0x1be: {  	_ =	swait.ge [sflag:s19], $0x4000  }
0x1bf: {  	[sflag:s19] =	ssyncset.done $0x0  }
0x1c0: {  	[sflag:s19] =	ssyncadd.s32 $0xFFFFC000  }
0x1c1: {  	[spmem:s3] =	stream.indirect.scatter.add.f32 [tilespmem:s16], [sflag:$0x4], $0x80, s29, s15, $0xb8;
	[tilespmem:$0x1CC00] =	vst v63  }
0x1c2: {  	_ =	swait.ge [sflag:s20], $0x4000  }
0x1c3: {  	[sflag:s20] =	ssyncset.done $0x0  }
0x1c4: {  	[sflag:s20] =	ssyncadd.s32 $0xFFFFC000  }
0x1c5: {  	[tilespmem:s16], [sflag:$0x2] =	stream.indirect.gather [hbm4b:s1+s15], $0x80, s30, s15, $0xb8;
	[tilespmem:$0x1CC00] =	vst v63  }
0x1c6: {  	_ =	swait.ge [sflag:s17], $0x4000  }
0x1c7: {  	[sflag:s17] =	ssyncset.done $0x0  }
0x1c8: {  	[sflag:s17] =	ssyncadd.s32 $0xFFFFC000  }
0x1c9: {  	[spmem:s3] =	stream.indirect.scatter.add.f32 [tilespmem:s12], [sflag:$0x3], $0x80, s31, s15, $0xb8;
	[tilespmem:$0x1CC00] =	vst v63  }
0x1ca: {  	_ =	swait.ge [sflag:s18], $0x4000  }
0x1cb: {  	[sflag:s18] =	ssyncset.done $0x0  }
0x1cc: {  	[sflag:s18] =	ssyncadd.s32 $0xFFFFC000  }
0x1cd: {  	[tilespmem:s12], [sflag:$0x1] =	stream.indirect.gather [hbm4b:s1+s15], $0x80, s2, s15, $0xb8;
	[tilespmem:$0x1CC00] =	vst v63  }
0x1ce: {  	_ =	swait.ge [sflag:s19], $0x4000  }
0x1cf: {  	[sflag:s19] =	ssyncset.done $0x0  }
0x1d0: {  	[sflag:s19] =	ssyncadd.s32 $0xFFFFC000  }
0x1d1: {  	[spmem:s3] =	stream.indirect.scatter.add.f32 [tilespmem:s16], [sflag:$0x4], $0x80, s0, s15, $0xb8;
	[tilespmem:$0x1CC00] =	vst v63  }
0x1d2: {  	_ =	swait.ge [sflag:s20], $0x4000  }
0x1d3: {  	[sflag:s20] =	ssyncset.done $0x0  }
0x1d4: {  	[sflag:s20] =	ssyncadd.s32 $0xFFFFC000  }
0x1d5: {  	[tilespmem:s16], [sflag:$0x2] =	stream.indirect.gather [hbm4b:s1+s15], $0x80, s6, s15, $0xb8;
	[tilespmem:$0x1CC00] =	vst v63  }
0x1d6: {  	_ =	swait.ge [sflag:s17], $0x4000  }
0x1d7: {  	[sflag:s17] =	ssyncset.done $0x0  }
0x1d8: {  	[sflag:s17] =	ssyncadd.s32 $0xFFFFC000  }
0x1d9: {  	[spmem:s3] =	stream.indirect.scatter.add.f32 [tilespmem:s12], [sflag:$0x3], $0x80, s7, s15, $0xb8;
	[tilespmem:$0x1CC00] =	vst v63  }
0x1da: {  	_ =	swait.ge [sflag:s19], $0x4000  }
0x1db: {  	[sflag:s19] =	ssyncset.done $0x0  }
0x1dc: {  	[sflag:s19] =	ssyncadd.s32 $0xFFFFC000  }
0x1dd: {  	[spmem:s3] =	stream.indirect.scatter.add.f32 [tilespmem:s16], [sflag:$0x4], $0x80, s8, s15, $0xb8;
	[tilespmem:$0x1CC00] =	vst v63  }
0x1de: {  	_ =	swait.ge [sflag:s18], $0x4000  }
0x1df: {  	[sflag:s18] =	ssyncset.done $0x0  }
0x1e0: {  	[sflag:s18] =	ssyncadd.s32 $0xFFFFC000  }
0x1e1: {  	_ =	swait.ge [sflag:s20], $0x4000  }
0x1e2: {  	[sflag:s20] =	ssyncset.done $0x0  }
0x1e3: {  	[sflag:s20] =	ssyncadd.s32 $0xFFFFC000  }
0x1e4: {  	s10 =	stileid.u32;
	[bflag:$0x0] =	sbarrier.arrive $0xFFFF  }
0x1e5: {  	s5 =	sshll.u32 s10, $0x6;
	s9 =	rddreg [dreg:$0x14]  }
0x1e6: {  	s5 =	sor.u32 $0x1C05, s5;
	s11 =	rddreg [dreg:$0x16];
	s9 =	sshrl.u32 s9, $0x3  }
0x1e7: {  	[hbm:s11], [sflag:s5] =	dma.local [spmem:s9], $0x2780  }
0x1e8: {  	_ =	swait.ge [sflag:s13], $0x2780  }
0x1e9: {  	s10 =	rddreg [dreg:$0x1b]  }
0x1ea: {  	s11 =	rddreg [dreg:$0x17];
	s9 =	sadd.s32 $0x1, s10  }
0x1eb: {  	p0 =	sne.s32 s9, s11  }
.Ltmp2:
0x1ec: {  	_ = 	snop;
	(pc) =	sbr.rel @p0 .LBB2_1-.Ltmp2, $3  }
0x1ed: {  	_ =	sdelay $0x1  }
0x1ee: {  	[sflag:s13] =	ssyncset.done $0x0  }
0x1ef: {  	[sflag:s13] =	ssyncadd.s32 $0xFFFFD880  }
0x1f0: {  	_ =	sfence.sel $0x180000  }
0x1f1: {  	[bflag:$0x0] =	sbarrier.arrive $0xFFFF  }
0x1f2: {  	_ =	strace $0x9000004A  }
0x1f3: {  	s0 =	stileid.u32;
	[bflag:$0x2] =	sbarrier.arrive $0xFFFF  }
0x1f4: {  	p0 =	sne.s32 s0, $0x0;
	s0 =	rddreg [dreg:$0x3]  }
0x1f5: {  	s0 =	sadd.s32 @!p0 $0x100000, s0  }
0x1f6: {  	[sflag:s0] =	ssyncadd.tile.s32 @!p0 $0x1;
	_ =	shalt  }
.Lfunc_end2:
_tile_overlayer_lowered:
.L_overlay_start_2:
0x1f7: {  	(tag) =	ssettag $0x2  }
0x1f8: {  	s0 =	rddreg [dreg:$0x0];
	s2 =	stileid.u32  }
0x1f9: {  	s1 =	rddreg [dreg:$0x1];
	p0 =	sne.s32 s2, $0x0  }
0x1fa: {  	s3 =	rddreg [dreg:$0x2];
	[bflag:$0x3] =	sbarrier.arrive $0xFFFF;
	s2 =	simm.s32 @!p0 $0x1C05  }
0x1fb: {  	[timem:s3], [sflag:s2] =	dma.local @!p0 [hbm:s0], s1  }
0x1fc: {  	s0 =	simm.s32 @!p0 $0x5  }
0x1fd: {  	_ =	swait.ge @!p0 [sflag:s0], s1  }
0x1fe: {  	s1 =	ssub.s32 @!p0 $0x0, s1;
	[sflag:s0] =	ssyncset.done @!p0 $0x0  }
0x1ff: {  	[sflag:s0] =	ssyncadd.s32 @!p0 s1  }
0x200: {  	[bflag:$0x3] =	sbarrier.arrive $0xFFFF  }
0x201: {  	_ =	shalt  }

</sc_bundles>
